<compile_context>
chip_gen: v7x
topology: tpu7x:2x2x1
jax: 0.10.2.dev20260603
libtpu: 0.0.44.dev20260713+nightly
codegen_flags: <defaults>
</compile_context>

<pallas_src>
import functools

import jax
import jax.numpy as jnp
from jax import lax
from jax.experimental import pallas as pl
from jax.experimental.pallas import tpu as pltpu
from jax.experimental.pallas import tpu_sc as plsc

N = 10000
E = 320000
D = 128
H = 32
C = 16

NC, NS = 2, 16
NW = NC * NS
CHUNK = 128
CPT = 80
EPT = CPT * CHUNK
E_PAD = NW * EPT
N_PAD = 10112
RPS = N_PAD // NS

_MESH = plsc.VectorSubcoreMesh(core_axis_name="c", subcore_axis_name="s")
_F32 = jnp.float32


NBUF = 10
PREF = NBUF // 2


def _sc_scratch(n_bufs):
    return (
        [pltpu.VMEM((CPT, CHUNK), jnp.int32)] * 2
        + [pltpu.VMEM((CHUNK, H), _F32) for _ in range(n_bufs)]
        + [pltpu.VMEM_SHARED((N_PAD, H), _F32)]
        + [pltpu.SemaphoreType.DMA for _ in range(2 * n_bufs)]
    )


@functools.partial(
    pl.kernel,
    out_type=jax.ShapeDtypeStruct((NC, N_PAD, H), _F32),
    mesh=_MESH,
    scratch_types=_sc_scratch(NBUF),
    compiler_params=pltpu.CompilerParams(use_tc_tiling_on_sc=False),
)
def _sc_prop(gs, eix, zeros, out, *rest):
    bufs = rest[2:2 + NBUF]
    acc = rest[2 + NBUF]
    gsems = rest[3 + NBUF:3 + 2 * NBUF]
    ssems = rest[3 + 2 * NBUF:3 + 3 * NBUF]
    src_v, dst_v = rest[0], rest[1]
    c = lax.axis_index("c")
    s = lax.axis_index("s")
    tid = c * NS + s
    r0 = s * RPS

    pltpu.sync_copy(zeros.at[pl.ds(r0, RPS)], acc.at[pl.ds(r0, RPS)])
    pltpu.sync_copy(eix.at[0, tid], src_v)
    pltpu.sync_copy(eix.at[1, tid], dst_v)
    plsc.subcore_barrier()

    for b in range(PREF):
        pltpu.async_copy(gs.at[src_v.at[b]], bufs[b], gsems[b])

    def step(i, carry):
        for b in range(NBUF):
            j = NBUF * i + b
            pltpu.make_async_copy(gs.at[src_v.at[j]], bufs[b], gsems[b]).wait()
            pltpu.async_copy(bufs[b], acc.at[dst_v.at[j]], ssems[b], add=True)

            @pl.when(j >= PREF)
            def _drain(b=b, j=j):
                bo = (b + PREF) % NBUF
                pltpu.make_async_copy(
                    bufs[bo], acc.at[dst_v.at[j - PREF]], ssems[bo]).wait()

            @pl.when(j + PREF < CPT)
            def _refire(b=b, j=j):
                bn = (b + PREF) % NBUF
                pltpu.async_copy(gs.at[src_v.at[j + PREF]], bufs[bn], gsems[bn])
        return carry

    lax.fori_loop(0, CPT // NBUF, step, 0)
    for b in range(PREF):
        j = CPT - PREF + b
        pltpu.make_async_copy(
            bufs[j % NBUF], acc.at[dst_v.at[j]], ssems[j % NBUF]).wait()

    plsc.subcore_barrier()
    pltpu.sync_copy(acc.at[pl.ds(r0, RPS)], out.at[c, pl.ds(r0, RPS)])


_BF16 = jnp.bfloat16


@functools.partial(
    pl.kernel,
    out_type=jax.ShapeDtypeStruct((NC, N_PAD, H), _BF16),
    mesh=_MESH,
    scratch_types=(
        [pltpu.VMEM((CPT, CHUNK), jnp.int32)] * 2
        + [pltpu.VMEM((CHUNK, H), _BF16)]
        + [pltpu.VMEM_SHARED((N_PAD, H), _BF16)]
        + [pltpu.SemaphoreType.DMA] * 2
    ),
    compiler_params=pltpu.CompilerParams(use_tc_tiling_on_sc=False),
)
def _sc_degree(ones, eix, zeros, out, src_v, dst_v, b0, acc, s0, s1):
    del src_v, s1
    c = lax.axis_index("c")
    s = lax.axis_index("s")
    tid = c * NS + s
    r0 = s * RPS

    pltpu.sync_copy(zeros.at[pl.ds(r0, RPS)], acc.at[pl.ds(r0, RPS)])
    pltpu.sync_copy(eix.at[1, tid], dst_v)
    pltpu.sync_copy(ones, b0)
    plsc.subcore_barrier()

    def fire(j, carry):
        pltpu.async_copy(b0, acc.at[dst_v.at[j]], s0, add=True)
        return carry

    lax.fori_loop(0, CPT, fire, 0)

    def drain(j, carry):
        pltpu.make_async_copy(b0, acc.at[dst_v.at[j]], s0).wait()
        return carry

    lax.fori_loop(0, CPT, drain, 0)

    plsc.subcore_barrier()
    pltpu.sync_copy(acc.at[pl.ds(r0, RPS)], out.at[c, pl.ds(r0, RPS)])



NB = N_PAD // 4
G1_BLK = 4
MID_BLK = 4


def _kron4(w):
    z = jnp.zeros_like(w)
    rows = [jnp.concatenate([w if i == j else z for j in range(4)], axis=1)
            for i in range(4)]
    return jnp.concatenate(rows, axis=0)


def _tc1a_body(xq_ref, glove_ref, w1_ref, g_ref):
    wp = jnp.dot(glove_ref[...], w1_ref[...], preferred_element_type=_F32)
    z = jnp.zeros((D, H), _F32)
    w1k = jnp.concatenate(
        [jnp.concatenate([wp if i == j else z for j in range(4)], axis=1)
         for i in range(4)], axis=0)
    g_ref[...] = jnp.dot(xq_ref[...], w1k, preferred_element_type=_F32)


def _tc1b_body(deg_ref, g_ref, gs_ref, dinv_ref):
    d = (deg_ref[0] + deg_ref[1]).astype(_F32) + 1.0
    dinv = lax.rsqrt(d)
    dinv_ref[...] = dinv
    gs_ref[...] = dinv * g_ref[...]


def _tc_mid_body(u_ref, gs_ref, dinv_ref, b_ref, w_ref, out_ref, *, last):
    dinv = dinv_ref[...]
    b4 = jnp.concatenate([b_ref[...]] * 4, axis=1)
    h = dinv * (u_ref[0] + u_ref[1] + gs_ref[...]) + b4
    h = jnp.maximum(h, 0.0)
    w = w_ref[...]
    if last:
        w = jnp.concatenate([w, jnp.zeros((H, H - C), _F32)], axis=1)
    out_ref[...] = dinv * jnp.dot(h, _kron4(w), preferred_element_type=_F32)


def _tc_out_body(u_ref, gs_ref, dinv_ref, b_ref, o0, o1, o2, o3):
    a = dinv_ref[...] * (u_ref[0] + u_ref[1] + gs_ref[...])
    for g, o in enumerate((o0, o1, o2, o3)):
        ag = a[:, 32 * g:32 * g + C] + b_ref[...]
        mg = jnp.max(ag, axis=1, keepdims=True)
        eg = jnp.exp(ag - mg)
        o[...] = ag - mg - jnp.log(jnp.sum(eg, axis=1, keepdims=True))


_tc1a = pl.pallas_call(
    _tc1a_body,
    grid=(G1_BLK,),
    in_specs=[
        pl.BlockSpec((NB // G1_BLK, 4 * D), lambda i: (i, 0)),
        pl.BlockSpec((D, D), lambda i: (0, 0)),
        pl.BlockSpec((D, H), lambda i: (0, 0)),
    ],
    out_specs=pl.BlockSpec((NB // G1_BLK, 4 * H), lambda i: (i, 0)),
    out_shape=jax.ShapeDtypeStruct((NB, 4 * H), _F32),
)
_tc1b = pl.pallas_call(
    _tc1b_body,
    grid=(2,),
    in_specs=[
        pl.BlockSpec((2, NB // 2, 4 * H), lambda i: (0, i, 0)),
        pl.BlockSpec((NB // 2, 4 * H), lambda i: (i, 0)),
    ],
    out_specs=[pl.BlockSpec((NB // 2, 4 * H), lambda i: (i, 0)),
               pl.BlockSpec((NB // 2, 4 * H), lambda i: (i, 0))],
    out_shape=[jax.ShapeDtypeStruct((NB, 4 * H), _F32),
               jax.ShapeDtypeStruct((NB, 4 * H), _F32)],
)


def _make_mid(last):
    return pl.pallas_call(
        functools.partial(_tc_mid_body, last=last),
        grid=(MID_BLK,),
        in_specs=[
            pl.BlockSpec((2, NB // MID_BLK, 4 * H), lambda i: (0, i, 0)),
            pl.BlockSpec((NB // MID_BLK, 4 * H), lambda i: (i, 0)),
            pl.BlockSpec((NB // MID_BLK, 4 * H), lambda i: (i, 0)),
            pl.BlockSpec((1, H), lambda i: (0, 0)),
            pl.BlockSpec((H, H if not last else C), lambda i: (0, 0)),
        ],
        out_specs=pl.BlockSpec((NB // MID_BLK, 4 * H), lambda i: (i, 0)),
        out_shape=jax.ShapeDtypeStruct((NB, 4 * H), _F32),
    )


_tc_mid = _make_mid(False)
_tc_last = _make_mid(True)
_tc_out = pl.pallas_call(
    _tc_out_body,
    grid=(MID_BLK,),
    in_specs=[
        pl.BlockSpec((2, NB // MID_BLK, 4 * H), lambda i: (0, i, 0)),
        pl.BlockSpec((NB // MID_BLK, 4 * H), lambda i: (i, 0)),
        pl.BlockSpec((NB // MID_BLK, 4 * H), lambda i: (i, 0)),
        pl.BlockSpec((1, C), lambda i: (0, 0)),
    ],
    out_specs=[pl.BlockSpec((NB // MID_BLK, C), lambda i: (i, 0))] * 4,
    out_shape=[jax.ShapeDtypeStruct((NB, C), _F32)] * 4,
)


def kernel(x, edge_index, edge_weight, glove, W1, b1, W2, b2, W3, b3):
    del edge_weight
    pad_i = jnp.arange(E_PAD - E, dtype=jnp.int32)
    pads = jnp.stack([pad_i % N_PAD, N + pad_i % (N_PAD - N)])
    eip = jnp.concatenate([edge_index.astype(jnp.int32), pads],
                          axis=1).reshape(2, NW, CPT, CHUNK)
    zeros = jnp.zeros((N_PAD, H), _F32)
    zeros_bf = jnp.zeros((N_PAD, H), _BF16)
    ones_bf = jnp.ones((CHUNK, H), _BF16)
    xq = jnp.pad(x, ((0, N_PAD - N), (0, 0))).reshape(NB, 4 * D)

    def pack(u):
        return u.reshape(NC, NB, 4 * H)

    def unpack(g):
        return g.reshape(N_PAD, H)

    deg = _sc_degree(ones_bf, eip, zeros_bf)
    g1 = _tc1a(xq, glove, W1)
    gs1, dinv = _tc1b(pack(deg), g1)
    u1 = _sc_prop(unpack(gs1), eip, zeros)
    gs2 = _tc_mid(pack(u1), gs1, dinv, b1.reshape(1, H), W2)
    u2 = _sc_prop(unpack(gs2), eip, zeros)
    gs3 = _tc_last(pack(u2), gs2, dinv, b2.reshape(1, H), W3)
    u3 = _sc_prop(unpack(gs3), eip, zeros)
    o = _tc_out(pack(u3), gs3, dinv, b3.reshape(1, C))
    return jnp.stack(o, axis=1).reshape(N_PAD, C)[:N]

# --- scband reference (transcript-rebuilt; emitter-appended) ---
"""Pipeline reference for scband-edge-model-8400956030988 (READ-ONLY COPY).

The authoritative reference and input builder live on the scoring server;
editing this copy changes nothing except your own understanding.
"""

import jax, jax.numpy as jnp
import numpy as np

N_NODES = 10000
N_EDGES = 320000
D_FEAT = 128
HIDDEN = 32
N_CLASSES = 16


def setup_inputs(seed: int = 0) -> dict:
    key = jax.random.key(seed)
    ks = jax.random.split(key, 8)
    x = jax.random.normal(ks[0], (N_NODES, D_FEAT), dtype=jnp.float32)
    edge_index = jax.random.randint(ks[1], (2, N_EDGES), 0, N_NODES, dtype=jnp.int64)
    # EdgeModel: edge_weight is a non-trainable parameter of ones
    edge_weight = jnp.ones((N_EDGES,), dtype=jnp.float32)
    # Model: glove_matrix = identity (non-TWITTER dataset branch)
    glove = jnp.eye(D_FEAT, dtype=jnp.float32)
    # GCN layer weights: 128 -> 32 -> 32 -> 16
    W1 = jax.random.normal(ks[2], (D_FEAT, HIDDEN), dtype=jnp.float32) * (1.0 / np.sqrt(D_FEAT))
    b1 = jnp.zeros((HIDDEN,), dtype=jnp.float32)
    W2 = jax.random.normal(ks[3], (HIDDEN, HIDDEN), dtype=jnp.float32) * (1.0 / np.sqrt(HIDDEN))
    b2 = jnp.zeros((HIDDEN,), dtype=jnp.float32)
    W3 = jax.random.normal(ks[4], (HIDDEN, N_CLASSES), dtype=jnp.float32) * (1.0 / np.sqrt(HIDDEN))
    b3 = jnp.zeros((N_CLASSES,), dtype=jnp.float32)
    return {"x": x, "edge_index": edge_index, "edge_weight": edge_weight,
            "glove": glove, "W1": W1, "b1": b1, "W2": W2, "b2": b2,
            "W3": W3, "b3": b3}


def _gcn_conv(x, edge_index, edge_weight, W, b):
    # PyG-style GCNConv with edge_weight: add self-loops, symmetric normalization
    n = x.shape[0]
    h = x @ W
    src = edge_index[0]
    dst = edge_index[1]
    loop = jnp.arange(n, dtype=edge_index.dtype)
    src = jnp.concatenate([src, loop])
    dst = jnp.concatenate([dst, loop])
    ew = jnp.concatenate([edge_weight, jnp.ones((n,), dtype=edge_weight.dtype)])
    deg = jax.ops.segment_sum(ew, dst, num_segments=n)
    dinv = jnp.where(deg > 0, jax.lax.rsqrt(deg), 0.0)
    norm = dinv[src] * ew * dinv[dst]
    msg = h[src] * norm[:, None]
    out = jax.ops.segment_sum(msg, dst, num_segments=n)
    return out + b


def reference(x, edge_index, edge_weight, glove, W1, b1, W2, b2, W3, b3):
    # x = x @ glove_matrix
    h = x @ glove
    # layers[:-1] with relu (dropout is identity in eval / deterministic reference)
    h = jax.nn.relu(_gcn_conv(h, edge_index, edge_weight, W1, b1))
    h = jax.nn.relu(_gcn_conv(h, edge_index, edge_weight, W2, b2))
    # final layer + log_softmax over classes
    h = _gcn_conv(h, edge_index, edge_weight, W3, b3)
    return jax.nn.log_softmax(h, axis=1)

if __name__ == "__main__":
    import jax
    _d = setup_inputs()
    print(jax.jit(kernel)(*tuple(_d.values())))

</pallas_src>

<mosaic_0001>
#map = affine_map<(d0, d1) -> (0, 0)>
#map1 = affine_map<(d0, d1) -> (0, 0, 0, 0)>
#map2 = affine_map<(d0, d1) -> (0, 0, 0)>
module attributes {stable_mosaic.version = 14 : i64} {
  func.func @_sc_prop(%arg0: i32, %arg1: i32, %arg2: memref<10112x32xf32, #tpu.memory_space<hbm>>, %arg3: memref<2x32x80x128xi32, #tpu.memory_space<hbm>>, %arg4: memref<10112x32xf32, #tpu.memory_space<hbm>>, %arg5: memref<2x10112x32xf32, #tpu.memory_space<hbm>>, %arg6: memref<80x128xi32, #tpu.memory_space<vmem>>, %arg7: memref<80x128xi32, #tpu.memory_space<vmem>>, %arg8: memref<128x32xf32, #tpu.memory_space<vmem>>, %arg9: memref<128x32xf32, #tpu.memory_space<vmem>>, %arg10: memref<128x32xf32, #tpu.memory_space<vmem>>, %arg11: memref<128x32xf32, #tpu.memory_space<vmem>>, %arg12: memref<128x32xf32, #tpu.memory_space<vmem>>, %arg13: memref<128x32xf32, #tpu.memory_space<vmem>>, %arg14: memref<128x32xf32, #tpu.memory_space<vmem>>, %arg15: memref<128x32xf32, #tpu.memory_space<vmem>>, %arg16: memref<128x32xf32, #tpu.memory_space<vmem>>, %arg17: memref<128x32xf32, #tpu.memory_space<vmem>>, %arg18: memref<10112x32xf32, #tpu.memory_space<vmem_shared>>, %arg19: memref<!tpu.dma_semaphore, #tpu.memory_space<semaphore_mem>>, %arg20: memref<!tpu.dma_semaphore, #tpu.memory_space<semaphore_mem>>, %arg21: memref<!tpu.dma_semaphore, #tpu.memory_space<semaphore_mem>>, %arg22: memref<!tpu.dma_semaphore, #tpu.memory_space<semaphore_mem>>, %arg23: memref<!tpu.dma_semaphore, #tpu.memory_space<semaphore_mem>>, %arg24: memref<!tpu.dma_semaphore, #tpu.memory_space<semaphore_mem>>, %arg25: memref<!tpu.dma_semaphore, #tpu.memory_space<semaphore_mem>>, %arg26: memref<!tpu.dma_semaphore, #tpu.memory_space<semaphore_mem>>, %arg27: memref<!tpu.dma_semaphore, #tpu.memory_space<semaphore_mem>>, %arg28: memref<!tpu.dma_semaphore, #tpu.memory_space<semaphore_mem>>, %arg29: memref<!tpu.dma_semaphore, #tpu.memory_space<semaphore_mem>>, %arg30: memref<!tpu.dma_semaphore, #tpu.memory_space<semaphore_mem>>, %arg31: memref<!tpu.dma_semaphore, #tpu.memory_space<semaphore_mem>>, %arg32: memref<!tpu.dma_semaphore, #tpu.memory_space<semaphore_mem>>, %arg33: memref<!tpu.dma_semaphore, #tpu.memory_space<semaphore_mem>>, %arg34: memref<!tpu.dma_semaphore, #tpu.memory_space<semaphore_mem>>, %arg35: memref<!tpu.dma_semaphore, #tpu.memory_space<semaphore_mem>>, %arg36: memref<!tpu.dma_semaphore, #tpu.memory_space<semaphore_mem>>, %arg37: memref<!tpu.dma_semaphore, #tpu.memory_space<semaphore_mem>>, %arg38: memref<!tpu.dma_semaphore, #tpu.memory_space<semaphore_mem>>) attributes {dimension_semantics = [#tpu.dimension_semantics<core_parallel>, #tpu.dimension_semantics<subcore_parallel>], iteration_bounds = array<i64: 2, 16>, scalar_prefetch = 0 : i64, scratch_operands = 33 : i64, tpu.core_type = #tpu.core_type<sc_vector_subcore>, window_params = [{transform_indices = #map}, {transform_indices = #map1}, {transform_indices = #map}, {transform_indices = #map2}]} {
    %mul3A = arith.constant 16 : i32
    %mul3A_0 = arith.muli %arg0, %mul3A : i32
    %add3A = arith.addi %mul3A_0, %arg1 : i32
    %mul3A_1 = arith.constant 632 : i32
    %mul3A_2 = arith.muli %arg1, %mul3A_1 : i32
    "tpu.region"() ({
      %run_scoped3A_78 = tpu.sem_alloc : memref<!tpu.dma_semaphore, #tpu.memory_space<semaphore_mem>>
      %dma_start3A_79 = arith.constant 0 : i32
      %dma_start3A_80 = tpu.memref_slice %arg18[%mul3A_2, %dma_start3A_79] : memref<10112x32xf32, #tpu.memory_space<vmem_shared>> -> memref<632x32xf32, #tpu.memory_space<vmem_shared>>
      %dma_start3A_81 = arith.constant 0 : i32
      %dma_start3A_82 = tpu.memref_slice %arg4[%mul3A_2, %dma_start3A_81] : memref<10112x32xf32, #tpu.memory_space<hbm>> -> memref<632x32xf32, #tpu.memory_space<hbm>>
      tpu.enqueue_dma source(%dma_start3A_82 : memref<632x32xf32, #tpu.memory_space<hbm>>) target(%dma_start3A_80 : memref<632x32xf32, #tpu.memory_space<vmem_shared>>) target_semaphore(%run_scoped3A_78 : memref<!tpu.dma_semaphore, #tpu.memory_space<semaphore_mem>>)
      %dma_wait3A_83 = arith.constant 0 : i32
      %dma_wait3A_84 = tpu.memref_slice %arg18[%mul3A_2, %dma_wait3A_83] : memref<10112x32xf32, #tpu.memory_space<vmem_shared>> -> memref<632x32xf32, #tpu.memory_space<vmem_shared>>
      %dma_wait3A_85 = arith.constant 0 : i32
      %dma_wait3A_86 = tpu.memref_slice %arg4[%mul3A_2, %dma_wait3A_85] : memref<10112x32xf32, #tpu.memory_space<hbm>> -> memref<632x32xf32, #tpu.memory_space<hbm>>
      tpu.wait_dma2 semaphore(%run_scoped3A_78 : memref<!tpu.dma_semaphore, #tpu.memory_space<semaphore_mem>>) src(%dma_wait3A_86 : memref<632x32xf32, #tpu.memory_space<hbm>>) dst(%dma_wait3A_84 : memref<632x32xf32, #tpu.memory_space<vmem_shared>>)
      tpu.yield
    }) : () -> ()
    %run_scoped3A = arith.constant 0 : i32
    "tpu.region"() ({
      %run_scoped3A_78 = tpu.sem_alloc : memref<!tpu.dma_semaphore, #tpu.memory_space<semaphore_mem>>
      %dma_start3A_79 = arith.constant 0 : i32
      %dma_start3A_80 = arith.constant 0 : i32
      %dma_start3A_81 = tpu.memref_slice %arg3[%run_scoped3A, %add3A, %dma_start3A_79, %dma_start3A_80] : memref<2x32x80x128xi32, #tpu.memory_space<hbm>> -> memref<1x1x80x128xi32, #tpu.memory_space<hbm>>
      %dma_start3A_82 = tpu.memref_squeeze %dma_start3A_81 : memref<1x1x80x128xi32, #tpu.memory_space<hbm>> -> memref<80x128xi32, #tpu.memory_space<hbm>>
      %dma_start3A_83 = arith.constant 0 : i32
      %dma_start3A_84 = arith.constant 0 : i32
      %dma_start3A_85 = tpu.memref_slice %arg3[%run_scoped3A, %add3A, %dma_start3A_83, %dma_start3A_84] : memref<2x32x80x128xi32, #tpu.memory_space<hbm>> -> memref<1x1x80x128xi32, #tpu.memory_space<hbm>>
      %dma_start3A_86 = tpu.memref_squeeze %dma_start3A_85 : memref<1x1x80x128xi32, #tpu.memory_space<hbm>> -> memref<80x128xi32, #tpu.memory_space<hbm>>
      tpu.enqueue_dma source(%dma_start3A_86 : memref<80x128xi32, #tpu.memory_space<hbm>>) target(%arg6 : memref<80x128xi32, #tpu.memory_space<vmem>>) target_semaphore(%run_scoped3A_78 : memref<!tpu.dma_semaphore, #tpu.memory_space<semaphore_mem>>)
      %dma_wait3A_87 = arith.constant 0 : i32
      %dma_wait3A_88 = arith.constant 0 : i32
      %dma_wait3A_89 = tpu.memref_slice %arg3[%run_scoped3A, %add3A, %dma_wait3A_87, %dma_wait3A_88] : memref<2x32x80x128xi32, #tpu.memory_space<hbm>> -> memref<1x1x80x128xi32, #tpu.memory_space<hbm>>
      %dma_wait3A_90 = tpu.memref_squeeze %dma_wait3A_89 : memref<1x1x80x128xi32, #tpu.memory_space<hbm>> -> memref<80x128xi32, #tpu.memory_space<hbm>>
      %dma_wait3A_91 = arith.constant 0 : i32
      %dma_wait3A_92 = arith.constant 0 : i32
      %dma_wait3A_93 = tpu.memref_slice %arg3[%run_scoped3A, %add3A, %dma_wait3A_91, %dma_wait3A_92] : memref<2x32x80x128xi32, #tpu.memory_space<hbm>> -> memref<1x1x80x128xi32, #tpu.memory_space<hbm>>
      %dma_wait3A_94 = tpu.memref_squeeze %dma_wait3A_93 : memref<1x1x80x128xi32, #tpu.memory_space<hbm>> -> memref<80x128xi32, #tpu.memory_space<hbm>>
      tpu.wait_dma2 semaphore(%run_scoped3A_78 : memref<!tpu.dma_semaphore, #tpu.memory_space<semaphore_mem>>) src(%dma_wait3A_94 : memref<80x128xi32, #tpu.memory_space<hbm>>) dst(%arg6 : memref<80x128xi32, #tpu.memory_space<vmem>>)
      tpu.yield
    }) : () -> ()
    %run_scoped3A_3 = arith.constant 1 : i32
    "tpu.region"() ({
      %run_scoped3A_78 = tpu.sem_alloc : memref<!tpu.dma_semaphore, #tpu.memory_space<semaphore_mem>>
      %dma_start3A_79 = arith.constant 0 : i32
      %dma_start3A_80 = arith.constant 0 : i32
      %dma_start3A_81 = tpu.memref_slice %arg3[%run_scoped3A_3, %add3A, %dma_start3A_79, %dma_start3A_80] : memref<2x32x80x128xi32, #tpu.memory_space<hbm>> -> memref<1x1x80x128xi32, #tpu.memory_space<hbm>>
      %dma_start3A_82 = tpu.memref_squeeze %dma_start3A_81 : memref<1x1x80x128xi32, #tpu.memory_space<hbm>> -> memref<80x128xi32, #tpu.memory_space<hbm>>
      %dma_start3A_83 = arith.constant 0 : i32
      %dma_start3A_84 = arith.constant 0 : i32
      %dma_start3A_85 = tpu.memref_slice %arg3[%run_scoped3A_3, %add3A, %dma_start3A_83, %dma_start3A_84] : memref<2x32x80x128xi32, #tpu.memory_space<hbm>> -> memref<1x1x80x128xi32, #tpu.memory_space<hbm>>
      %dma_start3A_86 = tpu.memref_squeeze %dma_start3A_85 : memref<1x1x80x128xi32, #tpu.memory_space<hbm>> -> memref<80x128xi32, #tpu.memory_space<hbm>>
      tpu.enqueue_dma source(%dma_start3A_86 : memref<80x128xi32, #tpu.memory_space<hbm>>) target(%arg7 : memref<80x128xi32, #tpu.memory_space<vmem>>) target_semaphore(%run_scoped3A_78 : memref<!tpu.dma_semaphore, #tpu.memory_space<semaphore_mem>>)
      %dma_wait3A_87 = arith.constant 0 : i32
      %dma_wait3A_88 = arith.constant 0 : i32
      %dma_wait3A_89 = tpu.memref_slice %arg3[%run_scoped3A_3, %add3A, %dma_wait3A_87, %dma_wait3A_88] : memref<2x32x80x128xi32, #tpu.memory_space<hbm>> -> memref<1x1x80x128xi32, #tpu.memory_space<hbm>>
      %dma_wait3A_90 = tpu.memref_squeeze %dma_wait3A_89 : memref<1x1x80x128xi32, #tpu.memory_space<hbm>> -> memref<80x128xi32, #tpu.memory_space<hbm>>
      %dma_wait3A_91 = arith.constant 0 : i32
      %dma_wait3A_92 = arith.constant 0 : i32
      %dma_wait3A_93 = tpu.memref_slice %arg3[%run_scoped3A_3, %add3A, %dma_wait3A_91, %dma_wait3A_92] : memref<2x32x80x128xi32, #tpu.memory_space<hbm>> -> memref<1x1x80x128xi32, #tpu.memory_space<hbm>>
      %dma_wait3A_94 = tpu.memref_squeeze %dma_wait3A_93 : memref<1x1x80x128xi32, #tpu.memory_space<hbm>> -> memref<80x128xi32, #tpu.memory_space<hbm>>
      tpu.wait_dma2 semaphore(%run_scoped3A_78 : memref<!tpu.dma_semaphore, #tpu.memory_space<semaphore_mem>>) src(%dma_wait3A_94 : memref<80x128xi32, #tpu.memory_space<hbm>>) dst(%arg7 : memref<80x128xi32, #tpu.memory_space<vmem>>)
      tpu.yield
    }) : () -> ()
    %barrier3A = arith.constant 0 : index
    tpu.barrier barrier_id(%barrier3A)
    %dma_start3A = arith.constant 0 : i32
    %dma_start3A_4 = arith.constant 0 : i32
    %dma_start3A_5 = tpu.memref_slice %arg6[%dma_start3A, %dma_start3A_4] : memref<80x128xi32, #tpu.memory_space<vmem>> -> memref<1x128xi32, #tpu.memory_space<vmem>>
    %dma_start3A_6 = tpu.memref_squeeze %dma_start3A_5 : memref<1x128xi32, #tpu.memory_space<vmem>> -> memref<128xi32, #tpu.memory_space<vmem>>
    %dma_start3A_7 = arith.constant 0 : i32
    %dma_start3A_8 = arith.constant 0 : i32
    %dma_start3A_9 = tpu.memref_slice %arg2[%dma_start3A_7, %dma_start3A_8] : memref<10112x32xf32, #tpu.memory_space<hbm>> -> memref<10112x32xf32, #tpu.memory_space<hbm>>
    tpu.enqueue_indirect_dma source(%dma_start3A_9 : memref<10112x32xf32, #tpu.memory_space<hbm>>) target(%arg8 : memref<128x32xf32, #tpu.memory_space<vmem>>) offsets(%dma_start3A_6 : memref<128xi32, #tpu.memory_space<vmem>>) semaphore(%arg19 : memref<!tpu.dma_semaphore, #tpu.memory_space<semaphore_mem>>)
    %dma_start3A_10 = arith.constant 1 : i32
    %dma_start3A_11 = arith.constant 0 : i32
    %dma_start3A_12 = tpu.memref_slice %arg6[%dma_start3A_10, %dma_start3A_11] : memref<80x128xi32, #tpu.memory_space<vmem>> -> memref<1x128xi32, #tpu.memory_space<vmem>>
    %dma_start3A_13 = tpu.memref_squeeze %dma_start3A_12 : memref<1x128xi32, #tpu.memory_space<vmem>> -> memref<128xi32, #tpu.memory_space<vmem>>
    %dma_start3A_14 = arith.constant 0 : i32
    %dma_start3A_15 = arith.constant 0 : i32
    %dma_start3A_16 = tpu.memref_slice %arg2[%dma_start3A_14, %dma_start3A_15] : memref<10112x32xf32, #tpu.memory_space<hbm>> -> memref<10112x32xf32, #tpu.memory_space<hbm>>
    tpu.enqueue_indirect_dma source(%dma_start3A_16 : memref<10112x32xf32, #tpu.memory_space<hbm>>) target(%arg9 : memref<128x32xf32, #tpu.memory_space<vmem>>) offsets(%dma_start3A_13 : memref<128xi32, #tpu.memory_space<vmem>>) semaphore(%arg20 : memref<!tpu.dma_semaphore, #tpu.memory_space<semaphore_mem>>)
    %dma_start3A_17 = arith.constant 2 : i32
    %dma_start3A_18 = arith.constant 0 : i32
    %dma_start3A_19 = tpu.memref_slice %arg6[%dma_start3A_17, %dma_start3A_18] : memref<80x128xi32, #tpu.memory_space<vmem>> -> memref<1x128xi32, #tpu.memory_space<vmem>>
    %dma_start3A_20 = tpu.memref_squeeze %dma_start3A_19 : memref<1x128xi32, #tpu.memory_space<vmem>> -> memref<128xi32, #tpu.memory_space<vmem>>
    %dma_start3A_21 = arith.constant 0 : i32
    %dma_start3A_22 = arith.constant 0 : i32
    %dma_start3A_23 = tpu.memref_slice %arg2[%dma_start3A_21, %dma_start3A_22] : memref<10112x32xf32, #tpu.memory_space<hbm>> -> memref<10112x32xf32, #tpu.memory_space<hbm>>
    tpu.enqueue_indirect_dma source(%dma_start3A_23 : memref<10112x32xf32, #tpu.memory_space<hbm>>) target(%arg10 : memref<128x32xf32, #tpu.memory_space<vmem>>) offsets(%dma_start3A_20 : memref<128xi32, #tpu.memory_space<vmem>>) semaphore(%arg21 : memref<!tpu.dma_semaphore, #tpu.memory_space<semaphore_mem>>)
    %dma_start3A_24 = arith.constant 3 : i32
    %dma_start3A_25 = arith.constant 0 : i32
    %dma_start3A_26 = tpu.memref_slice %arg6[%dma_start3A_24, %dma_start3A_25] : memref<80x128xi32, #tpu.memory_space<vmem>> -> memref<1x128xi32, #tpu.memory_space<vmem>>
    %dma_start3A_27 = tpu.memref_squeeze %dma_start3A_26 : memref<1x128xi32, #tpu.memory_space<vmem>> -> memref<128xi32, #tpu.memory_space<vmem>>
    %dma_start3A_28 = arith.constant 0 : i32
    %dma_start3A_29 = arith.constant 0 : i32
    %dma_start3A_30 = tpu.memref_slice %arg2[%dma_start3A_28, %dma_start3A_29] : memref<10112x32xf32, #tpu.memory_space<hbm>> -> memref<10112x32xf32, #tpu.memory_space<hbm>>
    tpu.enqueue_indirect_dma source(%dma_start3A_30 : memref<10112x32xf32, #tpu.memory_space<hbm>>) target(%arg11 : memref<128x32xf32, #tpu.memory_space<vmem>>) offsets(%dma_start3A_27 : memref<128xi32, #tpu.memory_space<vmem>>) semaphore(%arg22 : memref<!tpu.dma_semaphore, #tpu.memory_space<semaphore_mem>>)
    %dma_start3A_31 = arith.constant 4 : i32
    %dma_start3A_32 = arith.constant 0 : i32
    %dma_start3A_33 = tpu.memref_slice %arg6[%dma_start3A_31, %dma_start3A_32] : memref<80x128xi32, #tpu.memory_space<vmem>> -> memref<1x128xi32, #tpu.memory_space<vmem>>
    %dma_start3A_34 = tpu.memref_squeeze %dma_start3A_33 : memref<1x128xi32, #tpu.memory_space<vmem>> -> memref<128xi32, #tpu.memory_space<vmem>>
    %dma_start3A_35 = arith.constant 0 : i32
    %dma_start3A_36 = arith.constant 0 : i32
    %dma_start3A_37 = tpu.memref_slice %arg2[%dma_start3A_35, %dma_start3A_36] : memref<10112x32xf32, #tpu.memory_space<hbm>> -> memref<10112x32xf32, #tpu.memory_space<hbm>>
    tpu.enqueue_indirect_dma source(%dma_start3A_37 : memref<10112x32xf32, #tpu.memory_space<hbm>>) target(%arg12 : memref<128x32xf32, #tpu.memory_space<vmem>>) offsets(%dma_start3A_34 : memref<128xi32, #tpu.memory_space<vmem>>) semaphore(%arg23 : memref<!tpu.dma_semaphore, #tpu.memory_space<semaphore_mem>>)
    %scan3A = arith.constant 0 : i32
    %scan3A_38 = arith.constant 0 : i32
    %scan3A_39 = arith.constant 8 : i32
    %scan3A_40 = arith.addi %scan3A_38, %scan3A_39 : i32
    %scan3A_41 = arith.constant 1 : i32
    scf.for %scan3A_78 = %scan3A_38 to %scan3A_40 step %scan3A_41  : i32 {
      %mul3A_79 = arith.constant 10 : i32
      %mul3A_80 = arith.muli %mul3A_79, %scan3A_78 : i32
      %add3A_81 = arith.constant 0 : i32
      %add3A_82 = arith.addi %mul3A_80, %add3A_81 : i32
      %dma_wait3A_83 = arith.constant 0 : i32
      %dma_wait3A_84 = tpu.memref_slice %arg6[%add3A_82, %dma_wait3A_83] : memref<80x128xi32, #tpu.memory_space<vmem>> -> memref<1x128xi32, #tpu.memory_space<vmem>>
      %dma_wait3A_85 = tpu.memref_squeeze %dma_wait3A_84 : memref<1x128xi32, #tpu.memory_space<vmem>> -> memref<128xi32, #tpu.memory_space<vmem>>
      %dma_wait3A_86 = arith.constant 0 : i32
      %dma_wait3A_87 = arith.constant 0 : i32
      %dma_wait3A_88 = tpu.memref_slice %arg2[%dma_wait3A_86, %dma_wait3A_87] : memref<10112x32xf32, #tpu.memory_space<hbm>> -> memref<10112x32xf32, #tpu.memory_space<hbm>>
      tpu.wait_indirect_dma semaphore(%arg19 : memref<!tpu.dma_semaphore, #tpu.memory_space<semaphore_mem>>) src(%dma_wait3A_88 : memref<10112x32xf32, #tpu.memory_space<hbm>>) dst(%arg8 : memref<128x32xf32, #tpu.memory_space<vmem>>)
      %dma_start3A_89 = arith.constant 0 : i32
      %dma_start3A_90 = tpu.memref_slice %arg7[%add3A_82, %dma_start3A_89] : memref<80x128xi32, #tpu.memory_space<vmem>> -> memref<1x128xi32, #tpu.memory_space<vmem>>
      %dma_start3A_91 = tpu.memref_squeeze %dma_start3A_90 : memref<1x128xi32, #tpu.memory_space<vmem>> -> memref<128xi32, #tpu.memory_space<vmem>>
      %dma_start3A_92 = arith.constant 0 : i32
      %dma_start3A_93 = arith.constant 0 : i32
      %dma_start3A_94 = tpu.memref_slice %arg18[%dma_start3A_92, %dma_start3A_93] : memref<10112x32xf32, #tpu.memory_space<vmem_shared>> -> memref<10112x32xf32, #tpu.memory_space<vmem_shared>>
      tpu.enqueue_indirect_dma source(%arg8 : memref<128x32xf32, #tpu.memory_space<vmem>>) target(%dma_start3A_94 : memref<10112x32xf32, #tpu.memory_space<vmem_shared>>) offsets(%dma_start3A_91 : memref<128xi32, #tpu.memory_space<vmem>>) semaphore(%arg29 : memref<!tpu.dma_semaphore, #tpu.memory_space<semaphore_mem>>) {add = true}
      %ge3A = arith.constant 5 : i32
      %ge3A_95 = arith.cmpi sge, %add3A_82, %ge3A : i32
      %convert_element_type3A = arith.extui %ge3A_95 : i1 to i32
      %cond3A = arith.constant 0 : i32
      %cond3A_96 = arith.cmpi ne, %convert_element_type3A, %cond3A : i32
      scf.if %cond3A_96 {
        %sub3A = arith.constant 5 : i32
        %sub3A_355 = arith.subi %add3A_82, %sub3A : i32
        %dma_wait3A_356 = arith.constant 0 : i32
        %dma_wait3A_357 = tpu.memref_slice %arg7[%sub3A_355, %dma_wait3A_356] : memref<80x128xi32, #tpu.memory_space<vmem>> -> memref<1x128xi32, #tpu.memory_space<vmem>>
        %dma_wait3A_358 = tpu.memref_squeeze %dma_wait3A_357 : memref<1x128xi32, #tpu.memory_space<vmem>> -> memref<128xi32, #tpu.memory_space<vmem>>
        %dma_wait3A_359 = arith.constant 0 : i32
        %dma_wait3A_360 = arith.constant 0 : i32
        %dma_wait3A_361 = tpu.memref_slice %arg18[%dma_wait3A_359, %dma_wait3A_360] : memref<10112x32xf32, #tpu.memory_space<vmem_shared>> -> memref<10112x32xf32, #tpu.memory_space<vmem_shared>>
        tpu.wait_indirect_dma semaphore(%arg34 : memref<!tpu.dma_semaphore, #tpu.memory_space<semaphore_mem>>) src(%arg13 : memref<128x32xf32, #tpu.memory_space<vmem>>) dst(%dma_wait3A_361 : memref<10112x32xf32, #tpu.memory_space<vmem_shared>>)
      } else {
      }
      %add3A_97 = arith.constant 5 : i32
      %add3A_98 = arith.addi %add3A_82, %add3A_97 : i32
      %lt3A = arith.constant 80 : i32
      %lt3A_99 = arith.cmpi slt, %add3A_98, %lt3A : i32
      %convert_element_type3A_100 = arith.extui %lt3A_99 : i1 to i32
      %cond3A_101 = arith.constant 0 : i32
      %cond3A_102 = arith.cmpi ne, %convert_element_type3A_100, %cond3A_101 : i32
      scf.if %cond3A_102 {
        %add3A_355 = arith.constant 5 : i32
        %add3A_356 = arith.addi %add3A_82, %add3A_355 : i32
        %dma_start3A_357 = arith.constant 0 : i32
        %dma_start3A_358 = tpu.memref_slice %arg6[%add3A_356, %dma_start3A_357] : memref<80x128xi32, #tpu.memory_space<vmem>> -> memref<1x128xi32, #tpu.memory_space<vmem>>
        %dma_start3A_359 = tpu.memref_squeeze %dma_start3A_358 : memref<1x128xi32, #tpu.memory_space<vmem>> -> memref<128xi32, #tpu.memory_space<vmem>>
        %dma_start3A_360 = arith.constant 0 : i32
        %dma_start3A_361 = arith.constant 0 : i32
        %dma_start3A_362 = tpu.memref_slice %arg2[%dma_start3A_360, %dma_start3A_361] : memref<10112x32xf32, #tpu.memory_space<hbm>> -> memref<10112x32xf32, #tpu.memory_space<hbm>>
        tpu.enqueue_indirect_dma source(%dma_start3A_362 : memref<10112x32xf32, #tpu.memory_space<hbm>>) target(%arg13 : memref<128x32xf32, #tpu.memory_space<vmem>>) offsets(%dma_start3A_359 : memref<128xi32, #tpu.memory_space<vmem>>) semaphore(%arg24 : memref<!tpu.dma_semaphore, #tpu.memory_space<semaphore_mem>>)
      } else {
      }
      %mul3A_103 = arith.constant 10 : i32
      %mul3A_104 = arith.muli %mul3A_103, %scan3A_78 : i32
      %add3A_105 = arith.constant 1 : i32
      %add3A_106 = arith.addi %mul3A_104, %add3A_105 : i32
      %dma_wait3A_107 = arith.constant 0 : i32
      %dma_wait3A_108 = tpu.memref_slice %arg6[%add3A_106, %dma_wait3A_107] : memref<80x128xi32, #tpu.memory_space<vmem>> -> memref<1x128xi32, #tpu.memory_space<vmem>>
      %dma_wait3A_109 = tpu.memref_squeeze %dma_wait3A_108 : memref<1x128xi32, #tpu.memory_space<vmem>> -> memref<128xi32, #tpu.memory_space<vmem>>
      %dma_wait3A_110 = arith.constant 0 : i32
      %dma_wait3A_111 = arith.constant 0 : i32
      %dma_wait3A_112 = tpu.memref_slice %arg2[%dma_wait3A_110, %dma_wait3A_111] : memref<10112x32xf32, #tpu.memory_space<hbm>> -> memref<10112x32xf32, #tpu.memory_space<hbm>>
      tpu.wait_indirect_dma semaphore(%arg20 : memref<!tpu.dma_semaphore, #tpu.memory_space<semaphore_mem>>) src(%dma_wait3A_112 : memref<10112x32xf32, #tpu.memory_space<hbm>>) dst(%arg9 : memref<128x32xf32, #tpu.memory_space<vmem>>)
      %dma_start3A_113 = arith.constant 0 : i32
      %dma_start3A_114 = tpu.memref_slice %arg7[%add3A_106, %dma_start3A_113] : memref<80x128xi32, #tpu.memory_space<vmem>> -> memref<1x128xi32, #tpu.memory_space<vmem>>
      %dma_start3A_115 = tpu.memref_squeeze %dma_start3A_114 : memref<1x128xi32, #tpu.memory_space<vmem>> -> memref<128xi32, #tpu.memory_space<vmem>>
      %dma_start3A_116 = arith.constant 0 : i32
      %dma_start3A_117 = arith.constant 0 : i32
      %dma_start3A_118 = tpu.memref_slice %arg18[%dma_start3A_116, %dma_start3A_117] : memref<10112x32xf32, #tpu.memory_space<vmem_shared>> -> memref<10112x32xf32, #tpu.memory_space<vmem_shared>>
      tpu.enqueue_indirect_dma source(%arg9 : memref<128x32xf32, #tpu.memory_space<vmem>>) target(%dma_start3A_118 : memref<10112x32xf32, #tpu.memory_space<vmem_shared>>) offsets(%dma_start3A_115 : memref<128xi32, #tpu.memory_space<vmem>>) semaphore(%arg30 : memref<!tpu.dma_semaphore, #tpu.memory_space<semaphore_mem>>) {add = true}
      %ge3A_119 = arith.constant 5 : i32
      %ge3A_120 = arith.cmpi sge, %add3A_106, %ge3A_119 : i32
      %convert_element_type3A_121 = arith.extui %ge3A_120 : i1 to i32
      %cond3A_122 = arith.constant 0 : i32
      %cond3A_123 = arith.cmpi ne, %convert_element_type3A_121, %cond3A_122 : i32
      scf.if %cond3A_123 {
        %sub3A = arith.constant 5 : i32
        %sub3A_355 = arith.subi %add3A_106, %sub3A : i32
        %dma_wait3A_356 = arith.constant 0 : i32
        %dma_wait3A_357 = tpu.memref_slice %arg7[%sub3A_355, %dma_wait3A_356] : memref<80x128xi32, #tpu.memory_space<vmem>> -> memref<1x128xi32, #tpu.memory_space<vmem>>
        %dma_wait3A_358 = tpu.memref_squeeze %dma_wait3A_357 : memref<1x128xi32, #tpu.memory_space<vmem>> -> memref<128xi32, #tpu.memory_space<vmem>>
        %dma_wait3A_359 = arith.constant 0 : i32
        %dma_wait3A_360 = arith.constant 0 : i32
        %dma_wait3A_361 = tpu.memref_slice %arg18[%dma_wait3A_359, %dma_wait3A_360] : memref<10112x32xf32, #tpu.memory_space<vmem_shared>> -> memref<10112x32xf32, #tpu.memory_space<vmem_shared>>
        tpu.wait_indirect_dma semaphore(%arg35 : memref<!tpu.dma_semaphore, #tpu.memory_space<semaphore_mem>>) src(%arg14 : memref<128x32xf32, #tpu.memory_space<vmem>>) dst(%dma_wait3A_361 : memref<10112x32xf32, #tpu.memory_space<vmem_shared>>)
      } else {
      }
      %add3A_124 = arith.constant 5 : i32
      %add3A_125 = arith.addi %add3A_106, %add3A_124 : i32
      %lt3A_126 = arith.constant 80 : i32
      %lt3A_127 = arith.cmpi slt, %add3A_125, %lt3A_126 : i32
      %convert_element_type3A_128 = arith.extui %lt3A_127 : i1 to i32
      %cond3A_129 = arith.constant 0 : i32
      %cond3A_130 = arith.cmpi ne, %convert_element_type3A_128, %cond3A_129 : i32
      scf.if %cond3A_130 {
        %add3A_355 = arith.constant 5 : i32
        %add3A_356 = arith.addi %add3A_106, %add3A_355 : i32
        %dma_start3A_357 = arith.constant 0 : i32
        %dma_start3A_358 = tpu.memref_slice %arg6[%add3A_356, %dma_start3A_357] : memref<80x128xi32, #tpu.memory_space<vmem>> -> memref<1x128xi32, #tpu.memory_space<vmem>>
        %dma_start3A_359 = tpu.memref_squeeze %dma_start3A_358 : memref<1x128xi32, #tpu.memory_space<vmem>> -> memref<128xi32, #tpu.memory_space<vmem>>
        %dma_start3A_360 = arith.constant 0 : i32
        %dma_start3A_361 = arith.constant 0 : i32
        %dma_start3A_362 = tpu.memref_slice %arg2[%dma_start3A_360, %dma_start3A_361] : memref<10112x32xf32, #tpu.memory_space<hbm>> -> memref<10112x32xf32, #tpu.memory_space<hbm>>
        tpu.enqueue_indirect_dma source(%dma_start3A_362 : memref<10112x32xf32, #tpu.memory_space<hbm>>) target(%arg14 : memref<128x32xf32, #tpu.memory_space<vmem>>) offsets(%dma_start3A_359 : memref<128xi32, #tpu.memory_space<vmem>>) semaphore(%arg25 : memref<!tpu.dma_semaphore, #tpu.memory_space<semaphore_mem>>)
      } else {
      }
      %mul3A_131 = arith.constant 10 : i32
      %mul3A_132 = arith.muli %mul3A_131, %scan3A_78 : i32
      %add3A_133 = arith.constant 2 : i32
      %add3A_134 = arith.addi %mul3A_132, %add3A_133 : i32
      %dma_wait3A_135 = arith.constant 0 : i32
      %dma_wait3A_136 = tpu.memref_slice %arg6[%add3A_134, %dma_wait3A_135] : memref<80x128xi32, #tpu.memory_space<vmem>> -> memref<1x128xi32, #tpu.memory_space<vmem>>
      %dma_wait3A_137 = tpu.memref_squeeze %dma_wait3A_136 : memref<1x128xi32, #tpu.memory_space<vmem>> -> memref<128xi32, #tpu.memory_space<vmem>>
      %dma_wait3A_138 = arith.constant 0 : i32
      %dma_wait3A_139 = arith.constant 0 : i32
      %dma_wait3A_140 = tpu.memref_slice %arg2[%dma_wait3A_138, %dma_wait3A_139] : memref<10112x32xf32, #tpu.memory_space<hbm>> -> memref<10112x32xf32, #tpu.memory_space<hbm>>
      tpu.wait_indirect_dma semaphore(%arg21 : memref<!tpu.dma_semaphore, #tpu.memory_space<semaphore_mem>>) src(%dma_wait3A_140 : memref<10112x32xf32, #tpu.memory_space<hbm>>) dst(%arg10 : memref<128x32xf32, #tpu.memory_space<vmem>>)
      %dma_start3A_141 = arith.constant 0 : i32
      %dma_start3A_142 = tpu.memref_slice %arg7[%add3A_134, %dma_start3A_141] : memref<80x128xi32, #tpu.memory_space<vmem>> -> memref<1x128xi32, #tpu.memory_space<vmem>>
      %dma_start3A_143 = tpu.memref_squeeze %dma_start3A_142 : memref<1x128xi32, #tpu.memory_space<vmem>> -> memref<128xi32, #tpu.memory_space<vmem>>
      %dma_start3A_144 = arith.constant 0 : i32
      %dma_start3A_145 = arith.constant 0 : i32
      %dma_start3A_146 = tpu.memref_slice %arg18[%dma_start3A_144, %dma_start3A_145] : memref<10112x32xf32, #tpu.memory_space<vmem_shared>> -> memref<10112x32xf32, #tpu.memory_space<vmem_shared>>
      tpu.enqueue_indirect_dma source(%arg10 : memref<128x32xf32, #tpu.memory_space<vmem>>) target(%dma_start3A_146 : memref<10112x32xf32, #tpu.memory_space<vmem_shared>>) offsets(%dma_start3A_143 : memref<128xi32, #tpu.memory_space<vmem>>) semaphore(%arg31 : memref<!tpu.dma_semaphore, #tpu.memory_space<semaphore_mem>>) {add = true}
      %ge3A_147 = arith.constant 5 : i32
      %ge3A_148 = arith.cmpi sge, %add3A_134, %ge3A_147 : i32
      %convert_element_type3A_149 = arith.extui %ge3A_148 : i1 to i32
      %cond3A_150 = arith.constant 0 : i32
      %cond3A_151 = arith.cmpi ne, %convert_element_type3A_149, %cond3A_150 : i32
      scf.if %cond3A_151 {
        %sub3A = arith.constant 5 : i32
        %sub3A_355 = arith.subi %add3A_134, %sub3A : i32
        %dma_wait3A_356 = arith.constant 0 : i32
        %dma_wait3A_357 = tpu.memref_slice %arg7[%sub3A_355, %dma_wait3A_356] : memref<80x128xi32, #tpu.memory_space<vmem>> -> memref<1x128xi32, #tpu.memory_space<vmem>>
        %dma_wait3A_358 = tpu.memref_squeeze %dma_wait3A_357 : memref<1x128xi32, #tpu.memory_space<vmem>> -> memref<128xi32, #tpu.memory_space<vmem>>
        %dma_wait3A_359 = arith.constant 0 : i32
        %dma_wait3A_360 = arith.constant 0 : i32
        %dma_wait3A_361 = tpu.memref_slice %arg18[%dma_wait3A_359, %dma_wait3A_360] : memref<10112x32xf32, #tpu.memory_space<vmem_shared>> -> memref<10112x32xf32, #tpu.memory_space<vmem_shared>>
        tpu.wait_indirect_dma semaphore(%arg36 : memref<!tpu.dma_semaphore, #tpu.memory_space<semaphore_mem>>) src(%arg15 : memref<128x32xf32, #tpu.memory_space<vmem>>) dst(%dma_wait3A_361 : memref<10112x32xf32, #tpu.memory_space<vmem_shared>>)
      } else {
      }
      %add3A_152 = arith.constant 5 : i32
      %add3A_153 = arith.addi %add3A_134, %add3A_152 : i32
      %lt3A_154 = arith.constant 80 : i32
      %lt3A_155 = arith.cmpi slt, %add3A_153, %lt3A_154 : i32
      %convert_element_type3A_156 = arith.extui %lt3A_155 : i1 to i32
      %cond3A_157 = arith.constant 0 : i32
      %cond3A_158 = arith.cmpi ne, %convert_element_type3A_156, %cond3A_157 : i32
      scf.if %cond3A_158 {
        %add3A_355 = arith.constant 5 : i32
        %add3A_356 = arith.addi %add3A_134, %add3A_355 : i32
        %dma_start3A_357 = arith.constant 0 : i32
        %dma_start3A_358 = tpu.memref_slice %arg6[%add3A_356, %dma_start3A_357] : memref<80x128xi32, #tpu.memory_space<vmem>> -> memref<1x128xi32, #tpu.memory_space<vmem>>
        %dma_start3A_359 = tpu.memref_squeeze %dma_start3A_358 : memref<1x128xi32, #tpu.memory_space<vmem>> -> memref<128xi32, #tpu.memory_space<vmem>>
        %dma_start3A_360 = arith.constant 0 : i32
        %dma_start3A_361 = arith.constant 0 : i32
        %dma_start3A_362 = tpu.memref_slice %arg2[%dma_start3A_360, %dma_start3A_361] : memref<10112x32xf32, #tpu.memory_space<hbm>> -> memref<10112x32xf32, #tpu.memory_space<hbm>>
        tpu.enqueue_indirect_dma source(%dma_start3A_362 : memref<10112x32xf32, #tpu.memory_space<hbm>>) target(%arg15 : memref<128x32xf32, #tpu.memory_space<vmem>>) offsets(%dma_start3A_359 : memref<128xi32, #tpu.memory_space<vmem>>) semaphore(%arg26 : memref<!tpu.dma_semaphore, #tpu.memory_space<semaphore_mem>>)
      } else {
      }
      %mul3A_159 = arith.constant 10 : i32
      %mul3A_160 = arith.muli %mul3A_159, %scan3A_78 : i32
      %add3A_161 = arith.constant 3 : i32
      %add3A_162 = arith.addi %mul3A_160, %add3A_161 : i32
      %dma_wait3A_163 = arith.constant 0 : i32
      %dma_wait3A_164 = tpu.memref_slice %arg6[%add3A_162, %dma_wait3A_163] : memref<80x128xi32, #tpu.memory_space<vmem>> -> memref<1x128xi32, #tpu.memory_space<vmem>>
      %dma_wait3A_165 = tpu.memref_squeeze %dma_wait3A_164 : memref<1x128xi32, #tpu.memory_space<vmem>> -> memref<128xi32, #tpu.memory_space<vmem>>
      %dma_wait3A_166 = arith.constant 0 : i32
      %dma_wait3A_167 = arith.constant 0 : i32
      %dma_wait3A_168 = tpu.memref_slice %arg2[%dma_wait3A_166, %dma_wait3A_167] : memref<10112x32xf32, #tpu.memory_space<hbm>> -> memref<10112x32xf32, #tpu.memory_space<hbm>>
      tpu.wait_indirect_dma semaphore(%arg22 : memref<!tpu.dma_semaphore, #tpu.memory_space<semaphore_mem>>) src(%dma_wait3A_168 : memref<10112x32xf32, #tpu.memory_space<hbm>>) dst(%arg11 : memref<128x32xf32, #tpu.memory_space<vmem>>)
      %dma_start3A_169 = arith.constant 0 : i32
      %dma_start3A_170 = tpu.memref_slice %arg7[%add3A_162, %dma_start3A_169] : memref<80x128xi32, #tpu.memory_space<vmem>> -> memref<1x128xi32, #tpu.memory_space<vmem>>
      %dma_start3A_171 = tpu.memref_squeeze %dma_start3A_170 : memref<1x128xi32, #tpu.memory_space<vmem>> -> memref<128xi32, #tpu.memory_space<vmem>>
      %dma_start3A_172 = arith.constant 0 : i32
      %dma_start3A_173 = arith.constant 0 : i32
      %dma_start3A_174 = tpu.memref_slice %arg18[%dma_start3A_172, %dma_start3A_173] : memref<10112x32xf32, #tpu.memory_space<vmem_shared>> -> memref<10112x32xf32, #tpu.memory_space<vmem_shared>>
      tpu.enqueue_indirect_dma source(%arg11 : memref<128x32xf32, #tpu.memory_space<vmem>>) target(%dma_start3A_174 : memref<10112x32xf32, #tpu.memory_space<vmem_shared>>) offsets(%dma_start3A_171 : memref<128xi32, #tpu.memory_space<vmem>>) semaphore(%arg32 : memref<!tpu.dma_semaphore, #tpu.memory_space<semaphore_mem>>) {add = true}
      %ge3A_175 = arith.constant 5 : i32
      %ge3A_176 = arith.cmpi sge, %add3A_162, %ge3A_175 : i32
      %convert_element_type3A_177 = arith.extui %ge3A_176 : i1 to i32
      %cond3A_178 = arith.constant 0 : i32
      %cond3A_179 = arith.cmpi ne, %convert_element_type3A_177, %cond3A_178 : i32
      scf.if %cond3A_179 {
        %sub3A = arith.constant 5 : i32
        %sub3A_355 = arith.subi %add3A_162, %sub3A : i32
        %dma_wait3A_356 = arith.constant 0 : i32
        %dma_wait3A_357 = tpu.memref_slice %arg7[%sub3A_355, %dma_wait3A_356] : memref<80x128xi32, #tpu.memory_space<vmem>> -> memref<1x128xi32, #tpu.memory_space<vmem>>
        %dma_wait3A_358 = tpu.memref_squeeze %dma_wait3A_357 : memref<1x128xi32, #tpu.memory_space<vmem>> -> memref<128xi32, #tpu.memory_space<vmem>>
        %dma_wait3A_359 = arith.constant 0 : i32
        %dma_wait3A_360 = arith.constant 0 : i32
        %dma_wait3A_361 = tpu.memref_slice %arg18[%dma_wait3A_359, %dma_wait3A_360] : memref<10112x32xf32, #tpu.memory_space<vmem_shared>> -> memref<10112x32xf32, #tpu.memory_space<vmem_shared>>
        tpu.wait_indirect_dma semaphore(%arg37 : memref<!tpu.dma_semaphore, #tpu.memory_space<semaphore_mem>>) src(%arg16 : memref<128x32xf32, #tpu.memory_space<vmem>>) dst(%dma_wait3A_361 : memref<10112x32xf32, #tpu.memory_space<vmem_shared>>)
      } else {
      }
      %add3A_180 = arith.constant 5 : i32
      %add3A_181 = arith.addi %add3A_162, %add3A_180 : i32
      %lt3A_182 = arith.constant 80 : i32
      %lt3A_183 = arith.cmpi slt, %add3A_181, %lt3A_182 : i32
      %convert_element_type3A_184 = arith.extui %lt3A_183 : i1 to i32
      %cond3A_185 = arith.constant 0 : i32
      %cond3A_186 = arith.cmpi ne, %convert_element_type3A_184, %cond3A_185 : i32
      scf.if %cond3A_186 {
        %add3A_355 = arith.constant 5 : i32
        %add3A_356 = arith.addi %add3A_162, %add3A_355 : i32
        %dma_start3A_357 = arith.constant 0 : i32
        %dma_start3A_358 = tpu.memref_slice %arg6[%add3A_356, %dma_start3A_357] : memref<80x128xi32, #tpu.memory_space<vmem>> -> memref<1x128xi32, #tpu.memory_space<vmem>>
        %dma_start3A_359 = tpu.memref_squeeze %dma_start3A_358 : memref<1x128xi32, #tpu.memory_space<vmem>> -> memref<128xi32, #tpu.memory_space<vmem>>
        %dma_start3A_360 = arith.constant 0 : i32
        %dma_start3A_361 = arith.constant 0 : i32
        %dma_start3A_362 = tpu.memref_slice %arg2[%dma_start3A_360, %dma_start3A_361] : memref<10112x32xf32, #tpu.memory_space<hbm>> -> memref<10112x32xf32, #tpu.memory_space<hbm>>
        tpu.enqueue_indirect_dma source(%dma_start3A_362 : memref<10112x32xf32, #tpu.memory_space<hbm>>) target(%arg16 : memref<128x32xf32, #tpu.memory_space<vmem>>) offsets(%dma_start3A_359 : memref<128xi32, #tpu.memory_space<vmem>>) semaphore(%arg27 : memref<!tpu.dma_semaphore, #tpu.memory_space<semaphore_mem>>)
      } else {
      }
      %mul3A_187 = arith.constant 10 : i32
      %mul3A_188 = arith.muli %mul3A_187, %scan3A_78 : i32
      %add3A_189 = arith.constant 4 : i32
      %add3A_190 = arith.addi %mul3A_188, %add3A_189 : i32
      %dma_wait3A_191 = arith.constant 0 : i32
      %dma_wait3A_192 = tpu.memref_slice %arg6[%add3A_190, %dma_wait3A_191] : memref<80x128xi32, #tpu.memory_space<vmem>> -> memref<1x128xi32, #tpu.memory_space<vmem>>
      %dma_wait3A_193 = tpu.memref_squeeze %dma_wait3A_192 : memref<1x128xi32, #tpu.memory_space<vmem>> -> memref<128xi32, #tpu.memory_space<vmem>>
      %dma_wait3A_194 = arith.constant 0 : i32
      %dma_wait3A_195 = arith.constant 0 : i32
      %dma_wait3A_196 = tpu.memref_slice %arg2[%dma_wait3A_194, %dma_wait3A_195] : memref<10112x32xf32, #tpu.memory_space<hbm>> -> memref<10112x32xf32, #tpu.memory_space<hbm>>
      tpu.wait_indirect_dma semaphore(%arg23 : memref<!tpu.dma_semaphore, #tpu.memory_space<semaphore_mem>>) src(%dma_wait3A_196 : memref<10112x32xf32, #tpu.memory_space<hbm>>) dst(%arg12 : memref<128x32xf32, #tpu.memory_space<vmem>>)
      %dma_start3A_197 = arith.constant 0 : i32
      %dma_start3A_198 = tpu.memref_slice %arg7[%add3A_190, %dma_start3A_197] : memref<80x128xi32, #tpu.memory_space<vmem>> -> memref<1x128xi32, #tpu.memory_space<vmem>>
      %dma_start3A_199 = tpu.memref_squeeze %dma_start3A_198 : memref<1x128xi32, #tpu.memory_space<vmem>> -> memref<128xi32, #tpu.memory_space<vmem>>
      %dma_start3A_200 = arith.constant 0 : i32
      %dma_start3A_201 = arith.constant 0 : i32
      %dma_start3A_202 = tpu.memref_slice %arg18[%dma_start3A_200, %dma_start3A_201] : memref<10112x32xf32, #tpu.memory_space<vmem_shared>> -> memref<10112x32xf32, #tpu.memory_space<vmem_shared>>
      tpu.enqueue_indirect_dma source(%arg12 : memref<128x32xf32, #tpu.memory_space<vmem>>) target(%dma_start3A_202 : memref<10112x32xf32, #tpu.memory_space<vmem_shared>>) offsets(%dma_start3A_199 : memref<128xi32, #tpu.memory_space<vmem>>) semaphore(%arg33 : memref<!tpu.dma_semaphore, #tpu.memory_space<semaphore_mem>>) {add = true}
      %ge3A_203 = arith.constant 5 : i32
      %ge3A_204 = arith.cmpi sge, %add3A_190, %ge3A_203 : i32
      %convert_element_type3A_205 = arith.extui %ge3A_204 : i1 to i32
      %cond3A_206 = arith.constant 0 : i32
      %cond3A_207 = arith.cmpi ne, %convert_element_type3A_205, %cond3A_206 : i32
      scf.if %cond3A_207 {
        %sub3A = arith.constant 5 : i32
        %sub3A_355 = arith.subi %add3A_190, %sub3A : i32
        %dma_wait3A_356 = arith.constant 0 : i32
        %dma_wait3A_357 = tpu.memref_slice %arg7[%sub3A_355, %dma_wait3A_356] : memref<80x128xi32, #tpu.memory_space<vmem>> -> memref<1x128xi32, #tpu.memory_space<vmem>>
        %dma_wait3A_358 = tpu.memref_squeeze %dma_wait3A_357 : memref<1x128xi32, #tpu.memory_space<vmem>> -> memref<128xi32, #tpu.memory_space<vmem>>
        %dma_wait3A_359 = arith.constant 0 : i32
        %dma_wait3A_360 = arith.constant 0 : i32
        %dma_wait3A_361 = tpu.memref_slice %arg18[%dma_wait3A_359, %dma_wait3A_360] : memref<10112x32xf32, #tpu.memory_space<vmem_shared>> -> memref<10112x32xf32, #tpu.memory_space<vmem_shared>>
        tpu.wait_indirect_dma semaphore(%arg38 : memref<!tpu.dma_semaphore, #tpu.memory_space<semaphore_mem>>) src(%arg17 : memref<128x32xf32, #tpu.memory_space<vmem>>) dst(%dma_wait3A_361 : memref<10112x32xf32, #tpu.memory_space<vmem_shared>>)
      } else {
      }
      %add3A_208 = arith.constant 5 : i32
      %add3A_209 = arith.addi %add3A_190, %add3A_208 : i32
      %lt3A_210 = arith.constant 80 : i32
      %lt3A_211 = arith.cmpi slt, %add3A_209, %lt3A_210 : i32
      %convert_element_type3A_212 = arith.extui %lt3A_211 : i1 to i32
      %cond3A_213 = arith.constant 0 : i32
      %cond3A_214 = arith.cmpi ne, %convert_element_type3A_212, %cond3A_213 : i32
      scf.if %cond3A_214 {
        %add3A_355 = arith.constant 5 : i32
        %add3A_356 = arith.addi %add3A_190, %add3A_355 : i32
        %dma_start3A_357 = arith.constant 0 : i32
        %dma_start3A_358 = tpu.memref_slice %arg6[%add3A_356, %dma_start3A_357] : memref<80x128xi32, #tpu.memory_space<vmem>> -> memref<1x128xi32, #tpu.memory_space<vmem>>
        %dma_start3A_359 = tpu.memref_squeeze %dma_start3A_358 : memref<1x128xi32, #tpu.memory_space<vmem>> -> memref<128xi32, #tpu.memory_space<vmem>>
        %dma_start3A_360 = arith.constant 0 : i32
        %dma_start3A_361 = arith.constant 0 : i32
        %dma_start3A_362 = tpu.memref_slice %arg2[%dma_start3A_360, %dma_start3A_361] : memref<10112x32xf32, #tpu.memory_space<hbm>> -> memref<10112x32xf32, #tpu.memory_space<hbm>>
        tpu.enqueue_indirect_dma source(%dma_start3A_362 : memref<10112x32xf32, #tpu.memory_space<hbm>>) target(%arg17 : memref<128x32xf32, #tpu.memory_space<vmem>>) offsets(%dma_start3A_359 : memref<128xi32, #tpu.memory_space<vmem>>) semaphore(%arg28 : memref<!tpu.dma_semaphore, #tpu.memory_space<semaphore_mem>>)
      } else {
      }
      %mul3A_215 = arith.constant 10 : i32
      %mul3A_216 = arith.muli %mul3A_215, %scan3A_78 : i32
      %add3A_217 = arith.constant 5 : i32
      %add3A_218 = arith.addi %mul3A_216, %add3A_217 : i32
      %dma_wait3A_219 = arith.constant 0 : i32
      %dma_wait3A_220 = tpu.memref_slice %arg6[%add3A_218, %dma_wait3A_219] : memref<80x128xi32, #tpu.memory_space<vmem>> -> memref<1x128xi32, #tpu.memory_space<vmem>>
      %dma_wait3A_221 = tpu.memref_squeeze %dma_wait3A_220 : memref<1x128xi32, #tpu.memory_space<vmem>> -> memref<128xi32, #tpu.memory_space<vmem>>
      %dma_wait3A_222 = arith.constant 0 : i32
      %dma_wait3A_223 = arith.constant 0 : i32
      %dma_wait3A_224 = tpu.memref_slice %arg2[%dma_wait3A_222, %dma_wait3A_223] : memref<10112x32xf32, #tpu.memory_space<hbm>> -> memref<10112x32xf32, #tpu.memory_space<hbm>>
      tpu.wait_indirect_dma semaphore(%arg24 : memref<!tpu.dma_semaphore, #tpu.memory_space<semaphore_mem>>) src(%dma_wait3A_224 : memref<10112x32xf32, #tpu.memory_space<hbm>>) dst(%arg13 : memref<128x32xf32, #tpu.memory_space<vmem>>)
      %dma_start3A_225 = arith.constant 0 : i32
      %dma_start3A_226 = tpu.memref_slice %arg7[%add3A_218, %dma_start3A_225] : memref<80x128xi32, #tpu.memory_space<vmem>> -> memref<1x128xi32, #tpu.memory_space<vmem>>
      %dma_start3A_227 = tpu.memref_squeeze %dma_start3A_226 : memref<1x128xi32, #tpu.memory_space<vmem>> -> memref<128xi32, #tpu.memory_space<vmem>>
      %dma_start3A_228 = arith.constant 0 : i32
      %dma_start3A_229 = arith.constant 0 : i32
      %dma_start3A_230 = tpu.memref_slice %arg18[%dma_start3A_228, %dma_start3A_229] : memref<10112x32xf32, #tpu.memory_space<vmem_shared>> -> memref<10112x32xf32, #tpu.memory_space<vmem_shared>>
      tpu.enqueue_indirect_dma source(%arg13 : memref<128x32xf32, #tpu.memory_space<vmem>>) target(%dma_start3A_230 : memref<10112x32xf32, #tpu.memory_space<vmem_shared>>) offsets(%dma_start3A_227 : memref<128xi32, #tpu.memory_space<vmem>>) semaphore(%arg34 : memref<!tpu.dma_semaphore, #tpu.memory_space<semaphore_mem>>) {add = true}
      %ge3A_231 = arith.constant 5 : i32
      %ge3A_232 = arith.cmpi sge, %add3A_218, %ge3A_231 : i32
      %convert_element_type3A_233 = arith.extui %ge3A_232 : i1 to i32
      %cond3A_234 = arith.constant 0 : i32
      %cond3A_235 = arith.cmpi ne, %convert_element_type3A_233, %cond3A_234 : i32
      scf.if %cond3A_235 {
        %sub3A = arith.constant 5 : i32
        %sub3A_355 = arith.subi %add3A_218, %sub3A : i32
        %dma_wait3A_356 = arith.constant 0 : i32
        %dma_wait3A_357 = tpu.memref_slice %arg7[%sub3A_355, %dma_wait3A_356] : memref<80x128xi32, #tpu.memory_space<vmem>> -> memref<1x128xi32, #tpu.memory_space<vmem>>
        %dma_wait3A_358 = tpu.memref_squeeze %dma_wait3A_357 : memref<1x128xi32, #tpu.memory_space<vmem>> -> memref<128xi32, #tpu.memory_space<vmem>>
        %dma_wait3A_359 = arith.constant 0 : i32
        %dma_wait3A_360 = arith.constant 0 : i32
        %dma_wait3A_361 = tpu.memref_slice %arg18[%dma_wait3A_359, %dma_wait3A_360] : memref<10112x32xf32, #tpu.memory_space<vmem_shared>> -> memref<10112x32xf32, #tpu.memory_space<vmem_shared>>
        tpu.wait_indirect_dma semaphore(%arg29 : memref<!tpu.dma_semaphore, #tpu.memory_space<semaphore_mem>>) src(%arg8 : memref<128x32xf32, #tpu.memory_space<vmem>>) dst(%dma_wait3A_361 : memref<10112x32xf32, #tpu.memory_space<vmem_shared>>)
      } else {
      }
      %add3A_236 = arith.constant 5 : i32
      %add3A_237 = arith.addi %add3A_218, %add3A_236 : i32
      %lt3A_238 = arith.constant 80 : i32
      %lt3A_239 = arith.cmpi slt, %add3A_237, %lt3A_238 : i32
      %convert_element_type3A_240 = arith.extui %lt3A_239 : i1 to i32
      %cond3A_241 = arith.constant 0 : i32
      %cond3A_242 = arith.cmpi ne, %convert_element_type3A_240, %cond3A_241 : i32
      scf.if %cond3A_242 {
        %add3A_355 = arith.constant 5 : i32
        %add3A_356 = arith.addi %add3A_218, %add3A_355 : i32
        %dma_start3A_357 = arith.constant 0 : i32
        %dma_start3A_358 = tpu.memref_slice %arg6[%add3A_356, %dma_start3A_357] : memref<80x128xi32, #tpu.memory_space<vmem>> -> memref<1x128xi32, #tpu.memory_space<vmem>>
        %dma_start3A_359 = tpu.memref_squeeze %dma_start3A_358 : memref<1x128xi32, #tpu.memory_space<vmem>> -> memref<128xi32, #tpu.memory_space<vmem>>
        %dma_start3A_360 = arith.constant 0 : i32
        %dma_start3A_361 = arith.constant 0 : i32
        %dma_start3A_362 = tpu.memref_slice %arg2[%dma_start3A_360, %dma_start3A_361] : memref<10112x32xf32, #tpu.memory_space<hbm>> -> memref<10112x32xf32, #tpu.memory_space<hbm>>
        tpu.enqueue_indirect_dma source(%dma_start3A_362 : memref<10112x32xf32, #tpu.memory_space<hbm>>) target(%arg8 : memref<128x32xf32, #tpu.memory_space<vmem>>) offsets(%dma_start3A_359 : memref<128xi32, #tpu.memory_space<vmem>>) semaphore(%arg19 : memref<!tpu.dma_semaphore, #tpu.memory_space<semaphore_mem>>)
      } else {
      }
      %mul3A_243 = arith.constant 10 : i32
      %mul3A_244 = arith.muli %mul3A_243, %scan3A_78 : i32
      %add3A_245 = arith.constant 6 : i32
      %add3A_246 = arith.addi %mul3A_244, %add3A_245 : i32
      %dma_wait3A_247 = arith.constant 0 : i32
      %dma_wait3A_248 = tpu.memref_slice %arg6[%add3A_246, %dma_wait3A_247] : memref<80x128xi32, #tpu.memory_space<vmem>> -> memref<1x128xi32, #tpu.memory_space<vmem>>
      %dma_wait3A_249 = tpu.memref_squeeze %dma_wait3A_248 : memref<1x128xi32, #tpu.memory_space<vmem>> -> memref<128xi32, #tpu.memory_space<vmem>>
      %dma_wait3A_250 = arith.constant 0 : i32
      %dma_wait3A_251 = arith.constant 0 : i32
      %dma_wait3A_252 = tpu.memref_slice %arg2[%dma_wait3A_250, %dma_wait3A_251] : memref<10112x32xf32, #tpu.memory_space<hbm>> -> memref<10112x32xf32, #tpu.memory_space<hbm>>
      tpu.wait_indirect_dma semaphore(%arg25 : memref<!tpu.dma_semaphore, #tpu.memory_space<semaphore_mem>>) src(%dma_wait3A_252 : memref<10112x32xf32, #tpu.memory_space<hbm>>) dst(%arg14 : memref<128x32xf32, #tpu.memory_space<vmem>>)
      %dma_start3A_253 = arith.constant 0 : i32
      %dma_start3A_254 = tpu.memref_slice %arg7[%add3A_246, %dma_start3A_253] : memref<80x128xi32, #tpu.memory_space<vmem>> -> memref<1x128xi32, #tpu.memory_space<vmem>>
      %dma_start3A_255 = tpu.memref_squeeze %dma_start3A_254 : memref<1x128xi32, #tpu.memory_space<vmem>> -> memref<128xi32, #tpu.memory_space<vmem>>
      %dma_start3A_256 = arith.constant 0 : i32
      %dma_start3A_257 = arith.constant 0 : i32
      %dma_start3A_258 = tpu.memref_slice %arg18[%dma_start3A_256, %dma_start3A_257] : memref<10112x32xf32, #tpu.memory_space<vmem_shared>> -> memref<10112x32xf32, #tpu.memory_space<vmem_shared>>
      tpu.enqueue_indirect_dma source(%arg14 : memref<128x32xf32, #tpu.memory_space<vmem>>) target(%dma_start3A_258 : memref<10112x32xf32, #tpu.memory_space<vmem_shared>>) offsets(%dma_start3A_255 : memref<128xi32, #tpu.memory_space<vmem>>) semaphore(%arg35 : memref<!tpu.dma_semaphore, #tpu.memory_space<semaphore_mem>>) {add = true}
      %ge3A_259 = arith.constant 5 : i32
      %ge3A_260 = arith.cmpi sge, %add3A_246, %ge3A_259 : i32
      %convert_element_type3A_261 = arith.extui %ge3A_260 : i1 to i32
      %cond3A_262 = arith.constant 0 : i32
      %cond3A_263 = arith.cmpi ne, %convert_element_type3A_261, %cond3A_262 : i32
      scf.if %cond3A_263 {
        %sub3A = arith.constant 5 : i32
        %sub3A_355 = arith.subi %add3A_246, %sub3A : i32
        %dma_wait3A_356 = arith.constant 0 : i32
        %dma_wait3A_357 = tpu.memref_slice %arg7[%sub3A_355, %dma_wait3A_356] : memref<80x128xi32, #tpu.memory_space<vmem>> -> memref<1x128xi32, #tpu.memory_space<vmem>>
        %dma_wait3A_358 = tpu.memref_squeeze %dma_wait3A_357 : memref<1x128xi32, #tpu.memory_space<vmem>> -> memref<128xi32, #tpu.memory_space<vmem>>
        %dma_wait3A_359 = arith.constant 0 : i32
        %dma_wait3A_360 = arith.constant 0 : i32
        %dma_wait3A_361 = tpu.memref_slice %arg18[%dma_wait3A_359, %dma_wait3A_360] : memref<10112x32xf32, #tpu.memory_space<vmem_shared>> -> memref<10112x32xf32, #tpu.memory_space<vmem_shared>>
        tpu.wait_indirect_dma semaphore(%arg30 : memref<!tpu.dma_semaphore, #tpu.memory_space<semaphore_mem>>) src(%arg9 : memref<128x32xf32, #tpu.memory_space<vmem>>) dst(%dma_wait3A_361 : memref<10112x32xf32, #tpu.memory_space<vmem_shared>>)
      } else {
      }
      %add3A_264 = arith.constant 5 : i32
      %add3A_265 = arith.addi %add3A_246, %add3A_264 : i32
      %lt3A_266 = arith.constant 80 : i32
      %lt3A_267 = arith.cmpi slt, %add3A_265, %lt3A_266 : i32
      %convert_element_type3A_268 = arith.extui %lt3A_267 : i1 to i32
      %cond3A_269 = arith.constant 0 : i32
      %cond3A_270 = arith.cmpi ne, %convert_element_type3A_268, %cond3A_269 : i32
      scf.if %cond3A_270 {
        %add3A_355 = arith.constant 5 : i32
        %add3A_356 = arith.addi %add3A_246, %add3A_355 : i32
        %dma_start3A_357 = arith.constant 0 : i32
        %dma_start3A_358 = tpu.memref_slice %arg6[%add3A_356, %dma_start3A_357] : memref<80x128xi32, #tpu.memory_space<vmem>> -> memref<1x128xi32, #tpu.memory_space<vmem>>
        %dma_start3A_359 = tpu.memref_squeeze %dma_start3A_358 : memref<1x128xi32, #tpu.memory_space<vmem>> -> memref<128xi32, #tpu.memory_space<vmem>>
        %dma_start3A_360 = arith.constant 0 : i32
        %dma_start3A_361 = arith.constant 0 : i32
        %dma_start3A_362 = tpu.memref_slice %arg2[%dma_start3A_360, %dma_start3A_361] : memref<10112x32xf32, #tpu.memory_space<hbm>> -> memref<10112x32xf32, #tpu.memory_space<hbm>>
        tpu.enqueue_indirect_dma source(%dma_start3A_362 : memref<10112x32xf32, #tpu.memory_space<hbm>>) target(%arg9 : memref<128x32xf32, #tpu.memory_space<vmem>>) offsets(%dma_start3A_359 : memref<128xi32, #tpu.memory_space<vmem>>) semaphore(%arg20 : memref<!tpu.dma_semaphore, #tpu.memory_space<semaphore_mem>>)
      } else {
      }
      %mul3A_271 = arith.constant 10 : i32
      %mul3A_272 = arith.muli %mul3A_271, %scan3A_78 : i32
      %add3A_273 = arith.constant 7 : i32
      %add3A_274 = arith.addi %mul3A_272, %add3A_273 : i32
      %dma_wait3A_275 = arith.constant 0 : i32
      %dma_wait3A_276 = tpu.memref_slice %arg6[%add3A_274, %dma_wait3A_275] : memref<80x128xi32, #tpu.memory_space<vmem>> -> memref<1x128xi32, #tpu.memory_space<vmem>>
      %dma_wait3A_277 = tpu.memref_squeeze %dma_wait3A_276 : memref<1x128xi32, #tpu.memory_space<vmem>> -> memref<128xi32, #tpu.memory_space<vmem>>
      %dma_wait3A_278 = arith.constant 0 : i32
      %dma_wait3A_279 = arith.constant 0 : i32
      %dma_wait3A_280 = tpu.memref_slice %arg2[%dma_wait3A_278, %dma_wait3A_279] : memref<10112x32xf32, #tpu.memory_space<hbm>> -> memref<10112x32xf32, #tpu.memory_space<hbm>>
      tpu.wait_indirect_dma semaphore(%arg26 : memref<!tpu.dma_semaphore, #tpu.memory_space<semaphore_mem>>) src(%dma_wait3A_280 : memref<10112x32xf32, #tpu.memory_space<hbm>>) dst(%arg15 : memref<128x32xf32, #tpu.memory_space<vmem>>)
      %dma_start3A_281 = arith.constant 0 : i32
      %dma_start3A_282 = tpu.memref_slice %arg7[%add3A_274, %dma_start3A_281] : memref<80x128xi32, #tpu.memory_space<vmem>> -> memref<1x128xi32, #tpu.memory_space<vmem>>
      %dma_start3A_283 = tpu.memref_squeeze %dma_start3A_282 : memref<1x128xi32, #tpu.memory_space<vmem>> -> memref<128xi32, #tpu.memory_space<vmem>>
      %dma_start3A_284 = arith.constant 0 : i32
      %dma_start3A_285 = arith.constant 0 : i32
      %dma_start3A_286 = tpu.memref_slice %arg18[%dma_start3A_284, %dma_start3A_285] : memref<10112x32xf32, #tpu.memory_space<vmem_shared>> -> memref<10112x32xf32, #tpu.memory_space<vmem_shared>>
      tpu.enqueue_indirect_dma source(%arg15 : memref<128x32xf32, #tpu.memory_space<vmem>>) target(%dma_start3A_286 : memref<10112x32xf32, #tpu.memory_space<vmem_shared>>) offsets(%dma_start3A_283 : memref<128xi32, #tpu.memory_space<vmem>>) semaphore(%arg36 : memref<!tpu.dma_semaphore, #tpu.memory_space<semaphore_mem>>) {add = true}
      %ge3A_287 = arith.constant 5 : i32
      %ge3A_288 = arith.cmpi sge, %add3A_274, %ge3A_287 : i32
      %convert_element_type3A_289 = arith.extui %ge3A_288 : i1 to i32
      %cond3A_290 = arith.constant 0 : i32
      %cond3A_291 = arith.cmpi ne, %convert_element_type3A_289, %cond3A_290 : i32
      scf.if %cond3A_291 {
        %sub3A = arith.constant 5 : i32
        %sub3A_355 = arith.subi %add3A_274, %sub3A : i32
        %dma_wait3A_356 = arith.constant 0 : i32
        %dma_wait3A_357 = tpu.memref_slice %arg7[%sub3A_355, %dma_wait3A_356] : memref<80x128xi32, #tpu.memory_space<vmem>> -> memref<1x128xi32, #tpu.memory_space<vmem>>
        %dma_wait3A_358 = tpu.memref_squeeze %dma_wait3A_357 : memref<1x128xi32, #tpu.memory_space<vmem>> -> memref<128xi32, #tpu.memory_space<vmem>>
        %dma_wait3A_359 = arith.constant 0 : i32
        %dma_wait3A_360 = arith.constant 0 : i32
        %dma_wait3A_361 = tpu.memref_slice %arg18[%dma_wait3A_359, %dma_wait3A_360] : memref<10112x32xf32, #tpu.memory_space<vmem_shared>> -> memref<10112x32xf32, #tpu.memory_space<vmem_shared>>
        tpu.wait_indirect_dma semaphore(%arg31 : memref<!tpu.dma_semaphore, #tpu.memory_space<semaphore_mem>>) src(%arg10 : memref<128x32xf32, #tpu.memory_space<vmem>>) dst(%dma_wait3A_361 : memref<10112x32xf32, #tpu.memory_space<vmem_shared>>)
      } else {
      }
      %add3A_292 = arith.constant 5 : i32
      %add3A_293 = arith.addi %add3A_274, %add3A_292 : i32
      %lt3A_294 = arith.constant 80 : i32
      %lt3A_295 = arith.cmpi slt, %add3A_293, %lt3A_294 : i32
      %convert_element_type3A_296 = arith.extui %lt3A_295 : i1 to i32
      %cond3A_297 = arith.constant 0 : i32
      %cond3A_298 = arith.cmpi ne, %convert_element_type3A_296, %cond3A_297 : i32
      scf.if %cond3A_298 {
        %add3A_355 = arith.constant 5 : i32
        %add3A_356 = arith.addi %add3A_274, %add3A_355 : i32
        %dma_start3A_357 = arith.constant 0 : i32
        %dma_start3A_358 = tpu.memref_slice %arg6[%add3A_356, %dma_start3A_357] : memref<80x128xi32, #tpu.memory_space<vmem>> -> memref<1x128xi32, #tpu.memory_space<vmem>>
        %dma_start3A_359 = tpu.memref_squeeze %dma_start3A_358 : memref<1x128xi32, #tpu.memory_space<vmem>> -> memref<128xi32, #tpu.memory_space<vmem>>
        %dma_start3A_360 = arith.constant 0 : i32
        %dma_start3A_361 = arith.constant 0 : i32
        %dma_start3A_362 = tpu.memref_slice %arg2[%dma_start3A_360, %dma_start3A_361] : memref<10112x32xf32, #tpu.memory_space<hbm>> -> memref<10112x32xf32, #tpu.memory_space<hbm>>
        tpu.enqueue_indirect_dma source(%dma_start3A_362 : memref<10112x32xf32, #tpu.memory_space<hbm>>) target(%arg10 : memref<128x32xf32, #tpu.memory_space<vmem>>) offsets(%dma_start3A_359 : memref<128xi32, #tpu.memory_space<vmem>>) semaphore(%arg21 : memref<!tpu.dma_semaphore, #tpu.memory_space<semaphore_mem>>)
      } else {
      }
      %mul3A_299 = arith.constant 10 : i32
      %mul3A_300 = arith.muli %mul3A_299, %scan3A_78 : i32
      %add3A_301 = arith.constant 8 : i32
      %add3A_302 = arith.addi %mul3A_300, %add3A_301 : i32
      %dma_wait3A_303 = arith.constant 0 : i32
      %dma_wait3A_304 = tpu.memref_slice %arg6[%add3A_302, %dma_wait3A_303] : memref<80x128xi32, #tpu.memory_space<vmem>> -> memref<1x128xi32, #tpu.memory_space<vmem>>
      %dma_wait3A_305 = tpu.memref_squeeze %dma_wait3A_304 : memref<1x128xi32, #tpu.memory_space<vmem>> -> memref<128xi32, #tpu.memory_space<vmem>>
      %dma_wait3A_306 = arith.constant 0 : i32
      %dma_wait3A_307 = arith.constant 0 : i32
      %dma_wait3A_308 = tpu.memref_slice %arg2[%dma_wait3A_306, %dma_wait3A_307] : memref<10112x32xf32, #tpu.memory_space<hbm>> -> memref<10112x32xf32, #tpu.memory_space<hbm>>
      tpu.wait_indirect_dma semaphore(%arg27 : memref<!tpu.dma_semaphore, #tpu.memory_space<semaphore_mem>>) src(%dma_wait3A_308 : memref<10112x32xf32, #tpu.memory_space<hbm>>) dst(%arg16 : memref<128x32xf32, #tpu.memory_space<vmem>>)
      %dma_start3A_309 = arith.constant 0 : i32
      %dma_start3A_310 = tpu.memref_slice %arg7[%add3A_302, %dma_start3A_309] : memref<80x128xi32, #tpu.memory_space<vmem>> -> memref<1x128xi32, #tpu.memory_space<vmem>>
      %dma_start3A_311 = tpu.memref_squeeze %dma_start3A_310 : memref<1x128xi32, #tpu.memory_space<vmem>> -> memref<128xi32, #tpu.memory_space<vmem>>
      %dma_start3A_312 = arith.constant 0 : i32
      %dma_start3A_313 = arith.constant 0 : i32
      %dma_start3A_314 = tpu.memref_slice %arg18[%dma_start3A_312, %dma_start3A_313] : memref<10112x32xf32, #tpu.memory_space<vmem_shared>> -> memref<10112x32xf32, #tpu.memory_space<vmem_shared>>
      tpu.enqueue_indirect_dma source(%arg16 : memref<128x32xf32, #tpu.memory_space<vmem>>) target(%dma_start3A_314 : memref<10112x32xf32, #tpu.memory_space<vmem_shared>>) offsets(%dma_start3A_311 : memref<128xi32, #tpu.memory_space<vmem>>) semaphore(%arg37 : memref<!tpu.dma_semaphore, #tpu.memory_space<semaphore_mem>>) {add = true}
      %ge3A_315 = arith.constant 5 : i32
      %ge3A_316 = arith.cmpi sge, %add3A_302, %ge3A_315 : i32
      %convert_element_type3A_317 = arith.extui %ge3A_316 : i1 to i32
      %cond3A_318 = arith.constant 0 : i32
      %cond3A_319 = arith.cmpi ne, %convert_element_type3A_317, %cond3A_318 : i32
      scf.if %cond3A_319 {
        %sub3A = arith.constant 5 : i32
        %sub3A_355 = arith.subi %add3A_302, %sub3A : i32
        %dma_wait3A_356 = arith.constant 0 : i32
        %dma_wait3A_357 = tpu.memref_slice %arg7[%sub3A_355, %dma_wait3A_356] : memref<80x128xi32, #tpu.memory_space<vmem>> -> memref<1x128xi32, #tpu.memory_space<vmem>>
        %dma_wait3A_358 = tpu.memref_squeeze %dma_wait3A_357 : memref<1x128xi32, #tpu.memory_space<vmem>> -> memref<128xi32, #tpu.memory_space<vmem>>
        %dma_wait3A_359 = arith.constant 0 : i32
        %dma_wait3A_360 = arith.constant 0 : i32
        %dma_wait3A_361 = tpu.memref_slice %arg18[%dma_wait3A_359, %dma_wait3A_360] : memref<10112x32xf32, #tpu.memory_space<vmem_shared>> -> memref<10112x32xf32, #tpu.memory_space<vmem_shared>>
        tpu.wait_indirect_dma semaphore(%arg32 : memref<!tpu.dma_semaphore, #tpu.memory_space<semaphore_mem>>) src(%arg11 : memref<128x32xf32, #tpu.memory_space<vmem>>) dst(%dma_wait3A_361 : memref<10112x32xf32, #tpu.memory_space<vmem_shared>>)
      } else {
      }
      %add3A_320 = arith.constant 5 : i32
      %add3A_321 = arith.addi %add3A_302, %add3A_320 : i32
      %lt3A_322 = arith.constant 80 : i32
      %lt3A_323 = arith.cmpi slt, %add3A_321, %lt3A_322 : i32
      %convert_element_type3A_324 = arith.extui %lt3A_323 : i1 to i32
      %cond3A_325 = arith.constant 0 : i32
      %cond3A_326 = arith.cmpi ne, %convert_element_type3A_324, %cond3A_325 : i32
      scf.if %cond3A_326 {
        %add3A_355 = arith.constant 5 : i32
        %add3A_356 = arith.addi %add3A_302, %add3A_355 : i32
        %dma_start3A_357 = arith.constant 0 : i32
        %dma_start3A_358 = tpu.memref_slice %arg6[%add3A_356, %dma_start3A_357] : memref<80x128xi32, #tpu.memory_space<vmem>> -> memref<1x128xi32, #tpu.memory_space<vmem>>
        %dma_start3A_359 = tpu.memref_squeeze %dma_start3A_358 : memref<1x128xi32, #tpu.memory_space<vmem>> -> memref<128xi32, #tpu.memory_space<vmem>>
        %dma_start3A_360 = arith.constant 0 : i32
        %dma_start3A_361 = arith.constant 0 : i32
        %dma_start3A_362 = tpu.memref_slice %arg2[%dma_start3A_360, %dma_start3A_361] : memref<10112x32xf32, #tpu.memory_space<hbm>> -> memref<10112x32xf32, #tpu.memory_space<hbm>>
        tpu.enqueue_indirect_dma source(%dma_start3A_362 : memref<10112x32xf32, #tpu.memory_space<hbm>>) target(%arg11 : memref<128x32xf32, #tpu.memory_space<vmem>>) offsets(%dma_start3A_359 : memref<128xi32, #tpu.memory_space<vmem>>) semaphore(%arg22 : memref<!tpu.dma_semaphore, #tpu.memory_space<semaphore_mem>>)
      } else {
      }
      %mul3A_327 = arith.constant 10 : i32
      %mul3A_328 = arith.muli %mul3A_327, %scan3A_78 : i32
      %add3A_329 = arith.constant 9 : i32
      %add3A_330 = arith.addi %mul3A_328, %add3A_329 : i32
      %dma_wait3A_331 = arith.constant 0 : i32
      %dma_wait3A_332 = tpu.memref_slice %arg6[%add3A_330, %dma_wait3A_331] : memref<80x128xi32, #tpu.memory_space<vmem>> -> memref<1x128xi32, #tpu.memory_space<vmem>>
      %dma_wait3A_333 = tpu.memref_squeeze %dma_wait3A_332 : memref<1x128xi32, #tpu.memory_space<vmem>> -> memref<128xi32, #tpu.memory_space<vmem>>
      %dma_wait3A_334 = arith.constant 0 : i32
      %dma_wait3A_335 = arith.constant 0 : i32
      %dma_wait3A_336 = tpu.memref_slice %arg2[%dma_wait3A_334, %dma_wait3A_335] : memref<10112x32xf32, #tpu.memory_space<hbm>> -> memref<10112x32xf32, #tpu.memory_space<hbm>>
      tpu.wait_indirect_dma semaphore(%arg28 : memref<!tpu.dma_semaphore, #tpu.memory_space<semaphore_mem>>) src(%dma_wait3A_336 : memref<10112x32xf32, #tpu.memory_space<hbm>>) dst(%arg17 : memref<128x32xf32, #tpu.memory_space<vmem>>)
      %dma_start3A_337 = arith.constant 0 : i32
      %dma_start3A_338 = tpu.memref_slice %arg7[%add3A_330, %dma_start3A_337] : memref<80x128xi32, #tpu.memory_space<vmem>> -> memref<1x128xi32, #tpu.memory_space<vmem>>
      %dma_start3A_339 = tpu.memref_squeeze %dma_start3A_338 : memref<1x128xi32, #tpu.memory_space<vmem>> -> memref<128xi32, #tpu.memory_space<vmem>>
      %dma_start3A_340 = arith.constant 0 : i32
      %dma_start3A_341 = arith.constant 0 : i32
      %dma_start3A_342 = tpu.memref_slice %arg18[%dma_start3A_340, %dma_start3A_341] : memref<10112x32xf32, #tpu.memory_space<vmem_shared>> -> memref<10112x32xf32, #tpu.memory_space<vmem_shared>>
      tpu.enqueue_indirect_dma source(%arg17 : memref<128x32xf32, #tpu.memory_space<vmem>>) target(%dma_start3A_342 : memref<10112x32xf32, #tpu.memory_space<vmem_shared>>) offsets(%dma_start3A_339 : memref<128xi32, #tpu.memory_space<vmem>>) semaphore(%arg38 : memref<!tpu.dma_semaphore, #tpu.memory_space<semaphore_mem>>) {add = true}
      %ge3A_343 = arith.constant 5 : i32
      %ge3A_344 = arith.cmpi sge, %add3A_330, %ge3A_343 : i32
      %convert_element_type3A_345 = arith.extui %ge3A_344 : i1 to i32
      %cond3A_346 = arith.constant 0 : i32
      %cond3A_347 = arith.cmpi ne, %convert_element_type3A_345, %cond3A_346 : i32
      scf.if %cond3A_347 {
        %sub3A = arith.constant 5 : i32
        %sub3A_355 = arith.subi %add3A_330, %sub3A : i32
        %dma_wait3A_356 = arith.constant 0 : i32
        %dma_wait3A_357 = tpu.memref_slice %arg7[%sub3A_355, %dma_wait3A_356] : memref<80x128xi32, #tpu.memory_space<vmem>> -> memref<1x128xi32, #tpu.memory_space<vmem>>
        %dma_wait3A_358 = tpu.memref_squeeze %dma_wait3A_357 : memref<1x128xi32, #tpu.memory_space<vmem>> -> memref<128xi32, #tpu.memory_space<vmem>>
        %dma_wait3A_359 = arith.constant 0 : i32
        %dma_wait3A_360 = arith.constant 0 : i32
        %dma_wait3A_361 = tpu.memref_slice %arg18[%dma_wait3A_359, %dma_wait3A_360] : memref<10112x32xf32, #tpu.memory_space<vmem_shared>> -> memref<10112x32xf32, #tpu.memory_space<vmem_shared>>
        tpu.wait_indirect_dma semaphore(%arg33 : memref<!tpu.dma_semaphore, #tpu.memory_space<semaphore_mem>>) src(%arg12 : memref<128x32xf32, #tpu.memory_space<vmem>>) dst(%dma_wait3A_361 : memref<10112x32xf32, #tpu.memory_space<vmem_shared>>)
      } else {
      }
      %add3A_348 = arith.constant 5 : i32
      %add3A_349 = arith.addi %add3A_330, %add3A_348 : i32
      %lt3A_350 = arith.constant 80 : i32
      %lt3A_351 = arith.cmpi slt, %add3A_349, %lt3A_350 : i32
      %convert_element_type3A_352 = arith.extui %lt3A_351 : i1 to i32
      %cond3A_353 = arith.constant 0 : i32
      %cond3A_354 = arith.cmpi ne, %convert_element_type3A_352, %cond3A_353 : i32
      scf.if %cond3A_354 {
        %add3A_355 = arith.constant 5 : i32
        %add3A_356 = arith.addi %add3A_330, %add3A_355 : i32
        %dma_start3A_357 = arith.constant 0 : i32
        %dma_start3A_358 = tpu.memref_slice %arg6[%add3A_356, %dma_start3A_357] : memref<80x128xi32, #tpu.memory_space<vmem>> -> memref<1x128xi32, #tpu.memory_space<vmem>>
        %dma_start3A_359 = tpu.memref_squeeze %dma_start3A_358 : memref<1x128xi32, #tpu.memory_space<vmem>> -> memref<128xi32, #tpu.memory_space<vmem>>
        %dma_start3A_360 = arith.constant 0 : i32
        %dma_start3A_361 = arith.constant 0 : i32
        %dma_start3A_362 = tpu.memref_slice %arg2[%dma_start3A_360, %dma_start3A_361] : memref<10112x32xf32, #tpu.memory_space<hbm>> -> memref<10112x32xf32, #tpu.memory_space<hbm>>
        tpu.enqueue_indirect_dma source(%dma_start3A_362 : memref<10112x32xf32, #tpu.memory_space<hbm>>) target(%arg12 : memref<128x32xf32, #tpu.memory_space<vmem>>) offsets(%dma_start3A_359 : memref<128xi32, #tpu.memory_space<vmem>>) semaphore(%arg23 : memref<!tpu.dma_semaphore, #tpu.memory_space<semaphore_mem>>)
      } else {
      }
    }
    %scan3A_42 = arith.constant 8 : i32
    %dma_wait3A = arith.constant 75 : i32
    %dma_wait3A_43 = arith.constant 0 : i32
    %dma_wait3A_44 = tpu.memref_slice %arg7[%dma_wait3A, %dma_wait3A_43] : memref<80x128xi32, #tpu.memory_space<vmem>> -> memref<1x128xi32, #tpu.memory_space<vmem>>
    %dma_wait3A_45 = tpu.memref_squeeze %dma_wait3A_44 : memref<1x128xi32, #tpu.memory_space<vmem>> -> memref<128xi32, #tpu.memory_space<vmem>>
    %dma_wait3A_46 = arith.constant 0 : i32
    %dma_wait3A_47 = arith.constant 0 : i32
    %dma_wait3A_48 = tpu.memref_slice %arg18[%dma_wait3A_46, %dma_wait3A_47] : memref<10112x32xf32, #tpu.memory_space<vmem_shared>> -> memref<10112x32xf32, #tpu.memory_space<vmem_shared>>
    tpu.wait_indirect_dma semaphore(%arg34 : memref<!tpu.dma_semaphore, #tpu.memory_space<semaphore_mem>>) src(%arg13 : memref<128x32xf32, #tpu.memory_space<vmem>>) dst(%dma_wait3A_48 : memref<10112x32xf32, #tpu.memory_space<vmem_shared>>)
    %dma_wait3A_49 = arith.constant 76 : i32
    %dma_wait3A_50 = arith.constant 0 : i32
    %dma_wait3A_51 = tpu.memref_slice %arg7[%dma_wait3A_49, %dma_wait3A_50] : memref<80x128xi32, #tpu.memory_space<vmem>> -> memref<1x128xi32, #tpu.memory_space<vmem>>
    %dma_wait3A_52 = tpu.memref_squeeze %dma_wait3A_51 : memref<1x128xi32, #tpu.memory_space<vmem>> -> memref<128xi32, #tpu.memory_space<vmem>>
    %dma_wait3A_53 = arith.constant 0 : i32
    %dma_wait3A_54 = arith.constant 0 : i32
    %dma_wait3A_55 = tpu.memref_slice %arg18[%dma_wait3A_53, %dma_wait3A_54] : memref<10112x32xf32, #tpu.memory_space<vmem_shared>> -> memref<10112x32xf32, #tpu.memory_space<vmem_shared>>
    tpu.wait_indirect_dma semaphore(%arg35 : memref<!tpu.dma_semaphore, #tpu.memory_space<semaphore_mem>>) src(%arg14 : memref<128x32xf32, #tpu.memory_space<vmem>>) dst(%dma_wait3A_55 : memref<10112x32xf32, #tpu.memory_space<vmem_shared>>)
    %dma_wait3A_56 = arith.constant 77 : i32
    %dma_wait3A_57 = arith.constant 0 : i32
    %dma_wait3A_58 = tpu.memref_slice %arg7[%dma_wait3A_56, %dma_wait3A_57] : memref<80x128xi32, #tpu.memory_space<vmem>> -> memref<1x128xi32, #tpu.memory_space<vmem>>
    %dma_wait3A_59 = tpu.memref_squeeze %dma_wait3A_58 : memref<1x128xi32, #tpu.memory_space<vmem>> -> memref<128xi32, #tpu.memory_space<vmem>>
    %dma_wait3A_60 = arith.constant 0 : i32
    %dma_wait3A_61 = arith.constant 0 : i32
    %dma_wait3A_62 = tpu.memref_slice %arg18[%dma_wait3A_60, %dma_wait3A_61] : memref<10112x32xf32, #tpu.memory_space<vmem_shared>> -> memref<10112x32xf32, #tpu.memory_space<vmem_shared>>
    tpu.wait_indirect_dma semaphore(%arg36 : memref<!tpu.dma_semaphore, #tpu.memory_space<semaphore_mem>>) src(%arg15 : memref<128x32xf32, #tpu.memory_space<vmem>>) dst(%dma_wait3A_62 : memref<10112x32xf32, #tpu.memory_space<vmem_shared>>)
    %dma_wait3A_63 = arith.constant 78 : i32
    %dma_wait3A_64 = arith.constant 0 : i32
    %dma_wait3A_65 = tpu.memref_slice %arg7[%dma_wait3A_63, %dma_wait3A_64] : memref<80x128xi32, #tpu.memory_space<vmem>> -> memref<1x128xi32, #tpu.memory_space<vmem>>
    %dma_wait3A_66 = tpu.memref_squeeze %dma_wait3A_65 : memref<1x128xi32, #tpu.memory_space<vmem>> -> memref<128xi32, #tpu.memory_space<vmem>>
    %dma_wait3A_67 = arith.constant 0 : i32
    %dma_wait3A_68 = arith.constant 0 : i32
    %dma_wait3A_69 = tpu.memref_slice %arg18[%dma_wait3A_67, %dma_wait3A_68] : memref<10112x32xf32, #tpu.memory_space<vmem_shared>> -> memref<10112x32xf32, #tpu.memory_space<vmem_shared>>
    tpu.wait_indirect_dma semaphore(%arg37 : memref<!tpu.dma_semaphore, #tpu.memory_space<semaphore_mem>>) src(%arg16 : memref<128x32xf32, #tpu.memory_space<vmem>>) dst(%dma_wait3A_69 : memref<10112x32xf32, #tpu.memory_space<vmem_shared>>)
    %dma_wait3A_70 = arith.constant 79 : i32
    %dma_wait3A_71 = arith.constant 0 : i32
    %dma_wait3A_72 = tpu.memref_slice %arg7[%dma_wait3A_70, %dma_wait3A_71] : memref<80x128xi32, #tpu.memory_space<vmem>> -> memref<1x128xi32, #tpu.memory_space<vmem>>
    %dma_wait3A_73 = tpu.memref_squeeze %dma_wait3A_72 : memref<1x128xi32, #tpu.memory_space<vmem>> -> memref<128xi32, #tpu.memory_space<vmem>>
    %dma_wait3A_74 = arith.constant 0 : i32
    %dma_wait3A_75 = arith.constant 0 : i32
    %dma_wait3A_76 = tpu.memref_slice %arg18[%dma_wait3A_74, %dma_wait3A_75] : memref<10112x32xf32, #tpu.memory_space<vmem_shared>> -> memref<10112x32xf32, #tpu.memory_space<vmem_shared>>
    tpu.wait_indirect_dma semaphore(%arg38 : memref<!tpu.dma_semaphore, #tpu.memory_space<semaphore_mem>>) src(%arg17 : memref<128x32xf32, #tpu.memory_space<vmem>>) dst(%dma_wait3A_76 : memref<10112x32xf32, #tpu.memory_space<vmem_shared>>)
    %barrier3A_77 = arith.constant 0 : index
    tpu.barrier barrier_id(%barrier3A_77)
    "tpu.region"() ({
      %run_scoped3A_78 = tpu.sem_alloc : memref<!tpu.dma_semaphore, #tpu.memory_space<semaphore_mem>>
      %dma_start3A_79 = arith.constant 0 : i32
      %dma_start3A_80 = tpu.memref_slice %arg5[%arg0, %mul3A_2, %dma_start3A_79] : memref<2x10112x32xf32, #tpu.memory_space<hbm>> -> memref<1x632x32xf32, #tpu.memory_space<hbm>>
      %dma_start3A_81 = tpu.memref_squeeze %dma_start3A_80 : memref<1x632x32xf32, #tpu.memory_space<hbm>> -> memref<632x32xf32, #tpu.memory_space<hbm>>
      %dma_start3A_82 = arith.constant 0 : i32
      %dma_start3A_83 = tpu.memref_slice %arg18[%mul3A_2, %dma_start3A_82] : memref<10112x32xf32, #tpu.memory_space<vmem_shared>> -> memref<632x32xf32, #tpu.memory_space<vmem_shared>>
      tpu.enqueue_dma source(%dma_start3A_83 : memref<632x32xf32, #tpu.memory_space<vmem_shared>>) target(%dma_start3A_81 : memref<632x32xf32, #tpu.memory_space<hbm>>) target_semaphore(%run_scoped3A_78 : memref<!tpu.dma_semaphore, #tpu.memory_space<semaphore_mem>>)
      %dma_wait3A_84 = arith.constant 0 : i32
      %dma_wait3A_85 = tpu.memref_slice %arg5[%arg0, %mul3A_2, %dma_wait3A_84] : memref<2x10112x32xf32, #tpu.memory_space<hbm>> -> memref<1x632x32xf32, #tpu.memory_space<hbm>>
      %dma_wait3A_86 = tpu.memref_squeeze %dma_wait3A_85 : memref<1x632x32xf32, #tpu.memory_space<hbm>> -> memref<632x32xf32, #tpu.memory_space<hbm>>
      %dma_wait3A_87 = arith.constant 0 : i32
      %dma_wait3A_88 = tpu.memref_slice %arg18[%mul3A_2, %dma_wait3A_87] : memref<10112x32xf32, #tpu.memory_space<vmem_shared>> -> memref<632x32xf32, #tpu.memory_space<vmem_shared>>
      tpu.wait_dma2 semaphore(%run_scoped3A_78 : memref<!tpu.dma_semaphore, #tpu.memory_space<semaphore_mem>>) src(%dma_wait3A_88 : memref<632x32xf32, #tpu.memory_space<vmem_shared>>) dst(%dma_wait3A_86 : memref<632x32xf32, #tpu.memory_space<hbm>>)
      tpu.yield
    }) : () -> ()
    return
  }
}

#map = affine_map<(d0, d1) -> (0, 0)>
#map1 = affine_map<(d0, d1) -> (0, 0, 0, 0)>
#map2 = affine_map<(d0, d1) -> (0, 0, 0)>
module attributes {stable_mosaic.version = 14 : i64} {
  func.func @_sc_degree(%arg0: i32, %arg1: i32, %arg2: memref<128x32xbf16, #tpu.memory_space<hbm>>, %arg3: memref<2x32x80x128xi32, #tpu.memory_space<hbm>>, %arg4: memref<10112x32xbf16, #tpu.memory_space<hbm>>, %arg5: memref<2x10112x32xbf16, #tpu.memory_space<hbm>>, %arg6: memref<80x128xi32, #tpu.memory_space<vmem>>, %arg7: memref<80x128xi32, #tpu.memory_space<vmem>>, %arg8: memref<128x32xbf16, #tpu.memory_space<vmem>>, %arg9: memref<10112x32xbf16, #tpu.memory_space<vmem_shared>>, %arg10: memref<!tpu.dma_semaphore, #tpu.memory_space<semaphore_mem>>, %arg11: memref<!tpu.dma_semaphore, #tpu.memory_space<semaphore_mem>>) attributes {dimension_semantics = [#tpu.dimension_semantics<core_parallel>, #tpu.dimension_semantics<subcore_parallel>], iteration_bounds = array<i64: 2, 16>, scalar_prefetch = 0 : i64, scratch_operands = 6 : i64, tpu.core_type = #tpu.core_type<sc_vector_subcore>, window_params = [{transform_indices = #map}, {transform_indices = #map1}, {transform_indices = #map}, {transform_indices = #map2}]} {
    %mul3A = arith.constant 16 : i32
    %mul3A_0 = arith.muli %arg0, %mul3A : i32
    %add3A = arith.addi %mul3A_0, %arg1 : i32
    %mul3A_1 = arith.constant 632 : i32
    %mul3A_2 = arith.muli %arg1, %mul3A_1 : i32
    "tpu.region"() ({
      %run_scoped3A_15 = tpu.sem_alloc : memref<!tpu.dma_semaphore, #tpu.memory_space<semaphore_mem>>
      %dma_start3A = arith.constant 0 : i32
      %dma_start3A_16 = tpu.memref_slice %arg9[%mul3A_2, %dma_start3A] : memref<10112x32xbf16, #tpu.memory_space<vmem_shared>> -> memref<632x32xbf16, #tpu.memory_space<vmem_shared>>
      %dma_start3A_17 = arith.constant 0 : i32
      %dma_start3A_18 = tpu.memref_slice %arg4[%mul3A_2, %dma_start3A_17] : memref<10112x32xbf16, #tpu.memory_space<hbm>> -> memref<632x32xbf16, #tpu.memory_space<hbm>>
      tpu.enqueue_dma source(%dma_start3A_18 : memref<632x32xbf16, #tpu.memory_space<hbm>>) target(%dma_start3A_16 : memref<632x32xbf16, #tpu.memory_space<vmem_shared>>) target_semaphore(%run_scoped3A_15 : memref<!tpu.dma_semaphore, #tpu.memory_space<semaphore_mem>>)
      %dma_wait3A = arith.constant 0 : i32
      %dma_wait3A_19 = tpu.memref_slice %arg9[%mul3A_2, %dma_wait3A] : memref<10112x32xbf16, #tpu.memory_space<vmem_shared>> -> memref<632x32xbf16, #tpu.memory_space<vmem_shared>>
      %dma_wait3A_20 = arith.constant 0 : i32
      %dma_wait3A_21 = tpu.memref_slice %arg4[%mul3A_2, %dma_wait3A_20] : memref<10112x32xbf16, #tpu.memory_space<hbm>> -> memref<632x32xbf16, #tpu.memory_space<hbm>>
      tpu.wait_dma2 semaphore(%run_scoped3A_15 : memref<!tpu.dma_semaphore, #tpu.memory_space<semaphore_mem>>) src(%dma_wait3A_21 : memref<632x32xbf16, #tpu.memory_space<hbm>>) dst(%dma_wait3A_19 : memref<632x32xbf16, #tpu.memory_space<vmem_shared>>)
      tpu.yield
    }) : () -> ()
    %run_scoped3A = arith.constant 1 : i32
    "tpu.region"() ({
      %run_scoped3A_15 = tpu.sem_alloc : memref<!tpu.dma_semaphore, #tpu.memory_space<semaphore_mem>>
      %dma_start3A = arith.constant 0 : i32
      %dma_start3A_16 = arith.constant 0 : i32
      %dma_start3A_17 = tpu.memref_slice %arg3[%run_scoped3A, %add3A, %dma_start3A, %dma_start3A_16] : memref<2x32x80x128xi32, #tpu.memory_space<hbm>> -> memref<1x1x80x128xi32, #tpu.memory_space<hbm>>
      %dma_start3A_18 = tpu.memref_squeeze %dma_start3A_17 : memref<1x1x80x128xi32, #tpu.memory_space<hbm>> -> memref<80x128xi32, #tpu.memory_space<hbm>>
      %dma_start3A_19 = arith.constant 0 : i32
      %dma_start3A_20 = arith.constant 0 : i32
      %dma_start3A_21 = tpu.memref_slice %arg3[%run_scoped3A, %add3A, %dma_start3A_19, %dma_start3A_20] : memref<2x32x80x128xi32, #tpu.memory_space<hbm>> -> memref<1x1x80x128xi32, #tpu.memory_space<hbm>>
      %dma_start3A_22 = tpu.memref_squeeze %dma_start3A_21 : memref<1x1x80x128xi32, #tpu.memory_space<hbm>> -> memref<80x128xi32, #tpu.memory_space<hbm>>
      tpu.enqueue_dma source(%dma_start3A_22 : memref<80x128xi32, #tpu.memory_space<hbm>>) target(%arg7 : memref<80x128xi32, #tpu.memory_space<vmem>>) target_semaphore(%run_scoped3A_15 : memref<!tpu.dma_semaphore, #tpu.memory_space<semaphore_mem>>)
      %dma_wait3A = arith.constant 0 : i32
      %dma_wait3A_23 = arith.constant 0 : i32
      %dma_wait3A_24 = tpu.memref_slice %arg3[%run_scoped3A, %add3A, %dma_wait3A, %dma_wait3A_23] : memref<2x32x80x128xi32, #tpu.memory_space<hbm>> -> memref<1x1x80x128xi32, #tpu.memory_space<hbm>>
      %dma_wait3A_25 = tpu.memref_squeeze %dma_wait3A_24 : memref<1x1x80x128xi32, #tpu.memory_space<hbm>> -> memref<80x128xi32, #tpu.memory_space<hbm>>
      %dma_wait3A_26 = arith.constant 0 : i32
      %dma_wait3A_27 = arith.constant 0 : i32
      %dma_wait3A_28 = tpu.memref_slice %arg3[%run_scoped3A, %add3A, %dma_wait3A_26, %dma_wait3A_27] : memref<2x32x80x128xi32, #tpu.memory_space<hbm>> -> memref<1x1x80x128xi32, #tpu.memory_space<hbm>>
      %dma_wait3A_29 = tpu.memref_squeeze %dma_wait3A_28 : memref<1x1x80x128xi32, #tpu.memory_space<hbm>> -> memref<80x128xi32, #tpu.memory_space<hbm>>
      tpu.wait_dma2 semaphore(%run_scoped3A_15 : memref<!tpu.dma_semaphore, #tpu.memory_space<semaphore_mem>>) src(%dma_wait3A_29 : memref<80x128xi32, #tpu.memory_space<hbm>>) dst(%arg7 : memref<80x128xi32, #tpu.memory_space<vmem>>)
      tpu.yield
    }) : () -> ()
    "tpu.region"() ({
      %run_scoped3A_15 = tpu.sem_alloc : memref<!tpu.dma_semaphore, #tpu.memory_space<semaphore_mem>>
      tpu.enqueue_dma source(%arg2 : memref<128x32xbf16, #tpu.memory_space<hbm>>) target(%arg8 : memref<128x32xbf16, #tpu.memory_space<vmem>>) target_semaphore(%run_scoped3A_15 : memref<!tpu.dma_semaphore, #tpu.memory_space<semaphore_mem>>)
      tpu.wait_dma2 semaphore(%run_scoped3A_15 : memref<!tpu.dma_semaphore, #tpu.memory_space<semaphore_mem>>) src(%arg2 : memref<128x32xbf16, #tpu.memory_space<hbm>>) dst(%arg8 : memref<128x32xbf16, #tpu.memory_space<vmem>>)
      tpu.yield
    }) : () -> ()
    %barrier3A = arith.constant 0 : index
    tpu.barrier barrier_id(%barrier3A)
    %scan3A = arith.constant 0 : i32
    %scan3A_3 = arith.constant 0 : i32
    %scan3A_4 = arith.constant 80 : i32
    %scan3A_5 = arith.addi %scan3A_3, %scan3A_4 : i32
    %scan3A_6 = arith.constant 1 : i32
    scf.for %scan3A_15 = %scan3A_3 to %scan3A_5 step %scan3A_6  : i32 {
      %dma_start3A = arith.constant 0 : i32
      %dma_start3A_16 = tpu.memref_slice %arg7[%scan3A_15, %dma_start3A] : memref<80x128xi32, #tpu.memory_space<vmem>> -> memref<1x128xi32, #tpu.memory_space<vmem>>
      %dma_start3A_17 = tpu.memref_squeeze %dma_start3A_16 : memref<1x128xi32, #tpu.memory_space<vmem>> -> memref<128xi32, #tpu.memory_space<vmem>>
      %dma_start3A_18 = arith.constant 0 : i32
      %dma_start3A_19 = arith.constant 0 : i32
      %dma_start3A_20 = tpu.memref_slice %arg9[%dma_start3A_18, %dma_start3A_19] : memref<10112x32xbf16, #tpu.memory_space<vmem_shared>> -> memref<10112x32xbf16, #tpu.memory_space<vmem_shared>>
      tpu.enqueue_indirect_dma source(%arg8 : memref<128x32xbf16, #tpu.memory_space<vmem>>) target(%dma_start3A_20 : memref<10112x32xbf16, #tpu.memory_space<vmem_shared>>) offsets(%dma_start3A_17 : memref<128xi32, #tpu.memory_space<vmem>>) semaphore(%arg10 : memref<!tpu.dma_semaphore, #tpu.memory_space<semaphore_mem>>) {add = true}
    }
    %scan3A_7 = arith.constant 80 : i32
    %scan3A_8 = arith.constant 0 : i32
    %scan3A_9 = arith.constant 0 : i32
    %scan3A_10 = arith.constant 80 : i32
    %scan3A_11 = arith.addi %scan3A_9, %scan3A_10 : i32
    %scan3A_12 = arith.constant 1 : i32
    scf.for %scan3A_15 = %scan3A_9 to %scan3A_11 step %scan3A_12  : i32 {
      %dma_wait3A = arith.constant 0 : i32
      %dma_wait3A_16 = tpu.memref_slice %arg7[%scan3A_15, %dma_wait3A] : memref<80x128xi32, #tpu.memory_space<vmem>> -> memref<1x128xi32, #tpu.memory_space<vmem>>
      %dma_wait3A_17 = tpu.memref_squeeze %dma_wait3A_16 : memref<1x128xi32, #tpu.memory_space<vmem>> -> memref<128xi32, #tpu.memory_space<vmem>>
      %dma_wait3A_18 = arith.constant 0 : i32
      %dma_wait3A_19 = arith.constant 0 : i32
      %dma_wait3A_20 = tpu.memref_slice %arg9[%dma_wait3A_18, %dma_wait3A_19] : memref<10112x32xbf16, #tpu.memory_space<vmem_shared>> -> memref<10112x32xbf16, #tpu.memory_space<vmem_shared>>
      tpu.wait_indirect_dma semaphore(%arg10 : memref<!tpu.dma_semaphore, #tpu.memory_space<semaphore_mem>>) src(%arg8 : memref<128x32xbf16, #tpu.memory_space<vmem>>) dst(%dma_wait3A_20 : memref<10112x32xbf16, #tpu.memory_space<vmem_shared>>)
    }
    %scan3A_13 = arith.constant 80 : i32
    %barrier3A_14 = arith.constant 0 : index
    tpu.barrier barrier_id(%barrier3A_14)
    "tpu.region"() ({
      %run_scoped3A_15 = tpu.sem_alloc : memref<!tpu.dma_semaphore, #tpu.memory_space<semaphore_mem>>
      %dma_start3A = arith.constant 0 : i32
      %dma_start3A_16 = tpu.memref_slice %arg5[%arg0, %mul3A_2, %dma_start3A] : memref<2x10112x32xbf16, #tpu.memory_space<hbm>> -> memref<1x632x32xbf16, #tpu.memory_space<hbm>>
      %dma_start3A_17 = tpu.memref_squeeze %dma_start3A_16 : memref<1x632x32xbf16, #tpu.memory_space<hbm>> -> memref<632x32xbf16, #tpu.memory_space<hbm>>
      %dma_start3A_18 = arith.constant 0 : i32
      %dma_start3A_19 = tpu.memref_slice %arg9[%mul3A_2, %dma_start3A_18] : memref<10112x32xbf16, #tpu.memory_space<vmem_shared>> -> memref<632x32xbf16, #tpu.memory_space<vmem_shared>>
      tpu.enqueue_dma source(%dma_start3A_19 : memref<632x32xbf16, #tpu.memory_space<vmem_shared>>) target(%dma_start3A_17 : memref<632x32xbf16, #tpu.memory_space<hbm>>) target_semaphore(%run_scoped3A_15 : memref<!tpu.dma_semaphore, #tpu.memory_space<semaphore_mem>>)
      %dma_wait3A = arith.constant 0 : i32
      %dma_wait3A_20 = tpu.memref_slice %arg5[%arg0, %mul3A_2, %dma_wait3A] : memref<2x10112x32xbf16, #tpu.memory_space<hbm>> -> memref<1x632x32xbf16, #tpu.memory_space<hbm>>
      %dma_wait3A_21 = tpu.memref_squeeze %dma_wait3A_20 : memref<1x632x32xbf16, #tpu.memory_space<hbm>> -> memref<632x32xbf16, #tpu.memory_space<hbm>>
      %dma_wait3A_22 = arith.constant 0 : i32
      %dma_wait3A_23 = tpu.memref_slice %arg9[%mul3A_2, %dma_wait3A_22] : memref<10112x32xbf16, #tpu.memory_space<vmem_shared>> -> memref<632x32xbf16, #tpu.memory_space<vmem_shared>>
      tpu.wait_dma2 semaphore(%run_scoped3A_15 : memref<!tpu.dma_semaphore, #tpu.memory_space<semaphore_mem>>) src(%dma_wait3A_23 : memref<632x32xbf16, #tpu.memory_space<vmem_shared>>) dst(%dma_wait3A_21 : memref<632x32xbf16, #tpu.memory_space<hbm>>)
      tpu.yield
    }) : () -> ()
    return
  }
}

#map = affine_map<(d0, d1) -> (0, 0)>
#map1 = affine_map<(d0, d1) -> (0, 0, 0, 0)>
#map2 = affine_map<(d0, d1) -> (0, 0, 0)>
module attributes {stable_mosaic.version = 14 : i64} {
  func.func @_sc_prop(%arg0: i32, %arg1: i32, %arg2: memref<10112x32xf32, #tpu.memory_space<hbm>>, %arg3: memref<2x32x80x128xi32, #tpu.memory_space<hbm>>, %arg4: memref<10112x32xf32, #tpu.memory_space<hbm>>, %arg5: memref<2x10112x32xf32, #tpu.memory_space<hbm>>, %arg6: memref<80x128xi32, #tpu.memory_space<vmem>>, %arg7: memref<80x128xi32, #tpu.memory_space<vmem>>, %arg8: memref<128x32xf32, #tpu.memory_space<vmem>>, %arg9: memref<128x32xf32, #tpu.memory_space<vmem>>, %arg10: memref<128x32xf32, #tpu.memory_space<vmem>>, %arg11: memref<128x32xf32, #tpu.memory_space<vmem>>, %arg12: memref<128x32xf32, #tpu.memory_space<vmem>>, %arg13: memref<128x32xf32, #tpu.memory_space<vmem>>, %arg14: memref<128x32xf32, #tpu.memory_space<vmem>>, %arg15: memref<128x32xf32, #tpu.memory_space<vmem>>, %arg16: memref<128x32xf32, #tpu.memory_space<vmem>>, %arg17: memref<128x32xf32, #tpu.memory_space<vmem>>, %arg18: memref<10112x32xf32, #tpu.memory_space<vmem_shared>>, %arg19: memref<!tpu.dma_semaphore, #tpu.memory_space<semaphore_mem>>, %arg20: memref<!tpu.dma_semaphore, #tpu.memory_space<semaphore_mem>>, %arg21: memref<!tpu.dma_semaphore, #tpu.memory_space<semaphore_mem>>, %arg22: memref<!tpu.dma_semaphore, #tpu.memory_space<semaphore_mem>>, %arg23: memref<!tpu.dma_semaphore, #tpu.memory_space<semaphore_mem>>, %arg24: memref<!tpu.dma_semaphore, #tpu.memory_space<semaphore_mem>>, %arg25: memref<!tpu.dma_semaphore, #tpu.memory_space<semaphore_mem>>, %arg26: memref<!tpu.dma_semaphore, #tpu.memory_space<semaphore_mem>>, %arg27: memref<!tpu.dma_semaphore, #tpu.memory_space<semaphore_mem>>, %arg28: memref<!tpu.dma_semaphore, #tpu.memory_space<semaphore_mem>>, %arg29: memref<!tpu.dma_semaphore, #tpu.memory_space<semaphore_mem>>, %arg30: memref<!tpu.dma_semaphore, #tpu.memory_space<semaphore_mem>>, %arg31: memref<!tpu.dma_semaphore, #tpu.memory_space<semaphore_mem>>, %arg32: memref<!tpu.dma_semaphore, #tpu.memory_space<semaphore_mem>>, %arg33: memref<!tpu.dma_semaphore, #tpu.memory_space<semaphore_mem>>, %arg34: memref<!tpu.dma_semaphore, #tpu.memory_space<semaphore_mem>>, %arg35: memref<!tpu.dma_semaphore, #tpu.memory_space<semaphore_mem>>, %arg36: memref<!tpu.dma_semaphore, #tpu.memory_space<semaphore_mem>>, %arg37: memref<!tpu.dma_semaphore, #tpu.memory_space<semaphore_mem>>, %arg38: memref<!tpu.dma_semaphore, #tpu.memory_space<semaphore_mem>>) attributes {dimension_semantics = [#tpu.dimension_semantics<core_parallel>, #tpu.dimension_semantics<subcore_parallel>], iteration_bounds = array<i64: 2, 16>, scalar_prefetch = 0 : i64, scratch_operands = 33 : i64, tpu.core_type = #tpu.core_type<sc_vector_subcore>, window_params = [{transform_indices = #map}, {transform_indices = #map1}, {transform_indices = #map}, {transform_indices = #map2}]} {
    %mul3A = arith.constant 16 : i32
    %mul3A_0 = arith.muli %arg0, %mul3A : i32
    %add3A = arith.addi %mul3A_0, %arg1 : i32
    %mul3A_1 = arith.constant 632 : i32
    %mul3A_2 = arith.muli %arg1, %mul3A_1 : i32
    "tpu.region"() ({
      %run_scoped3A_78 = tpu.sem_alloc : memref<!tpu.dma_semaphore, #tpu.memory_space<semaphore_mem>>
      %dma_start3A_79 = arith.constant 0 : i32
      %dma_start3A_80 = tpu.memref_slice %arg18[%mul3A_2, %dma_start3A_79] : memref<10112x32xf32, #tpu.memory_space<vmem_shared>> -> memref<632x32xf32, #tpu.memory_space<vmem_shared>>
      %dma_start3A_81 = arith.constant 0 : i32
      %dma_start3A_82 = tpu.memref_slice %arg4[%mul3A_2, %dma_start3A_81] : memref<10112x32xf32, #tpu.memory_space<hbm>> -> memref<632x32xf32, #tpu.memory_space<hbm>>
      tpu.enqueue_dma source(%dma_start3A_82 : memref<632x32xf32, #tpu.memory_space<hbm>>) target(%dma_start3A_80 : memref<632x32xf32, #tpu.memory_space<vmem_shared>>) target_semaphore(%run_scoped3A_78 : memref<!tpu.dma_semaphore, #tpu.memory_space<semaphore_mem>>)
      %dma_wait3A_83 = arith.constant 0 : i32
      %dma_wait3A_84 = tpu.memref_slice %arg18[%mul3A_2, %dma_wait3A_83] : memref<10112x32xf32, #tpu.memory_space<vmem_shared>> -> memref<632x32xf32, #tpu.memory_space<vmem_shared>>
      %dma_wait3A_85 = arith.constant 0 : i32
      %dma_wait3A_86 = tpu.memref_slice %arg4[%mul3A_2, %dma_wait3A_85] : memref<10112x32xf32, #tpu.memory_space<hbm>> -> memref<632x32xf32, #tpu.memory_space<hbm>>
      tpu.wait_dma2 semaphore(%run_scoped3A_78 : memref<!tpu.dma_semaphore, #tpu.memory_space<semaphore_mem>>) src(%dma_wait3A_86 : memref<632x32xf32, #tpu.memory_space<hbm>>) dst(%dma_wait3A_84 : memref<632x32xf32, #tpu.memory_space<vmem_shared>>)
      tpu.yield
    }) : () -> ()
    %run_scoped3A = arith.constant 0 : i32
    "tpu.region"() ({
      %run_scoped3A_78 = tpu.sem_alloc : memref<!tpu.dma_semaphore, #tpu.memory_space<semaphore_mem>>
      %dma_start3A_79 = arith.constant 0 : i32
      %dma_start3A_80 = arith.constant 0 : i32
      %dma_start3A_81 = tpu.memref_slice %arg3[%run_scoped3A, %add3A, %dma_start3A_79, %dma_start3A_80] : memref<2x32x80x128xi32, #tpu.memory_space<hbm>> -> memref<1x1x80x128xi32, #tpu.memory_space<hbm>>
      %dma_start3A_82 = tpu.memref_squeeze %dma_start3A_81 : memref<1x1x80x128xi32, #tpu.memory_space<hbm>> -> memref<80x128xi32, #tpu.memory_space<hbm>>
      %dma_start3A_83 = arith.constant 0 : i32
      %dma_start3A_84 = arith.constant 0 : i32
      %dma_start3A_85 = tpu.memref_slice %arg3[%run_scoped3A, %add3A, %dma_start3A_83, %dma_start3A_84] : memref<2x32x80x128xi32, #tpu.memory_space<hbm>> -> memref<1x1x80x128xi32, #tpu.memory_space<hbm>>
      %dma_start3A_86 = tpu.memref_squeeze %dma_start3A_85 : memref<1x1x80x128xi32, #tpu.memory_space<hbm>> -> memref<80x128xi32, #tpu.memory_space<hbm>>
      tpu.enqueue_dma source(%dma_start3A_86 : memref<80x128xi32, #tpu.memory_space<hbm>>) target(%arg6 : memref<80x128xi32, #tpu.memory_space<vmem>>) target_semaphore(%run_scoped3A_78 : memref<!tpu.dma_semaphore, #tpu.memory_space<semaphore_mem>>)
      %dma_wait3A_87 = arith.constant 0 : i32
      %dma_wait3A_88 = arith.constant 0 : i32
      %dma_wait3A_89 = tpu.memref_slice %arg3[%run_scoped3A, %add3A, %dma_wait3A_87, %dma_wait3A_88] : memref<2x32x80x128xi32, #tpu.memory_space<hbm>> -> memref<1x1x80x128xi32, #tpu.memory_space<hbm>>
      %dma_wait3A_90 = tpu.memref_squeeze %dma_wait3A_89 : memref<1x1x80x128xi32, #tpu.memory_space<hbm>> -> memref<80x128xi32, #tpu.memory_space<hbm>>
      %dma_wait3A_91 = arith.constant 0 : i32
      %dma_wait3A_92 = arith.constant 0 : i32
      %dma_wait3A_93 = tpu.memref_slice %arg3[%run_scoped3A, %add3A, %dma_wait3A_91, %dma_wait3A_92] : memref<2x32x80x128xi32, #tpu.memory_space<hbm>> -> memref<1x1x80x128xi32, #tpu.memory_space<hbm>>
      %dma_wait3A_94 = tpu.memref_squeeze %dma_wait3A_93 : memref<1x1x80x128xi32, #tpu.memory_space<hbm>> -> memref<80x128xi32, #tpu.memory_space<hbm>>
      tpu.wait_dma2 semaphore(%run_scoped3A_78 : memref<!tpu.dma_semaphore, #tpu.memory_space<semaphore_mem>>) src(%dma_wait3A_94 : memref<80x128xi32, #tpu.memory_space<hbm>>) dst(%arg6 : memref<80x128xi32, #tpu.memory_space<vmem>>)
      tpu.yield
    }) : () -> ()
    %run_scoped3A_3 = arith.constant 1 : i32
    "tpu.region"() ({
      %run_scoped3A_78 = tpu.sem_alloc : memref<!tpu.dma_semaphore, #tpu.memory_space<semaphore_mem>>
      %dma_start3A_79 = arith.constant 0 : i32
      %dma_start3A_80 = arith.constant 0 : i32
      %dma_start3A_81 = tpu.memref_slice %arg3[%run_scoped3A_3, %add3A, %dma_start3A_79, %dma_start3A_80] : memref<2x32x80x128xi32, #tpu.memory_space<hbm>> -> memref<1x1x80x128xi32, #tpu.memory_space<hbm>>
      %dma_start3A_82 = tpu.memref_squeeze %dma_start3A_81 : memref<1x1x80x128xi32, #tpu.memory_space<hbm>> -> memref<80x128xi32, #tpu.memory_space<hbm>>
      %dma_start3A_83 = arith.constant 0 : i32
      %dma_start3A_84 = arith.constant 0 : i32
      %dma_start3A_85 = tpu.memref_slice %arg3[%run_scoped3A_3, %add3A, %dma_start3A_83, %dma_start3A_84] : memref<2x32x80x128xi32, #tpu.memory_space<hbm>> -> memref<1x1x80x128xi32, #tpu.memory_space<hbm>>
      %dma_start3A_86 = tpu.memref_squeeze %dma_start3A_85 : memref<1x1x80x128xi32, #tpu.memory_space<hbm>> -> memref<80x128xi32, #tpu.memory_space<hbm>>
      tpu.enqueue_dma source(%dma_start3A_86 : memref<80x128xi32, #tpu.memory_space<hbm>>) target(%arg7 : memref<80x128xi32, #tpu.memory_space<vmem>>) target_semaphore(%run_scoped3A_78 : memref<!tpu.dma_semaphore, #tpu.memory_space<semaphore_mem>>)
      %dma_wait3A_87 = arith.constant 0 : i32
      %dma_wait3A_88 = arith.constant 0 : i32
      %dma_wait3A_89 = tpu.memref_slice %arg3[%run_scoped3A_3, %add3A, %dma_wait3A_87, %dma_wait3A_88] : memref<2x32x80x128xi32, #tpu.memory_space<hbm>> -> memref<1x1x80x128xi32, #tpu.memory_space<hbm>>
      %dma_wait3A_90 = tpu.memref_squeeze %dma_wait3A_89 : memref<1x1x80x128xi32, #tpu.memory_space<hbm>> -> memref<80x128xi32, #tpu.memory_space<hbm>>
      %dma_wait3A_91 = arith.constant 0 : i32
      %dma_wait3A_92 = arith.constant 0 : i32
      %dma_wait3A_93 = tpu.memref_slice %arg3[%run_scoped3A_3, %add3A, %dma_wait3A_91, %dma_wait3A_92] : memref<2x32x80x128xi32, #tpu.memory_space<hbm>> -> memref<1x1x80x128xi32, #tpu.memory_space<hbm>>
      %dma_wait3A_94 = tpu.memref_squeeze %dma_wait3A_93 : memref<1x1x80x128xi32, #tpu.memory_space<hbm>> -> memref<80x128xi32, #tpu.memory_space<hbm>>
      tpu.wait_dma2 semaphore(%run_scoped3A_78 : memref<!tpu.dma_semaphore, #tpu.memory_space<semaphore_mem>>) src(%dma_wait3A_94 : memref<80x128xi32, #tpu.memory_space<hbm>>) dst(%arg7 : memref<80x128xi32, #tpu.memory_space<vmem>>)
      tpu.yield
    }) : () -> ()
    %barrier3A = arith.constant 0 : index
    tpu.barrier barrier_id(%barrier3A)
    %dma_start3A = arith.constant 0 : i32
    %dma_start3A_4 = arith.constant 0 : i32
    %dma_start3A_5 = tpu.memref_slice %arg6[%dma_start3A, %dma_start3A_4] : memref<80x128xi32, #tpu.memory_space<vmem>> -> memref<1x128xi32, #tpu.memory_space<vmem>>
    %dma_start3A_6 = tpu.memref_squeeze %dma_start3A_5 : memref<1x128xi32, #tpu.memory_space<vmem>> -> memref<128xi32, #tpu.memory_space<vmem>>
    %dma_start3A_7 = arith.constant 0 : i32
    %dma_start3A_8 = arith.constant 0 : i32
    %dma_start3A_9 = tpu.memref_slice %arg2[%dma_start3A_7, %dma_start3A_8] : memref<10112x32xf32, #tpu.memory_space<hbm>> -> memref<10112x32xf32, #tpu.memory_space<hbm>>
    tpu.enqueue_indirect_dma source(%dma_start3A_9 : memref<10112x32xf32, #tpu.memory_space<hbm>>) target(%arg8 : memref<128x32xf32, #tpu.memory_space<vmem>>) offsets(%dma_start3A_6 : memref<128xi32, #tpu.memory_space<vmem>>) semaphore(%arg19 : memref<!tpu.dma_semaphore, #tpu.memory_space<semaphore_mem>>)
    %dma_start3A_10 = arith.constant 1 : i32
    %dma_start3A_11 = arith.constant 0 : i32
    %dma_start3A_12 = tpu.memref_slice %arg6[%dma_start3A_10, %dma_start3A_11] : memref<80x128xi32, #tpu.memory_space<vmem>> -> memref<1x128xi32, #tpu.memory_space<vmem>>
    %dma_start3A_13 = tpu.memref_squeeze %dma_start3A_12 : memref<1x128xi32, #tpu.memory_space<vmem>> -> memref<128xi32, #tpu.memory_space<vmem>>
    %dma_start3A_14 = arith.constant 0 : i32
    %dma_start3A_15 = arith.constant 0 : i32
    %dma_start3A_16 = tpu.memref_slice %arg2[%dma_start3A_14, %dma_start3A_15] : memref<10112x32xf32, #tpu.memory_space<hbm>> -> memref<10112x32xf32, #tpu.memory_space<hbm>>
    tpu.enqueue_indirect_dma source(%dma_start3A_16 : memref<10112x32xf32, #tpu.memory_space<hbm>>) target(%arg9 : memref<128x32xf32, #tpu.memory_space<vmem>>) offsets(%dma_start3A_13 : memref<128xi32, #tpu.memory_space<vmem>>) semaphore(%arg20 : memref<!tpu.dma_semaphore, #tpu.memory_space<semaphore_mem>>)
    %dma_start3A_17 = arith.constant 2 : i32
    %dma_start3A_18 = arith.constant 0 : i32
    %dma_start3A_19 = tpu.memref_slice %arg6[%dma_start3A_17, %dma_start3A_18] : memref<80x128xi32, #tpu.memory_space<vmem>> -> memref<1x128xi32, #tpu.memory_space<vmem>>
    %dma_start3A_20 = tpu.memref_squeeze %dma_start3A_19 : memref<1x128xi32, #tpu.memory_space<vmem>> -> memref<128xi32, #tpu.memory_space<vmem>>
    %dma_start3A_21 = arith.constant 0 : i32
    %dma_start3A_22 = arith.constant 0 : i32
    %dma_start3A_23 = tpu.memref_slice %arg2[%dma_start3A_21, %dma_start3A_22] : memref<10112x32xf32, #tpu.memory_space<hbm>> -> memref<10112x32xf32, #tpu.memory_space<hbm>>
    tpu.enqueue_indirect_dma source(%dma_start3A_23 : memref<10112x32xf32, #tpu.memory_space<hbm>>) target(%arg10 : memref<128x32xf32, #tpu.memory_space<vmem>>) offsets(%dma_start3A_20 : memref<128xi32, #tpu.memory_space<vmem>>) semaphore(%arg21 : memref<!tpu.dma_semaphore, #tpu.memory_space<semaphore_mem>>)
    %dma_start3A_24 = arith.constant 3 : i32
    %dma_start3A_25 = arith.constant 0 : i32
    %dma_start3A_26 = tpu.memref_slice %arg6[%dma_start3A_24, %dma_start3A_25] : memref<80x128xi32, #tpu.memory_space<vmem>> -> memref<1x128xi32, #tpu.memory_space<vmem>>
    %dma_start3A_27 = tpu.memref_squeeze %dma_start3A_26 : memref<1x128xi32, #tpu.memory_space<vmem>> -> memref<128xi32, #tpu.memory_space<vmem>>
    %dma_start3A_28 = arith.constant 0 : i32
    %dma_start3A_29 = arith.constant 0 : i32
    %dma_start3A_30 = tpu.memref_slice %arg2[%dma_start3A_28, %dma_start3A_29] : memref<10112x32xf32, #tpu.memory_space<hbm>> -> memref<10112x32xf32, #tpu.memory_space<hbm>>
    tpu.enqueue_indirect_dma source(%dma_start3A_30 : memref<10112x32xf32, #tpu.memory_space<hbm>>) target(%arg11 : memref<128x32xf32, #tpu.memory_space<vmem>>) offsets(%dma_start3A_27 : memref<128xi32, #tpu.memory_space<vmem>>) semaphore(%arg22 : memref<!tpu.dma_semaphore, #tpu.memory_space<semaphore_mem>>)
    %dma_start3A_31 = arith.constant 4 : i32
    %dma_start3A_32 = arith.constant 0 : i32
    %dma_start3A_33 = tpu.memref_slice %arg6[%dma_start3A_31, %dma_start3A_32] : memref<80x128xi32, #tpu.memory_space<vmem>> -> memref<1x128xi32, #tpu.memory_space<vmem>>
    %dma_start3A_34 = tpu.memref_squeeze %dma_start3A_33 : memref<1x128xi32, #tpu.memory_space<vmem>> -> memref<128xi32, #tpu.memory_space<vmem>>
    %dma_start3A_35 = arith.constant 0 : i32
    %dma_start3A_36 = arith.constant 0 : i32
    %dma_start3A_37 = tpu.memref_slice %arg2[%dma_start3A_35, %dma_start3A_36] : memref<10112x32xf32, #tpu.memory_space<hbm>> -> memref<10112x32xf32, #tpu.memory_space<hbm>>
    tpu.enqueue_indirect_dma source(%dma_start3A_37 : memref<10112x32xf32, #tpu.memory_space<hbm>>) target(%arg12 : memref<128x32xf32, #tpu.memory_space<vmem>>) offsets(%dma_start3A_34 : memref<128xi32, #tpu.memory_space<vmem>>) semaphore(%arg23 : memref<!tpu.dma_semaphore, #tpu.memory_space<semaphore_mem>>)
    %scan3A = arith.constant 0 : i32
    %scan3A_38 = arith.constant 0 : i32
    %scan3A_39 = arith.constant 8 : i32
    %scan3A_40 = arith.addi %scan3A_38, %scan3A_39 : i32
    %scan3A_41 = arith.constant 1 : i32
    scf.for %scan3A_78 = %scan3A_38 to %scan3A_40 step %scan3A_41  : i32 {
      %mul3A_79 = arith.constant 10 : i32
      %mul3A_80 = arith.muli %mul3A_79, %scan3A_78 : i32
      %add3A_81 = arith.constant 0 : i32
      %add3A_82 = arith.addi %mul3A_80, %add3A_81 : i32
      %dma_wait3A_83 = arith.constant 0 : i32
      %dma_wait3A_84 = tpu.memref_slice %arg6[%add3A_82, %dma_wait3A_83] : memref<80x128xi32, #tpu.memory_space<vmem>> -> memref<1x128xi32, #tpu.memory_space<vmem>>
      %dma_wait3A_85 = tpu.memref_squeeze %dma_wait3A_84 : memref<1x128xi32, #tpu.memory_space<vmem>> -> memref<128xi32, #tpu.memory_space<vmem>>
      %dma_wait3A_86 = arith.constant 0 : i32
      %dma_wait3A_87 = arith.constant 0 : i32
      %dma_wait3A_88 = tpu.memref_slice %arg2[%dma_wait3A_86, %dma_wait3A_87] : memref<10112x32xf32, #tpu.memory_space<hbm>> -> memref<10112x32xf32, #tpu.memory_space<hbm>>
      tpu.wait_indirect_dma semaphore(%arg19 : memref<!tpu.dma_semaphore, #tpu.memory_space<semaphore_mem>>) src(%dma_wait3A_88 : memref<10112x32xf32, #tpu.memory_space<hbm>>) dst(%arg8 : memref<128x32xf32, #tpu.memory_space<vmem>>)
      %dma_start3A_89 = arith.constant 0 : i32
      %dma_start3A_90 = tpu.memref_slice %arg7[%add3A_82, %dma_start3A_89] : memref<80x128xi32, #tpu.memory_space<vmem>> -> memref<1x128xi32, #tpu.memory_space<vmem>>
      %dma_start3A_91 = tpu.memref_squeeze %dma_start3A_90 : memref<1x128xi32, #tpu.memory_space<vmem>> -> memref<128xi32, #tpu.memory_space<vmem>>
      %dma_start3A_92 = arith.constant 0 : i32
      %dma_start3A_93 = arith.constant 0 : i32
      %dma_start3A_94 = tpu.memref_slice %arg18[%dma_start3A_92, %dma_start3A_93] : memref<10112x32xf32, #tpu.memory_space<vmem_shared>> -> memref<10112x32xf32, #tpu.memory_space<vmem_shared>>
      tpu.enqueue_indirect_dma source(%arg8 : memref<128x32xf32, #tpu.memory_space<vmem>>) target(%dma_start3A_94 : memref<10112x32xf32, #tpu.memory_space<vmem_shared>>) offsets(%dma_start3A_91 : memref<128xi32, #tpu.memory_space<vmem>>) semaphore(%arg29 : memref<!tpu.dma_semaphore, #tpu.memory_space<semaphore_mem>>) {add = true}
      %ge3A = arith.constant 5 : i32
      %ge3A_95 = arith.cmpi sge, %add3A_82, %ge3A : i32
      %convert_element_type3A = arith.extui %ge3A_95 : i1 to i32
      %cond3A = arith.constant 0 : i32
      %cond3A_96 = arith.cmpi ne, %convert_element_type3A, %cond3A : i32
      scf.if %cond3A_96 {
        %sub3A = arith.constant 5 : i32
        %sub3A_355 = arith.subi %add3A_82, %sub3A : i32
        %dma_wait3A_356 = arith.constant 0 : i32
        %dma_wait3A_357 = tpu.memref_slice %arg7[%sub3A_355, %dma_wait3A_356] : memref<80x128xi32, #tpu.memory_space<vmem>> -> memref<1x128xi32, #tpu.memory_space<vmem>>
        %dma_wait3A_358 = tpu.memref_squeeze %dma_wait3A_357 : memref<1x128xi32, #tpu.memory_space<vmem>> -> memref<128xi32, #tpu.memory_space<vmem>>
        %dma_wait3A_359 = arith.constant 0 : i32
        %dma_wait3A_360 = arith.constant 0 : i32
        %dma_wait3A_361 = tpu.memref_slice %arg18[%dma_wait3A_359, %dma_wait3A_360] : memref<10112x32xf32, #tpu.memory_space<vmem_shared>> -> memref<10112x32xf32, #tpu.memory_space<vmem_shared>>
        tpu.wait_indirect_dma semaphore(%arg34 : memref<!tpu.dma_semaphore, #tpu.memory_space<semaphore_mem>>) src(%arg13 : memref<128x32xf32, #tpu.memory_space<vmem>>) dst(%dma_wait3A_361 : memref<10112x32xf32, #tpu.memory_space<vmem_shared>>)
      } else {
      }
      %add3A_97 = arith.constant 5 : i32
      %add3A_98 = arith.addi %add3A_82, %add3A_97 : i32
      %lt3A = arith.constant 80 : i32
      %lt3A_99 = arith.cmpi slt, %add3A_98, %lt3A : i32
      %convert_element_type3A_100 = arith.extui %lt3A_99 : i1 to i32
      %cond3A_101 = arith.constant 0 : i32
      %cond3A_102 = arith.cmpi ne, %convert_element_type3A_100, %cond3A_101 : i32
      scf.if %cond3A_102 {
        %add3A_355 = arith.constant 5 : i32
        %add3A_356 = arith.addi %add3A_82, %add3A_355 : i32
        %dma_start3A_357 = arith.constant 0 : i32
        %dma_start3A_358 = tpu.memref_slice %arg6[%add3A_356, %dma_start3A_357] : memref<80x128xi32, #tpu.memory_space<vmem>> -> memref<1x128xi32, #tpu.memory_space<vmem>>
        %dma_start3A_359 = tpu.memref_squeeze %dma_start3A_358 : memref<1x128xi32, #tpu.memory_space<vmem>> -> memref<128xi32, #tpu.memory_space<vmem>>
        %dma_start3A_360 = arith.constant 0 : i32
        %dma_start3A_361 = arith.constant 0 : i32
        %dma_start3A_362 = tpu.memref_slice %arg2[%dma_start3A_360, %dma_start3A_361] : memref<10112x32xf32, #tpu.memory_space<hbm>> -> memref<10112x32xf32, #tpu.memory_space<hbm>>
        tpu.enqueue_indirect_dma source(%dma_start3A_362 : memref<10112x32xf32, #tpu.memory_space<hbm>>) target(%arg13 : memref<128x32xf32, #tpu.memory_space<vmem>>) offsets(%dma_start3A_359 : memref<128xi32, #tpu.memory_space<vmem>>) semaphore(%arg24 : memref<!tpu.dma_semaphore, #tpu.memory_space<semaphore_mem>>)
      } else {
      }
      %mul3A_103 = arith.constant 10 : i32
      %mul3A_104 = arith.muli %mul3A_103, %scan3A_78 : i32
      %add3A_105 = arith.constant 1 : i32
      %add3A_106 = arith.addi %mul3A_104, %add3A_105 : i32
      %dma_wait3A_107 = arith.constant 0 : i32
      %dma_wait3A_108 = tpu.memref_slice %arg6[%add3A_106, %dma_wait3A_107] : memref<80x128xi32, #tpu.memory_space<vmem>> -> memref<1x128xi32, #tpu.memory_space<vmem>>
      %dma_wait3A_109 = tpu.memref_squeeze %dma_wait3A_108 : memref<1x128xi32, #tpu.memory_space<vmem>> -> memref<128xi32, #tpu.memory_space<vmem>>
      %dma_wait3A_110 = arith.constant 0 : i32
      %dma_wait3A_111 = arith.constant 0 : i32
      %dma_wait3A_112 = tpu.memref_slice %arg2[%dma_wait3A_110, %dma_wait3A_111] : memref<10112x32xf32, #tpu.memory_space<hbm>> -> memref<10112x32xf32, #tpu.memory_space<hbm>>
      tpu.wait_indirect_dma semaphore(%arg20 : memref<!tpu.dma_semaphore, #tpu.memory_space<semaphore_mem>>) src(%dma_wait3A_112 : memref<10112x32xf32, #tpu.memory_space<hbm>>) dst(%arg9 : memref<128x32xf32, #tpu.memory_space<vmem>>)
      %dma_start3A_113 = arith.constant 0 : i32
      %dma_start3A_114 = tpu.memref_slice %arg7[%add3A_106, %dma_start3A_113] : memref<80x128xi32, #tpu.memory_space<vmem>> -> memref<1x128xi32, #tpu.memory_space<vmem>>
      %dma_start3A_115 = tpu.memref_squeeze %dma_start3A_114 : memref<1x128xi32, #tpu.memory_space<vmem>> -> memref<128xi32, #tpu.memory_space<vmem>>
      %dma_start3A_116 = arith.constant 0 : i32
      %dma_start3A_117 = arith.constant 0 : i32
      %dma_start3A_118 = tpu.memref_slice %arg18[%dma_start3A_116, %dma_start3A_117] : memref<10112x32xf32, #tpu.memory_space<vmem_shared>> -> memref<10112x32xf32, #tpu.memory_space<vmem_shared>>
      tpu.enqueue_indirect_dma source(%arg9 : memref<128x32xf32, #tpu.memory_space<vmem>>) target(%dma_start3A_118 : memref<10112x32xf32, #tpu.memory_space<vmem_shared>>) offsets(%dma_start3A_115 : memref<128xi32, #tpu.memory_space<vmem>>) semaphore(%arg30 : memref<!tpu.dma_semaphore, #tpu.memory_space<semaphore_mem>>) {add = true}
      %ge3A_119 = arith.constant 5 : i32
      %ge3A_120 = arith.cmpi sge, %add3A_106, %ge3A_119 : i32
      %convert_element_type3A_121 = arith.extui %ge3A_120 : i1 to i32
      %cond3A_122 = arith.constant 0 : i32
      %cond3A_123 = arith.cmpi ne, %convert_element_type3A_121, %cond3A_122 : i32
      scf.if %cond3A_123 {
        %sub3A = arith.constant 5 : i32
        %sub3A_355 = arith.subi %add3A_106, %sub3A : i32
        %dma_wait3A_356 = arith.constant 0 : i32
        %dma_wait3A_357 = tpu.memref_slice %arg7[%sub3A_355, %dma_wait3A_356] : memref<80x128xi32, #tpu.memory_space<vmem>> -> memref<1x128xi32, #tpu.memory_space<vmem>>
        %dma_wait3A_358 = tpu.memref_squeeze %dma_wait3A_357 : memref<1x128xi32, #tpu.memory_space<vmem>> -> memref<128xi32, #tpu.memory_space<vmem>>
        %dma_wait3A_359 = arith.constant 0 : i32
        %dma_wait3A_360 = arith.constant 0 : i32
        %dma_wait3A_361 = tpu.memref_slice %arg18[%dma_wait3A_359, %dma_wait3A_360] : memref<10112x32xf32, #tpu.memory_space<vmem_shared>> -> memref<10112x32xf32, #tpu.memory_space<vmem_shared>>
        tpu.wait_indirect_dma semaphore(%arg35 : memref<!tpu.dma_semaphore, #tpu.memory_space<semaphore_mem>>) src(%arg14 : memref<128x32xf32, #tpu.memory_space<vmem>>) dst(%dma_wait3A_361 : memref<10112x32xf32, #tpu.memory_space<vmem_shared>>)
      } else {
      }
      %add3A_124 = arith.constant 5 : i32
      %add3A_125 = arith.addi %add3A_106, %add3A_124 : i32
      %lt3A_126 = arith.constant 80 : i32
      %lt3A_127 = arith.cmpi slt, %add3A_125, %lt3A_126 : i32
      %convert_element_type3A_128 = arith.extui %lt3A_127 : i1 to i32
      %cond3A_129 = arith.constant 0 : i32
      %cond3A_130 = arith.cmpi ne, %convert_element_type3A_128, %cond3A_129 : i32
      scf.if %cond3A_130 {
        %add3A_355 = arith.constant 5 : i32
        %add3A_356 = arith.addi %add3A_106, %add3A_355 : i32
        %dma_start3A_357 = arith.constant 0 : i32
        %dma_start3A_358 = tpu.memref_slice %arg6[%add3A_356, %dma_start3A_357] : memref<80x128xi32, #tpu.memory_space<vmem>> -> memref<1x128xi32, #tpu.memory_space<vmem>>
        %dma_start3A_359 = tpu.memref_squeeze %dma_start3A_358 : memref<1x128xi32, #tpu.memory_space<vmem>> -> memref<128xi32, #tpu.memory_space<vmem>>
        %dma_start3A_360 = arith.constant 0 : i32
        %dma_start3A_361 = arith.constant 0 : i32
        %dma_start3A_362 = tpu.memref_slice %arg2[%dma_start3A_360, %dma_start3A_361] : memref<10112x32xf32, #tpu.memory_space<hbm>> -> memref<10112x32xf32, #tpu.memory_space<hbm>>
        tpu.enqueue_indirect_dma source(%dma_start3A_362 : memref<10112x32xf32, #tpu.memory_space<hbm>>) target(%arg14 : memref<128x32xf32, #tpu.memory_space<vmem>>) offsets(%dma_start3A_359 : memref<128xi32, #tpu.memory_space<vmem>>) semaphore(%arg25 : memref<!tpu.dma_semaphore, #tpu.memory_space<semaphore_mem>>)
      } else {
      }
      %mul3A_131 = arith.constant 10 : i32
      %mul3A_132 = arith.muli %mul3A_131, %scan3A_78 : i32
      %add3A_133 = arith.constant 2 : i32
      %add3A_134 = arith.addi %mul3A_132, %add3A_133 : i32
      %dma_wait3A_135 = arith.constant 0 : i32
      %dma_wait3A_136 = tpu.memref_slice %arg6[%add3A_134, %dma_wait3A_135] : memref<80x128xi32, #tpu.memory_space<vmem>> -> memref<1x128xi32, #tpu.memory_space<vmem>>
      %dma_wait3A_137 = tpu.memref_squeeze %dma_wait3A_136 : memref<1x128xi32, #tpu.memory_space<vmem>> -> memref<128xi32, #tpu.memory_space<vmem>>
      %dma_wait3A_138 = arith.constant 0 : i32
      %dma_wait3A_139 = arith.constant 0 : i32
      %dma_wait3A_140 = tpu.memref_slice %arg2[%dma_wait3A_138, %dma_wait3A_139] : memref<10112x32xf32, #tpu.memory_space<hbm>> -> memref<10112x32xf32, #tpu.memory_space<hbm>>
      tpu.wait_indirect_dma semaphore(%arg21 : memref<!tpu.dma_semaphore, #tpu.memory_space<semaphore_mem>>) src(%dma_wait3A_140 : memref<10112x32xf32, #tpu.memory_space<hbm>>) dst(%arg10 : memref<128x32xf32, #tpu.memory_space<vmem>>)
      %dma_start3A_141 = arith.constant 0 : i32
      %dma_start3A_142 = tpu.memref_slice %arg7[%add3A_134, %dma_start3A_141] : memref<80x128xi32, #tpu.memory_space<vmem>> -> memref<1x128xi32, #tpu.memory_space<vmem>>
      %dma_start3A_143 = tpu.memref_squeeze %dma_start3A_142 : memref<1x128xi32, #tpu.memory_space<vmem>> -> memref<128xi32, #tpu.memory_space<vmem>>
      %dma_start3A_144 = arith.constant 0 : i32
      %dma_start3A_145 = arith.constant 0 : i32
      %dma_start3A_146 = tpu.memref_slice %arg18[%dma_start3A_144, %dma_start3A_145] : memref<10112x32xf32, #tpu.memory_space<vmem_shared>> -> memref<10112x32xf32, #tpu.memory_space<vmem_shared>>
      tpu.enqueue_indirect_dma source(%arg10 : memref<128x32xf32, #tpu.memory_space<vmem>>) target(%dma_start3A_146 : memref<10112x32xf32, #tpu.memory_space<vmem_shared>>) offsets(%dma_start3A_143 : memref<128xi32, #tpu.memory_space<vmem>>) semaphore(%arg31 : memref<!tpu.dma_semaphore, #tpu.memory_space<semaphore_mem>>) {add = true}
      %ge3A_147 = arith.constant 5 : i32
      %ge3A_148 = arith.cmpi sge, %add3A_134, %ge3A_147 : i32
      %convert_element_type3A_149 = arith.extui %ge3A_148 : i1 to i32
      %cond3A_150 = arith.constant 0 : i32
      %cond3A_151 = arith.cmpi ne, %convert_element_type3A_149, %cond3A_150 : i32
      scf.if %cond3A_151 {
        %sub3A = arith.constant 5 : i32
        %sub3A_355 = arith.subi %add3A_134, %sub3A : i32
        %dma_wait3A_356 = arith.constant 0 : i32
        %dma_wait3A_357 = tpu.memref_slice %arg7[%sub3A_355, %dma_wait3A_356] : memref<80x128xi32, #tpu.memory_space<vmem>> -> memref<1x128xi32, #tpu.memory_space<vmem>>
        %dma_wait3A_358 = tpu.memref_squeeze %dma_wait3A_357 : memref<1x128xi32, #tpu.memory_space<vmem>> -> memref<128xi32, #tpu.memory_space<vmem>>
        %dma_wait3A_359 = arith.constant 0 : i32
        %dma_wait3A_360 = arith.constant 0 : i32
        %dma_wait3A_361 = tpu.memref_slice %arg18[%dma_wait3A_359, %dma_wait3A_360] : memref<10112x32xf32, #tpu.memory_space<vmem_shared>> -> memref<10112x32xf32, #tpu.memory_space<vmem_shared>>
        tpu.wait_indirect_dma semaphore(%arg36 : memref<!tpu.dma_semaphore, #tpu.memory_space<semaphore_mem>>) src(%arg15 : memref<128x32xf32, #tpu.memory_space<vmem>>) dst(%dma_wait3A_361 : memref<10112x32xf32, #tpu.memory_space<vmem_shared>>)
      } else {
      }
      %add3A_152 = arith.constant 5 : i32
      %add3A_153 = arith.addi %add3A_134, %add3A_152 : i32
      %lt3A_154 = arith.constant 80 : i32
      %lt3A_155 = arith.cmpi slt, %add3A_153, %lt3A_154 : i32
      %convert_element_type3A_156 = arith.extui %lt3A_155 : i1 to i32
      %cond3A_157 = arith.constant 0 : i32
      %cond3A_158 = arith.cmpi ne, %convert_element_type3A_156, %cond3A_157 : i32
      scf.if %cond3A_158 {
        %add3A_355 = arith.constant 5 : i32
        %add3A_356 = arith.addi %add3A_134, %add3A_355 : i32
        %dma_start3A_357 = arith.constant 0 : i32
        %dma_start3A_358 = tpu.memref_slice %arg6[%add3A_356, %dma_start3A_357] : memref<80x128xi32, #tpu.memory_space<vmem>> -> memref<1x128xi32, #tpu.memory_space<vmem>>
        %dma_start3A_359 = tpu.memref_squeeze %dma_start3A_358 : memref<1x128xi32, #tpu.memory_space<vmem>> -> memref<128xi32, #tpu.memory_space<vmem>>
        %dma_start3A_360 = arith.constant 0 : i32
        %dma_start3A_361 = arith.constant 0 : i32
        %dma_start3A_362 = tpu.memref_slice %arg2[%dma_start3A_360, %dma_start3A_361] : memref<10112x32xf32, #tpu.memory_space<hbm>> -> memref<10112x32xf32, #tpu.memory_space<hbm>>
        tpu.enqueue_indirect_dma source(%dma_start3A_362 : memref<10112x32xf32, #tpu.memory_space<hbm>>) target(%arg15 : memref<128x32xf32, #tpu.memory_space<vmem>>) offsets(%dma_start3A_359 : memref<128xi32, #tpu.memory_space<vmem>>) semaphore(%arg26 : memref<!tpu.dma_semaphore, #tpu.memory_space<semaphore_mem>>)
      } else {
      }
      %mul3A_159 = arith.constant 10 : i32
      %mul3A_160 = arith.muli %mul3A_159, %scan3A_78 : i32
      %add3A_161 = arith.constant 3 : i32
      %add3A_162 = arith.addi %mul3A_160, %add3A_161 : i32
      %dma_wait3A_163 = arith.constant 0 : i32
      %dma_wait3A_164 = tpu.memref_slice %arg6[%add3A_162, %dma_wait3A_163] : memref<80x128xi32, #tpu.memory_space<vmem>> -> memref<1x128xi32, #tpu.memory_space<vmem>>
      %dma_wait3A_165 = tpu.memref_squeeze %dma_wait3A_164 : memref<1x128xi32, #tpu.memory_space<vmem>> -> memref<128xi32, #tpu.memory_space<vmem>>
      %dma_wait3A_166 = arith.constant 0 : i32
      %dma_wait3A_167 = arith.constant 0 : i32
      %dma_wait3A_168 = tpu.memref_slice %arg2[%dma_wait3A_166, %dma_wait3A_167] : memref<10112x32xf32, #tpu.memory_space<hbm>> -> memref<10112x32xf32, #tpu.memory_space<hbm>>
      tpu.wait_indirect_dma semaphore(%arg22 : memref<!tpu.dma_semaphore, #tpu.memory_space<semaphore_mem>>) src(%dma_wait3A_168 : memref<10112x32xf32, #tpu.memory_space<hbm>>) dst(%arg11 : memref<128x32xf32, #tpu.memory_space<vmem>>)
      %dma_start3A_169 = arith.constant 0 : i32
      %dma_start3A_170 = tpu.memref_slice %arg7[%add3A_162, %dma_start3A_169] : memref<80x128xi32, #tpu.memory_space<vmem>> -> memref<1x128xi32, #tpu.memory_space<vmem>>
      %dma_start3A_171 = tpu.memref_squeeze %dma_start3A_170 : memref<1x128xi32, #tpu.memory_space<vmem>> -> memref<128xi32, #tpu.memory_space<vmem>>
      %dma_start3A_172 = arith.constant 0 : i32
      %dma_start3A_173 = arith.constant 0 : i32
      %dma_start3A_174 = tpu.memref_slice %arg18[%dma_start3A_172, %dma_start3A_173] : memref<10112x32xf32, #tpu.memory_space<vmem_shared>> -> memref<10112x32xf32, #tpu.memory_space<vmem_shared>>
      tpu.enqueue_indirect_dma source(%arg11 : memref<128x32xf32, #tpu.memory_space<vmem>>) target(%dma_start3A_174 : memref<10112x32xf32, #tpu.memory_space<vmem_shared>>) offsets(%dma_start3A_171 : memref<128xi32, #tpu.memory_space<vmem>>) semaphore(%arg32 : memref<!tpu.dma_semaphore, #tpu.memory_space<semaphore_mem>>) {add = true}
      %ge3A_175 = arith.constant 5 : i32
      %ge3A_176 = arith.cmpi sge, %add3A_162, %ge3A_175 : i32
      %convert_element_type3A_177 = arith.extui %ge3A_176 : i1 to i32
      %cond3A_178 = arith.constant 0 : i32
      %cond3A_179 = arith.cmpi ne, %convert_element_type3A_177, %cond3A_178 : i32
      scf.if %cond3A_179 {
        %sub3A = arith.constant 5 : i32
        %sub3A_355 = arith.subi %add3A_162, %sub3A : i32
        %dma_wait3A_356 = arith.constant 0 : i32
        %dma_wait3A_357 = tpu.memref_slice %arg7[%sub3A_355, %dma_wait3A_356] : memref<80x128xi32, #tpu.memory_space<vmem>> -> memref<1x128xi32, #tpu.memory_space<vmem>>
        %dma_wait3A_358 = tpu.memref_squeeze %dma_wait3A_357 : memref<1x128xi32, #tpu.memory_space<vmem>> -> memref<128xi32, #tpu.memory_space<vmem>>
        %dma_wait3A_359 = arith.constant 0 : i32
        %dma_wait3A_360 = arith.constant 0 : i32
        %dma_wait3A_361 = tpu.memref_slice %arg18[%dma_wait3A_359, %dma_wait3A_360] : memref<10112x32xf32, #tpu.memory_space<vmem_shared>> -> memref<10112x32xf32, #tpu.memory_space<vmem_shared>>
        tpu.wait_indirect_dma semaphore(%arg37 : memref<!tpu.dma_semaphore, #tpu.memory_space<semaphore_mem>>) src(%arg16 : memref<128x32xf32, #tpu.memory_space<vmem>>) dst(%dma_wait3A_361 : memref<10112x32xf32, #tpu.memory_space<vmem_shared>>)
      } else {
      }
      %add3A_180 = arith.constant 5 : i32
      %add3A_181 = arith.addi %add3A_162, %add3A_180 : i32
      %lt3A_182 = arith.constant 80 : i32
      %lt3A_183 = arith.cmpi slt, %add3A_181, %lt3A_182 : i32
      %convert_element_type3A_184 = arith.extui %lt3A_183 : i1 to i32
      %cond3A_185 = arith.constant 0 : i32
      %cond3A_186 = arith.cmpi ne, %convert_element_type3A_184, %cond3A_185 : i32
      scf.if %cond3A_186 {
        %add3A_355 = arith.constant 5 : i32
        %add3A_356 = arith.addi %add3A_162, %add3A_355 : i32
        %dma_start3A_357 = arith.constant 0 : i32
        %dma_start3A_358 = tpu.memref_slice %arg6[%add3A_356, %dma_start3A_357] : memref<80x128xi32, #tpu.memory_space<vmem>> -> memref<1x128xi32, #tpu.memory_space<vmem>>
        %dma_start3A_359 = tpu.memref_squeeze %dma_start3A_358 : memref<1x128xi32, #tpu.memory_space<vmem>> -> memref<128xi32, #tpu.memory_space<vmem>>
        %dma_start3A_360 = arith.constant 0 : i32
        %dma_start3A_361 = arith.constant 0 : i32
        %dma_start3A_362 = tpu.memref_slice %arg2[%dma_start3A_360, %dma_start3A_361] : memref<10112x32xf32, #tpu.memory_space<hbm>> -> memref<10112x32xf32, #tpu.memory_space<hbm>>
        tpu.enqueue_indirect_dma source(%dma_start3A_362 : memref<10112x32xf32, #tpu.memory_space<hbm>>) target(%arg16 : memref<128x32xf32, #tpu.memory_space<vmem>>) offsets(%dma_start3A_359 : memref<128xi32, #tpu.memory_space<vmem>>) semaphore(%arg27 : memref<!tpu.dma_semaphore, #tpu.memory_space<semaphore_mem>>)
      } else {
      }
      %mul3A_187 = arith.constant 10 : i32
      %mul3A_188 = arith.muli %mul3A_187, %scan3A_78 : i32
      %add3A_189 = arith.constant 4 : i32
      %add3A_190 = arith.addi %mul3A_188, %add3A_189 : i32
      %dma_wait3A_191 = arith.constant 0 : i32
      %dma_wait3A_192 = tpu.memref_slice %arg6[%add3A_190, %dma_wait3A_191] : memref<80x128xi32, #tpu.memory_space<vmem>> -> memref<1x128xi32, #tpu.memory_space<vmem>>
      %dma_wait3A_193 = tpu.memref_squeeze %dma_wait3A_192 : memref<1x128xi32, #tpu.memory_space<vmem>> -> memref<128xi32, #tpu.memory_space<vmem>>
      %dma_wait3A_194 = arith.constant 0 : i32
      %dma_wait3A_195 = arith.constant 0 : i32
      %dma_wait3A_196 = tpu.memref_slice %arg2[%dma_wait3A_194, %dma_wait3A_195] : memref<10112x32xf32, #tpu.memory_space<hbm>> -> memref<10112x32xf32, #tpu.memory_space<hbm>>
      tpu.wait_indirect_dma semaphore(%arg23 : memref<!tpu.dma_semaphore, #tpu.memory_space<semaphore_mem>>) src(%dma_wait3A_196 : memref<10112x32xf32, #tpu.memory_space<hbm>>) dst(%arg12 : memref<128x32xf32, #tpu.memory_space<vmem>>)
      %dma_start3A_197 = arith.constant 0 : i32
      %dma_start3A_198 = tpu.memref_slice %arg7[%add3A_190, %dma_start3A_197] : memref<80x128xi32, #tpu.memory_space<vmem>> -> memref<1x128xi32, #tpu.memory_space<vmem>>
      %dma_start3A_199 = tpu.memref_squeeze %dma_start3A_198 : memref<1x128xi32, #tpu.memory_space<vmem>> -> memref<128xi32, #tpu.memory_space<vmem>>
      %dma_start3A_200 = arith.constant 0 : i32
      %dma_start3A_201 = arith.constant 0 : i32
      %dma_start3A_202 = tpu.memref_slice %arg18[%dma_start3A_200, %dma_start3A_201] : memref<10112x32xf32, #tpu.memory_space<vmem_shared>> -> memref<10112x32xf32, #tpu.memory_space<vmem_shared>>
      tpu.enqueue_indirect_dma source(%arg12 : memref<128x32xf32, #tpu.memory_space<vmem>>) target(%dma_start3A_202 : memref<10112x32xf32, #tpu.memory_space<vmem_shared>>) offsets(%dma_start3A_199 : memref<128xi32, #tpu.memory_space<vmem>>) semaphore(%arg33 : memref<!tpu.dma_semaphore, #tpu.memory_space<semaphore_mem>>) {add = true}
      %ge3A_203 = arith.constant 5 : i32
      %ge3A_204 = arith.cmpi sge, %add3A_190, %ge3A_203 : i32
      %convert_element_type3A_205 = arith.extui %ge3A_204 : i1 to i32
      %cond3A_206 = arith.constant 0 : i32
      %cond3A_207 = arith.cmpi ne, %convert_element_type3A_205, %cond3A_206 : i32
      scf.if %cond3A_207 {
        %sub3A = arith.constant 5 : i32
        %sub3A_355 = arith.subi %add3A_190, %sub3A : i32
        %dma_wait3A_356 = arith.constant 0 : i32
        %dma_wait3A_357 = tpu.memref_slice %arg7[%sub3A_355, %dma_wait3A_356] : memref<80x128xi32, #tpu.memory_space<vmem>> -> memref<1x128xi32, #tpu.memory_space<vmem>>
        %dma_wait3A_358 = tpu.memref_squeeze %dma_wait3A_357 : memref<1x128xi32, #tpu.memory_space<vmem>> -> memref<128xi32, #tpu.memory_space<vmem>>
        %dma_wait3A_359 = arith.constant 0 : i32
        %dma_wait3A_360 = arith.constant 0 : i32
        %dma_wait3A_361 = tpu.memref_slice %arg18[%dma_wait3A_359, %dma_wait3A_360] : memref<10112x32xf32, #tpu.memory_space<vmem_shared>> -> memref<10112x32xf32, #tpu.memory_space<vmem_shared>>
        tpu.wait_indirect_dma semaphore(%arg38 : memref<!tpu.dma_semaphore, #tpu.memory_space<semaphore_mem>>) src(%arg17 : memref<128x32xf32, #tpu.memory_space<vmem>>) dst(%dma_wait3A_361 : memref<10112x32xf32, #tpu.memory_space<vmem_shared>>)
      } else {
      }
      %add3A_208 = arith.constant 5 : i32
      %add3A_209 = arith.addi %add3A_190, %add3A_208 : i32
      %lt3A_210 = arith.constant 80 : i32
      %lt3A_211 = arith.cmpi slt, %add3A_209, %lt3A_210 : i32
      %convert_element_type3A_212 = arith.extui %lt3A_211 : i1 to i32
      %cond3A_213 = arith.constant 0 : i32
      %cond3A_214 = arith.cmpi ne, %convert_element_type3A_212, %cond3A_213 : i32
      scf.if %cond3A_214 {
        %add3A_355 = arith.constant 5 : i32
        %add3A_356 = arith.addi %add3A_190, %add3A_355 : i32
        %dma_start3A_357 = arith.constant 0 : i32
        %dma_start3A_358 = tpu.memref_slice %arg6[%add3A_356, %dma_start3A_357] : memref<80x128xi32, #tpu.memory_space<vmem>> -> memref<1x128xi32, #tpu.memory_space<vmem>>
        %dma_start3A_359 = tpu.memref_squeeze %dma_start3A_358 : memref<1x128xi32, #tpu.memory_space<vmem>> -> memref<128xi32, #tpu.memory_space<vmem>>
        %dma_start3A_360 = arith.constant 0 : i32
        %dma_start3A_361 = arith.constant 0 : i32
        %dma_start3A_362 = tpu.memref_slice %arg2[%dma_start3A_360, %dma_start3A_361] : memref<10112x32xf32, #tpu.memory_space<hbm>> -> memref<10112x32xf32, #tpu.memory_space<hbm>>
        tpu.enqueue_indirect_dma source(%dma_start3A_362 : memref<10112x32xf32, #tpu.memory_space<hbm>>) target(%arg17 : memref<128x32xf32, #tpu.memory_space<vmem>>) offsets(%dma_start3A_359 : memref<128xi32, #tpu.memory_space<vmem>>) semaphore(%arg28 : memref<!tpu.dma_semaphore, #tpu.memory_space<semaphore_mem>>)
      } else {
      }
      %mul3A_215 = arith.constant 10 : i32
      %mul3A_216 = arith.muli %mul3A_215, %scan3A_78 : i32
      %add3A_217 = arith.constant 5 : i32
      %add3A_218 = arith.addi %mul3A_216, %add3A_217 : i32
      %dma_wait3A_219 = arith.constant 0 : i32
      %dma_wait3A_220 = tpu.memref_slice %arg6[%add3A_218, %dma_wait3A_219] : memref<80x128xi32, #tpu.memory_space<vmem>> -> memref<1x128xi32, #tpu.memory_space<vmem>>
      %dma_wait3A_221 = tpu.memref_squeeze %dma_wait3A_220 : memref<1x128xi32, #tpu.memory_space<vmem>> -> memref<128xi32, #tpu.memory_space<vmem>>
      %dma_wait3A_222 = arith.constant 0 : i32
      %dma_wait3A_223 = arith.constant 0 : i32
      %dma_wait3A_224 = tpu.memref_slice %arg2[%dma_wait3A_222, %dma_wait3A_223] : memref<10112x32xf32, #tpu.memory_space<hbm>> -> memref<10112x32xf32, #tpu.memory_space<hbm>>
      tpu.wait_indirect_dma semaphore(%arg24 : memref<!tpu.dma_semaphore, #tpu.memory_space<semaphore_mem>>) src(%dma_wait3A_224 : memref<10112x32xf32, #tpu.memory_space<hbm>>) dst(%arg13 : memref<128x32xf32, #tpu.memory_space<vmem>>)
      %dma_start3A_225 = arith.constant 0 : i32
      %dma_start3A_226 = tpu.memref_slice %arg7[%add3A_218, %dma_start3A_225] : memref<80x128xi32, #tpu.memory_space<vmem>> -> memref<1x128xi32, #tpu.memory_space<vmem>>
      %dma_start3A_227 = tpu.memref_squeeze %dma_start3A_226 : memref<1x128xi32, #tpu.memory_space<vmem>> -> memref<128xi32, #tpu.memory_space<vmem>>
      %dma_start3A_228 = arith.constant 0 : i32
      %dma_start3A_229 = arith.constant 0 : i32
      %dma_start3A_230 = tpu.memref_slice %arg18[%dma_start3A_228, %dma_start3A_229] : memref<10112x32xf32, #tpu.memory_space<vmem_shared>> -> memref<10112x32xf32, #tpu.memory_space<vmem_shared>>
      tpu.enqueue_indirect_dma source(%arg13 : memref<128x32xf32, #tpu.memory_space<vmem>>) target(%dma_start3A_230 : memref<10112x32xf32, #tpu.memory_space<vmem_shared>>) offsets(%dma_start3A_227 : memref<128xi32, #tpu.memory_space<vmem>>) semaphore(%arg34 : memref<!tpu.dma_semaphore, #tpu.memory_space<semaphore_mem>>) {add = true}
      %ge3A_231 = arith.constant 5 : i32
      %ge3A_232 = arith.cmpi sge, %add3A_218, %ge3A_231 : i32
      %convert_element_type3A_233 = arith.extui %ge3A_232 : i1 to i32
      %cond3A_234 = arith.constant 0 : i32
      %cond3A_235 = arith.cmpi ne, %convert_element_type3A_233, %cond3A_234 : i32
      scf.if %cond3A_235 {
        %sub3A = arith.constant 5 : i32
        %sub3A_355 = arith.subi %add3A_218, %sub3A : i32
        %dma_wait3A_356 = arith.constant 0 : i32
        %dma_wait3A_357 = tpu.memref_slice %arg7[%sub3A_355, %dma_wait3A_356] : memref<80x128xi32, #tpu.memory_space<vmem>> -> memref<1x128xi32, #tpu.memory_space<vmem>>
        %dma_wait3A_358 = tpu.memref_squeeze %dma_wait3A_357 : memref<1x128xi32, #tpu.memory_space<vmem>> -> memref<128xi32, #tpu.memory_space<vmem>>
        %dma_wait3A_359 = arith.constant 0 : i32
        %dma_wait3A_360 = arith.constant 0 : i32
        %dma_wait3A_361 = tpu.memref_slice %arg18[%dma_wait3A_359, %dma_wait3A_360] : memref<10112x32xf32, #tpu.memory_space<vmem_shared>> -> memref<10112x32xf32, #tpu.memory_space<vmem_shared>>
        tpu.wait_indirect_dma semaphore(%arg29 : memref<!tpu.dma_semaphore, #tpu.memory_space<semaphore_mem>>) src(%arg8 : memref<128x32xf32, #tpu.memory_space<vmem>>) dst(%dma_wait3A_361 : memref<10112x32xf32, #tpu.memory_space<vmem_shared>>)
      } else {
      }
      %add3A_236 = arith.constant 5 : i32
      %add3A_237 = arith.addi %add3A_218, %add3A_236 : i32
      %lt3A_238 = arith.constant 80 : i32
      %lt3A_239 = arith.cmpi slt, %add3A_237, %lt3A_238 : i32
      %convert_element_type3A_240 = arith.extui %lt3A_239 : i1 to i32
      %cond3A_241 = arith.constant 0 : i32
      %cond3A_242 = arith.cmpi ne, %convert_element_type3A_240, %cond3A_241 : i32
      scf.if %cond3A_242 {
        %add3A_355 = arith.constant 5 : i32
        %add3A_356 = arith.addi %add3A_218, %add3A_355 : i32
        %dma_start3A_357 = arith.constant 0 : i32
        %dma_start3A_358 = tpu.memref_slice %arg6[%add3A_356, %dma_start3A_357] : memref<80x128xi32, #tpu.memory_space<vmem>> -> memref<1x128xi32, #tpu.memory_space<vmem>>
        %dma_start3A_359 = tpu.memref_squeeze %dma_start3A_358 : memref<1x128xi32, #tpu.memory_space<vmem>> -> memref<128xi32, #tpu.memory_space<vmem>>
        %dma_start3A_360 = arith.constant 0 : i32
        %dma_start3A_361 = arith.constant 0 : i32
        %dma_start3A_362 = tpu.memref_slice %arg2[%dma_start3A_360, %dma_start3A_361] : memref<10112x32xf32, #tpu.memory_space<hbm>> -> memref<10112x32xf32, #tpu.memory_space<hbm>>
        tpu.enqueue_indirect_dma source(%dma_start3A_362 : memref<10112x32xf32, #tpu.memory_space<hbm>>) target(%arg8 : memref<128x32xf32, #tpu.memory_space<vmem>>) offsets(%dma_start3A_359 : memref<128xi32, #tpu.memory_space<vmem>>) semaphore(%arg19 : memref<!tpu.dma_semaphore, #tpu.memory_space<semaphore_mem>>)
      } else {
      }
      %mul3A_243 = arith.constant 10 : i32
      %mul3A_244 = arith.muli %mul3A_243, %scan3A_78 : i32
      %add3A_245 = arith.constant 6 : i32
      %add3A_246 = arith.addi %mul3A_244, %add3A_245 : i32
      %dma_wait3A_247 = arith.constant 0 : i32
      %dma_wait3A_248 = tpu.memref_slice %arg6[%add3A_246, %dma_wait3A_247] : memref<80x128xi32, #tpu.memory_space<vmem>> -> memref<1x128xi32, #tpu.memory_space<vmem>>
      %dma_wait3A_249 = tpu.memref_squeeze %dma_wait3A_248 : memref<1x128xi32, #tpu.memory_space<vmem>> -> memref<128xi32, #tpu.memory_space<vmem>>
      %dma_wait3A_250 = arith.constant 0 : i32
      %dma_wait3A_251 = arith.constant 0 : i32
      %dma_wait3A_252 = tpu.memref_slice %arg2[%dma_wait3A_250, %dma_wait3A_251] : memref<10112x32xf32, #tpu.memory_space<hbm>> -> memref<10112x32xf32, #tpu.memory_space<hbm>>
      tpu.wait_indirect_dma semaphore(%arg25 : memref<!tpu.dma_semaphore, #tpu.memory_space<semaphore_mem>>) src(%dma_wait3A_252 : memref<10112x32xf32, #tpu.memory_space<hbm>>) dst(%arg14 : memref<128x32xf32, #tpu.memory_space<vmem>>)
      %dma_start3A_253 = arith.constant 0 : i32
      %dma_start3A_254 = tpu.memref_slice %arg7[%add3A_246, %dma_start3A_253] : memref<80x128xi32, #tpu.memory_space<vmem>> -> memref<1x128xi32, #tpu.memory_space<vmem>>
      %dma_start3A_255 = tpu.memref_squeeze %dma_start3A_254 : memref<1x128xi32, #tpu.memory_space<vmem>> -> memref<128xi32, #tpu.memory_space<vmem>>
      %dma_start3A_256 = arith.constant 0 : i32
      %dma_start3A_257 = arith.constant 0 : i32
      %dma_start3A_258 = tpu.memref_slice %arg18[%dma_start3A_256, %dma_start3A_257] : memref<10112x32xf32, #tpu.memory_space<vmem_shared>> -> memref<10112x32xf32, #tpu.memory_space<vmem_shared>>
      tpu.enqueue_indirect_dma source(%arg14 : memref<128x32xf32, #tpu.memory_space<vmem>>) target(%dma_start3A_258 : memref<10112x32xf32, #tpu.memory_space<vmem_shared>>) offsets(%dma_start3A_255 : memref<128xi32, #tpu.memory_space<vmem>>) semaphore(%arg35 : memref<!tpu.dma_semaphore, #tpu.memory_space<semaphore_mem>>) {add = true}
      %ge3A_259 = arith.constant 5 : i32
      %ge3A_260 = arith.cmpi sge, %add3A_246, %ge3A_259 : i32
      %convert_element_type3A_261 = arith.extui %ge3A_260 : i1 to i32
      %cond3A_262 = arith.constant 0 : i32
      %cond3A_263 = arith.cmpi ne, %convert_element_type3A_261, %cond3A_262 : i32
      scf.if %cond3A_263 {
        %sub3A = arith.constant 5 : i32
        %sub3A_355 = arith.subi %add3A_246, %sub3A : i32
        %dma_wait3A_356 = arith.constant 0 : i32
        %dma_wait3A_357 = tpu.memref_slice %arg7[%sub3A_355, %dma_wait3A_356] : memref<80x128xi32, #tpu.memory_space<vmem>> -> memref<1x128xi32, #tpu.memory_space<vmem>>
        %dma_wait3A_358 = tpu.memref_squeeze %dma_wait3A_357 : memref<1x128xi32, #tpu.memory_space<vmem>> -> memref<128xi32, #tpu.memory_space<vmem>>
        %dma_wait3A_359 = arith.constant 0 : i32
        %dma_wait3A_360 = arith.constant 0 : i32
        %dma_wait3A_361 = tpu.memref_slice %arg18[%dma_wait3A_359, %dma_wait3A_360] : memref<10112x32xf32, #tpu.memory_space<vmem_shared>> -> memref<10112x32xf32, #tpu.memory_space<vmem_shared>>
        tpu.wait_indirect_dma semaphore(%arg30 : memref<!tpu.dma_semaphore, #tpu.memory_space<semaphore_mem>>) src(%arg9 : memref<128x32xf32, #tpu.memory_space<vmem>>) dst(%dma_wait3A_361 : memref<10112x32xf32, #tpu.memory_space<vmem_shared>>)
      } else {
      }
      %add3A_264 = arith.constant 5 : i32
      %add3A_265 = arith.addi %add3A_246, %add3A_264 : i32
      %lt3A_266 = arith.constant 80 : i32
      %lt3A_267 = arith.cmpi slt, %add3A_265, %lt3A_266 : i32
      %convert_element_type3A_268 = arith.extui %lt3A_267 : i1 to i32
      %cond3A_269 = arith.constant 0 : i32
      %cond3A_270 = arith.cmpi ne, %convert_element_type3A_268, %cond3A_269 : i32
      scf.if %cond3A_270 {
        %add3A_355 = arith.constant 5 : i32
        %add3A_356 = arith.addi %add3A_246, %add3A_355 : i32
        %dma_start3A_357 = arith.constant 0 : i32
        %dma_start3A_358 = tpu.memref_slice %arg6[%add3A_356, %dma_start3A_357] : memref<80x128xi32, #tpu.memory_space<vmem>> -> memref<1x128xi32, #tpu.memory_space<vmem>>
        %dma_start3A_359 = tpu.memref_squeeze %dma_start3A_358 : memref<1x128xi32, #tpu.memory_space<vmem>> -> memref<128xi32, #tpu.memory_space<vmem>>
        %dma_start3A_360 = arith.constant 0 : i32
        %dma_start3A_361 = arith.constant 0 : i32
        %dma_start3A_362 = tpu.memref_slice %arg2[%dma_start3A_360, %dma_start3A_361] : memref<10112x32xf32, #tpu.memory_space<hbm>> -> memref<10112x32xf32, #tpu.memory_space<hbm>>
        tpu.enqueue_indirect_dma source(%dma_start3A_362 : memref<10112x32xf32, #tpu.memory_space<hbm>>) target(%arg9 : memref<128x32xf32, #tpu.memory_space<vmem>>) offsets(%dma_start3A_359 : memref<128xi32, #tpu.memory_space<vmem>>) semaphore(%arg20 : memref<!tpu.dma_semaphore, #tpu.memory_space<semaphore_mem>>)
      } else {
      }
      %mul3A_271 = arith.constant 10 : i32
      %mul3A_272 = arith.muli %mul3A_271, %scan3A_78 : i32
      %add3A_273 = arith.constant 7 : i32
      %add3A_274 = arith.addi %mul3A_272, %add3A_273 : i32
      %dma_wait3A_275 = arith.constant 0 : i32
      %dma_wait3A_276 = tpu.memref_slice %arg6[%add3A_274, %dma_wait3A_275] : memref<80x128xi32, #tpu.memory_space<vmem>> -> memref<1x128xi32, #tpu.memory_space<vmem>>
      %dma_wait3A_277 = tpu.memref_squeeze %dma_wait3A_276 : memref<1x128xi32, #tpu.memory_space<vmem>> -> memref<128xi32, #tpu.memory_space<vmem>>
      %dma_wait3A_278 = arith.constant 0 : i32
      %dma_wait3A_279 = arith.constant 0 : i32
      %dma_wait3A_280 = tpu.memref_slice %arg2[%dma_wait3A_278, %dma_wait3A_279] : memref<10112x32xf32, #tpu.memory_space<hbm>> -> memref<10112x32xf32, #tpu.memory_space<hbm>>
      tpu.wait_indirect_dma semaphore(%arg26 : memref<!tpu.dma_semaphore, #tpu.memory_space<semaphore_mem>>) src(%dma_wait3A_280 : memref<10112x32xf32, #tpu.memory_space<hbm>>) dst(%arg15 : memref<128x32xf32, #tpu.memory_space<vmem>>)
      %dma_start3A_281 = arith.constant 0 : i32
      %dma_start3A_282 = tpu.memref_slice %arg7[%add3A_274, %dma_start3A_281] : memref<80x128xi32, #tpu.memory_space<vmem>> -> memref<1x128xi32, #tpu.memory_space<vmem>>
      %dma_start3A_283 = tpu.memref_squeeze %dma_start3A_282 : memref<1x128xi32, #tpu.memory_space<vmem>> -> memref<128xi32, #tpu.memory_space<vmem>>
      %dma_start3A_284 = arith.constant 0 : i32
      %dma_start3A_285 = arith.constant 0 : i32
      %dma_start3A_286 = tpu.memref_slice %arg18[%dma_start3A_284, %dma_start3A_285] : memref<10112x32xf32, #tpu.memory_space<vmem_shared>> -> memref<10112x32xf32, #tpu.memory_space<vmem_shared>>
      tpu.enqueue_indirect_dma source(%arg15 : memref<128x32xf32, #tpu.memory_space<vmem>>) target(%dma_start3A_286 : memref<10112x32xf32, #tpu.memory_space<vmem_shared>>) offsets(%dma_start3A_283 : memref<128xi32, #tpu.memory_space<vmem>>) semaphore(%arg36 : memref<!tpu.dma_semaphore, #tpu.memory_space<semaphore_mem>>) {add = true}
      %ge3A_287 = arith.constant 5 : i32
      %ge3A_288 = arith.cmpi sge, %add3A_274, %ge3A_287 : i32
      %convert_element_type3A_289 = arith.extui %ge3A_288 : i1 to i32
      %cond3A_290 = arith.constant 0 : i32
      %cond3A_291 = arith.cmpi ne, %convert_element_type3A_289, %cond3A_290 : i32
      scf.if %cond3A_291 {
        %sub3A = arith.constant 5 : i32
        %sub3A_355 = arith.subi %add3A_274, %sub3A : i32
        %dma_wait3A_356 = arith.constant 0 : i32
        %dma_wait3A_357 = tpu.memref_slice %arg7[%sub3A_355, %dma_wait3A_356] : memref<80x128xi32, #tpu.memory_space<vmem>> -> memref<1x128xi32, #tpu.memory_space<vmem>>
        %dma_wait3A_358 = tpu.memref_squeeze %dma_wait3A_357 : memref<1x128xi32, #tpu.memory_space<vmem>> -> memref<128xi32, #tpu.memory_space<vmem>>
        %dma_wait3A_359 = arith.constant 0 : i32
        %dma_wait3A_360 = arith.constant 0 : i32
        %dma_wait3A_361 = tpu.memref_slice %arg18[%dma_wait3A_359, %dma_wait3A_360] : memref<10112x32xf32, #tpu.memory_space<vmem_shared>> -> memref<10112x32xf32, #tpu.memory_space<vmem_shared>>
        tpu.wait_indirect_dma semaphore(%arg31 : memref<!tpu.dma_semaphore, #tpu.memory_space<semaphore_mem>>) src(%arg10 : memref<128x32xf32, #tpu.memory_space<vmem>>) dst(%dma_wait3A_361 : memref<10112x32xf32, #tpu.memory_space<vmem_shared>>)
      } else {
      }
      %add3A_292 = arith.constant 5 : i32
      %add3A_293 = arith.addi %add3A_274, %add3A_292 : i32
      %lt3A_294 = arith.constant 80 : i32
      %lt3A_295 = arith.cmpi slt, %add3A_293, %lt3A_294 : i32
      %convert_element_type3A_296 = arith.extui %lt3A_295 : i1 to i32
      %cond3A_297 = arith.constant 0 : i32
      %cond3A_298 = arith.cmpi ne, %convert_element_type3A_296, %cond3A_297 : i32
      scf.if %cond3A_298 {
        %add3A_355 = arith.constant 5 : i32
        %add3A_356 = arith.addi %add3A_274, %add3A_355 : i32
        %dma_start3A_357 = arith.constant 0 : i32
        %dma_start3A_358 = tpu.memref_slice %arg6[%add3A_356, %dma_start3A_357] : memref<80x128xi32, #tpu.memory_space<vmem>> -> memref<1x128xi32, #tpu.memory_space<vmem>>
        %dma_start3A_359 = tpu.memref_squeeze %dma_start3A_358 : memref<1x128xi32, #tpu.memory_space<vmem>> -> memref<128xi32, #tpu.memory_space<vmem>>
        %dma_start3A_360 = arith.constant 0 : i32
        %dma_start3A_361 = arith.constant 0 : i32
        %dma_start3A_362 = tpu.memref_slice %arg2[%dma_start3A_360, %dma_start3A_361] : memref<10112x32xf32, #tpu.memory_space<hbm>> -> memref<10112x32xf32, #tpu.memory_space<hbm>>
        tpu.enqueue_indirect_dma source(%dma_start3A_362 : memref<10112x32xf32, #tpu.memory_space<hbm>>) target(%arg10 : memref<128x32xf32, #tpu.memory_space<vmem>>) offsets(%dma_start3A_359 : memref<128xi32, #tpu.memory_space<vmem>>) semaphore(%arg21 : memref<!tpu.dma_semaphore, #tpu.memory_space<semaphore_mem>>)
      } else {
      }
      %mul3A_299 = arith.constant 10 : i32
      %mul3A_300 = arith.muli %mul3A_299, %scan3A_78 : i32
      %add3A_301 = arith.constant 8 : i32
      %add3A_302 = arith.addi %mul3A_300, %add3A_301 : i32
      %dma_wait3A_303 = arith.constant 0 : i32
      %dma_wait3A_304 = tpu.memref_slice %arg6[%add3A_302, %dma_wait3A_303] : memref<80x128xi32, #tpu.memory_space<vmem>> -> memref<1x128xi32, #tpu.memory_space<vmem>>
      %dma_wait3A_305 = tpu.memref_squeeze %dma_wait3A_304 : memref<1x128xi32, #tpu.memory_space<vmem>> -> memref<128xi32, #tpu.memory_space<vmem>>
      %dma_wait3A_306 = arith.constant 0 : i32
      %dma_wait3A_307 = arith.constant 0 : i32
      %dma_wait3A_308 = tpu.memref_slice %arg2[%dma_wait3A_306, %dma_wait3A_307] : memref<10112x32xf32, #tpu.memory_space<hbm>> -> memref<10112x32xf32, #tpu.memory_space<hbm>>
      tpu.wait_indirect_dma semaphore(%arg27 : memref<!tpu.dma_semaphore, #tpu.memory_space<semaphore_mem>>) src(%dma_wait3A_308 : memref<10112x32xf32, #tpu.memory_space<hbm>>) dst(%arg16 : memref<128x32xf32, #tpu.memory_space<vmem>>)
      %dma_start3A_309 = arith.constant 0 : i32
      %dma_start3A_310 = tpu.memref_slice %arg7[%add3A_302, %dma_start3A_309] : memref<80x128xi32, #tpu.memory_space<vmem>> -> memref<1x128xi32, #tpu.memory_space<vmem>>
      %dma_start3A_311 = tpu.memref_squeeze %dma_start3A_310 : memref<1x128xi32, #tpu.memory_space<vmem>> -> memref<128xi32, #tpu.memory_space<vmem>>
      %dma_start3A_312 = arith.constant 0 : i32
      %dma_start3A_313 = arith.constant 0 : i32
      %dma_start3A_314 = tpu.memref_slice %arg18[%dma_start3A_312, %dma_start3A_313] : memref<10112x32xf32, #tpu.memory_space<vmem_shared>> -> memref<10112x32xf32, #tpu.memory_space<vmem_shared>>
      tpu.enqueue_indirect_dma source(%arg16 : memref<128x32xf32, #tpu.memory_space<vmem>>) target(%dma_start3A_314 : memref<10112x32xf32, #tpu.memory_space<vmem_shared>>) offsets(%dma_start3A_311 : memref<128xi32, #tpu.memory_space<vmem>>) semaphore(%arg37 : memref<!tpu.dma_semaphore, #tpu.memory_space<semaphore_mem>>) {add = true}
      %ge3A_315 = arith.constant 5 : i32
      %ge3A_316 = arith.cmpi sge, %add3A_302, %ge3A_315 : i32
      %convert_element_type3A_317 = arith.extui %ge3A_316 : i1 to i32
      %cond3A_318 = arith.constant 0 : i32
      %cond3A_319 = arith.cmpi ne, %convert_element_type3A_317, %cond3A_318 : i32
      scf.if %cond3A_319 {
        %sub3A = arith.constant 5 : i32
        %sub3A_355 = arith.subi %add3A_302, %sub3A : i32
        %dma_wait3A_356 = arith.constant 0 : i32
        %dma_wait3A_357 = tpu.memref_slice %arg7[%sub3A_355, %dma_wait3A_356] : memref<80x128xi32, #tpu.memory_space<vmem>> -> memref<1x128xi32, #tpu.memory_space<vmem>>
        %dma_wait3A_358 = tpu.memref_squeeze %dma_wait3A_357 : memref<1x128xi32, #tpu.memory_space<vmem>> -> memref<128xi32, #tpu.memory_space<vmem>>
        %dma_wait3A_359 = arith.constant 0 : i32
        %dma_wait3A_360 = arith.constant 0 : i32
        %dma_wait3A_361 = tpu.memref_slice %arg18[%dma_wait3A_359, %dma_wait3A_360] : memref<10112x32xf32, #tpu.memory_space<vmem_shared>> -> memref<10112x32xf32, #tpu.memory_space<vmem_shared>>
        tpu.wait_indirect_dma semaphore(%arg32 : memref<!tpu.dma_semaphore, #tpu.memory_space<semaphore_mem>>) src(%arg11 : memref<128x32xf32, #tpu.memory_space<vmem>>) dst(%dma_wait3A_361 : memref<10112x32xf32, #tpu.memory_space<vmem_shared>>)
      } else {
      }
      %add3A_320 = arith.constant 5 : i32
      %add3A_321 = arith.addi %add3A_302, %add3A_320 : i32
      %lt3A_322 = arith.constant 80 : i32
      %lt3A_323 = arith.cmpi slt, %add3A_321, %lt3A_322 : i32
      %convert_element_type3A_324 = arith.extui %lt3A_323 : i1 to i32
      %cond3A_325 = arith.constant 0 : i32
      %cond3A_326 = arith.cmpi ne, %convert_element_type3A_324, %cond3A_325 : i32
      scf.if %cond3A_326 {
        %add3A_355 = arith.constant 5 : i32
        %add3A_356 = arith.addi %add3A_302, %add3A_355 : i32
        %dma_start3A_357 = arith.constant 0 : i32
        %dma_start3A_358 = tpu.memref_slice %arg6[%add3A_356, %dma_start3A_357] : memref<80x128xi32, #tpu.memory_space<vmem>> -> memref<1x128xi32, #tpu.memory_space<vmem>>
        %dma_start3A_359 = tpu.memref_squeeze %dma_start3A_358 : memref<1x128xi32, #tpu.memory_space<vmem>> -> memref<128xi32, #tpu.memory_space<vmem>>
        %dma_start3A_360 = arith.constant 0 : i32
        %dma_start3A_361 = arith.constant 0 : i32
        %dma_start3A_362 = tpu.memref_slice %arg2[%dma_start3A_360, %dma_start3A_361] : memref<10112x32xf32, #tpu.memory_space<hbm>> -> memref<10112x32xf32, #tpu.memory_space<hbm>>
        tpu.enqueue_indirect_dma source(%dma_start3A_362 : memref<10112x32xf32, #tpu.memory_space<hbm>>) target(%arg11 : memref<128x32xf32, #tpu.memory_space<vmem>>) offsets(%dma_start3A_359 : memref<128xi32, #tpu.memory_space<vmem>>) semaphore(%arg22 : memref<!tpu.dma_semaphore, #tpu.memory_space<semaphore_mem>>)
      } else {
      }
      %mul3A_327 = arith.constant 10 : i32
      %mul3A_328 = arith.muli %mul3A_327, %scan3A_78 : i32
      %add3A_329 = arith.constant 9 : i32
      %add3A_330 = arith.addi %mul3A_328, %add3A_329 : i32
      %dma_wait3A_331 = arith.constant 0 : i32
      %dma_wait3A_332 = tpu.memref_slice %arg6[%add3A_330, %dma_wait3A_331] : memref<80x128xi32, #tpu.memory_space<vmem>> -> memref<1x128xi32, #tpu.memory_space<vmem>>
      %dma_wait3A_333 = tpu.memref_squeeze %dma_wait3A_332 : memref<1x128xi32, #tpu.memory_space<vmem>> -> memref<128xi32, #tpu.memory_space<vmem>>
      %dma_wait3A_334 = arith.constant 0 : i32
      %dma_wait3A_335 = arith.constant 0 : i32
      %dma_wait3A_336 = tpu.memref_slice %arg2[%dma_wait3A_334, %dma_wait3A_335] : memref<10112x32xf32, #tpu.memory_space<hbm>> -> memref<10112x32xf32, #tpu.memory_space<hbm>>
      tpu.wait_indirect_dma semaphore(%arg28 : memref<!tpu.dma_semaphore, #tpu.memory_space<semaphore_mem>>) src(%dma_wait3A_336 : memref<10112x32xf32, #tpu.memory_space<hbm>>) dst(%arg17 : memref<128x32xf32, #tpu.memory_space<vmem>>)
      %dma_start3A_337 = arith.constant 0 : i32
      %dma_start3A_338 = tpu.memref_slice %arg7[%add3A_330, %dma_start3A_337] : memref<80x128xi32, #tpu.memory_space<vmem>> -> memref<1x128xi32, #tpu.memory_space<vmem>>
      %dma_start3A_339 = tpu.memref_squeeze %dma_start3A_338 : memref<1x128xi32, #tpu.memory_space<vmem>> -> memref<128xi32, #tpu.memory_space<vmem>>
      %dma_start3A_340 = arith.constant 0 : i32
      %dma_start3A_341 = arith.constant 0 : i32
      %dma_start3A_342 = tpu.memref_slice %arg18[%dma_start3A_340, %dma_start3A_341] : memref<10112x32xf32, #tpu.memory_space<vmem_shared>> -> memref<10112x32xf32, #tpu.memory_space<vmem_shared>>
      tpu.enqueue_indirect_dma source(%arg17 : memref<128x32xf32, #tpu.memory_space<vmem>>) target(%dma_start3A_342 : memref<10112x32xf32, #tpu.memory_space<vmem_shared>>) offsets(%dma_start3A_339 : memref<128xi32, #tpu.memory_space<vmem>>) semaphore(%arg38 : memref<!tpu.dma_semaphore, #tpu.memory_space<semaphore_mem>>) {add = true}
      %ge3A_343 = arith.constant 5 : i32
      %ge3A_344 = arith.cmpi sge, %add3A_330, %ge3A_343 : i32
      %convert_element_type3A_345 = arith.extui %ge3A_344 : i1 to i32
      %cond3A_346 = arith.constant 0 : i32
      %cond3A_347 = arith.cmpi ne, %convert_element_type3A_345, %cond3A_346 : i32
      scf.if %cond3A_347 {
        %sub3A = arith.constant 5 : i32
        %sub3A_355 = arith.subi %add3A_330, %sub3A : i32
        %dma_wait3A_356 = arith.constant 0 : i32
        %dma_wait3A_357 = tpu.memref_slice %arg7[%sub3A_355, %dma_wait3A_356] : memref<80x128xi32, #tpu.memory_space<vmem>> -> memref<1x128xi32, #tpu.memory_space<vmem>>
        %dma_wait3A_358 = tpu.memref_squeeze %dma_wait3A_357 : memref<1x128xi32, #tpu.memory_space<vmem>> -> memref<128xi32, #tpu.memory_space<vmem>>
        %dma_wait3A_359 = arith.constant 0 : i32
        %dma_wait3A_360 = arith.constant 0 : i32
        %dma_wait3A_361 = tpu.memref_slice %arg18[%dma_wait3A_359, %dma_wait3A_360] : memref<10112x32xf32, #tpu.memory_space<vmem_shared>> -> memref<10112x32xf32, #tpu.memory_space<vmem_shared>>
        tpu.wait_indirect_dma semaphore(%arg33 : memref<!tpu.dma_semaphore, #tpu.memory_space<semaphore_mem>>) src(%arg12 : memref<128x32xf32, #tpu.memory_space<vmem>>) dst(%dma_wait3A_361 : memref<10112x32xf32, #tpu.memory_space<vmem_shared>>)
      } else {
      }
      %add3A_348 = arith.constant 5 : i32
      %add3A_349 = arith.addi %add3A_330, %add3A_348 : i32
      %lt3A_350 = arith.constant 80 : i32
      %lt3A_351 = arith.cmpi slt, %add3A_349, %lt3A_350 : i32
      %convert_element_type3A_352 = arith.extui %lt3A_351 : i1 to i32
      %cond3A_353 = arith.constant 0 : i32
      %cond3A_354 = arith.cmpi ne, %convert_element_type3A_352, %cond3A_353 : i32
      scf.if %cond3A_354 {
        %add3A_355 = arith.constant 5 : i32
        %add3A_356 = arith.addi %add3A_330, %add3A_355 : i32
        %dma_start3A_357 = arith.constant 0 : i32
        %dma_start3A_358 = tpu.memref_slice %arg6[%add3A_356, %dma_start3A_357] : memref<80x128xi32, #tpu.memory_space<vmem>> -> memref<1x128xi32, #tpu.memory_space<vmem>>
        %dma_start3A_359 = tpu.memref_squeeze %dma_start3A_358 : memref<1x128xi32, #tpu.memory_space<vmem>> -> memref<128xi32, #tpu.memory_space<vmem>>
        %dma_start3A_360 = arith.constant 0 : i32
        %dma_start3A_361 = arith.constant 0 : i32
        %dma_start3A_362 = tpu.memref_slice %arg2[%dma_start3A_360, %dma_start3A_361] : memref<10112x32xf32, #tpu.memory_space<hbm>> -> memref<10112x32xf32, #tpu.memory_space<hbm>>
        tpu.enqueue_indirect_dma source(%dma_start3A_362 : memref<10112x32xf32, #tpu.memory_space<hbm>>) target(%arg12 : memref<128x32xf32, #tpu.memory_space<vmem>>) offsets(%dma_start3A_359 : memref<128xi32, #tpu.memory_space<vmem>>) semaphore(%arg23 : memref<!tpu.dma_semaphore, #tpu.memory_space<semaphore_mem>>)
      } else {
      }
    }
    %scan3A_42 = arith.constant 8 : i32
    %dma_wait3A = arith.constant 75 : i32
    %dma_wait3A_43 = arith.constant 0 : i32
    %dma_wait3A_44 = tpu.memref_slice %arg7[%dma_wait3A, %dma_wait3A_43] : memref<80x128xi32, #tpu.memory_space<vmem>> -> memref<1x128xi32, #tpu.memory_space<vmem>>
    %dma_wait3A_45 = tpu.memref_squeeze %dma_wait3A_44 : memref<1x128xi32, #tpu.memory_space<vmem>> -> memref<128xi32, #tpu.memory_space<vmem>>
    %dma_wait3A_46 = arith.constant 0 : i32
    %dma_wait3A_47 = arith.constant 0 : i32
    %dma_wait3A_48 = tpu.memref_slice %arg18[%dma_wait3A_46, %dma_wait3A_47] : memref<10112x32xf32, #tpu.memory_space<vmem_shared>> -> memref<10112x32xf32, #tpu.memory_space<vmem_shared>>
    tpu.wait_indirect_dma semaphore(%arg34 : memref<!tpu.dma_semaphore, #tpu.memory_space<semaphore_mem>>) src(%arg13 : memref<128x32xf32, #tpu.memory_space<vmem>>) dst(%dma_wait3A_48 : memref<10112x32xf32, #tpu.memory_space<vmem_shared>>)
    %dma_wait3A_49 = arith.constant 76 : i32
    %dma_wait3A_50 = arith.constant 0 : i32
    %dma_wait3A_51 = tpu.memref_slice %arg7[%dma_wait3A_49, %dma_wait3A_50] : memref<80x128xi32, #tpu.memory_space<vmem>> -> memref<1x128xi32, #tpu.memory_space<vmem>>
    %dma_wait3A_52 = tpu.memref_squeeze %dma_wait3A_51 : memref<1x128xi32, #tpu.memory_space<vmem>> -> memref<128xi32, #tpu.memory_space<vmem>>
    %dma_wait3A_53 = arith.constant 0 : i32
    %dma_wait3A_54 = arith.constant 0 : i32
    %dma_wait3A_55 = tpu.memref_slice %arg18[%dma_wait3A_53, %dma_wait3A_54] : memref<10112x32xf32, #tpu.memory_space<vmem_shared>> -> memref<10112x32xf32, #tpu.memory_space<vmem_shared>>
    tpu.wait_indirect_dma semaphore(%arg35 : memref<!tpu.dma_semaphore, #tpu.memory_space<semaphore_mem>>) src(%arg14 : memref<128x32xf32, #tpu.memory_space<vmem>>) dst(%dma_wait3A_55 : memref<10112x32xf32, #tpu.memory_space<vmem_shared>>)
    %dma_wait3A_56 = arith.constant 77 : i32
    %dma_wait3A_57 = arith.constant 0 : i32
    %dma_wait3A_58 = tpu.memref_slice %arg7[%dma_wait3A_56, %dma_wait3A_57] : memref<80x128xi32, #tpu.memory_space<vmem>> -> memref<1x128xi32, #tpu.memory_space<vmem>>
    %dma_wait3A_59 = tpu.memref_squeeze %dma_wait3A_58 : memref<1x128xi32, #tpu.memory_space<vmem>> -> memref<128xi32, #tpu.memory_space<vmem>>
    %dma_wait3A_60 = arith.constant 0 : i32
    %dma_wait3A_61 = arith.constant 0 : i32
    %dma_wait3A_62 = tpu.memref_slice %arg18[%dma_wait3A_60, %dma_wait3A_61] : memref<10112x32xf32, #tpu.memory_space<vmem_shared>> -> memref<10112x32xf32, #tpu.memory_space<vmem_shared>>
    tpu.wait_indirect_dma semaphore(%arg36 : memref<!tpu.dma_semaphore, #tpu.memory_space<semaphore_mem>>) src(%arg15 : memref<128x32xf32, #tpu.memory_space<vmem>>) dst(%dma_wait3A_62 : memref<10112x32xf32, #tpu.memory_space<vmem_shared>>)
    %dma_wait3A_63 = arith.constant 78 : i32
    %dma_wait3A_64 = arith.constant 0 : i32
    %dma_wait3A_65 = tpu.memref_slice %arg7[%dma_wait3A_63, %dma_wait3A_64] : memref<80x128xi32, #tpu.memory_space<vmem>> -> memref<1x128xi32, #tpu.memory_space<vmem>>
    %dma_wait3A_66 = tpu.memref_squeeze %dma_wait3A_65 : memref<1x128xi32, #tpu.memory_space<vmem>> -> memref<128xi32, #tpu.memory_space<vmem>>
    %dma_wait3A_67 = arith.constant 0 : i32
    %dma_wait3A_68 = arith.constant 0 : i32
    %dma_wait3A_69 = tpu.memref_slice %arg18[%dma_wait3A_67, %dma_wait3A_68] : memref<10112x32xf32, #tpu.memory_space<vmem_shared>> -> memref<10112x32xf32, #tpu.memory_space<vmem_shared>>
    tpu.wait_indirect_dma semaphore(%arg37 : memref<!tpu.dma_semaphore, #tpu.memory_space<semaphore_mem>>) src(%arg16 : memref<128x32xf32, #tpu.memory_space<vmem>>) dst(%dma_wait3A_69 : memref<10112x32xf32, #tpu.memory_space<vmem_shared>>)
    %dma_wait3A_70 = arith.constant 79 : i32
    %dma_wait3A_71 = arith.constant 0 : i32
    %dma_wait3A_72 = tpu.memref_slice %arg7[%dma_wait3A_70, %dma_wait3A_71] : memref<80x128xi32, #tpu.memory_space<vmem>> -> memref<1x128xi32, #tpu.memory_space<vmem>>
    %dma_wait3A_73 = tpu.memref_squeeze %dma_wait3A_72 : memref<1x128xi32, #tpu.memory_space<vmem>> -> memref<128xi32, #tpu.memory_space<vmem>>
    %dma_wait3A_74 = arith.constant 0 : i32
    %dma_wait3A_75 = arith.constant 0 : i32
    %dma_wait3A_76 = tpu.memref_slice %arg18[%dma_wait3A_74, %dma_wait3A_75] : memref<10112x32xf32, #tpu.memory_space<vmem_shared>> -> memref<10112x32xf32, #tpu.memory_space<vmem_shared>>
    tpu.wait_indirect_dma semaphore(%arg38 : memref<!tpu.dma_semaphore, #tpu.memory_space<semaphore_mem>>) src(%arg17 : memref<128x32xf32, #tpu.memory_space<vmem>>) dst(%dma_wait3A_76 : memref<10112x32xf32, #tpu.memory_space<vmem_shared>>)
    %barrier3A_77 = arith.constant 0 : index
    tpu.barrier barrier_id(%barrier3A_77)
    "tpu.region"() ({
      %run_scoped3A_78 = tpu.sem_alloc : memref<!tpu.dma_semaphore, #tpu.memory_space<semaphore_mem>>
      %dma_start3A_79 = arith.constant 0 : i32
      %dma_start3A_80 = tpu.memref_slice %arg5[%arg0, %mul3A_2, %dma_start3A_79] : memref<2x10112x32xf32, #tpu.memory_space<hbm>> -> memref<1x632x32xf32, #tpu.memory_space<hbm>>
      %dma_start3A_81 = tpu.memref_squeeze %dma_start3A_80 : memref<1x632x32xf32, #tpu.memory_space<hbm>> -> memref<632x32xf32, #tpu.memory_space<hbm>>
      %dma_start3A_82 = arith.constant 0 : i32
      %dma_start3A_83 = tpu.memref_slice %arg18[%mul3A_2, %dma_start3A_82] : memref<10112x32xf32, #tpu.memory_space<vmem_shared>> -> memref<632x32xf32, #tpu.memory_space<vmem_shared>>
      tpu.enqueue_dma source(%dma_start3A_83 : memref<632x32xf32, #tpu.memory_space<vmem_shared>>) target(%dma_start3A_81 : memref<632x32xf32, #tpu.memory_space<hbm>>) target_semaphore(%run_scoped3A_78 : memref<!tpu.dma_semaphore, #tpu.memory_space<semaphore_mem>>)
      %dma_wait3A_84 = arith.constant 0 : i32
      %dma_wait3A_85 = tpu.memref_slice %arg5[%arg0, %mul3A_2, %dma_wait3A_84] : memref<2x10112x32xf32, #tpu.memory_space<hbm>> -> memref<1x632x32xf32, #tpu.memory_space<hbm>>
      %dma_wait3A_86 = tpu.memref_squeeze %dma_wait3A_85 : memref<1x632x32xf32, #tpu.memory_space<hbm>> -> memref<632x32xf32, #tpu.memory_space<hbm>>
      %dma_wait3A_87 = arith.constant 0 : i32
      %dma_wait3A_88 = tpu.memref_slice %arg18[%mul3A_2, %dma_wait3A_87] : memref<10112x32xf32, #tpu.memory_space<vmem_shared>> -> memref<632x32xf32, #tpu.memory_space<vmem_shared>>
      tpu.wait_dma2 semaphore(%run_scoped3A_78 : memref<!tpu.dma_semaphore, #tpu.memory_space<semaphore_mem>>) src(%dma_wait3A_88 : memref<632x32xf32, #tpu.memory_space<vmem_shared>>) dst(%dma_wait3A_86 : memref<632x32xf32, #tpu.memory_space<hbm>>)
      tpu.yield
    }) : () -> ()
    return
  }
}

#map = affine_map<(d0, d1) -> (0, 0)>
#map1 = affine_map<(d0, d1) -> (0, 0, 0, 0)>
#map2 = affine_map<(d0, d1) -> (0, 0, 0)>
module attributes {stable_mosaic.version = 14 : i64} {
  func.func @_sc_prop(%arg0: i32, %arg1: i32, %arg2: memref<10112x32xf32, #tpu.memory_space<hbm>>, %arg3: memref<2x32x80x128xi32, #tpu.memory_space<hbm>>, %arg4: memref<10112x32xf32, #tpu.memory_space<hbm>>, %arg5: memref<2x10112x32xf32, #tpu.memory_space<hbm>>, %arg6: memref<80x128xi32, #tpu.memory_space<vmem>>, %arg7: memref<80x128xi32, #tpu.memory_space<vmem>>, %arg8: memref<128x32xf32, #tpu.memory_space<vmem>>, %arg9: memref<128x32xf32, #tpu.memory_space<vmem>>, %arg10: memref<128x32xf32, #tpu.memory_space<vmem>>, %arg11: memref<128x32xf32, #tpu.memory_space<vmem>>, %arg12: memref<128x32xf32, #tpu.memory_space<vmem>>, %arg13: memref<128x32xf32, #tpu.memory_space<vmem>>, %arg14: memref<128x32xf32, #tpu.memory_space<vmem>>, %arg15: memref<128x32xf32, #tpu.memory_space<vmem>>, %arg16: memref<128x32xf32, #tpu.memory_space<vmem>>, %arg17: memref<128x32xf32, #tpu.memory_space<vmem>>, %arg18: memref<10112x32xf32, #tpu.memory_space<vmem_shared>>, %arg19: memref<!tpu.dma_semaphore, #tpu.memory_space<semaphore_mem>>, %arg20: memref<!tpu.dma_semaphore, #tpu.memory_space<semaphore_mem>>, %arg21: memref<!tpu.dma_semaphore, #tpu.memory_space<semaphore_mem>>, %arg22: memref<!tpu.dma_semaphore, #tpu.memory_space<semaphore_mem>>, %arg23: memref<!tpu.dma_semaphore, #tpu.memory_space<semaphore_mem>>, %arg24: memref<!tpu.dma_semaphore, #tpu.memory_space<semaphore_mem>>, %arg25: memref<!tpu.dma_semaphore, #tpu.memory_space<semaphore_mem>>, %arg26: memref<!tpu.dma_semaphore, #tpu.memory_space<semaphore_mem>>, %arg27: memref<!tpu.dma_semaphore, #tpu.memory_space<semaphore_mem>>, %arg28: memref<!tpu.dma_semaphore, #tpu.memory_space<semaphore_mem>>, %arg29: memref<!tpu.dma_semaphore, #tpu.memory_space<semaphore_mem>>, %arg30: memref<!tpu.dma_semaphore, #tpu.memory_space<semaphore_mem>>, %arg31: memref<!tpu.dma_semaphore, #tpu.memory_space<semaphore_mem>>, %arg32: memref<!tpu.dma_semaphore, #tpu.memory_space<semaphore_mem>>, %arg33: memref<!tpu.dma_semaphore, #tpu.memory_space<semaphore_mem>>, %arg34: memref<!tpu.dma_semaphore, #tpu.memory_space<semaphore_mem>>, %arg35: memref<!tpu.dma_semaphore, #tpu.memory_space<semaphore_mem>>, %arg36: memref<!tpu.dma_semaphore, #tpu.memory_space<semaphore_mem>>, %arg37: memref<!tpu.dma_semaphore, #tpu.memory_space<semaphore_mem>>, %arg38: memref<!tpu.dma_semaphore, #tpu.memory_space<semaphore_mem>>) attributes {dimension_semantics = [#tpu.dimension_semantics<core_parallel>, #tpu.dimension_semantics<subcore_parallel>], iteration_bounds = array<i64: 2, 16>, scalar_prefetch = 0 : i64, scratch_operands = 33 : i64, tpu.core_type = #tpu.core_type<sc_vector_subcore>, window_params = [{transform_indices = #map}, {transform_indices = #map1}, {transform_indices = #map}, {transform_indices = #map2}]} {
    %mul3A = arith.constant 16 : i32
    %mul3A_0 = arith.muli %arg0, %mul3A : i32
    %add3A = arith.addi %mul3A_0, %arg1 : i32
    %mul3A_1 = arith.constant 632 : i32
    %mul3A_2 = arith.muli %arg1, %mul3A_1 : i32
    "tpu.region"() ({
      %run_scoped3A_78 = tpu.sem_alloc : memref<!tpu.dma_semaphore, #tpu.memory_space<semaphore_mem>>
      %dma_start3A_79 = arith.constant 0 : i32
      %dma_start3A_80 = tpu.memref_slice %arg18[%mul3A_2, %dma_start3A_79] : memref<10112x32xf32, #tpu.memory_space<vmem_shared>> -> memref<632x32xf32, #tpu.memory_space<vmem_shared>>
      %dma_start3A_81 = arith.constant 0 : i32
      %dma_start3A_82 = tpu.memref_slice %arg4[%mul3A_2, %dma_start3A_81] : memref<10112x32xf32, #tpu.memory_space<hbm>> -> memref<632x32xf32, #tpu.memory_space<hbm>>
      tpu.enqueue_dma source(%dma_start3A_82 : memref<632x32xf32, #tpu.memory_space<hbm>>) target(%dma_start3A_80 : memref<632x32xf32, #tpu.memory_space<vmem_shared>>) target_semaphore(%run_scoped3A_78 : memref<!tpu.dma_semaphore, #tpu.memory_space<semaphore_mem>>)
      %dma_wait3A_83 = arith.constant 0 : i32
      %dma_wait3A_84 = tpu.memref_slice %arg18[%mul3A_2, %dma_wait3A_83] : memref<10112x32xf32, #tpu.memory_space<vmem_shared>> -> memref<632x32xf32, #tpu.memory_space<vmem_shared>>
      %dma_wait3A_85 = arith.constant 0 : i32
      %dma_wait3A_86 = tpu.memref_slice %arg4[%mul3A_2, %dma_wait3A_85] : memref<10112x32xf32, #tpu.memory_space<hbm>> -> memref<632x32xf32, #tpu.memory_space<hbm>>
      tpu.wait_dma2 semaphore(%run_scoped3A_78 : memref<!tpu.dma_semaphore, #tpu.memory_space<semaphore_mem>>) src(%dma_wait3A_86 : memref<632x32xf32, #tpu.memory_space<hbm>>) dst(%dma_wait3A_84 : memref<632x32xf32, #tpu.memory_space<vmem_shared>>)
      tpu.yield
    }) : () -> ()
    %run_scoped3A = arith.constant 0 : i32
    "tpu.region"() ({
      %run_scoped3A_78 = tpu.sem_alloc : memref<!tpu.dma_semaphore, #tpu.memory_space<semaphore_mem>>
      %dma_start3A_79 = arith.constant 0 : i32
      %dma_start3A_80 = arith.constant 0 : i32
      %dma_start3A_81 = tpu.memref_slice %arg3[%run_scoped3A, %add3A, %dma_start3A_79, %dma_start3A_80] : memref<2x32x80x128xi32, #tpu.memory_space<hbm>> -> memref<1x1x80x128xi32, #tpu.memory_space<hbm>>
      %dma_start3A_82 = tpu.memref_squeeze %dma_start3A_81 : memref<1x1x80x128xi32, #tpu.memory_space<hbm>> -> memref<80x128xi32, #tpu.memory_space<hbm>>
      %dma_start3A_83 = arith.constant 0 : i32
      %dma_start3A_84 = arith.constant 0 : i32
      %dma_start3A_85 = tpu.memref_slice %arg3[%run_scoped3A, %add3A, %dma_start3A_83, %dma_start3A_84] : memref<2x32x80x128xi32, #tpu.memory_space<hbm>> -> memref<1x1x80x128xi32, #tpu.memory_space<hbm>>
      %dma_start3A_86 = tpu.memref_squeeze %dma_start3A_85 : memref<1x1x80x128xi32, #tpu.memory_space<hbm>> -> memref<80x128xi32, #tpu.memory_space<hbm>>
      tpu.enqueue_dma source(%dma_start3A_86 : memref<80x128xi32, #tpu.memory_space<hbm>>) target(%arg6 : memref<80x128xi32, #tpu.memory_space<vmem>>) target_semaphore(%run_scoped3A_78 : memref<!tpu.dma_semaphore, #tpu.memory_space<semaphore_mem>>)
      %dma_wait3A_87 = arith.constant 0 : i32
      %dma_wait3A_88 = arith.constant 0 : i32
      %dma_wait3A_89 = tpu.memref_slice %arg3[%run_scoped3A, %add3A, %dma_wait3A_87, %dma_wait3A_88] : memref<2x32x80x128xi32, #tpu.memory_space<hbm>> -> memref<1x1x80x128xi32, #tpu.memory_space<hbm>>
      %dma_wait3A_90 = tpu.memref_squeeze %dma_wait3A_89 : memref<1x1x80x128xi32, #tpu.memory_space<hbm>> -> memref<80x128xi32, #tpu.memory_space<hbm>>
      %dma_wait3A_91 = arith.constant 0 : i32
      %dma_wait3A_92 = arith.constant 0 : i32
      %dma_wait3A_93 = tpu.memref_slice %arg3[%run_scoped3A, %add3A, %dma_wait3A_91, %dma_wait3A_92] : memref<2x32x80x128xi32, #tpu.memory_space<hbm>> -> memref<1x1x80x128xi32, #tpu.memory_space<hbm>>
      %dma_wait3A_94 = tpu.memref_squeeze %dma_wait3A_93 : memref<1x1x80x128xi32, #tpu.memory_space<hbm>> -> memref<80x128xi32, #tpu.memory_space<hbm>>
      tpu.wait_dma2 semaphore(%run_scoped3A_78 : memref<!tpu.dma_semaphore, #tpu.memory_space<semaphore_mem>>) src(%dma_wait3A_94 : memref<80x128xi32, #tpu.memory_space<hbm>>) dst(%arg6 : memref<80x128xi32, #tpu.memory_space<vmem>>)
      tpu.yield
    }) : () -> ()
    %run_scoped3A_3 = arith.constant 1 : i32
    "tpu.region"() ({
      %run_scoped3A_78 = tpu.sem_alloc : memref<!tpu.dma_semaphore, #tpu.memory_space<semaphore_mem>>
      %dma_start3A_79 = arith.constant 0 : i32
      %dma_start3A_80 = arith.constant 0 : i32
      %dma_start3A_81 = tpu.memref_slice %arg3[%run_scoped3A_3, %add3A, %dma_start3A_79, %dma_start3A_80] : memref<2x32x80x128xi32, #tpu.memory_space<hbm>> -> memref<1x1x80x128xi32, #tpu.memory_space<hbm>>
      %dma_start3A_82 = tpu.memref_squeeze %dma_start3A_81 : memref<1x1x80x128xi32, #tpu.memory_space<hbm>> -> memref<80x128xi32, #tpu.memory_space<hbm>>
      %dma_start3A_83 = arith.constant 0 : i32
      %dma_start3A_84 = arith.constant 0 : i32
      %dma_start3A_85 = tpu.memref_slice %arg3[%run_scoped3A_3, %add3A, %dma_start3A_83, %dma_start3A_84] : memref<2x32x80x128xi32, #tpu.memory_space<hbm>> -> memref<1x1x80x128xi32, #tpu.memory_space<hbm>>
      %dma_start3A_86 = tpu.memref_squeeze %dma_start3A_85 : memref<1x1x80x128xi32, #tpu.memory_space<hbm>> -> memref<80x128xi32, #tpu.memory_space<hbm>>
      tpu.enqueue_dma source(%dma_start3A_86 : memref<80x128xi32, #tpu.memory_space<hbm>>) target(%arg7 : memref<80x128xi32, #tpu.memory_space<vmem>>) target_semaphore(%run_scoped3A_78 : memref<!tpu.dma_semaphore, #tpu.memory_space<semaphore_mem>>)
      %dma_wait3A_87 = arith.constant 0 : i32
      %dma_wait3A_88 = arith.constant 0 : i32
      %dma_wait3A_89 = tpu.memref_slice %arg3[%run_scoped3A_3, %add3A, %dma_wait3A_87, %dma_wait3A_88] : memref<2x32x80x128xi32, #tpu.memory_space<hbm>> -> memref<1x1x80x128xi32, #tpu.memory_space<hbm>>
      %dma_wait3A_90 = tpu.memref_squeeze %dma_wait3A_89 : memref<1x1x80x128xi32, #tpu.memory_space<hbm>> -> memref<80x128xi32, #tpu.memory_space<hbm>>
      %dma_wait3A_91 = arith.constant 0 : i32
      %dma_wait3A_92 = arith.constant 0 : i32
      %dma_wait3A_93 = tpu.memref_slice %arg3[%run_scoped3A_3, %add3A, %dma_wait3A_91, %dma_wait3A_92] : memref<2x32x80x128xi32, #tpu.memory_space<hbm>> -> memref<1x1x80x128xi32, #tpu.memory_space<hbm>>
      %dma_wait3A_94 = tpu.memref_squeeze %dma_wait3A_93 : memref<1x1x80x128xi32, #tpu.memory_space<hbm>> -> memref<80x128xi32, #tpu.memory_space<hbm>>
      tpu.wait_dma2 semaphore(%run_scoped3A_78 : memref<!tpu.dma_semaphore, #tpu.memory_space<semaphore_mem>>) src(%dma_wait3A_94 : memref<80x128xi32, #tpu.memory_space<hbm>>) dst(%arg7 : memref<80x128xi32, #tpu.memory_space<vmem>>)
      tpu.yield
    }) : () -> ()
    %barrier3A = arith.constant 0 : index
    tpu.barrier barrier_id(%barrier3A)
    %dma_start3A = arith.constant 0 : i32
    %dma_start3A_4 = arith.constant 0 : i32
    %dma_start3A_5 = tpu.memref_slice %arg6[%dma_start3A, %dma_start3A_4] : memref<80x128xi32, #tpu.memory_space<vmem>> -> memref<1x128xi32, #tpu.memory_space<vmem>>
    %dma_start3A_6 = tpu.memref_squeeze %dma_start3A_5 : memref<1x128xi32, #tpu.memory_space<vmem>> -> memref<128xi32, #tpu.memory_space<vmem>>
    %dma_start3A_7 = arith.constant 0 : i32
    %dma_start3A_8 = arith.constant 0 : i32
    %dma_start3A_9 = tpu.memref_slice %arg2[%dma_start3A_7, %dma_start3A_8] : memref<10112x32xf32, #tpu.memory_space<hbm>> -> memref<10112x32xf32, #tpu.memory_space<hbm>>
    tpu.enqueue_indirect_dma source(%dma_start3A_9 : memref<10112x32xf32, #tpu.memory_space<hbm>>) target(%arg8 : memref<128x32xf32, #tpu.memory_space<vmem>>) offsets(%dma_start3A_6 : memref<128xi32, #tpu.memory_space<vmem>>) semaphore(%arg19 : memref<!tpu.dma_semaphore, #tpu.memory_space<semaphore_mem>>)
    %dma_start3A_10 = arith.constant 1 : i32
    %dma_start3A_11 = arith.constant 0 : i32
    %dma_start3A_12 = tpu.memref_slice %arg6[%dma_start3A_10, %dma_start3A_11] : memref<80x128xi32, #tpu.memory_space<vmem>> -> memref<1x128xi32, #tpu.memory_space<vmem>>
    %dma_start3A_13 = tpu.memref_squeeze %dma_start3A_12 : memref<1x128xi32, #tpu.memory_space<vmem>> -> memref<128xi32, #tpu.memory_space<vmem>>
    %dma_start3A_14 = arith.constant 0 : i32
    %dma_start3A_15 = arith.constant 0 : i32
    %dma_start3A_16 = tpu.memref_slice %arg2[%dma_start3A_14, %dma_start3A_15] : memref<10112x32xf32, #tpu.memory_space<hbm>> -> memref<10112x32xf32, #tpu.memory_space<hbm>>
    tpu.enqueue_indirect_dma source(%dma_start3A_16 : memref<10112x32xf32, #tpu.memory_space<hbm>>) target(%arg9 : memref<128x32xf32, #tpu.memory_space<vmem>>) offsets(%dma_start3A_13 : memref<128xi32, #tpu.memory_space<vmem>>) semaphore(%arg20 : memref<!tpu.dma_semaphore, #tpu.memory_space<semaphore_mem>>)
    %dma_start3A_17 = arith.constant 2 : i32
    %dma_start3A_18 = arith.constant 0 : i32
    %dma_start3A_19 = tpu.memref_slice %arg6[%dma_start3A_17, %dma_start3A_18] : memref<80x128xi32, #tpu.memory_space<vmem>> -> memref<1x128xi32, #tpu.memory_space<vmem>>
    %dma_start3A_20 = tpu.memref_squeeze %dma_start3A_19 : memref<1x128xi32, #tpu.memory_space<vmem>> -> memref<128xi32, #tpu.memory_space<vmem>>
    %dma_start3A_21 = arith.constant 0 : i32
    %dma_start3A_22 = arith.constant 0 : i32
    %dma_start3A_23 = tpu.memref_slice %arg2[%dma_start3A_21, %dma_start3A_22] : memref<10112x32xf32, #tpu.memory_space<hbm>> -> memref<10112x32xf32, #tpu.memory_space<hbm>>
    tpu.enqueue_indirect_dma source(%dma_start3A_23 : memref<10112x32xf32, #tpu.memory_space<hbm>>) target(%arg10 : memref<128x32xf32, #tpu.memory_space<vmem>>) offsets(%dma_start3A_20 : memref<128xi32, #tpu.memory_space<vmem>>) semaphore(%arg21 : memref<!tpu.dma_semaphore, #tpu.memory_space<semaphore_mem>>)
    %dma_start3A_24 = arith.constant 3 : i32
    %dma_start3A_25 = arith.constant 0 : i32
    %dma_start3A_26 = tpu.memref_slice %arg6[%dma_start3A_24, %dma_start3A_25] : memref<80x128xi32, #tpu.memory_space<vmem>> -> memref<1x128xi32, #tpu.memory_space<vmem>>
    %dma_start3A_27 = tpu.memref_squeeze %dma_start3A_26 : memref<1x128xi32, #tpu.memory_space<vmem>> -> memref<128xi32, #tpu.memory_space<vmem>>
    %dma_start3A_28 = arith.constant 0 : i32
    %dma_start3A_29 = arith.constant 0 : i32
    %dma_start3A_30 = tpu.memref_slice %arg2[%dma_start3A_28, %dma_start3A_29] : memref<10112x32xf32, #tpu.memory_space<hbm>> -> memref<10112x32xf32, #tpu.memory_space<hbm>>
    tpu.enqueue_indirect_dma source(%dma_start3A_30 : memref<10112x32xf32, #tpu.memory_space<hbm>>) target(%arg11 : memref<128x32xf32, #tpu.memory_space<vmem>>) offsets(%dma_start3A_27 : memref<128xi32, #tpu.memory_space<vmem>>) semaphore(%arg22 : memref<!tpu.dma_semaphore, #tpu.memory_space<semaphore_mem>>)
    %dma_start3A_31 = arith.constant 4 : i32
    %dma_start3A_32 = arith.constant 0 : i32
    %dma_start3A_33 = tpu.memref_slice %arg6[%dma_start3A_31, %dma_start3A_32] : memref<80x128xi32, #tpu.memory_space<vmem>> -> memref<1x128xi32, #tpu.memory_space<vmem>>
    %dma_start3A_34 = tpu.memref_squeeze %dma_start3A_33 : memref<1x128xi32, #tpu.memory_space<vmem>> -> memref<128xi32, #tpu.memory_space<vmem>>
    %dma_start3A_35 = arith.constant 0 : i32
    %dma_start3A_36 = arith.constant 0 : i32
    %dma_start3A_37 = tpu.memref_slice %arg2[%dma_start3A_35, %dma_start3A_36] : memref<10112x32xf32, #tpu.memory_space<hbm>> -> memref<10112x32xf32, #tpu.memory_space<hbm>>
    tpu.enqueue_indirect_dma source(%dma_start3A_37 : memref<10112x32xf32, #tpu.memory_space<hbm>>) target(%arg12 : memref<128x32xf32, #tpu.memory_space<vmem>>) offsets(%dma_start3A_34 : memref<128xi32, #tpu.memory_space<vmem>>) semaphore(%arg23 : memref<!tpu.dma_semaphore, #tpu.memory_space<semaphore_mem>>)
    %scan3A = arith.constant 0 : i32
    %scan3A_38 = arith.constant 0 : i32
    %scan3A_39 = arith.constant 8 : i32
    %scan3A_40 = arith.addi %scan3A_38, %scan3A_39 : i32
    %scan3A_41 = arith.constant 1 : i32
    scf.for %scan3A_78 = %scan3A_38 to %scan3A_40 step %scan3A_41  : i32 {
      %mul3A_79 = arith.constant 10 : i32
      %mul3A_80 = arith.muli %mul3A_79, %scan3A_78 : i32
      %add3A_81 = arith.constant 0 : i32
      %add3A_82 = arith.addi %mul3A_80, %add3A_81 : i32
      %dma_wait3A_83 = arith.constant 0 : i32
      %dma_wait3A_84 = tpu.memref_slice %arg6[%add3A_82, %dma_wait3A_83] : memref<80x128xi32, #tpu.memory_space<vmem>> -> memref<1x128xi32, #tpu.memory_space<vmem>>
      %dma_wait3A_85 = tpu.memref_squeeze %dma_wait3A_84 : memref<1x128xi32, #tpu.memory_space<vmem>> -> memref<128xi32, #tpu.memory_space<vmem>>
      %dma_wait3A_86 = arith.constant 0 : i32
      %dma_wait3A_87 = arith.constant 0 : i32
      %dma_wait3A_88 = tpu.memref_slice %arg2[%dma_wait3A_86, %dma_wait3A_87] : memref<10112x32xf32, #tpu.memory_space<hbm>> -> memref<10112x32xf32, #tpu.memory_space<hbm>>
      tpu.wait_indirect_dma semaphore(%arg19 : memref<!tpu.dma_semaphore, #tpu.memory_space<semaphore_mem>>) src(%dma_wait3A_88 : memref<10112x32xf32, #tpu.memory_space<hbm>>) dst(%arg8 : memref<128x32xf32, #tpu.memory_space<vmem>>)
      %dma_start3A_89 = arith.constant 0 : i32
      %dma_start3A_90 = tpu.memref_slice %arg7[%add3A_82, %dma_start3A_89] : memref<80x128xi32, #tpu.memory_space<vmem>> -> memref<1x128xi32, #tpu.memory_space<vmem>>
      %dma_start3A_91 = tpu.memref_squeeze %dma_start3A_90 : memref<1x128xi32, #tpu.memory_space<vmem>> -> memref<128xi32, #tpu.memory_space<vmem>>
      %dma_start3A_92 = arith.constant 0 : i32
      %dma_start3A_93 = arith.constant 0 : i32
      %dma_start3A_94 = tpu.memref_slice %arg18[%dma_start3A_92, %dma_start3A_93] : memref<10112x32xf32, #tpu.memory_space<vmem_shared>> -> memref<10112x32xf32, #tpu.memory_space<vmem_shared>>
      tpu.enqueue_indirect_dma source(%arg8 : memref<128x32xf32, #tpu.memory_space<vmem>>) target(%dma_start3A_94 : memref<10112x32xf32, #tpu.memory_space<vmem_shared>>) offsets(%dma_start3A_91 : memref<128xi32, #tpu.memory_space<vmem>>) semaphore(%arg29 : memref<!tpu.dma_semaphore, #tpu.memory_space<semaphore_mem>>) {add = true}
      %ge3A = arith.constant 5 : i32
      %ge3A_95 = arith.cmpi sge, %add3A_82, %ge3A : i32
      %convert_element_type3A = arith.extui %ge3A_95 : i1 to i32
      %cond3A = arith.constant 0 : i32
      %cond3A_96 = arith.cmpi ne, %convert_element_type3A, %cond3A : i32
      scf.if %cond3A_96 {
        %sub3A = arith.constant 5 : i32
        %sub3A_355 = arith.subi %add3A_82, %sub3A : i32
        %dma_wait3A_356 = arith.constant 0 : i32
        %dma_wait3A_357 = tpu.memref_slice %arg7[%sub3A_355, %dma_wait3A_356] : memref<80x128xi32, #tpu.memory_space<vmem>> -> memref<1x128xi32, #tpu.memory_space<vmem>>
        %dma_wait3A_358 = tpu.memref_squeeze %dma_wait3A_357 : memref<1x128xi32, #tpu.memory_space<vmem>> -> memref<128xi32, #tpu.memory_space<vmem>>
        %dma_wait3A_359 = arith.constant 0 : i32
        %dma_wait3A_360 = arith.constant 0 : i32
        %dma_wait3A_361 = tpu.memref_slice %arg18[%dma_wait3A_359, %dma_wait3A_360] : memref<10112x32xf32, #tpu.memory_space<vmem_shared>> -> memref<10112x32xf32, #tpu.memory_space<vmem_shared>>
        tpu.wait_indirect_dma semaphore(%arg34 : memref<!tpu.dma_semaphore, #tpu.memory_space<semaphore_mem>>) src(%arg13 : memref<128x32xf32, #tpu.memory_space<vmem>>) dst(%dma_wait3A_361 : memref<10112x32xf32, #tpu.memory_space<vmem_shared>>)
      } else {
      }
      %add3A_97 = arith.constant 5 : i32
      %add3A_98 = arith.addi %add3A_82, %add3A_97 : i32
      %lt3A = arith.constant 80 : i32
      %lt3A_99 = arith.cmpi slt, %add3A_98, %lt3A : i32
      %convert_element_type3A_100 = arith.extui %lt3A_99 : i1 to i32
      %cond3A_101 = arith.constant 0 : i32
      %cond3A_102 = arith.cmpi ne, %convert_element_type3A_100, %cond3A_101 : i32
      scf.if %cond3A_102 {
        %add3A_355 = arith.constant 5 : i32
        %add3A_356 = arith.addi %add3A_82, %add3A_355 : i32
        %dma_start3A_357 = arith.constant 0 : i32
        %dma_start3A_358 = tpu.memref_slice %arg6[%add3A_356, %dma_start3A_357] : memref<80x128xi32, #tpu.memory_space<vmem>> -> memref<1x128xi32, #tpu.memory_space<vmem>>
        %dma_start3A_359 = tpu.memref_squeeze %dma_start3A_358 : memref<1x128xi32, #tpu.memory_space<vmem>> -> memref<128xi32, #tpu.memory_space<vmem>>
        %dma_start3A_360 = arith.constant 0 : i32
        %dma_start3A_361 = arith.constant 0 : i32
        %dma_start3A_362 = tpu.memref_slice %arg2[%dma_start3A_360, %dma_start3A_361] : memref<10112x32xf32, #tpu.memory_space<hbm>> -> memref<10112x32xf32, #tpu.memory_space<hbm>>
        tpu.enqueue_indirect_dma source(%dma_start3A_362 : memref<10112x32xf32, #tpu.memory_space<hbm>>) target(%arg13 : memref<128x32xf32, #tpu.memory_space<vmem>>) offsets(%dma_start3A_359 : memref<128xi32, #tpu.memory_space<vmem>>) semaphore(%arg24 : memref<!tpu.dma_semaphore, #tpu.memory_space<semaphore_mem>>)
      } else {
      }
      %mul3A_103 = arith.constant 10 : i32
      %mul3A_104 = arith.muli %mul3A_103, %scan3A_78 : i32
      %add3A_105 = arith.constant 1 : i32
      %add3A_106 = arith.addi %mul3A_104, %add3A_105 : i32
      %dma_wait3A_107 = arith.constant 0 : i32
      %dma_wait3A_108 = tpu.memref_slice %arg6[%add3A_106, %dma_wait3A_107] : memref<80x128xi32, #tpu.memory_space<vmem>> -> memref<1x128xi32, #tpu.memory_space<vmem>>
      %dma_wait3A_109 = tpu.memref_squeeze %dma_wait3A_108 : memref<1x128xi32, #tpu.memory_space<vmem>> -> memref<128xi32, #tpu.memory_space<vmem>>
      %dma_wait3A_110 = arith.constant 0 : i32
      %dma_wait3A_111 = arith.constant 0 : i32
      %dma_wait3A_112 = tpu.memref_slice %arg2[%dma_wait3A_110, %dma_wait3A_111] : memref<10112x32xf32, #tpu.memory_space<hbm>> -> memref<10112x32xf32, #tpu.memory_space<hbm>>
      tpu.wait_indirect_dma semaphore(%arg20 : memref<!tpu.dma_semaphore, #tpu.memory_space<semaphore_mem>>) src(%dma_wait3A_112 : memref<10112x32xf32, #tpu.memory_space<hbm>>) dst(%arg9 : memref<128x32xf32, #tpu.memory_space<vmem>>)
      %dma_start3A_113 = arith.constant 0 : i32
      %dma_start3A_114 = tpu.memref_slice %arg7[%add3A_106, %dma_start3A_113] : memref<80x128xi32, #tpu.memory_space<vmem>> -> memref<1x128xi32, #tpu.memory_space<vmem>>
      %dma_start3A_115 = tpu.memref_squeeze %dma_start3A_114 : memref<1x128xi32, #tpu.memory_space<vmem>> -> memref<128xi32, #tpu.memory_space<vmem>>
      %dma_start3A_116 = arith.constant 0 : i32
      %dma_start3A_117 = arith.constant 0 : i32
      %dma_start3A_118 = tpu.memref_slice %arg18[%dma_start3A_116, %dma_start3A_117] : memref<10112x32xf32, #tpu.memory_space<vmem_shared>> -> memref<10112x32xf32, #tpu.memory_space<vmem_shared>>
      tpu.enqueue_indirect_dma source(%arg9 : memref<128x32xf32, #tpu.memory_space<vmem>>) target(%dma_start3A_118 : memref<10112x32xf32, #tpu.memory_space<vmem_shared>>) offsets(%dma_start3A_115 : memref<128xi32, #tpu.memory_space<vmem>>) semaphore(%arg30 : memref<!tpu.dma_semaphore, #tpu.memory_space<semaphore_mem>>) {add = true}
      %ge3A_119 = arith.constant 5 : i32
      %ge3A_120 = arith.cmpi sge, %add3A_106, %ge3A_119 : i32
      %convert_element_type3A_121 = arith.extui %ge3A_120 : i1 to i32
      %cond3A_122 = arith.constant 0 : i32
      %cond3A_123 = arith.cmpi ne, %convert_element_type3A_121, %cond3A_122 : i32
      scf.if %cond3A_123 {
        %sub3A = arith.constant 5 : i32
        %sub3A_355 = arith.subi %add3A_106, %sub3A : i32
        %dma_wait3A_356 = arith.constant 0 : i32
        %dma_wait3A_357 = tpu.memref_slice %arg7[%sub3A_355, %dma_wait3A_356] : memref<80x128xi32, #tpu.memory_space<vmem>> -> memref<1x128xi32, #tpu.memory_space<vmem>>
        %dma_wait3A_358 = tpu.memref_squeeze %dma_wait3A_357 : memref<1x128xi32, #tpu.memory_space<vmem>> -> memref<128xi32, #tpu.memory_space<vmem>>
        %dma_wait3A_359 = arith.constant 0 : i32
        %dma_wait3A_360 = arith.constant 0 : i32
        %dma_wait3A_361 = tpu.memref_slice %arg18[%dma_wait3A_359, %dma_wait3A_360] : memref<10112x32xf32, #tpu.memory_space<vmem_shared>> -> memref<10112x32xf32, #tpu.memory_space<vmem_shared>>
        tpu.wait_indirect_dma semaphore(%arg35 : memref<!tpu.dma_semaphore, #tpu.memory_space<semaphore_mem>>) src(%arg14 : memref<128x32xf32, #tpu.memory_space<vmem>>) dst(%dma_wait3A_361 : memref<10112x32xf32, #tpu.memory_space<vmem_shared>>)
      } else {
      }
      %add3A_124 = arith.constant 5 : i32
      %add3A_125 = arith.addi %add3A_106, %add3A_124 : i32
      %lt3A_126 = arith.constant 80 : i32
      %lt3A_127 = arith.cmpi slt, %add3A_125, %lt3A_126 : i32
      %convert_element_type3A_128 = arith.extui %lt3A_127 : i1 to i32
      %cond3A_129 = arith.constant 0 : i32
      %cond3A_130 = arith.cmpi ne, %convert_element_type3A_128, %cond3A_129 : i32
      scf.if %cond3A_130 {
        %add3A_355 = arith.constant 5 : i32
        %add3A_356 = arith.addi %add3A_106, %add3A_355 : i32
        %dma_start3A_357 = arith.constant 0 : i32
        %dma_start3A_358 = tpu.memref_slice %arg6[%add3A_356, %dma_start3A_357] : memref<80x128xi32, #tpu.memory_space<vmem>> -> memref<1x128xi32, #tpu.memory_space<vmem>>
        %dma_start3A_359 = tpu.memref_squeeze %dma_start3A_358 : memref<1x128xi32, #tpu.memory_space<vmem>> -> memref<128xi32, #tpu.memory_space<vmem>>
        %dma_start3A_360 = arith.constant 0 : i32
        %dma_start3A_361 = arith.constant 0 : i32
        %dma_start3A_362 = tpu.memref_slice %arg2[%dma_start3A_360, %dma_start3A_361] : memref<10112x32xf32, #tpu.memory_space<hbm>> -> memref<10112x32xf32, #tpu.memory_space<hbm>>
        tpu.enqueue_indirect_dma source(%dma_start3A_362 : memref<10112x32xf32, #tpu.memory_space<hbm>>) target(%arg14 : memref<128x32xf32, #tpu.memory_space<vmem>>) offsets(%dma_start3A_359 : memref<128xi32, #tpu.memory_space<vmem>>) semaphore(%arg25 : memref<!tpu.dma_semaphore, #tpu.memory_space<semaphore_mem>>)
      } else {
      }
      %mul3A_131 = arith.constant 10 : i32
      %mul3A_132 = arith.muli %mul3A_131, %scan3A_78 : i32
      %add3A_133 = arith.constant 2 : i32
      %add3A_134 = arith.addi %mul3A_132, %add3A_133 : i32
      %dma_wait3A_135 = arith.constant 0 : i32
      %dma_wait3A_136 = tpu.memref_slice %arg6[%add3A_134, %dma_wait3A_135] : memref<80x128xi32, #tpu.memory_space<vmem>> -> memref<1x128xi32, #tpu.memory_space<vmem>>
      %dma_wait3A_137 = tpu.memref_squeeze %dma_wait3A_136 : memref<1x128xi32, #tpu.memory_space<vmem>> -> memref<128xi32, #tpu.memory_space<vmem>>
      %dma_wait3A_138 = arith.constant 0 : i32
      %dma_wait3A_139 = arith.constant 0 : i32
      %dma_wait3A_140 = tpu.memref_slice %arg2[%dma_wait3A_138, %dma_wait3A_139] : memref<10112x32xf32, #tpu.memory_space<hbm>> -> memref<10112x32xf32, #tpu.memory_space<hbm>>
      tpu.wait_indirect_dma semaphore(%arg21 : memref<!tpu.dma_semaphore, #tpu.memory_space<semaphore_mem>>) src(%dma_wait3A_140 : memref<10112x32xf32, #tpu.memory_space<hbm>>) dst(%arg10 : memref<128x32xf32, #tpu.memory_space<vmem>>)
      %dma_start3A_141 = arith.constant 0 : i32
      %dma_start3A_142 = tpu.memref_slice %arg7[%add3A_134, %dma_start3A_141] : memref<80x128xi32, #tpu.memory_space<vmem>> -> memref<1x128xi32, #tpu.memory_space<vmem>>
      %dma_start3A_143 = tpu.memref_squeeze %dma_start3A_142 : memref<1x128xi32, #tpu.memory_space<vmem>> -> memref<128xi32, #tpu.memory_space<vmem>>
      %dma_start3A_144 = arith.constant 0 : i32
      %dma_start3A_145 = arith.constant 0 : i32
      %dma_start3A_146 = tpu.memref_slice %arg18[%dma_start3A_144, %dma_start3A_145] : memref<10112x32xf32, #tpu.memory_space<vmem_shared>> -> memref<10112x32xf32, #tpu.memory_space<vmem_shared>>
      tpu.enqueue_indirect_dma source(%arg10 : memref<128x32xf32, #tpu.memory_space<vmem>>) target(%dma_start3A_146 : memref<10112x32xf32, #tpu.memory_space<vmem_shared>>) offsets(%dma_start3A_143 : memref<128xi32, #tpu.memory_space<vmem>>) semaphore(%arg31 : memref<!tpu.dma_semaphore, #tpu.memory_space<semaphore_mem>>) {add = true}
      %ge3A_147 = arith.constant 5 : i32
      %ge3A_148 = arith.cmpi sge, %add3A_134, %ge3A_147 : i32
      %convert_element_type3A_149 = arith.extui %ge3A_148 : i1 to i32
      %cond3A_150 = arith.constant 0 : i32
      %cond3A_151 = arith.cmpi ne, %convert_element_type3A_149, %cond3A_150 : i32
      scf.if %cond3A_151 {
        %sub3A = arith.constant 5 : i32
        %sub3A_355 = arith.subi %add3A_134, %sub3A : i32
        %dma_wait3A_356 = arith.constant 0 : i32
        %dma_wait3A_357 = tpu.memref_slice %arg7[%sub3A_355, %dma_wait3A_356] : memref<80x128xi32, #tpu.memory_space<vmem>> -> memref<1x128xi32, #tpu.memory_space<vmem>>
        %dma_wait3A_358 = tpu.memref_squeeze %dma_wait3A_357 : memref<1x128xi32, #tpu.memory_space<vmem>> -> memref<128xi32, #tpu.memory_space<vmem>>
        %dma_wait3A_359 = arith.constant 0 : i32
        %dma_wait3A_360 = arith.constant 0 : i32
        %dma_wait3A_361 = tpu.memref_slice %arg18[%dma_wait3A_359, %dma_wait3A_360] : memref<10112x32xf32, #tpu.memory_space<vmem_shared>> -> memref<10112x32xf32, #tpu.memory_space<vmem_shared>>
        tpu.wait_indirect_dma semaphore(%arg36 : memref<!tpu.dma_semaphore, #tpu.memory_space<semaphore_mem>>) src(%arg15 : memref<128x32xf32, #tpu.memory_space<vmem>>) dst(%dma_wait3A_361 : memref<10112x32xf32, #tpu.memory_space<vmem_shared>>)
      } else {
      }
      %add3A_152 = arith.constant 5 : i32
      %add3A_153 = arith.addi %add3A_134, %add3A_152 : i32
      %lt3A_154 = arith.constant 80 : i32
      %lt3A_155 = arith.cmpi slt, %add3A_153, %lt3A_154 : i32
      %convert_element_type3A_156 = arith.extui %lt3A_155 : i1 to i32
      %cond3A_157 = arith.constant 0 : i32
      %cond3A_158 = arith.cmpi ne, %convert_element_type3A_156, %cond3A_157 : i32
      scf.if %cond3A_158 {
        %add3A_355 = arith.constant 5 : i32
        %add3A_356 = arith.addi %add3A_134, %add3A_355 : i32
        %dma_start3A_357 = arith.constant 0 : i32
        %dma_start3A_358 = tpu.memref_slice %arg6[%add3A_356, %dma_start3A_357] : memref<80x128xi32, #tpu.memory_space<vmem>> -> memref<1x128xi32, #tpu.memory_space<vmem>>
        %dma_start3A_359 = tpu.memref_squeeze %dma_start3A_358 : memref<1x128xi32, #tpu.memory_space<vmem>> -> memref<128xi32, #tpu.memory_space<vmem>>
        %dma_start3A_360 = arith.constant 0 : i32
        %dma_start3A_361 = arith.constant 0 : i32
        %dma_start3A_362 = tpu.memref_slice %arg2[%dma_start3A_360, %dma_start3A_361] : memref<10112x32xf32, #tpu.memory_space<hbm>> -> memref<10112x32xf32, #tpu.memory_space<hbm>>
        tpu.enqueue_indirect_dma source(%dma_start3A_362 : memref<10112x32xf32, #tpu.memory_space<hbm>>) target(%arg15 : memref<128x32xf32, #tpu.memory_space<vmem>>) offsets(%dma_start3A_359 : memref<128xi32, #tpu.memory_space<vmem>>) semaphore(%arg26 : memref<!tpu.dma_semaphore, #tpu.memory_space<semaphore_mem>>)
      } else {
      }
      %mul3A_159 = arith.constant 10 : i32
      %mul3A_160 = arith.muli %mul3A_159, %scan3A_78 : i32
      %add3A_161 = arith.constant 3 : i32
      %add3A_162 = arith.addi %mul3A_160, %add3A_161 : i32
      %dma_wait3A_163 = arith.constant 0 : i32
      %dma_wait3A_164 = tpu.memref_slice %arg6[%add3A_162, %dma_wait3A_163] : memref<80x128xi32, #tpu.memory_space<vmem>> -> memref<1x128xi32, #tpu.memory_space<vmem>>
      %dma_wait3A_165 = tpu.memref_squeeze %dma_wait3A_164 : memref<1x128xi32, #tpu.memory_space<vmem>> -> memref<128xi32, #tpu.memory_space<vmem>>
      %dma_wait3A_166 = arith.constant 0 : i32
      %dma_wait3A_167 = arith.constant 0 : i32
      %dma_wait3A_168 = tpu.memref_slice %arg2[%dma_wait3A_166, %dma_wait3A_167] : memref<10112x32xf32, #tpu.memory_space<hbm>> -> memref<10112x32xf32, #tpu.memory_space<hbm>>
      tpu.wait_indirect_dma semaphore(%arg22 : memref<!tpu.dma_semaphore, #tpu.memory_space<semaphore_mem>>) src(%dma_wait3A_168 : memref<10112x32xf32, #tpu.memory_space<hbm>>) dst(%arg11 : memref<128x32xf32, #tpu.memory_space<vmem>>)
      %dma_start3A_169 = arith.constant 0 : i32
      %dma_start3A_170 = tpu.memref_slice %arg7[%add3A_162, %dma_start3A_169] : memref<80x128xi32, #tpu.memory_space<vmem>> -> memref<1x128xi32, #tpu.memory_space<vmem>>
      %dma_start3A_171 = tpu.memref_squeeze %dma_start3A_170 : memref<1x128xi32, #tpu.memory_space<vmem>> -> memref<128xi32, #tpu.memory_space<vmem>>
      %dma_start3A_172 = arith.constant 0 : i32
      %dma_start3A_173 = arith.constant 0 : i32
      %dma_start3A_174 = tpu.memref_slice %arg18[%dma_start3A_172, %dma_start3A_173] : memref<10112x32xf32, #tpu.memory_space<vmem_shared>> -> memref<10112x32xf32, #tpu.memory_space<vmem_shared>>
      tpu.enqueue_indirect_dma source(%arg11 : memref<128x32xf32, #tpu.memory_space<vmem>>) target(%dma_start3A_174 : memref<10112x32xf32, #tpu.memory_space<vmem_shared>>) offsets(%dma_start3A_171 : memref<128xi32, #tpu.memory_space<vmem>>) semaphore(%arg32 : memref<!tpu.dma_semaphore, #tpu.memory_space<semaphore_mem>>) {add = true}
      %ge3A_175 = arith.constant 5 : i32
      %ge3A_176 = arith.cmpi sge, %add3A_162, %ge3A_175 : i32
      %convert_element_type3A_177 = arith.extui %ge3A_176 : i1 to i32
      %cond3A_178 = arith.constant 0 : i32
      %cond3A_179 = arith.cmpi ne, %convert_element_type3A_177, %cond3A_178 : i32
      scf.if %cond3A_179 {
        %sub3A = arith.constant 5 : i32
        %sub3A_355 = arith.subi %add3A_162, %sub3A : i32
        %dma_wait3A_356 = arith.constant 0 : i32
        %dma_wait3A_357 = tpu.memref_slice %arg7[%sub3A_355, %dma_wait3A_356] : memref<80x128xi32, #tpu.memory_space<vmem>> -> memref<1x128xi32, #tpu.memory_space<vmem>>
        %dma_wait3A_358 = tpu.memref_squeeze %dma_wait3A_357 : memref<1x128xi32, #tpu.memory_space<vmem>> -> memref<128xi32, #tpu.memory_space<vmem>>
        %dma_wait3A_359 = arith.constant 0 : i32
        %dma_wait3A_360 = arith.constant 0 : i32
        %dma_wait3A_361 = tpu.memref_slice %arg18[%dma_wait3A_359, %dma_wait3A_360] : memref<10112x32xf32, #tpu.memory_space<vmem_shared>> -> memref<10112x32xf32, #tpu.memory_space<vmem_shared>>
        tpu.wait_indirect_dma semaphore(%arg37 : memref<!tpu.dma_semaphore, #tpu.memory_space<semaphore_mem>>) src(%arg16 : memref<128x32xf32, #tpu.memory_space<vmem>>) dst(%dma_wait3A_361 : memref<10112x32xf32, #tpu.memory_space<vmem_shared>>)
      } else {
      }
      %add3A_180 = arith.constant 5 : i32
      %add3A_181 = arith.addi %add3A_162, %add3A_180 : i32
      %lt3A_182 = arith.constant 80 : i32
      %lt3A_183 = arith.cmpi slt, %add3A_181, %lt3A_182 : i32
      %convert_element_type3A_184 = arith.extui %lt3A_183 : i1 to i32
      %cond3A_185 = arith.constant 0 : i32
      %cond3A_186 = arith.cmpi ne, %convert_element_type3A_184, %cond3A_185 : i32
      scf.if %cond3A_186 {
        %add3A_355 = arith.constant 5 : i32
        %add3A_356 = arith.addi %add3A_162, %add3A_355 : i32
        %dma_start3A_357 = arith.constant 0 : i32
        %dma_start3A_358 = tpu.memref_slice %arg6[%add3A_356, %dma_start3A_357] : memref<80x128xi32, #tpu.memory_space<vmem>> -> memref<1x128xi32, #tpu.memory_space<vmem>>
        %dma_start3A_359 = tpu.memref_squeeze %dma_start3A_358 : memref<1x128xi32, #tpu.memory_space<vmem>> -> memref<128xi32, #tpu.memory_space<vmem>>
        %dma_start3A_360 = arith.constant 0 : i32
        %dma_start3A_361 = arith.constant 0 : i32
        %dma_start3A_362 = tpu.memref_slice %arg2[%dma_start3A_360, %dma_start3A_361] : memref<10112x32xf32, #tpu.memory_space<hbm>> -> memref<10112x32xf32, #tpu.memory_space<hbm>>
        tpu.enqueue_indirect_dma source(%dma_start3A_362 : memref<10112x32xf32, #tpu.memory_space<hbm>>) target(%arg16 : memref<128x32xf32, #tpu.memory_space<vmem>>) offsets(%dma_start3A_359 : memref<128xi32, #tpu.memory_space<vmem>>) semaphore(%arg27 : memref<!tpu.dma_semaphore, #tpu.memory_space<semaphore_mem>>)
      } else {
      }
      %mul3A_187 = arith.constant 10 : i32
      %mul3A_188 = arith.muli %mul3A_187, %scan3A_78 : i32
      %add3A_189 = arith.constant 4 : i32
      %add3A_190 = arith.addi %mul3A_188, %add3A_189 : i32
      %dma_wait3A_191 = arith.constant 0 : i32
      %dma_wait3A_192 = tpu.memref_slice %arg6[%add3A_190, %dma_wait3A_191] : memref<80x128xi32, #tpu.memory_space<vmem>> -> memref<1x128xi32, #tpu.memory_space<vmem>>
      %dma_wait3A_193 = tpu.memref_squeeze %dma_wait3A_192 : memref<1x128xi32, #tpu.memory_space<vmem>> -> memref<128xi32, #tpu.memory_space<vmem>>
      %dma_wait3A_194 = arith.constant 0 : i32
      %dma_wait3A_195 = arith.constant 0 : i32
      %dma_wait3A_196 = tpu.memref_slice %arg2[%dma_wait3A_194, %dma_wait3A_195] : memref<10112x32xf32, #tpu.memory_space<hbm>> -> memref<10112x32xf32, #tpu.memory_space<hbm>>
      tpu.wait_indirect_dma semaphore(%arg23 : memref<!tpu.dma_semaphore, #tpu.memory_space<semaphore_mem>>) src(%dma_wait3A_196 : memref<10112x32xf32, #tpu.memory_space<hbm>>) dst(%arg12 : memref<128x32xf32, #tpu.memory_space<vmem>>)
      %dma_start3A_197 = arith.constant 0 : i32
      %dma_start3A_198 = tpu.memref_slice %arg7[%add3A_190, %dma_start3A_197] : memref<80x128xi32, #tpu.memory_space<vmem>> -> memref<1x128xi32, #tpu.memory_space<vmem>>
      %dma_start3A_199 = tpu.memref_squeeze %dma_start3A_198 : memref<1x128xi32, #tpu.memory_space<vmem>> -> memref<128xi32, #tpu.memory_space<vmem>>
      %dma_start3A_200 = arith.constant 0 : i32
      %dma_start3A_201 = arith.constant 0 : i32
      %dma_start3A_202 = tpu.memref_slice %arg18[%dma_start3A_200, %dma_start3A_201] : memref<10112x32xf32, #tpu.memory_space<vmem_shared>> -> memref<10112x32xf32, #tpu.memory_space<vmem_shared>>
      tpu.enqueue_indirect_dma source(%arg12 : memref<128x32xf32, #tpu.memory_space<vmem>>) target(%dma_start3A_202 : memref<10112x32xf32, #tpu.memory_space<vmem_shared>>) offsets(%dma_start3A_199 : memref<128xi32, #tpu.memory_space<vmem>>) semaphore(%arg33 : memref<!tpu.dma_semaphore, #tpu.memory_space<semaphore_mem>>) {add = true}
      %ge3A_203 = arith.constant 5 : i32
      %ge3A_204 = arith.cmpi sge, %add3A_190, %ge3A_203 : i32
      %convert_element_type3A_205 = arith.extui %ge3A_204 : i1 to i32
      %cond3A_206 = arith.constant 0 : i32
      %cond3A_207 = arith.cmpi ne, %convert_element_type3A_205, %cond3A_206 : i32
      scf.if %cond3A_207 {
        %sub3A = arith.constant 5 : i32
        %sub3A_355 = arith.subi %add3A_190, %sub3A : i32
        %dma_wait3A_356 = arith.constant 0 : i32
        %dma_wait3A_357 = tpu.memref_slice %arg7[%sub3A_355, %dma_wait3A_356] : memref<80x128xi32, #tpu.memory_space<vmem>> -> memref<1x128xi32, #tpu.memory_space<vmem>>
        %dma_wait3A_358 = tpu.memref_squeeze %dma_wait3A_357 : memref<1x128xi32, #tpu.memory_space<vmem>> -> memref<128xi32, #tpu.memory_space<vmem>>
        %dma_wait3A_359 = arith.constant 0 : i32
        %dma_wait3A_360 = arith.constant 0 : i32
        %dma_wait3A_361 = tpu.memref_slice %arg18[%dma_wait3A_359, %dma_wait3A_360] : memref<10112x32xf32, #tpu.memory_space<vmem_shared>> -> memref<10112x32xf32, #tpu.memory_space<vmem_shared>>
        tpu.wait_indirect_dma semaphore(%arg38 : memref<!tpu.dma_semaphore, #tpu.memory_space<semaphore_mem>>) src(%arg17 : memref<128x32xf32, #tpu.memory_space<vmem>>) dst(%dma_wait3A_361 : memref<10112x32xf32, #tpu.memory_space<vmem_shared>>)
      } else {
      }
      %add3A_208 = arith.constant 5 : i32
      %add3A_209 = arith.addi %add3A_190, %add3A_208 : i32
      %lt3A_210 = arith.constant 80 : i32
      %lt3A_211 = arith.cmpi slt, %add3A_209, %lt3A_210 : i32
      %convert_element_type3A_212 = arith.extui %lt3A_211 : i1 to i32
      %cond3A_213 = arith.constant 0 : i32
      %cond3A_214 = arith.cmpi ne, %convert_element_type3A_212, %cond3A_213 : i32
      scf.if %cond3A_214 {
        %add3A_355 = arith.constant 5 : i32
        %add3A_356 = arith.addi %add3A_190, %add3A_355 : i32
        %dma_start3A_357 = arith.constant 0 : i32
        %dma_start3A_358 = tpu.memref_slice %arg6[%add3A_356, %dma_start3A_357] : memref<80x128xi32, #tpu.memory_space<vmem>> -> memref<1x128xi32, #tpu.memory_space<vmem>>
        %dma_start3A_359 = tpu.memref_squeeze %dma_start3A_358 : memref<1x128xi32, #tpu.memory_space<vmem>> -> memref<128xi32, #tpu.memory_space<vmem>>
        %dma_start3A_360 = arith.constant 0 : i32
        %dma_start3A_361 = arith.constant 0 : i32
        %dma_start3A_362 = tpu.memref_slice %arg2[%dma_start3A_360, %dma_start3A_361] : memref<10112x32xf32, #tpu.memory_space<hbm>> -> memref<10112x32xf32, #tpu.memory_space<hbm>>
        tpu.enqueue_indirect_dma source(%dma_start3A_362 : memref<10112x32xf32, #tpu.memory_space<hbm>>) target(%arg17 : memref<128x32xf32, #tpu.memory_space<vmem>>) offsets(%dma_start3A_359 : memref<128xi32, #tpu.memory_space<vmem>>) semaphore(%arg28 : memref<!tpu.dma_semaphore, #tpu.memory_space<semaphore_mem>>)
      } else {
      }
      %mul3A_215 = arith.constant 10 : i32
      %mul3A_216 = arith.muli %mul3A_215, %scan3A_78 : i32
      %add3A_217 = arith.constant 5 : i32
      %add3A_218 = arith.addi %mul3A_216, %add3A_217 : i32
      %dma_wait3A_219 = arith.constant 0 : i32
      %dma_wait3A_220 = tpu.memref_slice %arg6[%add3A_218, %dma_wait3A_219] : memref<80x128xi32, #tpu.memory_space<vmem>> -> memref<1x128xi32, #tpu.memory_space<vmem>>
      %dma_wait3A_221 = tpu.memref_squeeze %dma_wait3A_220 : memref<1x128xi32, #tpu.memory_space<vmem>> -> memref<128xi32, #tpu.memory_space<vmem>>
      %dma_wait3A_222 = arith.constant 0 : i32
      %dma_wait3A_223 = arith.constant 0 : i32
      %dma_wait3A_224 = tpu.memref_slice %arg2[%dma_wait3A_222, %dma_wait3A_223] : memref<10112x32xf32, #tpu.memory_space<hbm>> -> memref<10112x32xf32, #tpu.memory_space<hbm>>
      tpu.wait_indirect_dma semaphore(%arg24 : memref<!tpu.dma_semaphore, #tpu.memory_space<semaphore_mem>>) src(%dma_wait3A_224 : memref<10112x32xf32, #tpu.memory_space<hbm>>) dst(%arg13 : memref<128x32xf32, #tpu.memory_space<vmem>>)
      %dma_start3A_225 = arith.constant 0 : i32
      %dma_start3A_226 = tpu.memref_slice %arg7[%add3A_218, %dma_start3A_225] : memref<80x128xi32, #tpu.memory_space<vmem>> -> memref<1x128xi32, #tpu.memory_space<vmem>>
      %dma_start3A_227 = tpu.memref_squeeze %dma_start3A_226 : memref<1x128xi32, #tpu.memory_space<vmem>> -> memref<128xi32, #tpu.memory_space<vmem>>
      %dma_start3A_228 = arith.constant 0 : i32
      %dma_start3A_229 = arith.constant 0 : i32
      %dma_start3A_230 = tpu.memref_slice %arg18[%dma_start3A_228, %dma_start3A_229] : memref<10112x32xf32, #tpu.memory_space<vmem_shared>> -> memref<10112x32xf32, #tpu.memory_space<vmem_shared>>
      tpu.enqueue_indirect_dma source(%arg13 : memref<128x32xf32, #tpu.memory_space<vmem>>) target(%dma_start3A_230 : memref<10112x32xf32, #tpu.memory_space<vmem_shared>>) offsets(%dma_start3A_227 : memref<128xi32, #tpu.memory_space<vmem>>) semaphore(%arg34 : memref<!tpu.dma_semaphore, #tpu.memory_space<semaphore_mem>>) {add = true}
      %ge3A_231 = arith.constant 5 : i32
      %ge3A_232 = arith.cmpi sge, %add3A_218, %ge3A_231 : i32
      %convert_element_type3A_233 = arith.extui %ge3A_232 : i1 to i32
      %cond3A_234 = arith.constant 0 : i32
      %cond3A_235 = arith.cmpi ne, %convert_element_type3A_233, %cond3A_234 : i32
      scf.if %cond3A_235 {
        %sub3A = arith.constant 5 : i32
        %sub3A_355 = arith.subi %add3A_218, %sub3A : i32
        %dma_wait3A_356 = arith.constant 0 : i32
        %dma_wait3A_357 = tpu.memref_slice %arg7[%sub3A_355, %dma_wait3A_356] : memref<80x128xi32, #tpu.memory_space<vmem>> -> memref<1x128xi32, #tpu.memory_space<vmem>>
        %dma_wait3A_358 = tpu.memref_squeeze %dma_wait3A_357 : memref<1x128xi32, #tpu.memory_space<vmem>> -> memref<128xi32, #tpu.memory_space<vmem>>
        %dma_wait3A_359 = arith.constant 0 : i32
        %dma_wait3A_360 = arith.constant 0 : i32
        %dma_wait3A_361 = tpu.memref_slice %arg18[%dma_wait3A_359, %dma_wait3A_360] : memref<10112x32xf32, #tpu.memory_space<vmem_shared>> -> memref<10112x32xf32, #tpu.memory_space<vmem_shared>>
        tpu.wait_indirect_dma semaphore(%arg29 : memref<!tpu.dma_semaphore, #tpu.memory_space<semaphore_mem>>) src(%arg8 : memref<128x32xf32, #tpu.memory_space<vmem>>) dst(%dma_wait3A_361 : memref<10112x32xf32, #tpu.memory_space<vmem_shared>>)
      } else {
      }
      %add3A_236 = arith.constant 5 : i32
      %add3A_237 = arith.addi %add3A_218, %add3A_236 : i32
      %lt3A_238 = arith.constant 80 : i32
      %lt3A_239 = arith.cmpi slt, %add3A_237, %lt3A_238 : i32
      %convert_element_type3A_240 = arith.extui %lt3A_239 : i1 to i32
      %cond3A_241 = arith.constant 0 : i32
      %cond3A_242 = arith.cmpi ne, %convert_element_type3A_240, %cond3A_241 : i32
      scf.if %cond3A_242 {
        %add3A_355 = arith.constant 5 : i32
        %add3A_356 = arith.addi %add3A_218, %add3A_355 : i32
        %dma_start3A_357 = arith.constant 0 : i32
        %dma_start3A_358 = tpu.memref_slice %arg6[%add3A_356, %dma_start3A_357] : memref<80x128xi32, #tpu.memory_space<vmem>> -> memref<1x128xi32, #tpu.memory_space<vmem>>
        %dma_start3A_359 = tpu.memref_squeeze %dma_start3A_358 : memref<1x128xi32, #tpu.memory_space<vmem>> -> memref<128xi32, #tpu.memory_space<vmem>>
        %dma_start3A_360 = arith.constant 0 : i32
        %dma_start3A_361 = arith.constant 0 : i32
        %dma_start3A_362 = tpu.memref_slice %arg2[%dma_start3A_360, %dma_start3A_361] : memref<10112x32xf32, #tpu.memory_space<hbm>> -> memref<10112x32xf32, #tpu.memory_space<hbm>>
        tpu.enqueue_indirect_dma source(%dma_start3A_362 : memref<10112x32xf32, #tpu.memory_space<hbm>>) target(%arg8 : memref<128x32xf32, #tpu.memory_space<vmem>>) offsets(%dma_start3A_359 : memref<128xi32, #tpu.memory_space<vmem>>) semaphore(%arg19 : memref<!tpu.dma_semaphore, #tpu.memory_space<semaphore_mem>>)
      } else {
      }
      %mul3A_243 = arith.constant 10 : i32
      %mul3A_244 = arith.muli %mul3A_243, %scan3A_78 : i32
      %add3A_245 = arith.constant 6 : i32
      %add3A_246 = arith.addi %mul3A_244, %add3A_245 : i32
      %dma_wait3A_247 = arith.constant 0 : i32
      %dma_wait3A_248 = tpu.memref_slice %arg6[%add3A_246, %dma_wait3A_247] : memref<80x128xi32, #tpu.memory_space<vmem>> -> memref<1x128xi32, #tpu.memory_space<vmem>>
      %dma_wait3A_249 = tpu.memref_squeeze %dma_wait3A_248 : memref<1x128xi32, #tpu.memory_space<vmem>> -> memref<128xi32, #tpu.memory_space<vmem>>
      %dma_wait3A_250 = arith.constant 0 : i32
      %dma_wait3A_251 = arith.constant 0 : i32
      %dma_wait3A_252 = tpu.memref_slice %arg2[%dma_wait3A_250, %dma_wait3A_251] : memref<10112x32xf32, #tpu.memory_space<hbm>> -> memref<10112x32xf32, #tpu.memory_space<hbm>>
      tpu.wait_indirect_dma semaphore(%arg25 : memref<!tpu.dma_semaphore, #tpu.memory_space<semaphore_mem>>) src(%dma_wait3A_252 : memref<10112x32xf32, #tpu.memory_space<hbm>>) dst(%arg14 : memref<128x32xf32, #tpu.memory_space<vmem>>)
      %dma_start3A_253 = arith.constant 0 : i32
      %dma_start3A_254 = tpu.memref_slice %arg7[%add3A_246, %dma_start3A_253] : memref<80x128xi32, #tpu.memory_space<vmem>> -> memref<1x128xi32, #tpu.memory_space<vmem>>
      %dma_start3A_255 = tpu.memref_squeeze %dma_start3A_254 : memref<1x128xi32, #tpu.memory_space<vmem>> -> memref<128xi32, #tpu.memory_space<vmem>>
      %dma_start3A_256 = arith.constant 0 : i32
      %dma_start3A_257 = arith.constant 0 : i32
      %dma_start3A_258 = tpu.memref_slice %arg18[%dma_start3A_256, %dma_start3A_257] : memref<10112x32xf32, #tpu.memory_space<vmem_shared>> -> memref<10112x32xf32, #tpu.memory_space<vmem_shared>>
      tpu.enqueue_indirect_dma source(%arg14 : memref<128x32xf32, #tpu.memory_space<vmem>>) target(%dma_start3A_258 : memref<10112x32xf32, #tpu.memory_space<vmem_shared>>) offsets(%dma_start3A_255 : memref<128xi32, #tpu.memory_space<vmem>>) semaphore(%arg35 : memref<!tpu.dma_semaphore, #tpu.memory_space<semaphore_mem>>) {add = true}
      %ge3A_259 = arith.constant 5 : i32
      %ge3A_260 = arith.cmpi sge, %add3A_246, %ge3A_259 : i32
      %convert_element_type3A_261 = arith.extui %ge3A_260 : i1 to i32
      %cond3A_262 = arith.constant 0 : i32
      %cond3A_263 = arith.cmpi ne, %convert_element_type3A_261, %cond3A_262 : i32
      scf.if %cond3A_263 {
        %sub3A = arith.constant 5 : i32
        %sub3A_355 = arith.subi %add3A_246, %sub3A : i32
        %dma_wait3A_356 = arith.constant 0 : i32
        %dma_wait3A_357 = tpu.memref_slice %arg7[%sub3A_355, %dma_wait3A_356] : memref<80x128xi32, #tpu.memory_space<vmem>> -> memref<1x128xi32, #tpu.memory_space<vmem>>
        %dma_wait3A_358 = tpu.memref_squeeze %dma_wait3A_357 : memref<1x128xi32, #tpu.memory_space<vmem>> -> memref<128xi32, #tpu.memory_space<vmem>>
        %dma_wait3A_359 = arith.constant 0 : i32
        %dma_wait3A_360 = arith.constant 0 : i32
        %dma_wait3A_361 = tpu.memref_slice %arg18[%dma_wait3A_359, %dma_wait3A_360] : memref<10112x32xf32, #tpu.memory_space<vmem_shared>> -> memref<10112x32xf32, #tpu.memory_space<vmem_shared>>
        tpu.wait_indirect_dma semaphore(%arg30 : memref<!tpu.dma_semaphore, #tpu.memory_space<semaphore_mem>>) src(%arg9 : memref<128x32xf32, #tpu.memory_space<vmem>>) dst(%dma_wait3A_361 : memref<10112x32xf32, #tpu.memory_space<vmem_shared>>)
      } else {
      }
      %add3A_264 = arith.constant 5 : i32
      %add3A_265 = arith.addi %add3A_246, %add3A_264 : i32
      %lt3A_266 = arith.constant 80 : i32
      %lt3A_267 = arith.cmpi slt, %add3A_265, %lt3A_266 : i32
      %convert_element_type3A_268 = arith.extui %lt3A_267 : i1 to i32
      %cond3A_269 = arith.constant 0 : i32
      %cond3A_270 = arith.cmpi ne, %convert_element_type3A_268, %cond3A_269 : i32
      scf.if %cond3A_270 {
        %add3A_355 = arith.constant 5 : i32
        %add3A_356 = arith.addi %add3A_246, %add3A_355 : i32
        %dma_start3A_357 = arith.constant 0 : i32
        %dma_start3A_358 = tpu.memref_slice %arg6[%add3A_356, %dma_start3A_357] : memref<80x128xi32, #tpu.memory_space<vmem>> -> memref<1x128xi32, #tpu.memory_space<vmem>>
        %dma_start3A_359 = tpu.memref_squeeze %dma_start3A_358 : memref<1x128xi32, #tpu.memory_space<vmem>> -> memref<128xi32, #tpu.memory_space<vmem>>
        %dma_start3A_360 = arith.constant 0 : i32
        %dma_start3A_361 = arith.constant 0 : i32
        %dma_start3A_362 = tpu.memref_slice %arg2[%dma_start3A_360, %dma_start3A_361] : memref<10112x32xf32, #tpu.memory_space<hbm>> -> memref<10112x32xf32, #tpu.memory_space<hbm>>
        tpu.enqueue_indirect_dma source(%dma_start3A_362 : memref<10112x32xf32, #tpu.memory_space<hbm>>) target(%arg9 : memref<128x32xf32, #tpu.memory_space<vmem>>) offsets(%dma_start3A_359 : memref<128xi32, #tpu.memory_space<vmem>>) semaphore(%arg20 : memref<!tpu.dma_semaphore, #tpu.memory_space<semaphore_mem>>)
      } else {
      }
      %mul3A_271 = arith.constant 10 : i32
      %mul3A_272 = arith.muli %mul3A_271, %scan3A_78 : i32
      %add3A_273 = arith.constant 7 : i32
      %add3A_274 = arith.addi %mul3A_272, %add3A_273 : i32
      %dma_wait3A_275 = arith.constant 0 : i32
      %dma_wait3A_276 = tpu.memref_slice %arg6[%add3A_274, %dma_wait3A_275] : memref<80x128xi32, #tpu.memory_space<vmem>> -> memref<1x128xi32, #tpu.memory_space<vmem>>
      %dma_wait3A_277 = tpu.memref_squeeze %dma_wait3A_276 : memref<1x128xi32, #tpu.memory_space<vmem>> -> memref<128xi32, #tpu.memory_space<vmem>>
      %dma_wait3A_278 = arith.constant 0 : i32
      %dma_wait3A_279 = arith.constant 0 : i32
      %dma_wait3A_280 = tpu.memref_slice %arg2[%dma_wait3A_278, %dma_wait3A_279] : memref<10112x32xf32, #tpu.memory_space<hbm>> -> memref<10112x32xf32, #tpu.memory_space<hbm>>
      tpu.wait_indirect_dma semaphore(%arg26 : memref<!tpu.dma_semaphore, #tpu.memory_space<semaphore_mem>>) src(%dma_wait3A_280 : memref<10112x32xf32, #tpu.memory_space<hbm>>) dst(%arg15 : memref<128x32xf32, #tpu.memory_space<vmem>>)
      %dma_start3A_281 = arith.constant 0 : i32
      %dma_start3A_282 = tpu.memref_slice %arg7[%add3A_274, %dma_start3A_281] : memref<80x128xi32, #tpu.memory_space<vmem>> -> memref<1x128xi32, #tpu.memory_space<vmem>>
      %dma_start3A_283 = tpu.memref_squeeze %dma_start3A_282 : memref<1x128xi32, #tpu.memory_space<vmem>> -> memref<128xi32, #tpu.memory_space<vmem>>
      %dma_start3A_284 = arith.constant 0 : i32
      %dma_start3A_285 = arith.constant 0 : i32
      %dma_start3A_286 = tpu.memref_slice %arg18[%dma_start3A_284, %dma_start3A_285] : memref<10112x32xf32, #tpu.memory_space<vmem_shared>> -> memref<10112x32xf32, #tpu.memory_space<vmem_shared>>
      tpu.enqueue_indirect_dma source(%arg15 : memref<128x32xf32, #tpu.memory_space<vmem>>) target(%dma_start3A_286 : memref<10112x32xf32, #tpu.memory_space<vmem_shared>>) offsets(%dma_start3A_283 : memref<128xi32, #tpu.memory_space<vmem>>) semaphore(%arg36 : memref<!tpu.dma_semaphore, #tpu.memory_space<semaphore_mem>>) {add = true}
      %ge3A_287 = arith.constant 5 : i32
      %ge3A_288 = arith.cmpi sge, %add3A_274, %ge3A_287 : i32
      %convert_element_type3A_289 = arith.extui %ge3A_288 : i1 to i32
      %cond3A_290 = arith.constant 0 : i32
      %cond3A_291 = arith.cmpi ne, %convert_element_type3A_289, %cond3A_290 : i32
      scf.if %cond3A_291 {
        %sub3A = arith.constant 5 : i32
        %sub3A_355 = arith.subi %add3A_274, %sub3A : i32
        %dma_wait3A_356 = arith.constant 0 : i32
        %dma_wait3A_357 = tpu.memref_slice %arg7[%sub3A_355, %dma_wait3A_356] : memref<80x128xi32, #tpu.memory_space<vmem>> -> memref<1x128xi32, #tpu.memory_space<vmem>>
        %dma_wait3A_358 = tpu.memref_squeeze %dma_wait3A_357 : memref<1x128xi32, #tpu.memory_space<vmem>> -> memref<128xi32, #tpu.memory_space<vmem>>
        %dma_wait3A_359 = arith.constant 0 : i32
        %dma_wait3A_360 = arith.constant 0 : i32
        %dma_wait3A_361 = tpu.memref_slice %arg18[%dma_wait3A_359, %dma_wait3A_360] : memref<10112x32xf32, #tpu.memory_space<vmem_shared>> -> memref<10112x32xf32, #tpu.memory_space<vmem_shared>>
        tpu.wait_indirect_dma semaphore(%arg31 : memref<!tpu.dma_semaphore, #tpu.memory_space<semaphore_mem>>) src(%arg10 : memref<128x32xf32, #tpu.memory_space<vmem>>) dst(%dma_wait3A_361 : memref<10112x32xf32, #tpu.memory_space<vmem_shared>>)
      } else {
      }
      %add3A_292 = arith.constant 5 : i32
      %add3A_293 = arith.addi %add3A_274, %add3A_292 : i32
      %lt3A_294 = arith.constant 80 : i32
      %lt3A_295 = arith.cmpi slt, %add3A_293, %lt3A_294 : i32
      %convert_element_type3A_296 = arith.extui %lt3A_295 : i1 to i32
      %cond3A_297 = arith.constant 0 : i32
      %cond3A_298 = arith.cmpi ne, %convert_element_type3A_296, %cond3A_297 : i32
      scf.if %cond3A_298 {
        %add3A_355 = arith.constant 5 : i32
        %add3A_356 = arith.addi %add3A_274, %add3A_355 : i32
        %dma_start3A_357 = arith.constant 0 : i32
        %dma_start3A_358 = tpu.memref_slice %arg6[%add3A_356, %dma_start3A_357] : memref<80x128xi32, #tpu.memory_space<vmem>> -> memref<1x128xi32, #tpu.memory_space<vmem>>
        %dma_start3A_359 = tpu.memref_squeeze %dma_start3A_358 : memref<1x128xi32, #tpu.memory_space<vmem>> -> memref<128xi32, #tpu.memory_space<vmem>>
        %dma_start3A_360 = arith.constant 0 : i32
        %dma_start3A_361 = arith.constant 0 : i32
        %dma_start3A_362 = tpu.memref_slice %arg2[%dma_start3A_360, %dma_start3A_361] : memref<10112x32xf32, #tpu.memory_space<hbm>> -> memref<10112x32xf32, #tpu.memory_space<hbm>>
        tpu.enqueue_indirect_dma source(%dma_start3A_362 : memref<10112x32xf32, #tpu.memory_space<hbm>>) target(%arg10 : memref<128x32xf32, #tpu.memory_space<vmem>>) offsets(%dma_start3A_359 : memref<128xi32, #tpu.memory_space<vmem>>) semaphore(%arg21 : memref<!tpu.dma_semaphore, #tpu.memory_space<semaphore_mem>>)
      } else {
      }
      %mul3A_299 = arith.constant 10 : i32
      %mul3A_300 = arith.muli %mul3A_299, %scan3A_78 : i32
      %add3A_301 = arith.constant 8 : i32
      %add3A_302 = arith.addi %mul3A_300, %add3A_301 : i32
      %dma_wait3A_303 = arith.constant 0 : i32
      %dma_wait3A_304 = tpu.memref_slice %arg6[%add3A_302, %dma_wait3A_303] : memref<80x128xi32, #tpu.memory_space<vmem>> -> memref<1x128xi32, #tpu.memory_space<vmem>>
      %dma_wait3A_305 = tpu.memref_squeeze %dma_wait3A_304 : memref<1x128xi32, #tpu.memory_space<vmem>> -> memref<128xi32, #tpu.memory_space<vmem>>
      %dma_wait3A_306 = arith.constant 0 : i32
      %dma_wait3A_307 = arith.constant 0 : i32
      %dma_wait3A_308 = tpu.memref_slice %arg2[%dma_wait3A_306, %dma_wait3A_307] : memref<10112x32xf32, #tpu.memory_space<hbm>> -> memref<10112x32xf32, #tpu.memory_space<hbm>>
      tpu.wait_indirect_dma semaphore(%arg27 : memref<!tpu.dma_semaphore, #tpu.memory_space<semaphore_mem>>) src(%dma_wait3A_308 : memref<10112x32xf32, #tpu.memory_space<hbm>>) dst(%arg16 : memref<128x32xf32, #tpu.memory_space<vmem>>)
      %dma_start3A_309 = arith.constant 0 : i32
      %dma_start3A_310 = tpu.memref_slice %arg7[%add3A_302, %dma_start3A_309] : memref<80x128xi32, #tpu.memory_space<vmem>> -> memref<1x128xi32, #tpu.memory_space<vmem>>
      %dma_start3A_311 = tpu.memref_squeeze %dma_start3A_310 : memref<1x128xi32, #tpu.memory_space<vmem>> -> memref<128xi32, #tpu.memory_space<vmem>>
      %dma_start3A_312 = arith.constant 0 : i32
      %dma_start3A_313 = arith.constant 0 : i32
      %dma_start3A_314 = tpu.memref_slice %arg18[%dma_start3A_312, %dma_start3A_313] : memref<10112x32xf32, #tpu.memory_space<vmem_shared>> -> memref<10112x32xf32, #tpu.memory_space<vmem_shared>>
      tpu.enqueue_indirect_dma source(%arg16 : memref<128x32xf32, #tpu.memory_space<vmem>>) target(%dma_start3A_314 : memref<10112x32xf32, #tpu.memory_space<vmem_shared>>) offsets(%dma_start3A_311 : memref<128xi32, #tpu.memory_space<vmem>>) semaphore(%arg37 : memref<!tpu.dma_semaphore, #tpu.memory_space<semaphore_mem>>) {add = true}
      %ge3A_315 = arith.constant 5 : i32
      %ge3A_316 = arith.cmpi sge, %add3A_302, %ge3A_315 : i32
      %convert_element_type3A_317 = arith.extui %ge3A_316 : i1 to i32
      %cond3A_318 = arith.constant 0 : i32
      %cond3A_319 = arith.cmpi ne, %convert_element_type3A_317, %cond3A_318 : i32
      scf.if %cond3A_319 {
        %sub3A = arith.constant 5 : i32
        %sub3A_355 = arith.subi %add3A_302, %sub3A : i32
        %dma_wait3A_356 = arith.constant 0 : i32
        %dma_wait3A_357 = tpu.memref_slice %arg7[%sub3A_355, %dma_wait3A_356] : memref<80x128xi32, #tpu.memory_space<vmem>> -> memref<1x128xi32, #tpu.memory_space<vmem>>
        %dma_wait3A_358 = tpu.memref_squeeze %dma_wait3A_357 : memref<1x128xi32, #tpu.memory_space<vmem>> -> memref<128xi32, #tpu.memory_space<vmem>>
        %dma_wait3A_359 = arith.constant 0 : i32
        %dma_wait3A_360 = arith.constant 0 : i32
        %dma_wait3A_361 = tpu.memref_slice %arg18[%dma_wait3A_359, %dma_wait3A_360] : memref<10112x32xf32, #tpu.memory_space<vmem_shared>> -> memref<10112x32xf32, #tpu.memory_space<vmem_shared>>
        tpu.wait_indirect_dma semaphore(%arg32 : memref<!tpu.dma_semaphore, #tpu.memory_space<semaphore_mem>>) src(%arg11 : memref<128x32xf32, #tpu.memory_space<vmem>>) dst(%dma_wait3A_361 : memref<10112x32xf32, #tpu.memory_space<vmem_shared>>)
      } else {
      }
      %add3A_320 = arith.constant 5 : i32
      %add3A_321 = arith.addi %add3A_302, %add3A_320 : i32
      %lt3A_322 = arith.constant 80 : i32
      %lt3A_323 = arith.cmpi slt, %add3A_321, %lt3A_322 : i32
      %convert_element_type3A_324 = arith.extui %lt3A_323 : i1 to i32
      %cond3A_325 = arith.constant 0 : i32
      %cond3A_326 = arith.cmpi ne, %convert_element_type3A_324, %cond3A_325 : i32
      scf.if %cond3A_326 {
        %add3A_355 = arith.constant 5 : i32
        %add3A_356 = arith.addi %add3A_302, %add3A_355 : i32
        %dma_start3A_357 = arith.constant 0 : i32
        %dma_start3A_358 = tpu.memref_slice %arg6[%add3A_356, %dma_start3A_357] : memref<80x128xi32, #tpu.memory_space<vmem>> -> memref<1x128xi32, #tpu.memory_space<vmem>>
        %dma_start3A_359 = tpu.memref_squeeze %dma_start3A_358 : memref<1x128xi32, #tpu.memory_space<vmem>> -> memref<128xi32, #tpu.memory_space<vmem>>
        %dma_start3A_360 = arith.constant 0 : i32
        %dma_start3A_361 = arith.constant 0 : i32
        %dma_start3A_362 = tpu.memref_slice %arg2[%dma_start3A_360, %dma_start3A_361] : memref<10112x32xf32, #tpu.memory_space<hbm>> -> memref<10112x32xf32, #tpu.memory_space<hbm>>
        tpu.enqueue_indirect_dma source(%dma_start3A_362 : memref<10112x32xf32, #tpu.memory_space<hbm>>) target(%arg11 : memref<128x32xf32, #tpu.memory_space<vmem>>) offsets(%dma_start3A_359 : memref<128xi32, #tpu.memory_space<vmem>>) semaphore(%arg22 : memref<!tpu.dma_semaphore, #tpu.memory_space<semaphore_mem>>)
      } else {
      }
      %mul3A_327 = arith.constant 10 : i32
      %mul3A_328 = arith.muli %mul3A_327, %scan3A_78 : i32
      %add3A_329 = arith.constant 9 : i32
      %add3A_330 = arith.addi %mul3A_328, %add3A_329 : i32
      %dma_wait3A_331 = arith.constant 0 : i32
      %dma_wait3A_332 = tpu.memref_slice %arg6[%add3A_330, %dma_wait3A_331] : memref<80x128xi32, #tpu.memory_space<vmem>> -> memref<1x128xi32, #tpu.memory_space<vmem>>
      %dma_wait3A_333 = tpu.memref_squeeze %dma_wait3A_332 : memref<1x128xi32, #tpu.memory_space<vmem>> -> memref<128xi32, #tpu.memory_space<vmem>>
      %dma_wait3A_334 = arith.constant 0 : i32
      %dma_wait3A_335 = arith.constant 0 : i32
      %dma_wait3A_336 = tpu.memref_slice %arg2[%dma_wait3A_334, %dma_wait3A_335] : memref<10112x32xf32, #tpu.memory_space<hbm>> -> memref<10112x32xf32, #tpu.memory_space<hbm>>
      tpu.wait_indirect_dma semaphore(%arg28 : memref<!tpu.dma_semaphore, #tpu.memory_space<semaphore_mem>>) src(%dma_wait3A_336 : memref<10112x32xf32, #tpu.memory_space<hbm>>) dst(%arg17 : memref<128x32xf32, #tpu.memory_space<vmem>>)
      %dma_start3A_337 = arith.constant 0 : i32
      %dma_start3A_338 = tpu.memref_slice %arg7[%add3A_330, %dma_start3A_337] : memref<80x128xi32, #tpu.memory_space<vmem>> -> memref<1x128xi32, #tpu.memory_space<vmem>>
      %dma_start3A_339 = tpu.memref_squeeze %dma_start3A_338 : memref<1x128xi32, #tpu.memory_space<vmem>> -> memref<128xi32, #tpu.memory_space<vmem>>
      %dma_start3A_340 = arith.constant 0 : i32
      %dma_start3A_341 = arith.constant 0 : i32
      %dma_start3A_342 = tpu.memref_slice %arg18[%dma_start3A_340, %dma_start3A_341] : memref<10112x32xf32, #tpu.memory_space<vmem_shared>> -> memref<10112x32xf32, #tpu.memory_space<vmem_shared>>
      tpu.enqueue_indirect_dma source(%arg17 : memref<128x32xf32, #tpu.memory_space<vmem>>) target(%dma_start3A_342 : memref<10112x32xf32, #tpu.memory_space<vmem_shared>>) offsets(%dma_start3A_339 : memref<128xi32, #tpu.memory_space<vmem>>) semaphore(%arg38 : memref<!tpu.dma_semaphore, #tpu.memory_space<semaphore_mem>>) {add = true}
      %ge3A_343 = arith.constant 5 : i32
      %ge3A_344 = arith.cmpi sge, %add3A_330, %ge3A_343 : i32
      %convert_element_type3A_345 = arith.extui %ge3A_344 : i1 to i32
      %cond3A_346 = arith.constant 0 : i32
      %cond3A_347 = arith.cmpi ne, %convert_element_type3A_345, %cond3A_346 : i32
      scf.if %cond3A_347 {
        %sub3A = arith.constant 5 : i32
        %sub3A_355 = arith.subi %add3A_330, %sub3A : i32
        %dma_wait3A_356 = arith.constant 0 : i32
        %dma_wait3A_357 = tpu.memref_slice %arg7[%sub3A_355, %dma_wait3A_356] : memref<80x128xi32, #tpu.memory_space<vmem>> -> memref<1x128xi32, #tpu.memory_space<vmem>>
        %dma_wait3A_358 = tpu.memref_squeeze %dma_wait3A_357 : memref<1x128xi32, #tpu.memory_space<vmem>> -> memref<128xi32, #tpu.memory_space<vmem>>
        %dma_wait3A_359 = arith.constant 0 : i32
        %dma_wait3A_360 = arith.constant 0 : i32
        %dma_wait3A_361 = tpu.memref_slice %arg18[%dma_wait3A_359, %dma_wait3A_360] : memref<10112x32xf32, #tpu.memory_space<vmem_shared>> -> memref<10112x32xf32, #tpu.memory_space<vmem_shared>>
        tpu.wait_indirect_dma semaphore(%arg33 : memref<!tpu.dma_semaphore, #tpu.memory_space<semaphore_mem>>) src(%arg12 : memref<128x32xf32, #tpu.memory_space<vmem>>) dst(%dma_wait3A_361 : memref<10112x32xf32, #tpu.memory_space<vmem_shared>>)
      } else {
      }
      %add3A_348 = arith.constant 5 : i32
      %add3A_349 = arith.addi %add3A_330, %add3A_348 : i32
      %lt3A_350 = arith.constant 80 : i32
      %lt3A_351 = arith.cmpi slt, %add3A_349, %lt3A_350 : i32
      %convert_element_type3A_352 = arith.extui %lt3A_351 : i1 to i32
      %cond3A_353 = arith.constant 0 : i32
      %cond3A_354 = arith.cmpi ne, %convert_element_type3A_352, %cond3A_353 : i32
      scf.if %cond3A_354 {
        %add3A_355 = arith.constant 5 : i32
        %add3A_356 = arith.addi %add3A_330, %add3A_355 : i32
        %dma_start3A_357 = arith.constant 0 : i32
        %dma_start3A_358 = tpu.memref_slice %arg6[%add3A_356, %dma_start3A_357] : memref<80x128xi32, #tpu.memory_space<vmem>> -> memref<1x128xi32, #tpu.memory_space<vmem>>
        %dma_start3A_359 = tpu.memref_squeeze %dma_start3A_358 : memref<1x128xi32, #tpu.memory_space<vmem>> -> memref<128xi32, #tpu.memory_space<vmem>>
        %dma_start3A_360 = arith.constant 0 : i32
        %dma_start3A_361 = arith.constant 0 : i32
        %dma_start3A_362 = tpu.memref_slice %arg2[%dma_start3A_360, %dma_start3A_361] : memref<10112x32xf32, #tpu.memory_space<hbm>> -> memref<10112x32xf32, #tpu.memory_space<hbm>>
        tpu.enqueue_indirect_dma source(%dma_start3A_362 : memref<10112x32xf32, #tpu.memory_space<hbm>>) target(%arg12 : memref<128x32xf32, #tpu.memory_space<vmem>>) offsets(%dma_start3A_359 : memref<128xi32, #tpu.memory_space<vmem>>) semaphore(%arg23 : memref<!tpu.dma_semaphore, #tpu.memory_space<semaphore_mem>>)
      } else {
      }
    }
    %scan3A_42 = arith.constant 8 : i32
    %dma_wait3A = arith.constant 75 : i32
    %dma_wait3A_43 = arith.constant 0 : i32
    %dma_wait3A_44 = tpu.memref_slice %arg7[%dma_wait3A, %dma_wait3A_43] : memref<80x128xi32, #tpu.memory_space<vmem>> -> memref<1x128xi32, #tpu.memory_space<vmem>>
    %dma_wait3A_45 = tpu.memref_squeeze %dma_wait3A_44 : memref<1x128xi32, #tpu.memory_space<vmem>> -> memref<128xi32, #tpu.memory_space<vmem>>
    %dma_wait3A_46 = arith.constant 0 : i32
    %dma_wait3A_47 = arith.constant 0 : i32
    %dma_wait3A_48 = tpu.memref_slice %arg18[%dma_wait3A_46, %dma_wait3A_47] : memref<10112x32xf32, #tpu.memory_space<vmem_shared>> -> memref<10112x32xf32, #tpu.memory_space<vmem_shared>>
    tpu.wait_indirect_dma semaphore(%arg34 : memref<!tpu.dma_semaphore, #tpu.memory_space<semaphore_mem>>) src(%arg13 : memref<128x32xf32, #tpu.memory_space<vmem>>) dst(%dma_wait3A_48 : memref<10112x32xf32, #tpu.memory_space<vmem_shared>>)
    %dma_wait3A_49 = arith.constant 76 : i32
    %dma_wait3A_50 = arith.constant 0 : i32
    %dma_wait3A_51 = tpu.memref_slice %arg7[%dma_wait3A_49, %dma_wait3A_50] : memref<80x128xi32, #tpu.memory_space<vmem>> -> memref<1x128xi32, #tpu.memory_space<vmem>>
    %dma_wait3A_52 = tpu.memref_squeeze %dma_wait3A_51 : memref<1x128xi32, #tpu.memory_space<vmem>> -> memref<128xi32, #tpu.memory_space<vmem>>
    %dma_wait3A_53 = arith.constant 0 : i32
    %dma_wait3A_54 = arith.constant 0 : i32
    %dma_wait3A_55 = tpu.memref_slice %arg18[%dma_wait3A_53, %dma_wait3A_54] : memref<10112x32xf32, #tpu.memory_space<vmem_shared>> -> memref<10112x32xf32, #tpu.memory_space<vmem_shared>>
    tpu.wait_indirect_dma semaphore(%arg35 : memref<!tpu.dma_semaphore, #tpu.memory_space<semaphore_mem>>) src(%arg14 : memref<128x32xf32, #tpu.memory_space<vmem>>) dst(%dma_wait3A_55 : memref<10112x32xf32, #tpu.memory_space<vmem_shared>>)
    %dma_wait3A_56 = arith.constant 77 : i32
    %dma_wait3A_57 = arith.constant 0 : i32
    %dma_wait3A_58 = tpu.memref_slice %arg7[%dma_wait3A_56, %dma_wait3A_57] : memref<80x128xi32, #tpu.memory_space<vmem>> -> memref<1x128xi32, #tpu.memory_space<vmem>>
    %dma_wait3A_59 = tpu.memref_squeeze %dma_wait3A_58 : memref<1x128xi32, #tpu.memory_space<vmem>> -> memref<128xi32, #tpu.memory_space<vmem>>
    %dma_wait3A_60 = arith.constant 0 : i32
    %dma_wait3A_61 = arith.constant 0 : i32
    %dma_wait3A_62 = tpu.memref_slice %arg18[%dma_wait3A_60, %dma_wait3A_61] : memref<10112x32xf32, #tpu.memory_space<vmem_shared>> -> memref<10112x32xf32, #tpu.memory_space<vmem_shared>>
    tpu.wait_indirect_dma semaphore(%arg36 : memref<!tpu.dma_semaphore, #tpu.memory_space<semaphore_mem>>) src(%arg15 : memref<128x32xf32, #tpu.memory_space<vmem>>) dst(%dma_wait3A_62 : memref<10112x32xf32, #tpu.memory_space<vmem_shared>>)
    %dma_wait3A_63 = arith.constant 78 : i32
    %dma_wait3A_64 = arith.constant 0 : i32
    %dma_wait3A_65 = tpu.memref_slice %arg7[%dma_wait3A_63, %dma_wait3A_64] : memref<80x128xi32, #tpu.memory_space<vmem>> -> memref<1x128xi32, #tpu.memory_space<vmem>>
    %dma_wait3A_66 = tpu.memref_squeeze %dma_wait3A_65 : memref<1x128xi32, #tpu.memory_space<vmem>> -> memref<128xi32, #tpu.memory_space<vmem>>
    %dma_wait3A_67 = arith.constant 0 : i32
    %dma_wait3A_68 = arith.constant 0 : i32
    %dma_wait3A_69 = tpu.memref_slice %arg18[%dma_wait3A_67, %dma_wait3A_68] : memref<10112x32xf32, #tpu.memory_space<vmem_shared>> -> memref<10112x32xf32, #tpu.memory_space<vmem_shared>>
    tpu.wait_indirect_dma semaphore(%arg37 : memref<!tpu.dma_semaphore, #tpu.memory_space<semaphore_mem>>) src(%arg16 : memref<128x32xf32, #tpu.memory_space<vmem>>) dst(%dma_wait3A_69 : memref<10112x32xf32, #tpu.memory_space<vmem_shared>>)
    %dma_wait3A_70 = arith.constant 79 : i32
    %dma_wait3A_71 = arith.constant 0 : i32
    %dma_wait3A_72 = tpu.memref_slice %arg7[%dma_wait3A_70, %dma_wait3A_71] : memref<80x128xi32, #tpu.memory_space<vmem>> -> memref<1x128xi32, #tpu.memory_space<vmem>>
    %dma_wait3A_73 = tpu.memref_squeeze %dma_wait3A_72 : memref<1x128xi32, #tpu.memory_space<vmem>> -> memref<128xi32, #tpu.memory_space<vmem>>
    %dma_wait3A_74 = arith.constant 0 : i32
    %dma_wait3A_75 = arith.constant 0 : i32
    %dma_wait3A_76 = tpu.memref_slice %arg18[%dma_wait3A_74, %dma_wait3A_75] : memref<10112x32xf32, #tpu.memory_space<vmem_shared>> -> memref<10112x32xf32, #tpu.memory_space<vmem_shared>>
    tpu.wait_indirect_dma semaphore(%arg38 : memref<!tpu.dma_semaphore, #tpu.memory_space<semaphore_mem>>) src(%arg17 : memref<128x32xf32, #tpu.memory_space<vmem>>) dst(%dma_wait3A_76 : memref<10112x32xf32, #tpu.memory_space<vmem_shared>>)
    %barrier3A_77 = arith.constant 0 : index
    tpu.barrier barrier_id(%barrier3A_77)
    "tpu.region"() ({
      %run_scoped3A_78 = tpu.sem_alloc : memref<!tpu.dma_semaphore, #tpu.memory_space<semaphore_mem>>
      %dma_start3A_79 = arith.constant 0 : i32
      %dma_start3A_80 = tpu.memref_slice %arg5[%arg0, %mul3A_2, %dma_start3A_79] : memref<2x10112x32xf32, #tpu.memory_space<hbm>> -> memref<1x632x32xf32, #tpu.memory_space<hbm>>
      %dma_start3A_81 = tpu.memref_squeeze %dma_start3A_80 : memref<1x632x32xf32, #tpu.memory_space<hbm>> -> memref<632x32xf32, #tpu.memory_space<hbm>>
      %dma_start3A_82 = arith.constant 0 : i32
      %dma_start3A_83 = tpu.memref_slice %arg18[%mul3A_2, %dma_start3A_82] : memref<10112x32xf32, #tpu.memory_space<vmem_shared>> -> memref<632x32xf32, #tpu.memory_space<vmem_shared>>
      tpu.enqueue_dma source(%dma_start3A_83 : memref<632x32xf32, #tpu.memory_space<vmem_shared>>) target(%dma_start3A_81 : memref<632x32xf32, #tpu.memory_space<hbm>>) target_semaphore(%run_scoped3A_78 : memref<!tpu.dma_semaphore, #tpu.memory_space<semaphore_mem>>)
      %dma_wait3A_84 = arith.constant 0 : i32
      %dma_wait3A_85 = tpu.memref_slice %arg5[%arg0, %mul3A_2, %dma_wait3A_84] : memref<2x10112x32xf32, #tpu.memory_space<hbm>> -> memref<1x632x32xf32, #tpu.memory_space<hbm>>
      %dma_wait3A_86 = tpu.memref_squeeze %dma_wait3A_85 : memref<1x632x32xf32, #tpu.memory_space<hbm>> -> memref<632x32xf32, #tpu.memory_space<hbm>>
      %dma_wait3A_87 = arith.constant 0 : i32
      %dma_wait3A_88 = tpu.memref_slice %arg18[%mul3A_2, %dma_wait3A_87] : memref<10112x32xf32, #tpu.memory_space<vmem_shared>> -> memref<632x32xf32, #tpu.memory_space<vmem_shared>>
      tpu.wait_dma2 semaphore(%run_scoped3A_78 : memref<!tpu.dma_semaphore, #tpu.memory_space<semaphore_mem>>) src(%dma_wait3A_88 : memref<632x32xf32, #tpu.memory_space<vmem_shared>>) dst(%dma_wait3A_86 : memref<632x32xf32, #tpu.memory_space<hbm>>)
      tpu.yield
    }) : () -> ()
    return
  }
}

module attributes {stable_mosaic.version = 14 : i64} {
  func.func @_tc1a_body(%arg0: i32, %arg1: memref<632x512xf32, #tpu.memory_space<vmem>>, %arg2: memref<128x128xf32, #tpu.memory_space<vmem>>, %arg3: memref<128x32xf32, #tpu.memory_space<vmem>>, %arg4: memref<632x128xf32, #tpu.memory_space<vmem>>) attributes {dimension_semantics = [#tpu.dimension_semantics<arbitrary>], iteration_bounds = array<i64: 4>, scalar_prefetch = 0 : i64, scratch_operands = 0 : i64, tpu.core_type = #tpu.core_type<tc>, window_params = [{transform_indices = @transform_0, window_bounds = array<i64: 632, 512>}, {pipeline_mode = #tpu.pipeline_mode<synchronous>, transform_indices = @transform_1, window_bounds = array<i64: 128, 128>}, {pipeline_mode = #tpu.pipeline_mode<synchronous>, transform_indices = @transform_2, window_bounds = array<i64: 128, 32>}, {transform_indices = @transform_3, window_bounds = array<i64: 632, 128>}]} {
    %get3A = arith.constant 0 : index
    %get3A_0 = arith.constant 0 : index
    %get3A_1 = vector.load %arg2[%get3A, %get3A_0] : memref<128x128xf32, #tpu.memory_space<vmem>>, vector<128x128xf32>
    %get3A_2 = arith.constant 0 : index
    %get3A_3 = arith.constant 0 : index
    %get3A_4 = vector.load %arg3[%get3A_2, %get3A_3] : memref<128x32xf32, #tpu.memory_space<vmem>>, vector<128x32xf32>
    %dot_general3A = arith.constant dense<0.000000e+00> : vector<128x32xf32>
    %dot_general3A_5 = tpu.matmul %get3A_1, %get3A_4, %dot_general3A {dimension_numbers = #tpu.dot_dimension_numbers<[1], [0], [0], [1], [0, 0, 1, 1], [], []>, transpose_lhs_hint = false} : vector<128x128xf32>, vector<128x32xf32>, vector<128x32xf32> -> vector<128x32xf32>
    %broadcast_in_dim3A = arith.constant 0.000000e+00 : f32
    %broadcast_in_dim3A_6 = vector.broadcast %broadcast_in_dim3A : f32 to vector<128x32xf32>
    %concatenate3A = tpu.concatenate %dot_general3A_5, %broadcast_in_dim3A_6, %broadcast_in_dim3A_6, %broadcast_in_dim3A_6 in 1 : vector<128x32xf32>, vector<128x32xf32>, vector<128x32xf32>, vector<128x32xf32> -> vector<128x128xf32>
    %concatenate3A_7 = tpu.concatenate %broadcast_in_dim3A_6, %dot_general3A_5, %broadcast_in_dim3A_6, %broadcast_in_dim3A_6 in 1 : vector<128x32xf32>, vector<128x32xf32>, vector<128x32xf32>, vector<128x32xf32> -> vector<128x128xf32>
    %concatenate3A_8 = tpu.concatenate %broadcast_in_dim3A_6, %broadcast_in_dim3A_6, %dot_general3A_5, %broadcast_in_dim3A_6 in 1 : vector<128x32xf32>, vector<128x32xf32>, vector<128x32xf32>, vector<128x32xf32> -> vector<128x128xf32>
    %concatenate3A_9 = tpu.concatenate %broadcast_in_dim3A_6, %broadcast_in_dim3A_6, %broadcast_in_dim3A_6, %dot_general3A_5 in 1 : vector<128x32xf32>, vector<128x32xf32>, vector<128x32xf32>, vector<128x32xf32> -> vector<128x128xf32>
    %concatenate3A_10 = tpu.concatenate %concatenate3A, %concatenate3A_7, %concatenate3A_8, %concatenate3A_9 in 0 : vector<128x128xf32>, vector<128x128xf32>, vector<128x128xf32>, vector<128x128xf32> -> vector<512x128xf32>
    %get3A_11 = arith.constant 0 : index
    %get3A_12 = arith.constant 0 : index
    %get3A_13 = vector.load %arg1[%get3A_11, %get3A_12] : memref<632x512xf32, #tpu.memory_space<vmem>>, vector<632x512xf32>
    %dot_general3A_14 = arith.constant dense<0.000000e+00> : vector<632x128xf32>
    %dot_general3A_15 = tpu.matmul %get3A_13, %concatenate3A_10, %dot_general3A_14 {dimension_numbers = #tpu.dot_dimension_numbers<[1], [0], [0], [1], [0, 0, 1, 1], [], []>, transpose_lhs_hint = false} : vector<632x512xf32>, vector<512x128xf32>, vector<632x128xf32> -> vector<632x128xf32>
    %swap3A = arith.constant 0 : index
    %swap3A_16 = arith.constant 0 : index
    %swap3A_17 = vector.load %arg4[%swap3A, %swap3A_16] : memref<632x128xf32, #tpu.memory_space<vmem>>, vector<632x128xf32>
    tpu.vector_store %arg4[%swap3A, %swap3A_16], %dot_general3A_15 {strides = array<i32>} : memref<632x128xf32, #tpu.memory_space<vmem>>, vector<632x128xf32>,
    return
  }
  func.func @transform_0(%arg0: i32) -> (i32, i32) {
    %c0_i32 = arith.constant 0 : i32
    %c0_i32_0 = arith.constant 0 : i32
    return %arg0, %c0_i32 : i32, i32
  }
  func.func @transform_1(%arg0: i32) -> (i32, i32) {
    %c0_i32 = arith.constant 0 : i32
    %c0_i32_0 = arith.constant 0 : i32
    %c0_i32_1 = arith.constant 0 : i32
    return %c0_i32, %c0_i32_0 : i32, i32
  }
  func.func @transform_2(%arg0: i32) -> (i32, i32) {
    %c0_i32 = arith.constant 0 : i32
    %c0_i32_0 = arith.constant 0 : i32
    %c0_i32_1 = arith.constant 0 : i32
    return %c0_i32, %c0_i32_0 : i32, i32
  }
  func.func @transform_3(%arg0: i32) -> (i32, i32) {
    %c0_i32 = arith.constant 0 : i32
    %c0_i32_0 = arith.constant 0 : i32
    return %arg0, %c0_i32 : i32, i32
  }
}

module attributes {stable_mosaic.version = 14 : i64} {
  func.func @_tc1b_body(%arg0: i32, %arg1: memref<2x1264x128xbf16, #tpu.memory_space<vmem>>, %arg2: memref<1264x128xf32, #tpu.memory_space<vmem>>, %arg3: memref<1264x128xf32, #tpu.memory_space<vmem>>, %arg4: memref<1264x128xf32, #tpu.memory_space<vmem>>) attributes {dimension_semantics = [#tpu.dimension_semantics<arbitrary>], iteration_bounds = array<i64: 2>, scalar_prefetch = 0 : i64, scratch_operands = 0 : i64, tpu.core_type = #tpu.core_type<tc>, window_params = [{transform_indices = @transform_0, window_bounds = array<i64: 2, 1264, 128>}, {transform_indices = @transform_1, window_bounds = array<i64: 1264, 128>}, {transform_indices = @transform_2, window_bounds = array<i64: 1264, 128>}, {transform_indices = @transform_3, window_bounds = array<i64: 1264, 128>}]} {
    %get3A = arith.constant 0 : index
    %get3A_0 = arith.constant 0 : index
    %get3A_1 = arith.constant 0 : index
    %get3A_2 = vector.load %arg1[%get3A, %get3A_0, %get3A_1] : memref<2x1264x128xbf16, #tpu.memory_space<vmem>>, vector<1x1264x128xbf16>
    %get3A_3 = vector.shape_cast %get3A_2 : vector<1x1264x128xbf16> to vector<1264x128xbf16>
    %get3A_4 = arith.constant 1 : index
    %get3A_5 = arith.constant 0 : index
    %get3A_6 = arith.constant 0 : index
    %get3A_7 = vector.load %arg1[%get3A_4, %get3A_5, %get3A_6] : memref<2x1264x128xbf16, #tpu.memory_space<vmem>>, vector<1x1264x128xbf16>
    %get3A_8 = vector.shape_cast %get3A_7 : vector<1x1264x128xbf16> to vector<1264x128xbf16>
    %add3A = arith.addf %get3A_3, %get3A_8 : vector<1264x128xbf16>
    %convert_element_type3A = arith.extf %add3A : vector<1264x128xbf16> to vector<1264x128xf32>
    %add3A_9 = arith.constant 1.000000e+00 : f32
    %add3A_10 = vector.broadcast %add3A_9 : f32 to vector<1264x128xf32>
    %add3A_11 = arith.addf %convert_element_type3A, %add3A_10 : vector<1264x128xf32>
    %rsqrt3A = math.rsqrt %add3A_11 : vector<1264x128xf32>
    %swap3A = arith.constant 0 : index
    %swap3A_12 = arith.constant 0 : index
    %swap3A_13 = vector.load %arg4[%swap3A, %swap3A_12] : memref<1264x128xf32, #tpu.memory_space<vmem>>, vector<1264x128xf32>
    tpu.vector_store %arg4[%swap3A, %swap3A_12], %rsqrt3A {strides = array<i32>} : memref<1264x128xf32, #tpu.memory_space<vmem>>, vector<1264x128xf32>,
    %get3A_14 = arith.constant 0 : index
    %get3A_15 = arith.constant 0 : index
    %get3A_16 = vector.load %arg2[%get3A_14, %get3A_15] : memref<1264x128xf32, #tpu.memory_space<vmem>>, vector<1264x128xf32>
    %mul3A = arith.mulf %rsqrt3A, %get3A_16 : vector<1264x128xf32>
    %swap3A_17 = arith.constant 0 : index
    %swap3A_18 = arith.constant 0 : index
    %swap3A_19 = vector.load %arg3[%swap3A_17, %swap3A_18] : memref<1264x128xf32, #tpu.memory_space<vmem>>, vector<1264x128xf32>
    tpu.vector_store %arg3[%swap3A_17, %swap3A_18], %mul3A {strides = array<i32>} : memref<1264x128xf32, #tpu.memory_space<vmem>>, vector<1264x128xf32>,
    return
  }
  func.func @transform_0(%arg0: i32) -> (i32, i32, i32) {
    %c0_i32 = arith.constant 0 : i32
    %c0_i32_0 = arith.constant 0 : i32
    %c0_i32_1 = arith.constant 0 : i32
    return %c0_i32, %arg0, %c0_i32_0 : i32, i32, i32
  }
  func.func @transform_1(%arg0: i32) -> (i32, i32) {
    %c0_i32 = arith.constant 0 : i32
    %c0_i32_0 = arith.constant 0 : i32
    return %arg0, %c0_i32 : i32, i32
  }
  func.func @transform_2(%arg0: i32) -> (i32, i32) {
    %c0_i32 = arith.constant 0 : i32
    %c0_i32_0 = arith.constant 0 : i32
    return %arg0, %c0_i32 : i32, i32
  }
  func.func @transform_3(%arg0: i32) -> (i32, i32) {
    %c0_i32 = arith.constant 0 : i32
    %c0_i32_0 = arith.constant 0 : i32
    return %arg0, %c0_i32 : i32, i32
  }
}

module attributes {stable_mosaic.version = 14 : i64} {
  func.func @_tc_mid_body(%arg0: i32, %arg1: memref<2x632x128xf32, #tpu.memory_space<vmem>>, %arg2: memref<632x128xf32, #tpu.memory_space<vmem>>, %arg3: memref<632x128xf32, #tpu.memory_space<vmem>>, %arg4: memref<1x32xf32, #tpu.memory_space<vmem>>, %arg5: memref<32x32xf32, #tpu.memory_space<vmem>>, %arg6: memref<632x128xf32, #tpu.memory_space<vmem>>) attributes {dimension_semantics = [#tpu.dimension_semantics<arbitrary>], iteration_bounds = array<i64: 4>, scalar_prefetch = 0 : i64, scratch_operands = 0 : i64, tpu.core_type = #tpu.core_type<tc>, window_params = [{transform_indices = @transform_0, window_bounds = array<i64: 2, 632, 128>}, {transform_indices = @transform_1, window_bounds = array<i64: 632, 128>}, {transform_indices = @transform_2, window_bounds = array<i64: 632, 128>}, {pipeline_mode = #tpu.pipeline_mode<synchronous>, transform_indices = @transform_3, window_bounds = array<i64: 1, 32>}, {pipeline_mode = #tpu.pipeline_mode<synchronous>, transform_indices = @transform_4, window_bounds = array<i64: 32, 32>}, {transform_indices = @transform_5, window_bounds = array<i64: 632, 128>}]} {
    %get3A = arith.constant 0 : index
    %get3A_0 = arith.constant 0 : index
    %get3A_1 = vector.load %arg3[%get3A, %get3A_0] : memref<632x128xf32, #tpu.memory_space<vmem>>, vector<632x128xf32>
    %get3A_2 = arith.constant 0 : index
    %get3A_3 = arith.constant 0 : index
    %get3A_4 = vector.load %arg4[%get3A_2, %get3A_3] : memref<1x32xf32, #tpu.memory_space<vmem>>, vector<1x32xf32>
    %concatenate3A = tpu.concatenate %get3A_4, %get3A_4, %get3A_4, %get3A_4 in 1 : vector<1x32xf32>, vector<1x32xf32>, vector<1x32xf32>, vector<1x32xf32> -> vector<1x128xf32>
    %get3A_5 = arith.constant 0 : index
    %get3A_6 = arith.constant 0 : index
    %get3A_7 = arith.constant 0 : index
    %get3A_8 = vector.load %arg1[%get3A_5, %get3A_6, %get3A_7] : memref<2x632x128xf32, #tpu.memory_space<vmem>>, vector<1x632x128xf32>
    %get3A_9 = vector.shape_cast %get3A_8 : vector<1x632x128xf32> to vector<632x128xf32>
    %get3A_10 = arith.constant 1 : index
    %get3A_11 = arith.constant 0 : index
    %get3A_12 = arith.constant 0 : index
    %get3A_13 = vector.load %arg1[%get3A_10, %get3A_11, %get3A_12] : memref<2x632x128xf32, #tpu.memory_space<vmem>>, vector<1x632x128xf32>
    %get3A_14 = vector.shape_cast %get3A_13 : vector<1x632x128xf32> to vector<632x128xf32>
    %add3A = arith.addf %get3A_9, %get3A_14 : vector<632x128xf32>
    %get3A_15 = arith.constant 0 : index
    %get3A_16 = arith.constant 0 : index
    %get3A_17 = vector.load %arg2[%get3A_15, %get3A_16] : memref<632x128xf32, #tpu.memory_space<vmem>>, vector<632x128xf32>
    %add3A_18 = arith.addf %add3A, %get3A_17 : vector<632x128xf32>
    %mul3A = arith.mulf %get3A_1, %add3A_18 : vector<632x128xf32>
    %add3A_19 = vector.broadcast %concatenate3A : vector<1x128xf32> to vector<632x128xf32>
    %add3A_20 = arith.addf %mul3A, %add3A_19 : vector<632x128xf32>
    %max3A = arith.constant 0.000000e+00 : f32
    %max3A_21 = vector.broadcast %max3A : f32 to vector<632x128xf32>
    %max3A_22 = arith.maximumf %add3A_20, %max3A_21 : vector<632x128xf32>
    %get3A_23 = arith.constant 0 : index
    %get3A_24 = arith.constant 0 : index
    %get3A_25 = vector.load %arg5[%get3A_23, %get3A_24] : memref<32x32xf32, #tpu.memory_space<vmem>>, vector<32x32xf32>
    %broadcast_in_dim3A = arith.constant 0.000000e+00 : f32
    %broadcast_in_dim3A_26 = vector.broadcast %broadcast_in_dim3A : f32 to vector<32x32xf32>
    %concatenate3A_27 = tpu.concatenate %get3A_25, %broadcast_in_dim3A_26, %broadcast_in_dim3A_26, %broadcast_in_dim3A_26 in 1 : vector<32x32xf32>, vector<32x32xf32>, vector<32x32xf32>, vector<32x32xf32> -> vector<32x128xf32>
    %concatenate3A_28 = tpu.concatenate %broadcast_in_dim3A_26, %get3A_25, %broadcast_in_dim3A_26, %broadcast_in_dim3A_26 in 1 : vector<32x32xf32>, vector<32x32xf32>, vector<32x32xf32>, vector<32x32xf32> -> vector<32x128xf32>
    %concatenate3A_29 = tpu.concatenate %broadcast_in_dim3A_26, %broadcast_in_dim3A_26, %get3A_25, %broadcast_in_dim3A_26 in 1 : vector<32x32xf32>, vector<32x32xf32>, vector<32x32xf32>, vector<32x32xf32> -> vector<32x128xf32>
    %concatenate3A_30 = tpu.concatenate %broadcast_in_dim3A_26, %broadcast_in_dim3A_26, %broadcast_in_dim3A_26, %get3A_25 in 1 : vector<32x32xf32>, vector<32x32xf32>, vector<32x32xf32>, vector<32x32xf32> -> vector<32x128xf32>
    %concatenate3A_31 = tpu.concatenate %concatenate3A_27, %concatenate3A_28, %concatenate3A_29, %concatenate3A_30 in 0 : vector<32x128xf32>, vector<32x128xf32>, vector<32x128xf32>, vector<32x128xf32> -> vector<128x128xf32>
    %dot_general3A = arith.constant dense<0.000000e+00> : vector<632x128xf32>
    %dot_general3A_32 = tpu.matmul %max3A_22, %concatenate3A_31, %dot_general3A {dimension_numbers = #tpu.dot_dimension_numbers<[1], [0], [0], [1], [0, 0, 1, 1], [], []>, transpose_lhs_hint = false} : vector<632x128xf32>, vector<128x128xf32>, vector<632x128xf32> -> vector<632x128xf32>
    %mul3A_33 = arith.mulf %get3A_1, %dot_general3A_32 : vector<632x128xf32>
    %swap3A = arith.constant 0 : index
    %swap3A_34 = arith.constant 0 : index
    %swap3A_35 = vector.load %arg6[%swap3A, %swap3A_34] : memref<632x128xf32, #tpu.memory_space<vmem>>, vector<632x128xf32>
    tpu.vector_store %arg6[%swap3A, %swap3A_34], %mul3A_33 {strides = array<i32>} : memref<632x128xf32, #tpu.memory_space<vmem>>, vector<632x128xf32>,
    return
  }
  func.func @transform_0(%arg0: i32) -> (i32, i32, i32) {
    %c0_i32 = arith.constant 0 : i32
    %c0_i32_0 = arith.constant 0 : i32
    %c0_i32_1 = arith.constant 0 : i32
    return %c0_i32, %arg0, %c0_i32_0 : i32, i32, i32
  }
  func.func @transform_1(%arg0: i32) -> (i32, i32) {
    %c0_i32 = arith.constant 0 : i32
    %c0_i32_0 = arith.constant 0 : i32
    return %arg0, %c0_i32 : i32, i32
  }
  func.func @transform_2(%arg0: i32) -> (i32, i32) {
    %c0_i32 = arith.constant 0 : i32
    %c0_i32_0 = arith.constant 0 : i32
    return %arg0, %c0_i32 : i32, i32
  }
  func.func @transform_3(%arg0: i32) -> (i32, i32) {
    %c0_i32 = arith.constant 0 : i32
    %c0_i32_0 = arith.constant 0 : i32
    %c0_i32_1 = arith.constant 0 : i32
    return %c0_i32, %c0_i32_0 : i32, i32
  }
  func.func @transform_4(%arg0: i32) -> (i32, i32) {
    %c0_i32 = arith.constant 0 : i32
    %c0_i32_0 = arith.constant 0 : i32
    %c0_i32_1 = arith.constant 0 : i32
    return %c0_i32, %c0_i32_0 : i32, i32
  }
  func.func @transform_5(%arg0: i32) -> (i32, i32) {
    %c0_i32 = arith.constant 0 : i32
    %c0_i32_0 = arith.constant 0 : i32
    return %arg0, %c0_i32 : i32, i32
  }
}

module attributes {stable_mosaic.version = 14 : i64} {
  func.func @_tc_mid_body(%arg0: i32, %arg1: memref<2x632x128xf32, #tpu.memory_space<vmem>>, %arg2: memref<632x128xf32, #tpu.memory_space<vmem>>, %arg3: memref<632x128xf32, #tpu.memory_space<vmem>>, %arg4: memref<1x32xf32, #tpu.memory_space<vmem>>, %arg5: memref<32x16xf32, #tpu.memory_space<vmem>>, %arg6: memref<632x128xf32, #tpu.memory_space<vmem>>) attributes {dimension_semantics = [#tpu.dimension_semantics<arbitrary>], iteration_bounds = array<i64: 4>, scalar_prefetch = 0 : i64, scratch_operands = 0 : i64, tpu.core_type = #tpu.core_type<tc>, window_params = [{transform_indices = @transform_0, window_bounds = array<i64: 2, 632, 128>}, {transform_indices = @transform_1, window_bounds = array<i64: 632, 128>}, {transform_indices = @transform_2, window_bounds = array<i64: 632, 128>}, {pipeline_mode = #tpu.pipeline_mode<synchronous>, transform_indices = @transform_3, window_bounds = array<i64: 1, 32>}, {pipeline_mode = #tpu.pipeline_mode<synchronous>, transform_indices = @transform_4, window_bounds = array<i64: 32, 16>}, {transform_indices = @transform_5, window_bounds = array<i64: 632, 128>}]} {
    %get3A = arith.constant 0 : index
    %get3A_0 = arith.constant 0 : index
    %get3A_1 = vector.load %arg3[%get3A, %get3A_0] : memref<632x128xf32, #tpu.memory_space<vmem>>, vector<632x128xf32>
    %get3A_2 = arith.constant 0 : index
    %get3A_3 = arith.constant 0 : index
    %get3A_4 = vector.load %arg4[%get3A_2, %get3A_3] : memref<1x32xf32, #tpu.memory_space<vmem>>, vector<1x32xf32>
    %concatenate3A = tpu.concatenate %get3A_4, %get3A_4, %get3A_4, %get3A_4 in 1 : vector<1x32xf32>, vector<1x32xf32>, vector<1x32xf32>, vector<1x32xf32> -> vector<1x128xf32>
    %get3A_5 = arith.constant 0 : index
    %get3A_6 = arith.constant 0 : index
    %get3A_7 = arith.constant 0 : index
    %get3A_8 = vector.load %arg1[%get3A_5, %get3A_6, %get3A_7] : memref<2x632x128xf32, #tpu.memory_space<vmem>>, vector<1x632x128xf32>
    %get3A_9 = vector.shape_cast %get3A_8 : vector<1x632x128xf32> to vector<632x128xf32>
    %get3A_10 = arith.constant 1 : index
    %get3A_11 = arith.constant 0 : index
    %get3A_12 = arith.constant 0 : index
    %get3A_13 = vector.load %arg1[%get3A_10, %get3A_11, %get3A_12] : memref<2x632x128xf32, #tpu.memory_space<vmem>>, vector<1x632x128xf32>
    %get3A_14 = vector.shape_cast %get3A_13 : vector<1x632x128xf32> to vector<632x128xf32>
    %add3A = arith.addf %get3A_9, %get3A_14 : vector<632x128xf32>
    %get3A_15 = arith.constant 0 : index
    %get3A_16 = arith.constant 0 : index
    %get3A_17 = vector.load %arg2[%get3A_15, %get3A_16] : memref<632x128xf32, #tpu.memory_space<vmem>>, vector<632x128xf32>
    %add3A_18 = arith.addf %add3A, %get3A_17 : vector<632x128xf32>
    %mul3A = arith.mulf %get3A_1, %add3A_18 : vector<632x128xf32>
    %add3A_19 = vector.broadcast %concatenate3A : vector<1x128xf32> to vector<632x128xf32>
    %add3A_20 = arith.addf %mul3A, %add3A_19 : vector<632x128xf32>
    %max3A = arith.constant 0.000000e+00 : f32
    %max3A_21 = vector.broadcast %max3A : f32 to vector<632x128xf32>
    %max3A_22 = arith.maximumf %add3A_20, %max3A_21 : vector<632x128xf32>
    %get3A_23 = arith.constant 0 : index
    %get3A_24 = arith.constant 0 : index
    %get3A_25 = vector.load %arg5[%get3A_23, %get3A_24] : memref<32x16xf32, #tpu.memory_space<vmem>>, vector<32x16xf32>
    %broadcast_in_dim3A = arith.constant 0.000000e+00 : f32
    %broadcast_in_dim3A_26 = vector.broadcast %broadcast_in_dim3A : f32 to vector<32x16xf32>
    %concatenate3A_27 = tpu.concatenate %get3A_25, %broadcast_in_dim3A_26 in 1 : vector<32x16xf32>, vector<32x16xf32> -> vector<32x32xf32>
    %broadcast_in_dim3A_28 = arith.constant 0.000000e+00 : f32
    %broadcast_in_dim3A_29 = vector.broadcast %broadcast_in_dim3A_28 : f32 to vector<32x32xf32>
    %concatenate3A_30 = tpu.concatenate %concatenate3A_27, %broadcast_in_dim3A_29, %broadcast_in_dim3A_29, %broadcast_in_dim3A_29 in 1 : vector<32x32xf32>, vector<32x32xf32>, vector<32x32xf32>, vector<32x32xf32> -> vector<32x128xf32>
    %concatenate3A_31 = tpu.concatenate %broadcast_in_dim3A_29, %concatenate3A_27, %broadcast_in_dim3A_29, %broadcast_in_dim3A_29 in 1 : vector<32x32xf32>, vector<32x32xf32>, vector<32x32xf32>, vector<32x32xf32> -> vector<32x128xf32>
    %concatenate3A_32 = tpu.concatenate %broadcast_in_dim3A_29, %broadcast_in_dim3A_29, %concatenate3A_27, %broadcast_in_dim3A_29 in 1 : vector<32x32xf32>, vector<32x32xf32>, vector<32x32xf32>, vector<32x32xf32> -> vector<32x128xf32>
    %concatenate3A_33 = tpu.concatenate %broadcast_in_dim3A_29, %broadcast_in_dim3A_29, %broadcast_in_dim3A_29, %concatenate3A_27 in 1 : vector<32x32xf32>, vector<32x32xf32>, vector<32x32xf32>, vector<32x32xf32> -> vector<32x128xf32>
    %concatenate3A_34 = tpu.concatenate %concatenate3A_30, %concatenate3A_31, %concatenate3A_32, %concatenate3A_33 in 0 : vector<32x128xf32>, vector<32x128xf32>, vector<32x128xf32>, vector<32x128xf32> -> vector<128x128xf32>
    %dot_general3A = arith.constant dense<0.000000e+00> : vector<632x128xf32>
    %dot_general3A_35 = tpu.matmul %max3A_22, %concatenate3A_34, %dot_general3A {dimension_numbers = #tpu.dot_dimension_numbers<[1], [0], [0], [1], [0, 0, 1, 1], [], []>, transpose_lhs_hint = false} : vector<632x128xf32>, vector<128x128xf32>, vector<632x128xf32> -> vector<632x128xf32>
    %mul3A_36 = arith.mulf %get3A_1, %dot_general3A_35 : vector<632x128xf32>
    %swap3A = arith.constant 0 : index
    %swap3A_37 = arith.constant 0 : index
    %swap3A_38 = vector.load %arg6[%swap3A, %swap3A_37] : memref<632x128xf32, #tpu.memory_space<vmem>>, vector<632x128xf32>
    tpu.vector_store %arg6[%swap3A, %swap3A_37], %mul3A_36 {strides = array<i32>} : memref<632x128xf32, #tpu.memory_space<vmem>>, vector<632x128xf32>,
    return
  }
  func.func @transform_0(%arg0: i32) -> (i32, i32, i32) {
    %c0_i32 = arith.constant 0 : i32
    %c0_i32_0 = arith.constant 0 : i32
    %c0_i32_1 = arith.constant 0 : i32
    return %c0_i32, %arg0, %c0_i32_0 : i32, i32, i32
  }
  func.func @transform_1(%arg0: i32) -> (i32, i32) {
    %c0_i32 = arith.constant 0 : i32
    %c0_i32_0 = arith.constant 0 : i32
    return %arg0, %c0_i32 : i32, i32
  }
  func.func @transform_2(%arg0: i32) -> (i32, i32) {
    %c0_i32 = arith.constant 0 : i32
    %c0_i32_0 = arith.constant 0 : i32
    return %arg0, %c0_i32 : i32, i32
  }
  func.func @transform_3(%arg0: i32) -> (i32, i32) {
    %c0_i32 = arith.constant 0 : i32
    %c0_i32_0 = arith.constant 0 : i32
    %c0_i32_1 = arith.constant 0 : i32
    return %c0_i32, %c0_i32_0 : i32, i32
  }
  func.func @transform_4(%arg0: i32) -> (i32, i32) {
    %c0_i32 = arith.constant 0 : i32
    %c0_i32_0 = arith.constant 0 : i32
    %c0_i32_1 = arith.constant 0 : i32
    return %c0_i32, %c0_i32_0 : i32, i32
  }
  func.func @transform_5(%arg0: i32) -> (i32, i32) {
    %c0_i32 = arith.constant 0 : i32
    %c0_i32_0 = arith.constant 0 : i32
    return %arg0, %c0_i32 : i32, i32
  }
}

module attributes {stable_mosaic.version = 14 : i64} {
  func.func @_tc_out_body(%arg0: i32, %arg1: memref<2x632x128xf32, #tpu.memory_space<vmem>>, %arg2: memref<632x128xf32, #tpu.memory_space<vmem>>, %arg3: memref<632x128xf32, #tpu.memory_space<vmem>>, %arg4: memref<1x16xf32, #tpu.memory_space<vmem>>, %arg5: memref<632x16xf32, #tpu.memory_space<vmem>>, %arg6: memref<632x16xf32, #tpu.memory_space<vmem>>, %arg7: memref<632x16xf32, #tpu.memory_space<vmem>>, %arg8: memref<632x16xf32, #tpu.memory_space<vmem>>) attributes {dimension_semantics = [#tpu.dimension_semantics<arbitrary>], iteration_bounds = array<i64: 4>, scalar_prefetch = 0 : i64, scratch_operands = 0 : i64, tpu.core_type = #tpu.core_type<tc>, window_params = [{transform_indices = @transform_0, window_bounds = array<i64: 2, 632, 128>}, {transform_indices = @transform_1, window_bounds = array<i64: 632, 128>}, {transform_indices = @transform_2, window_bounds = array<i64: 632, 128>}, {pipeline_mode = #tpu.pipeline_mode<synchronous>, transform_indices = @transform_3, window_bounds = array<i64: 1, 16>}, {transform_indices = @transform_4, window_bounds = array<i64: 632, 16>}, {transform_indices = @transform_5, window_bounds = array<i64: 632, 16>}, {transform_indices = @transform_6, window_bounds = array<i64: 632, 16>}, {transform_indices = @transform_7, window_bounds = array<i64: 632, 16>}]} {
    %get3A = arith.constant 0 : index
    %get3A_0 = arith.constant 0 : index
    %get3A_1 = vector.load %arg3[%get3A, %get3A_0] : memref<632x128xf32, #tpu.memory_space<vmem>>, vector<632x128xf32>
    %get3A_2 = arith.constant 0 : index
    %get3A_3 = arith.constant 0 : index
    %get3A_4 = arith.constant 0 : index
    %get3A_5 = vector.load %arg1[%get3A_2, %get3A_3, %get3A_4] : memref<2x632x128xf32, #tpu.memory_space<vmem>>, vector<1x632x128xf32>
    %get3A_6 = vector.shape_cast %get3A_5 : vector<1x632x128xf32> to vector<632x128xf32>
    %get3A_7 = arith.constant 1 : index
    %get3A_8 = arith.constant 0 : index
    %get3A_9 = arith.constant 0 : index
    %get3A_10 = vector.load %arg1[%get3A_7, %get3A_8, %get3A_9] : memref<2x632x128xf32, #tpu.memory_space<vmem>>, vector<1x632x128xf32>
    %get3A_11 = vector.shape_cast %get3A_10 : vector<1x632x128xf32> to vector<632x128xf32>
    %add3A = arith.addf %get3A_6, %get3A_11 : vector<632x128xf32>
    %get3A_12 = arith.constant 0 : index
    %get3A_13 = arith.constant 0 : index
    %get3A_14 = vector.load %arg2[%get3A_12, %get3A_13] : memref<632x128xf32, #tpu.memory_space<vmem>>, vector<632x128xf32>
    %add3A_15 = arith.addf %add3A, %get3A_14 : vector<632x128xf32>
    %mul3A = arith.mulf %get3A_1, %add3A_15 : vector<632x128xf32>
    %slice3A = vector.extract_strided_slice %mul3A {offsets = [0, 0], sizes = [632, 16], strides = [1, 1]} : vector<632x128xf32> to vector<632x16xf32>
    %get3A_16 = arith.constant 0 : index
    %get3A_17 = arith.constant 0 : index
    %get3A_18 = vector.load %arg4[%get3A_16, %get3A_17] : memref<1x16xf32, #tpu.memory_space<vmem>>, vector<1x16xf32>
    %add3A_19 = vector.broadcast %get3A_18 : vector<1x16xf32> to vector<632x16xf32>
    %add3A_20 = arith.addf %slice3A, %add3A_19 : vector<632x16xf32>
    %reduce_max3A = arith.constant dense<0xFF800000> : vector<632xf32>
    %reduce_max3A_21 = vector.multi_reduction <maximumf>, %add3A_20, %reduce_max3A [1] : vector<632x16xf32> to vector<632xf32>
    %broadcast_in_dim3A = vector.shape_cast %reduce_max3A_21 : vector<632xf32> to vector<632x1xf32>
    %sub3A = vector.broadcast %broadcast_in_dim3A : vector<632x1xf32> to vector<632x16xf32>
    %sub3A_22 = arith.subf %add3A_20, %sub3A : vector<632x16xf32>
    %exp3A = math.exp %sub3A_22 : vector<632x16xf32>
    %sub3A_23 = vector.broadcast %broadcast_in_dim3A : vector<632x1xf32> to vector<632x16xf32>
    %sub3A_24 = arith.subf %add3A_20, %sub3A_23 : vector<632x16xf32>
    %reduce_sum3A = arith.constant dense<0.000000e+00> : vector<632xf32>
    %reduce_sum3A_25 = vector.multi_reduction <add>, %exp3A, %reduce_sum3A [1] : vector<632x16xf32> to vector<632xf32>
    %broadcast_in_dim3A_26 = vector.shape_cast %reduce_sum3A_25 : vector<632xf32> to vector<632x1xf32>
    %log3A = math.log %broadcast_in_dim3A_26 : vector<632x1xf32>
    %sub3A_27 = vector.broadcast %log3A : vector<632x1xf32> to vector<632x16xf32>
    %sub3A_28 = arith.subf %sub3A_24, %sub3A_27 : vector<632x16xf32>
    %swap3A = arith.constant 0 : index
    %swap3A_29 = arith.constant 0 : index
    %swap3A_30 = vector.load %arg5[%swap3A, %swap3A_29] : memref<632x16xf32, #tpu.memory_space<vmem>>, vector<632x16xf32>
    tpu.vector_store %arg5[%swap3A, %swap3A_29], %sub3A_28 {strides = array<i32>} : memref<632x16xf32, #tpu.memory_space<vmem>>, vector<632x16xf32>,
    %slice3A_31 = vector.extract_strided_slice %mul3A {offsets = [0, 32], sizes = [632, 16], strides = [1, 1]} : vector<632x128xf32> to vector<632x16xf32>
    %get3A_32 = arith.constant 0 : index
    %get3A_33 = arith.constant 0 : index
    %get3A_34 = vector.load %arg4[%get3A_32, %get3A_33] : memref<1x16xf32, #tpu.memory_space<vmem>>, vector<1x16xf32>
    %add3A_35 = vector.broadcast %get3A_34 : vector<1x16xf32> to vector<632x16xf32>
    %add3A_36 = arith.addf %slice3A_31, %add3A_35 : vector<632x16xf32>
    %reduce_max3A_37 = arith.constant dense<0xFF800000> : vector<632xf32>
    %reduce_max3A_38 = vector.multi_reduction <maximumf>, %add3A_36, %reduce_max3A_37 [1] : vector<632x16xf32> to vector<632xf32>
    %broadcast_in_dim3A_39 = vector.shape_cast %reduce_max3A_38 : vector<632xf32> to vector<632x1xf32>
    %sub3A_40 = vector.broadcast %broadcast_in_dim3A_39 : vector<632x1xf32> to vector<632x16xf32>
    %sub3A_41 = arith.subf %add3A_36, %sub3A_40 : vector<632x16xf32>
    %exp3A_42 = math.exp %sub3A_41 : vector<632x16xf32>
    %sub3A_43 = vector.broadcast %broadcast_in_dim3A_39 : vector<632x1xf32> to vector<632x16xf32>
    %sub3A_44 = arith.subf %add3A_36, %sub3A_43 : vector<632x16xf32>
    %reduce_sum3A_45 = arith.constant dense<0.000000e+00> : vector<632xf32>
    %reduce_sum3A_46 = vector.multi_reduction <add>, %exp3A_42, %reduce_sum3A_45 [1] : vector<632x16xf32> to vector<632xf32>
    %broadcast_in_dim3A_47 = vector.shape_cast %reduce_sum3A_46 : vector<632xf32> to vector<632x1xf32>
    %log3A_48 = math.log %broadcast_in_dim3A_47 : vector<632x1xf32>
    %sub3A_49 = vector.broadcast %log3A_48 : vector<632x1xf32> to vector<632x16xf32>
    %sub3A_50 = arith.subf %sub3A_44, %sub3A_49 : vector<632x16xf32>
    %swap3A_51 = arith.constant 0 : index
    %swap3A_52 = arith.constant 0 : index
    %swap3A_53 = vector.load %arg6[%swap3A_51, %swap3A_52] : memref<632x16xf32, #tpu.memory_space<vmem>>, vector<632x16xf32>
    tpu.vector_store %arg6[%swap3A_51, %swap3A_52], %sub3A_50 {strides = array<i32>} : memref<632x16xf32, #tpu.memory_space<vmem>>, vector<632x16xf32>,
    %slice3A_54 = vector.extract_strided_slice %mul3A {offsets = [0, 64], sizes = [632, 16], strides = [1, 1]} : vector<632x128xf32> to vector<632x16xf32>
    %get3A_55 = arith.constant 0 : index
    %get3A_56 = arith.constant 0 : index
    %get3A_57 = vector.load %arg4[%get3A_55, %get3A_56] : memref<1x16xf32, #tpu.memory_space<vmem>>, vector<1x16xf32>
    %add3A_58 = vector.broadcast %get3A_57 : vector<1x16xf32> to vector<632x16xf32>
    %add3A_59 = arith.addf %slice3A_54, %add3A_58 : vector<632x16xf32>
    %reduce_max3A_60 = arith.constant dense<0xFF800000> : vector<632xf32>
    %reduce_max3A_61 = vector.multi_reduction <maximumf>, %add3A_59, %reduce_max3A_60 [1] : vector<632x16xf32> to vector<632xf32>
    %broadcast_in_dim3A_62 = vector.shape_cast %reduce_max3A_61 : vector<632xf32> to vector<632x1xf32>
    %sub3A_63 = vector.broadcast %broadcast_in_dim3A_62 : vector<632x1xf32> to vector<632x16xf32>
    %sub3A_64 = arith.subf %add3A_59, %sub3A_63 : vector<632x16xf32>
    %exp3A_65 = math.exp %sub3A_64 : vector<632x16xf32>
    %sub3A_66 = vector.broadcast %broadcast_in_dim3A_62 : vector<632x1xf32> to vector<632x16xf32>
    %sub3A_67 = arith.subf %add3A_59, %sub3A_66 : vector<632x16xf32>
    %reduce_sum3A_68 = arith.constant dense<0.000000e+00> : vector<632xf32>
    %reduce_sum3A_69 = vector.multi_reduction <add>, %exp3A_65, %reduce_sum3A_68 [1] : vector<632x16xf32> to vector<632xf32>
    %broadcast_in_dim3A_70 = vector.shape_cast %reduce_sum3A_69 : vector<632xf32> to vector<632x1xf32>
    %log3A_71 = math.log %broadcast_in_dim3A_70 : vector<632x1xf32>
    %sub3A_72 = vector.broadcast %log3A_71 : vector<632x1xf32> to vector<632x16xf32>
    %sub3A_73 = arith.subf %sub3A_67, %sub3A_72 : vector<632x16xf32>
    %swap3A_74 = arith.constant 0 : index
    %swap3A_75 = arith.constant 0 : index
    %swap3A_76 = vector.load %arg7[%swap3A_74, %swap3A_75] : memref<632x16xf32, #tpu.memory_space<vmem>>, vector<632x16xf32>
    tpu.vector_store %arg7[%swap3A_74, %swap3A_75], %sub3A_73 {strides = array<i32>} : memref<632x16xf32, #tpu.memory_space<vmem>>, vector<632x16xf32>,
    %slice3A_77 = vector.extract_strided_slice %mul3A {offsets = [0, 96], sizes = [632, 16], strides = [1, 1]} : vector<632x128xf32> to vector<632x16xf32>
    %get3A_78 = arith.constant 0 : index
    %get3A_79 = arith.constant 0 : index
    %get3A_80 = vector.load %arg4[%get3A_78, %get3A_79] : memref<1x16xf32, #tpu.memory_space<vmem>>, vector<1x16xf32>
    %add3A_81 = vector.broadcast %get3A_80 : vector<1x16xf32> to vector<632x16xf32>
    %add3A_82 = arith.addf %slice3A_77, %add3A_81 : vector<632x16xf32>
    %reduce_max3A_83 = arith.constant dense<0xFF800000> : vector<632xf32>
    %reduce_max3A_84 = vector.multi_reduction <maximumf>, %add3A_82, %reduce_max3A_83 [1] : vector<632x16xf32> to vector<632xf32>
    %broadcast_in_dim3A_85 = vector.shape_cast %reduce_max3A_84 : vector<632xf32> to vector<632x1xf32>
    %sub3A_86 = vector.broadcast %broadcast_in_dim3A_85 : vector<632x1xf32> to vector<632x16xf32>
    %sub3A_87 = arith.subf %add3A_82, %sub3A_86 : vector<632x16xf32>
    %exp3A_88 = math.exp %sub3A_87 : vector<632x16xf32>
    %sub3A_89 = vector.broadcast %broadcast_in_dim3A_85 : vector<632x1xf32> to vector<632x16xf32>
    %sub3A_90 = arith.subf %add3A_82, %sub3A_89 : vector<632x16xf32>
    %reduce_sum3A_91 = arith.constant dense<0.000000e+00> : vector<632xf32>
    %reduce_sum3A_92 = vector.multi_reduction <add>, %exp3A_88, %reduce_sum3A_91 [1] : vector<632x16xf32> to vector<632xf32>
    %broadcast_in_dim3A_93 = vector.shape_cast %reduce_sum3A_92 : vector<632xf32> to vector<632x1xf32>
    %log3A_94 = math.log %broadcast_in_dim3A_93 : vector<632x1xf32>
    %sub3A_95 = vector.broadcast %log3A_94 : vector<632x1xf32> to vector<632x16xf32>
    %sub3A_96 = arith.subf %sub3A_90, %sub3A_95 : vector<632x16xf32>
    %swap3A_97 = arith.constant 0 : index
    %swap3A_98 = arith.constant 0 : index
    %swap3A_99 = vector.load %arg8[%swap3A_97, %swap3A_98] : memref<632x16xf32, #tpu.memory_space<vmem>>, vector<632x16xf32>
    tpu.vector_store %arg8[%swap3A_97, %swap3A_98], %sub3A_96 {strides = array<i32>} : memref<632x16xf32, #tpu.memory_space<vmem>>, vector<632x16xf32>,
    return
  }
  func.func @transform_0(%arg0: i32) -> (i32, i32, i32) {
    %c0_i32 = arith.constant 0 : i32
    %c0_i32_0 = arith.constant 0 : i32
    %c0_i32_1 = arith.constant 0 : i32
    return %c0_i32, %arg0, %c0_i32_0 : i32, i32, i32
  }
  func.func @transform_1(%arg0: i32) -> (i32, i32) {
    %c0_i32 = arith.constant 0 : i32
    %c0_i32_0 = arith.constant 0 : i32
    return %arg0, %c0_i32 : i32, i32
  }
  func.func @transform_2(%arg0: i32) -> (i32, i32) {
    %c0_i32 = arith.constant 0 : i32
    %c0_i32_0 = arith.constant 0 : i32
    return %arg0, %c0_i32 : i32, i32
  }
  func.func @transform_3(%arg0: i32) -> (i32, i32) {
    %c0_i32 = arith.constant 0 : i32
    %c0_i32_0 = arith.constant 0 : i32
    %c0_i32_1 = arith.constant 0 : i32
    return %c0_i32, %c0_i32_0 : i32, i32
  }
  func.func @transform_4(%arg0: i32) -> (i32, i32) {
    %c0_i32 = arith.constant 0 : i32
    %c0_i32_0 = arith.constant 0 : i32
    return %arg0, %c0_i32 : i32, i32
  }
  func.func @transform_5(%arg0: i32) -> (i32, i32) {
    %c0_i32 = arith.constant 0 : i32
    %c0_i32_0 = arith.constant 0 : i32
    return %arg0, %c0_i32 : i32, i32
  }
  func.func @transform_6(%arg0: i32) -> (i32, i32) {
    %c0_i32 = arith.constant 0 : i32
    %c0_i32_0 = arith.constant 0 : i32
    return %arg0, %c0_i32 : i32, i32
  }
  func.func @transform_7(%arg0: i32) -> (i32, i32) {
    %c0_i32 = arith.constant 0 : i32
    %c0_i32_0 = arith.constant 0 : i32
    return %arg0, %c0_i32 : i32, i32
  }
}

</mosaic_0001>

<sc_bundles>
// kernel: kernel.11.cloned.1.call-start
scs
__scs_entry_jumppad:
0x0: {  	(pc) =	sbr.rel $0x88, $3  }
0x1: {  	(tag) =	ssettag $0x0;
	lr =	simm.s32 $0x1  }
0x2: {  	[smem:$0x3F98] =	sst lr;
	_ =	strace $0xD0000000  }
0x3: {  	_ = 	snop  }
0x4: {  	_ = 	snop  }
0x5: {  	_ = 	snop  }
0x6: {  	_ = 	snop  }
0x7: {  	_ = 	snop  }
__scs_overlays_trampoline_lowered:
0x8: {  	[smem:$0x3FA7] =	sst s0  }
0x9: {  	[smem:$0x3FA8] =	sst s1  }
0xa: {  	[smem:$0x3FA9] =	sst s2  }
0xb: {  	[smem:$0x3FAA] =	sst s3  }
0xc: {  	[smem:$0x3FAB] =	sst s4  }
0xd: {  	[smem:$0x3FAC] =	sst s5  }
0xe: {  	[smem:$0x3FAD] =	sst s6  }
0xf: {  	[smem:$0x3FAE] =	sst s7  }
0x10: {  	[smem:$0x3FAF] =	sst s8  }
0x11: {  	[smem:$0x3FB0] =	sst s9;
	s0 =	simm.s32 @!p0 $0x0  }
0x12: {  	s1 =	sld [smem:$0x3F96];
	s0 =	simm.s32 @p0 $0x1  }
0x13: {  	[smem:$0x3FB1] =	sst s0;
	s0 =	simm.s32 @!p1 $0x0  }
0x14: {  	s2 =	sld [smem:$0x3F95];
	s0 =	simm.s32 @p1 $0x1  }
0x15: {  	[smem:$0x3FB2] =	sst s0;
	s0 =	simm.s32 @!p2 $0x0  }
0x16: {  	s3 =	sld [smem:$0x3FDB];
	s0 =	simm.s32 @p2 $0x1  }
0x17: {  	s4 =	simm.s32 $0x1BF5;
	[smem:$0x3FB4] =	sst s0  }
0x18: {  	s0 =	sld [smem:$0x3F97];
	_ =	swait.ge [sflag:s4], $0x0  }
0x19: {  	s7 =	sld [smem:$0x3F98]  }
0x1a: {  	s8 =	sadd.s32 $0xFFFFE003, lr  }
0x1b: {  	s9 =	sadd.s32 $0xFFFFFEF7, lr;
	s5 =	simm.s32 $0xFFFFFFFF;
	p2 =	slt.u32 s8, $0xFFFFF086  }
0x1c: {  	p1 =	slt.u32 s9, $0xF7A;
	s5 =	simm.s32 @!p2 $0x0  }
0x1d: {  	s5 =	simm.s32 @p1 $0x1;
	p0 =	seq.s32 s7, s2  }
0x1e: {  	s7 =	smul.u32 @!p0 $0xF7A, s2;
	p2 =	seq.s32 @!p0 s5, $0x0  }
0x1f: {  	s9 =	smul.u32 $0xF7A, s1;
	s8 =	simm.s32 @!p0 $0x1BF5;
	p2 =	por !p2, p0  }
0x20: {  	[sflag:s8] =	ssyncset.s32 @!p0 $0xFFFFF086;
	s6 =	sadd.s32 @!p0 s3, s7;
	s7 =	simm.s32 @!p0 $0x108  }
0x21: {  	s3 =	sadd.s32 s3, s9;
	s6 =	sadd.s32 @!p0 $0x88, s6;
	s7 =	simm.s32 @p2 $0x1082  }
0x22: {  	[simem:s7], [sflag:s8] =	dma.local @!p0 [hbm:s6], $0xF7A  }
0x23: {  	s9 =	sor.u32 $0xD0000000, s2;
	s6 =	simm.s32 $0x108;
	_ =	swait.ge @!p0 [sflag:s8], $0x0  }
0x24: {  	s3 =	sadd.s32 $0x88, s3;
	s6 =	simm.s32 @!p1 $0x1082;
	[sflag:s4] =	ssyncset.s32 $0xFFFFF086  }
0x25: {  	[simem:s6], [sflag:s4] =	dma.local [hbm:s3], $0xF7A  }
0x26: {  	[smem:$0x3F98] =	sst s1;
	(tag) =	ssettag s2;
	_ =	strace s9  }
0x27: {  	s1 =	sld [smem:$0x3FA8]  }
0x28: {  	s2 =	sld [smem:$0x3FA9]  }
0x29: {  	s4 =	sld [smem:$0x3FAB]  }
0x2a: {  	p0 =	seq.s32 s5, $0x0;
	s5 =	sld [smem:$0x3FAC]  }
0x2b: {  	s6 =	sld [smem:$0x3FAD]  }
0x2c: {  	s7 =	sld [smem:$0x3FAE]  }
0x2d: {  	s3 =	simm.s32 $0x108;
	s8 =	sld [smem:$0x3FAF]  }
0x2e: {  	s3 =	simm.s32 @!p0 $0x1082;
	s9 =	sld [smem:$0x3FB0]  }
0x2f: {  	lr =	sadd.s32 s0, s3;
	s0 =	sld [smem:$0x3FA7]  }
0x30: {  	s3 =	sld [smem:$0x3FAA]  }
0x31: {  	[smem:$0x3FB3] =	sst s10  }
0x32: {  	s10 =	sld [smem:$0x3FB1];
	_ =	sdelay $0x3  }
0x33: {  	p0 =	seq.s32 s10, $0x1;
	s10 =	sld [smem:$0x3FB3];
	_ =	sdelay $0x3  }
0x34: {  	[smem:$0x3FB3] =	sst s10  }
0x35: {  	s10 =	sld [smem:$0x3FB2];
	_ =	sdelay $0x3  }
0x36: {  	p1 =	seq.s32 s10, $0x1;
	s10 =	sld [smem:$0x3FB3];
	_ =	sdelay $0x3  }
0x37: {  	[smem:$0x3FB3] =	sst s10  }
0x38: {  	s10 =	sld [smem:$0x3FB4]  }
0x39: {  	_ = 	snop;
	(pc) =	sbr.ind lr, $3  }
0x3a: {  	_ = 	snop  }
0x3b: {  	_ = 	snop  }
0x3c: {  	p2 =	seq.s32 s10, $0x1;
	s10 =	sld [smem:$0x3FB3]  }
0x3d: {  	_ =	shalt  }
0x3e: {  	_ =	shalt  }
0x3f: {  	_ =	shalt  }
0x40: {  	_ =	shalt  }
0x41: {  	_ =	shalt  }
0x42: {  	_ =	shalt  }
0x43: {  	_ =	shalt  }
0x44: {  	_ =	shalt  }
0x45: {  	_ =	shalt  }
0x46: {  	_ =	shalt  }
0x47: {  	_ =	shalt  }
0x48: {  	_ =	shalt  }
0x49: {  	_ =	shalt  }
0x4a: {  	_ =	shalt  }
0x4b: {  	_ =	shalt  }
0x4c: {  	_ =	shalt  }
0x4d: {  	_ =	shalt  }
0x4e: {  	_ =	shalt  }
0x4f: {  	_ =	shalt  }
0x50: {  	_ =	shalt  }
0x51: {  	_ =	shalt  }
0x52: {  	_ =	shalt  }
0x53: {  	_ =	shalt  }
0x54: {  	_ =	shalt  }
0x55: {  	_ =	shalt  }
0x56: {  	_ =	shalt  }
0x57: {  	_ =	shalt  }
0x58: {  	_ =	shalt  }
0x59: {  	_ =	shalt  }
0x5a: {  	_ =	shalt  }
0x5b: {  	_ =	shalt  }
0x5c: {  	_ =	shalt  }
0x5d: {  	_ =	shalt  }
0x5e: {  	_ =	shalt  }
0x5f: {  	_ =	shalt  }
0x60: {  	_ =	shalt  }
0x61: {  	_ =	shalt  }
0x62: {  	_ =	shalt  }
0x63: {  	_ =	shalt  }
0x64: {  	_ =	shalt  }
0x65: {  	_ =	shalt  }
0x66: {  	_ =	shalt  }
0x67: {  	_ =	shalt  }
0x68: {  	_ =	shalt  }
0x69: {  	_ =	shalt  }
0x6a: {  	_ =	shalt  }
0x6b: {  	_ =	shalt  }
0x6c: {  	_ =	shalt  }
0x6d: {  	_ =	shalt  }
0x6e: {  	_ =	shalt  }
0x6f: {  	_ =	shalt  }
0x70: {  	_ =	shalt  }
0x71: {  	_ =	shalt  }
0x72: {  	_ =	shalt  }
0x73: {  	_ =	shalt  }
0x74: {  	_ =	shalt  }
0x75: {  	_ =	shalt  }
0x76: {  	_ =	shalt  }
0x77: {  	_ =	shalt  }
0x78: {  	_ =	shalt  }
0x79: {  	_ =	shalt  }
0x7a: {  	_ =	shalt  }
0x7b: {  	_ =	shalt  }
0x7c: {  	_ =	shalt  }
0x7d: {  	_ =	shalt  }
0x7e: {  	_ =	shalt  }
0x7f: {  	_ =	shalt  }
0x80: {  	_ =	shalt  }
0x81: {  	_ =	shalt  }
0x82: {  	_ =	shalt  }
0x83: {  	_ =	shalt  }
0x84: {  	_ =	shalt  }
0x85: {  	_ =	shalt  }
0x86: {  	_ =	shalt  }
0x87: {  	_ =	shalt  }
.Lfunc_end0:
.L_simem_size_0:
called_computation_lowered:
.L_overlay_start_0:
0x88: {  	s2 =	sld [smem:$0x3FD9]  }
0x89: {  	s3 =	sld [smem:$0x3FFE];
	_ =	sdelay $0x1  }
0x8a: {  	s1 =	srdreg.scid  }
0x8b: {  	s0 =	sand.u32 $0x1, s1  }
0x8c: {  	s17 =	sshll.u32 s0, $0xA;
	s2 =	sadd.s32 s3, s2  }
0x8d: {  	s2 =	sadd.s32 s2, s17  }
0x8e: {  	[smem:$0x3FBF] =	sst s2  }
0x8f: {  	_ = 	snop  }
0x90: {  	s2 =	sld [smem:$0x3FD0];
	(tm) =	ssettm $0x1  }
0x91: {  	s18 =	sld [smem:$0x3FFB];
	_ =	sdelay $0x3  }
0x92: {  	_ =	strace s18  }
0x93: {  	s3 =	sld [smem:$0x3FFC];
	_ =	sdelay $0x3  }
0x94: {  	_ =	strace s3  }
0x95: {  	s3 =	sld [smem:$0x3FFD];
	_ =	sdelay $0x3  }
0x96: {  	_ =	strace s3  }
0x97: {  	_ =	strace $0x8FFFFFFF  }
0x98: {  	s19 =	sld [smem:$0x3FDB];
	_ =	sdelay $0x1  }
0x99: {  	s4 =	simm.s32 $_scs_section_size  }
0x9a: {  	s5 =	simm.s32 $_size__tile_overlayer_lowered;
	s6 =	simm.s32 $_tile_overlayer_lowered  }
0x9b: {  	s22 =	simm.s32 $0x1BFF;
	s21 =	sshll.u32 s6, $0x1;
	s3 =	sadd.s32 s4, s19  }
0x9c: {  	s7 =	simm.s32 $0x0;
	s20 =	sshll.u32 s5, $0x1;
	s5 =	sadd.s32 s21, s3  }
0x9d: {  	[timem:s7], [sflag:s22] =	dma.local [hbm:s5], s20  }
0x9e: {  	_ =	swait.ge [sflag:s22], s20  }
0x9f: {  	s4 =	ssub.s32 $0x0, s20;
	[sflag:s22] =	ssyncset.done $0x0  }
0xa0: {  	[sflag:s22] =	ssyncadd.s32 s4;
	_ =	sdelay $0x1  }
0xa1: {  	s23 =	simm.s32 $0x1B8B  }
0xa2: {  	_ =	swait.ge [sflag:s23], $0x1  }
0xa3: {  	[sflag:s23] =	ssyncset.done $0x0  }
0xa4: {  	s25 =	simm.s32 $0x1B8E;
	s24 =	sld [smem:$0x3FFE];
	[sflag:s23] =	ssyncadd.s32 $0xFFFFFFFF  }
0xa5: {  	s26 =	simm.s32 $execute0_lowered;
	[smem:$0x3FD2] =	sst s25  }
0xa6: {  	s5 =	sshll.u32 s26, $0x1;
	_ =	strace $0x80000046;
	[dreg:$0x1] =	wrdreg $0xFFFFFFFF  }
0xa7: {  	s28 =	simm.s32 $_size_execute0_lowered;
	s3 =	sadd.s32 s3, s5;
	[dreg:$0x0] =	wrdreg $0x0  }
0xa8: {  	s5 =	sshll.u32 s28, $0x1;
	[dreg:$0x2] =	wrdreg s3  }
0xa9: {  	[dreg:$0x3] =	wrdreg s5  }
0xaa: {  	[dreg:$0x4] =	wrdreg $0xC0  }
0xab: {  	_ =	task [dreg:s7], $0x5FFFF  }
0xac: {  	[dreg:$0x1] =	wrdreg $0xFFFFFFFF  }
0xad: {  	[dreg:$0x0] =	wrdreg $0x60  }
0xae: {  	[dreg:$0x2] =	wrdreg s24  }
0xaf: {  	[dreg:$0x3] =	wrdreg s2  }
0xb0: {  	[dreg:$0x4] =	wrdreg $0x30000  }
0xb1: {  	[dreg:$0x5] =	wrdreg $0x9  }
0xb2: {  	_ =	task.clear_ibuf [dreg:s7], $0x6FFFF;
	_ =	strace $0x90000046  }
0xb3: {  	s29 =	simm.s32 $0x9;
	_ =	strace $0x80000048  }
0xb4: {  	_ =	swait.ge [sflag:s29], $0x1  }
0xb5: {  	[sflag:s29] =	ssyncadd.s32 $0xFFFFFFFF  }
0xb6: {  	_ =	strace $0x90000048  }
0xb7: {  	_ =	sfence  }
0xb8: {  	s30 =	sld [smem:$0x0];
	_ =	sdelay $0x2  }
0xb9: {  	s31 =	sshll.u32 s1, $0xD;
	s1 =	sshrl.u32 s1, $0x2  }
0xba: {  	s3 =	sand.u32 $0x4000, s31;
	s1 =	sadd.s32 s1, s30  }
0xbb: {  	s0 =	sor.u32 s3, s0;
	s1 =	sshll.u32 s1, $0x11  }
0xbc: {  	s0 =	sor.u32 s1, s0  }
0xbd: {  	s0 =	sadd.s32 $0x8F2B, s0  }
0xbe: {  	[sflag:s0] =	ssyncadd.remote.s32 $0x1  }
0xbf: {  	_ =	sfence.sel $0xFFFF  }
0xc0: {  	[dreg:$0x0] =	wrdreg $0xFFFFFFFF;
	(pc) =	sbr.abs _section_cstart, $3  }
0xc1: {  	[dreg:$0x1] =	wrdreg $0xFFFFFFFF  }
0xc2: {  	_ =	task.clear_ibuf [dreg:s7], $0x2FFFF;
	_ =	strace $0x9FFFFFFF  }
0xc3: {  	(tm) =	ssettm $0x7FFFFFFF  }
tec
execute0_lowered:
.L_overlay_start_1:
0x0: {  	(tag) =	ssettag $0x1  }
0x1: {  	s7 =	rddreg [dreg:$0x0]  }
0x2: {  	s5 =	rddreg [dreg:$0x1]  }
0x3: {  	s2 =	rddreg [dreg:$0x2]  }
0x4: {  	s0 =	rddreg [dreg:$0x3]  }
0x5: {  	s4 =	srdreg.scid;
	s1 =	stileid.u32  }
0x6: {  	s3 =	simm.s32 $0x0;
	s13 =	simm.s32 $0x80;
	s14 =	simm.s32 $0x1  }
0x7: {  	s15 =	simm.s32 $0x0;
	s6 =	sand.u32 $0x1, s4;
	s8 =	smul.u32 $0x4F00, s1  }
0x8: {  	[smem:$0x7FF] =	sst s3;
	s4 =	sadd.s32 $0x17C00, s7;
	s31 =	sshll.u32 s1, $0x6  }
0x9: {  	s9 =	smul.u32 $0x4F000, s6;
	s10 =	sshll.u32 s6, $0x4;
	s6 =	ssub.s32 $0x2, s6  }
0xa: {  	_ =	strace $0x80000047;
	s10 =	sor.u32 s1, s10;
	s11 =	sshrl.u32 s6, $0x1  }
0xb: {  	s12 =	sshrl.u32 s8, $0x1;
	s30 =	sshrl.u32 s8, $0x4;
	s10 =	smul.u32 $0x2800, s10  }
0xc: {  	s9 =	sadd.s32 s8, s9;
	s11 =	ssub.s32 s6, s11;
	s12 =	sadd.s32 s12, s2  }
0xd: {  	s5 =	sadd.s32 s5, s30;
	s9 =	sshrl.u32 s9, $0x4;
	s10 =	sshrl.u32 s10, $0x3  }
0xe: {  	s6 =	sor.u32 $0x1C02, s31;
	s9 =	sadd.s32 s9, s7;
	s7 =	sadd.s32 s7, s10  }
0xf: {  	s8 =	sadd.s32 $0x17E00, s9;
	s9 =	smax.u32 s11, $0x1;
	s10 =	sshrl.u32 s12, $0x3  }
0x10: {  	s11 =	simm.s32 $0x2;
	s12 =	simm.s32 $0x2800;
	s7 =	sadd.s32 $0xDC00, s7  }
.LBB2_1:
0x11: {  	[spmem:s10], [sflag:s6] =	dma.local [hbm:s5], $0x4F0  }
0x12: {  	_ =	swait.ge [sflag:s11], $0x4F0  }
0x13: {  	[sflag:s11] =	ssyncset.done $0x0  }
0x14: {  	[sflag:s11] =	ssyncadd.s32 $0xFFFFFB10  }
0x15: {  	[tilespmem:s3], [sflag:$0x2] =	stream.linear.gather [hbm4b:s7+s3], $0x2800, $0x38;
	[tilespmem:$0x5780] =	vst v63  }
0x16: {  	_ =	swait.ge [sflag:s11], $0x2800  }
0x17: {  	[sflag:s11] =	ssyncset.done $0x0  }
0x18: {  	[sflag:s11] =	ssyncadd.s32 $0xFFFFD800  }
0x19: {  	[tilespmem:s12], [sflag:$0x2] =	stream.linear.gather [hbm4b:s4+s3], $0x800, $0x38;
	[tilespmem:$0x5780] =	vst v63  }
0x1a: {  	_ =	swait.ge [sflag:s11], $0x800  }
0x1b: {  	[sflag:s11] =	ssyncset.done $0x0  }
0x1c: {  	[sflag:s11] =	ssyncadd.s32 $0xFFFFF800  }
0x1d: {  	s16 =	simm.s32 $0x0;
	[bflag:$0x0] =	sbarrier.arrive $0xFFFF  }
.LBB2_2:
0x1e: {  	p0 =	sne.s32 s16, $0x9E00  }
.Ltmp0:
0x1f: {  	_ = 	snop;
	(pc) =	sbr.rel @p0 .LBB2_2-.Ltmp0, $3  }
0x20: {  	_ =	sdelay $0x1  }
0x21: {  	s17 =	sshra.s32 s16, $0x2;
	s16 =	sadd.s32 $0x200, s16  }
0x22: {  	[spmem:s2] =	stream.indirect.scatter.add.bf16 [tilespmem:s12], [sflag:$0x1], $0x10, s17, s13, $0xb8;
	[tilespmem:$0x5780] =	vst v63  }
0x23: {  	_ =	swait.ge [sflag:s14], $0x800  }
0x24: {  	s16 =	simm.s32 $0x4F;
	[sflag:s14] =	ssyncset.done $0x0  }
.LBB2_4:
0x25: {  	p0 =	sne.s32 s16, $0x1;
	s16 =	sadd.s32 $0xFFFFFFFF, s16;
	[sflag:s14] =	ssyncadd.s32 $0xFFFFF800  }
.Ltmp1:
0x26: {  	(pc) =	sbr.rel @p0 .LBB2_4-.Ltmp1, $3  }
0x27: {  	_ =	sdelay $0x1  }
0x28: {  	_ =	swait.ge [sflag:s14], $0x800  }
0x29: {  	[sflag:s14] =	ssyncset.done $0x0  }
0x2a: {  	s15 =	sadd.s32 $0x1, s15  }
0x2b: {  	[sflag:s14] =	ssyncadd.s32 $0xFFFFF800;
	p0 =	sne.s32 s15, s9  }
.Ltmp2:
0x2c: {  	[bflag:$0x0] =	sbarrier.arrive $0xFFFF;
	(pc) =	sbr.rel @p0 .LBB2_1-.Ltmp2, $4  }
0x2d: {  	[hbm:s8], [sflag:s6] =	dma.local [spmem:s10], $0x4F0  }
0x2e: {  	_ =	swait.ge [sflag:s11], $0x4F0  }
0x2f: {  	[sflag:s11] =	ssyncset.done $0x0  }
0x30: {  	[sflag:s11] =	ssyncadd.s32 $0xFFFFFB10  }
0x31: {  	_ =	sfence.sel $0x180000  }
0x32: {  	[bflag:$0x0] =	sbarrier.arrive $0xFFFF  }
0x33: {  	p0 =	sne.s32 s1, $0x0;
	_ =	strace $0x90000047  }
0x34: {  	s0 =	sadd.s32 @!p0 $0x100000, s0;
	[bflag:$0x2] =	sbarrier.arrive $0xFFFF  }
0x35: {  	[sflag:s0] =	ssyncadd.tile.s32 @!p0 $0x1;
	_ =	shalt  }
.Lfunc_end2:
_tile_overlayer_lowered:
.L_overlay_start_2:
0x36: {  	(tag) =	ssettag $0x2  }
0x37: {  	s0 =	rddreg [dreg:$0x0];
	s2 =	stileid.u32  }
0x38: {  	s1 =	rddreg [dreg:$0x1];
	p0 =	sne.s32 s2, $0x0  }
0x39: {  	s3 =	rddreg [dreg:$0x2];
	[bflag:$0x3] =	sbarrier.arrive $0xFFFF;
	s2 =	simm.s32 @!p0 $0x1C02  }
0x3a: {  	[timem:s3], [sflag:s2] =	dma.local @!p0 [hbm:s0], s1  }
0x3b: {  	s0 =	simm.s32 @!p0 $0x2  }
0x3c: {  	_ =	swait.ge @!p0 [sflag:s0], s1  }
0x3d: {  	s1 =	ssub.s32 @!p0 $0x0, s1;
	[sflag:s0] =	ssyncset.done @!p0 $0x0  }
0x3e: {  	[sflag:s0] =	ssyncadd.s32 @!p0 s1  }
0x3f: {  	[bflag:$0x3] =	sbarrier.arrive $0xFFFF  }
0x40: {  	_ =	shalt  }

// kernel: kernel.14.cloned.1.call-start
scs
__scs_entry_jumppad:
0x0: {  	(pc) =	sbr.rel $0x88, $3  }
0x1: {  	(tag) =	ssettag $0x0;
	lr =	simm.s32 $0x1  }
0x2: {  	[smem:$0x3F98] =	sst lr;
	_ =	strace $0xD0000000  }
0x3: {  	_ = 	snop  }
0x4: {  	_ = 	snop  }
0x5: {  	_ = 	snop  }
0x6: {  	_ = 	snop  }
0x7: {  	_ = 	snop  }
__scs_overlays_trampoline_lowered:
0x8: {  	[smem:$0x3FA7] =	sst s0  }
0x9: {  	[smem:$0x3FA8] =	sst s1  }
0xa: {  	[smem:$0x3FA9] =	sst s2  }
0xb: {  	[smem:$0x3FAA] =	sst s3  }
0xc: {  	[smem:$0x3FAB] =	sst s4  }
0xd: {  	[smem:$0x3FAC] =	sst s5  }
0xe: {  	[smem:$0x3FAD] =	sst s6  }
0xf: {  	[smem:$0x3FAE] =	sst s7  }
0x10: {  	[smem:$0x3FAF] =	sst s8  }
0x11: {  	[smem:$0x3FB0] =	sst s9;
	s0 =	simm.s32 @!p0 $0x0  }
0x12: {  	s1 =	sld [smem:$0x3F96];
	s0 =	simm.s32 @p0 $0x1  }
0x13: {  	[smem:$0x3FB1] =	sst s0;
	s0 =	simm.s32 @!p1 $0x0  }
0x14: {  	s2 =	sld [smem:$0x3F95];
	s0 =	simm.s32 @p1 $0x1  }
0x15: {  	[smem:$0x3FB2] =	sst s0;
	s0 =	simm.s32 @!p2 $0x0  }
0x16: {  	s3 =	sld [smem:$0x3FDB];
	s0 =	simm.s32 @p2 $0x1  }
0x17: {  	s4 =	simm.s32 $0x1BF5;
	[smem:$0x3FB4] =	sst s0  }
0x18: {  	s0 =	sld [smem:$0x3F97];
	_ =	swait.ge [sflag:s4], $0x0  }
0x19: {  	s7 =	sld [smem:$0x3F98]  }
0x1a: {  	s8 =	sadd.s32 $0xFFFFE003, lr  }
0x1b: {  	s9 =	sadd.s32 $0xFFFFFEF7, lr;
	s5 =	simm.s32 $0xFFFFFFFF;
	p2 =	slt.u32 s8, $0xFFFFF086  }
0x1c: {  	p1 =	slt.u32 s9, $0xF7A;
	s5 =	simm.s32 @!p2 $0x0  }
0x1d: {  	s5 =	simm.s32 @p1 $0x1;
	p0 =	seq.s32 s7, s2  }
0x1e: {  	s7 =	smul.u32 @!p0 $0xF7A, s2;
	p2 =	seq.s32 @!p0 s5, $0x0  }
0x1f: {  	s9 =	smul.u32 $0xF7A, s1;
	s8 =	simm.s32 @!p0 $0x1BF5;
	p2 =	por !p2, p0  }
0x20: {  	[sflag:s8] =	ssyncset.s32 @!p0 $0xFFFFF086;
	s6 =	sadd.s32 @!p0 s3, s7;
	s7 =	simm.s32 @!p0 $0x108  }
0x21: {  	s3 =	sadd.s32 s3, s9;
	s6 =	sadd.s32 @!p0 $0x88, s6;
	s7 =	simm.s32 @p2 $0x1082  }
0x22: {  	[simem:s7], [sflag:s8] =	dma.local @!p0 [hbm:s6], $0xF7A  }
0x23: {  	s9 =	sor.u32 $0xD0000000, s2;
	s6 =	simm.s32 $0x108;
	_ =	swait.ge @!p0 [sflag:s8], $0x0  }
0x24: {  	s3 =	sadd.s32 $0x88, s3;
	s6 =	simm.s32 @!p1 $0x1082;
	[sflag:s4] =	ssyncset.s32 $0xFFFFF086  }
0x25: {  	[simem:s6], [sflag:s4] =	dma.local [hbm:s3], $0xF7A  }
0x26: {  	[smem:$0x3F98] =	sst s1;
	(tag) =	ssettag s2;
	_ =	strace s9  }
0x27: {  	s1 =	sld [smem:$0x3FA8]  }
0x28: {  	s2 =	sld [smem:$0x3FA9]  }
0x29: {  	s4 =	sld [smem:$0x3FAB]  }
0x2a: {  	p0 =	seq.s32 s5, $0x0;
	s5 =	sld [smem:$0x3FAC]  }
0x2b: {  	s6 =	sld [smem:$0x3FAD]  }
0x2c: {  	s7 =	sld [smem:$0x3FAE]  }
0x2d: {  	s3 =	simm.s32 $0x108;
	s8 =	sld [smem:$0x3FAF]  }
0x2e: {  	s3 =	simm.s32 @!p0 $0x1082;
	s9 =	sld [smem:$0x3FB0]  }
0x2f: {  	lr =	sadd.s32 s0, s3;
	s0 =	sld [smem:$0x3FA7]  }
0x30: {  	s3 =	sld [smem:$0x3FAA]  }
0x31: {  	[smem:$0x3FB3] =	sst s10  }
0x32: {  	s10 =	sld [smem:$0x3FB1];
	_ =	sdelay $0x3  }
0x33: {  	p0 =	seq.s32 s10, $0x1;
	s10 =	sld [smem:$0x3FB3];
	_ =	sdelay $0x3  }
0x34: {  	[smem:$0x3FB3] =	sst s10  }
0x35: {  	s10 =	sld [smem:$0x3FB2];
	_ =	sdelay $0x3  }
0x36: {  	p1 =	seq.s32 s10, $0x1;
	s10 =	sld [smem:$0x3FB3];
	_ =	sdelay $0x3  }
0x37: {  	[smem:$0x3FB3] =	sst s10  }
0x38: {  	s10 =	sld [smem:$0x3FB4]  }
0x39: {  	_ = 	snop;
	(pc) =	sbr.ind lr, $3  }
0x3a: {  	_ = 	snop  }
0x3b: {  	_ = 	snop  }
0x3c: {  	p2 =	seq.s32 s10, $0x1;
	s10 =	sld [smem:$0x3FB3]  }
0x3d: {  	_ =	shalt  }
0x3e: {  	_ =	shalt  }
0x3f: {  	_ =	shalt  }
0x40: {  	_ =	shalt  }
0x41: {  	_ =	shalt  }
0x42: {  	_ =	shalt  }
0x43: {  	_ =	shalt  }
0x44: {  	_ =	shalt  }
0x45: {  	_ =	shalt  }
0x46: {  	_ =	shalt  }
0x47: {  	_ =	shalt  }
0x48: {  	_ =	shalt  }
0x49: {  	_ =	shalt  }
0x4a: {  	_ =	shalt  }
0x4b: {  	_ =	shalt  }
0x4c: {  	_ =	shalt  }
0x4d: {  	_ =	shalt  }
0x4e: {  	_ =	shalt  }
0x4f: {  	_ =	shalt  }
0x50: {  	_ =	shalt  }
0x51: {  	_ =	shalt  }
0x52: {  	_ =	shalt  }
0x53: {  	_ =	shalt  }
0x54: {  	_ =	shalt  }
0x55: {  	_ =	shalt  }
0x56: {  	_ =	shalt  }
0x57: {  	_ =	shalt  }
0x58: {  	_ =	shalt  }
0x59: {  	_ =	shalt  }
0x5a: {  	_ =	shalt  }
0x5b: {  	_ =	shalt  }
0x5c: {  	_ =	shalt  }
0x5d: {  	_ =	shalt  }
0x5e: {  	_ =	shalt  }
0x5f: {  	_ =	shalt  }
0x60: {  	_ =	shalt  }
0x61: {  	_ =	shalt  }
0x62: {  	_ =	shalt  }
0x63: {  	_ =	shalt  }
0x64: {  	_ =	shalt  }
0x65: {  	_ =	shalt  }
0x66: {  	_ =	shalt  }
0x67: {  	_ =	shalt  }
0x68: {  	_ =	shalt  }
0x69: {  	_ =	shalt  }
0x6a: {  	_ =	shalt  }
0x6b: {  	_ =	shalt  }
0x6c: {  	_ =	shalt  }
0x6d: {  	_ =	shalt  }
0x6e: {  	_ =	shalt  }
0x6f: {  	_ =	shalt  }
0x70: {  	_ =	shalt  }
0x71: {  	_ =	shalt  }
0x72: {  	_ =	shalt  }
0x73: {  	_ =	shalt  }
0x74: {  	_ =	shalt  }
0x75: {  	_ =	shalt  }
0x76: {  	_ =	shalt  }
0x77: {  	_ =	shalt  }
0x78: {  	_ =	shalt  }
0x79: {  	_ =	shalt  }
0x7a: {  	_ =	shalt  }
0x7b: {  	_ =	shalt  }
0x7c: {  	_ =	shalt  }
0x7d: {  	_ =	shalt  }
0x7e: {  	_ =	shalt  }
0x7f: {  	_ =	shalt  }
0x80: {  	_ =	shalt  }
0x81: {  	_ =	shalt  }
0x82: {  	_ =	shalt  }
0x83: {  	_ =	shalt  }
0x84: {  	_ =	shalt  }
0x85: {  	_ =	shalt  }
0x86: {  	_ =	shalt  }
0x87: {  	_ =	shalt  }
.Lfunc_end0:
.L_simem_size_0:
called_computation.1_lowered:
.L_overlay_start_0:
0x88: {  	s2 =	sld [smem:$0x3FD9]  }
0x89: {  	s3 =	sld [smem:$0x3FFE];
	_ =	sdelay $0x1  }
0x8a: {  	s1 =	srdreg.scid  }
0x8b: {  	s0 =	sand.u32 $0x1, s1  }
0x8c: {  	s16 =	sshll.u32 s0, $0xA;
	s2 =	sadd.s32 s3, s2  }
0x8d: {  	s2 =	sadd.s32 s2, s16  }
0x8e: {  	[smem:$0x3FBF] =	sst s2  }
0x8f: {  	_ = 	snop  }
0x90: {  	(tm) =	ssettm $0x1  }
0x91: {  	s17 =	sld [smem:$0x3FFB];
	_ =	sdelay $0x3  }
0x92: {  	_ =	strace s17  }
0x93: {  	s2 =	sld [smem:$0x3FFC];
	_ =	sdelay $0x3  }
0x94: {  	_ =	strace s2  }
0x95: {  	s2 =	sld [smem:$0x3FFD];
	_ =	sdelay $0x3  }
0x96: {  	_ =	strace s2  }
0x97: {  	_ =	strace $0x8FFFFFFF  }
0x98: {  	s18 =	sld [smem:$0x3FDB];
	_ =	sdelay $0x1  }
0x99: {  	s19 =	simm.s32 $_scs_section_size  }
0x9a: {  	s4 =	simm.s32 $_size__tile_overlayer_lowered;
	s5 =	simm.s32 $_tile_overlayer_lowered  }
0x9b: {  	s22 =	simm.s32 $0x1BFF;
	s21 =	sshll.u32 s5, $0x1;
	s2 =	sadd.s32 s19, s18  }
0x9c: {  	s6 =	simm.s32 $0x0;
	s20 =	sshll.u32 s4, $0x1;
	s4 =	sadd.s32 s21, s2  }
0x9d: {  	[timem:s6], [sflag:s22] =	dma.local [hbm:s4], s20  }
0x9e: {  	_ =	swait.ge [sflag:s22], s20  }
0x9f: {  	s3 =	ssub.s32 $0x0, s20;
	[sflag:s22] =	ssyncset.done $0x0  }
0xa0: {  	[sflag:s22] =	ssyncadd.s32 s3;
	_ =	sdelay $0x1  }
0xa1: {  	s23 =	simm.s32 $0x1B8B  }
0xa2: {  	_ =	swait.ge [sflag:s23], $0x1  }
0xa3: {  	[sflag:s23] =	ssyncset.done $0x0  }
0xa4: {  	s25 =	simm.s32 $0x1B8E;
	s24 =	sld [smem:$0x3FFE];
	[sflag:s23] =	ssyncadd.s32 $0xFFFFFFFF  }
0xa5: {  	s26 =	simm.s32 $execute0_lowered;
	[smem:$0x3FD2] =	sst s25  }
0xa6: {  	s4 =	sshll.u32 s26, $0x1;
	_ =	strace $0x80000049;
	[dreg:$0x1] =	wrdreg $0xFFFFFFFF  }
0xa7: {  	s28 =	simm.s32 $_size_execute0_lowered;
	s2 =	sadd.s32 s2, s4;
	[dreg:$0x0] =	wrdreg $0x0  }
0xa8: {  	s4 =	sshll.u32 s28, $0x1;
	[dreg:$0x2] =	wrdreg s2  }
0xa9: {  	[dreg:$0x3] =	wrdreg s4  }
0xaa: {  	[dreg:$0x4] =	wrdreg $0xC0  }
0xab: {  	_ =	task [dreg:s6], $0x5FFFF  }
0xac: {  	[dreg:$0x1] =	wrdreg $0xFFFFFFFF  }
0xad: {  	[dreg:$0x0] =	wrdreg $0x60  }
0xae: {  	[dreg:$0x2] =	wrdreg s24  }
0xaf: {  	[dreg:$0x3] =	wrdreg $0xF0000  }
0xb0: {  	[dreg:$0x4] =	wrdreg $0x9  }
0xb1: {  	_ =	task.clear_ibuf [dreg:s6], $0x5FFFF;
	_ =	strace $0x90000049  }
0xb2: {  	s29 =	simm.s32 $0x9;
	_ =	strace $0x8000004B  }
0xb3: {  	_ =	swait.ge [sflag:s29], $0x1  }
0xb4: {  	[sflag:s29] =	ssyncadd.s32 $0xFFFFFFFF  }
0xb5: {  	_ =	strace $0x9000004B  }
0xb6: {  	_ =	sfence  }
0xb7: {  	s30 =	sld [smem:$0x0];
	_ =	sdelay $0x2  }
0xb8: {  	s31 =	sshll.u32 s1, $0xD;
	s1 =	sshrl.u32 s1, $0x2  }
0xb9: {  	s3 =	sand.u32 $0x4000, s31;
	s1 =	sadd.s32 s1, s30  }
0xba: {  	s0 =	sor.u32 s3, s0;
	s1 =	sshll.u32 s1, $0x11  }
0xbb: {  	s0 =	sor.u32 s1, s0  }
0xbc: {  	s0 =	sadd.s32 $0x8F2B, s0  }
0xbd: {  	[sflag:s0] =	ssyncadd.remote.s32 $0x1  }
0xbe: {  	_ =	sfence.sel $0xFFFF  }
0xbf: {  	[dreg:$0x0] =	wrdreg $0xFFFFFFFF;
	(pc) =	sbr.abs _section_cstart, $3  }
0xc0: {  	[dreg:$0x1] =	wrdreg $0xFFFFFFFF  }
0xc1: {  	_ =	task.clear_ibuf [dreg:s6], $0x2FFFF;
	_ =	strace $0x9FFFFFFF  }
0xc2: {  	(tm) =	ssettm $0x7FFFFFFF  }
0xc3: {  	_ =	shalt  }
tec
execute0_lowered:
.L_overlay_start_1:
0x0: {  	(tag) =	ssettag $0x1  }
0x1: {  	s0 =	srdreg.scid;
	s3 =	rddreg [dreg:$0x0]  }
0x2: {  	s9 =	stileid.u32;
	s2 =	rddreg [dreg:$0x1]  }
0x3: {  	s4 =	simm.s32 $0x0;
	s14 =	simm.s32 $0x80;
	s16 =	simm.s32 $0x6000  }
0x4: {  	s18 =	simm.s32 $0x7000;
	s20 =	simm.s32 $0x8000;
	s22 =	simm.s32 $0x9000  }
0x5: {  	s28 =	simm.s32 $0x3;
	s29 =	simm.s32 $0xC000;
	s30 =	simm.s32 $0x4  }
0x6: {  	s31 =	simm.s32 $0xD000;
	s13 =	simm.s32 $0x6;
	s17 =	simm.s32 $0xB  }
0x7: {  	s19 =	simm.s32 $0x8;
	s21 =	simm.s32 $0xD;
	s10 =	simm.s32 $0x0  }
0x8: {  	s0 =	sand.u32 $0x1, s0;
	s5 =	smul.u32 $0x4F00, s9;
	[smem:$0x7FF] =	sst s4  }
0x9: {  	s4 =	sadd.s32 $0x17C00, s3;
	s24 =	sshll.u32 s9, $0x6;
	s1 =	sshll.u32 s0, $0x4  }
0xa: {  	s6 =	smul.u32 $0x4F000, s0;
	_ =	strace $0x8000004A;
	s0 =	ssub.s32 $0x2, s0  }
0xb: {  	s1 =	sor.u32 s9, s1;
	s7 =	sshrl.u32 s5, $0x3;
	s8 =	sshrl.u32 s0, $0x1  }
0xc: {  	s9 =	simm.s32 $0x15;
	s1 =	smul.u32 $0x2800, s1;
	s7 =	sadd.s32 s7, s3  }
0xd: {  	s6 =	sadd.s32 s5, s6;
	s0 =	ssub.s32 s0, s8;
	s23 =	sadd.s32 $0x21A00, s7  }
0xe: {  	s5 =	sadd.s32 s5, s2;
	s0 =	smax.u32 s0, $0x1;
	[dreg:$0x3] =	wrdreg s23  }
0xf: {  	s6 =	sshrl.u32 s6, $0x3;
	s8 =	sshrl.u32 s5, $0x3;
	[dreg:$0x8] =	wrdreg s0  }
0x10: {  	s5 =	simm.s32 $0xA;
	s1 =	sshrl.u32 s1, $0x3;
	[dreg:$0x9] =	wrdreg s8  }
0x11: {  	s1 =	sadd.s32 s1, s3;
	s3 =	sadd.s32 s6, s3;
	s6 =	sor.u32 $0x1C15, s24  }
.Ltmp0:
0x12: {  	s25 =	sadd.s32 $0x3C00, s1;
	[dreg:$0x4] =	wrdreg s6;
	(pc) =	sbr.rel .LBB2_1-.Ltmp0, $4  }
0x13: {  	s7 =	simm.s32 $0xF;
	s1 =	sadd.s32 $0xDC00, s1;
	[dreg:$0x5] =	wrdreg s25  }
0x14: {  	s23 =	simm.s32 $0x1;
	s26 =	sadd.s32 $0x2B800, s3;
	[dreg:$0x6] =	wrdreg s1  }
0x15: {  	s0 =	simm.s32 $0xE000;
	s24 =	simm.s32 $0xA000;
	[dreg:$0x7] =	wrdreg s26  }
0x16: {  	s25 =	simm.s32 $0x2;
	s26 =	simm.s32 $0xB000;
	s1 =	simm.s32 $0x5  }
.LBB2_4:
0x17: {  	s3 =	simm.s32 $0x10  }
0x18: {  	_ =	swait.ge [sflag:s3], $0x1000  }
0x19: {  	[sflag:s3] =	ssyncset.done $0x0  }
0x1a: {  	s8 =	simm.s32 $0x11;
	[sflag:s3] =	ssyncadd.s32 $0xFFFFF000  }
0x1b: {  	_ =	swait.ge [sflag:s8], $0x1000  }
0x1c: {  	[sflag:s8] =	ssyncset.done $0x0  }
0x1d: {  	s9 =	simm.s32 $0x12;
	[sflag:s8] =	ssyncadd.s32 $0xFFFFF000  }
0x1e: {  	_ =	swait.ge [sflag:s9], $0x1000  }
0x1f: {  	[sflag:s9] =	ssyncset.done $0x0  }
0x20: {  	s10 =	simm.s32 $0x13;
	[sflag:s9] =	ssyncadd.s32 $0xFFFFF000  }
0x21: {  	_ =	swait.ge [sflag:s10], $0x1000  }
0x22: {  	[sflag:s10] =	ssyncset.done $0x0  }
0x23: {  	s11 =	simm.s32 $0x14;
	[sflag:s10] =	ssyncadd.s32 $0xFFFFF000  }
0x24: {  	_ =	swait.ge [sflag:s11], $0x1000  }
0x25: {  	[sflag:s11] =	ssyncset.done $0x0  }
0x26: {  	[sflag:s11] =	ssyncadd.s32 $0xFFFFF000  }
0x27: {  	[bflag:$0x0] =	sbarrier.arrive $0xFFFF  }
0x28: {  	s6 =	rddreg [dreg:$0x4]  }
0x29: {  	s12 =	rddreg [dreg:$0x7]  }
0x2a: {  	s9 =	simm.s32 $0x15;
	s8 =	rddreg [dreg:$0x9]  }
0x2b: {  	[hbm:s12], [sflag:s6] =	dma.local [spmem:s8], $0x9E0  }
0x2c: {  	_ =	swait.ge [sflag:s9], $0x9E0  }
0x2d: {  	s10 =	rddreg [dreg:$0xa]  }
0x2e: {  	s15 =	rddreg [dreg:$0x8];
	s10 =	sadd.s32 $0x1, s10  }
0x2f: {  	p0 =	sne.s32 s10, s15  }
.Ltmp1:
0x30: {  	_ = 	snop;
	(pc) =	sbr.rel @!p0 .LBB2_5-.Ltmp1, $3  }
0x31: {  	_ =	sdelay $0x1  }
0x32: {  	[sflag:s9] =	ssyncset.done $0x0  }
0x33: {  	[sflag:s9] =	ssyncadd.s32 $0xFFFFF620  }
.LBB2_1:
0x34: {  	[dreg:$0xa] =	wrdreg s10  }
0x35: {  	s3 =	rddreg [dreg:$0x3]  }
0x36: {  	[spmem:s8], [sflag:s6] =	dma.local [hbm:s3], $0x9E0  }
0x37: {  	_ =	swait.ge [sflag:s9], $0x9E0  }
0x38: {  	[sflag:s9] =	ssyncset.done $0x0  }
0x39: {  	s3 =	simm.s32 $0x0;
	s11 =	rddreg [dreg:$0x5];
	[sflag:s9] =	ssyncadd.s32 $0xFFFFF620  }
0x3a: {  	[tilespmem:s3], [sflag:$0x15] =	stream.linear.gather [hbm4b:s11+s3], $0x2800, $0x38;
	[tilespmem:$0x13F00] =	vst v63  }
0x3b: {  	_ =	swait.ge [sflag:s9], $0x2800  }
0x3c: {  	[sflag:s9] =	ssyncset.done $0x0  }
0x3d: {  	s15 =	simm.s32 $0x2800;
	s12 =	rddreg [dreg:$0x6];
	[sflag:s9] =	ssyncadd.s32 $0xFFFFD800  }
0x3e: {  	[tilespmem:s15], [sflag:$0x15] =	stream.linear.gather [hbm4b:s12+s3], $0x2800, $0x38;
	[tilespmem:$0x13F00] =	vst v63  }
0x3f: {  	_ =	swait.ge [sflag:s9], $0x2800  }
0x40: {  	[sflag:s9] =	ssyncset.done $0x0  }
0x41: {  	[sflag:s9] =	ssyncadd.s32 $0xFFFFD800  }
0x42: {  	s10 =	simm.s32 $0x5000;
	[bflag:$0x0] =	sbarrier.arrive $0xFFFF  }
0x43: {  	[tilespmem:s10], [sflag:$0x1] =	stream.indirect.gather [hbm4b:s4+s14], $0x20, s3, s14, $0xb8;
	[tilespmem:$0x13F00] =	vst v63  }
0x44: {  	_ = 	snop  }
0x45: {  	[tilespmem:s16], [sflag:$0x2] =	stream.indirect.gather [hbm4b:s4+s14], $0x20, s14, s14, $0xb8;
	[tilespmem:$0x13F00] =	vst v63  }
0x46: {  	s11 =	simm.s32 $0x100  }
0x47: {  	[tilespmem:s18], [sflag:$0x3] =	stream.indirect.gather [hbm4b:s4+s14], $0x20, s11, s14, $0xb8;
	[tilespmem:$0x13F00] =	vst v63  }
0x48: {  	s12 =	simm.s32 $0x180  }
0x49: {  	[tilespmem:s20], [sflag:$0x4] =	stream.indirect.gather [hbm4b:s4+s14], $0x20, s12, s14, $0xb8;
	[tilespmem:$0x13F00] =	vst v63  }
0x4a: {  	s15 =	simm.s32 $0x200;
	s10 =	simm.s32 $0x0  }
0x4b: {  	[tilespmem:s22], [sflag:$0x5] =	stream.indirect.gather [hbm4b:s4+s14], $0x20, s15, s14, $0xb8;
	[tilespmem:$0x13F00] =	vst v63  }
.LBB2_2:
0x4c: {  	_ =	swait.ge [sflag:s23], $0x1000  }
0x4d: {  	s3 =	sshra.s32 s10, $0x2;
	s6 =	simm.s32 $0x5000;
	[sflag:s23] =	ssyncset.done $0x0  }
0x4e: {  	p0 =	seq.s32 s10, $0x0;
	s8 =	sadd.s32 $0x2800, s3;
	[sflag:s23] =	ssyncadd.s32 $0xFFFFF000  }
0x4f: {  	[spmem:s2] =	stream.indirect.scatter.add.f32 [tilespmem:s6], [sflag:$0xB], $0x20, s8, s14, $0xb8;
	[tilespmem:$0x13F00] =	vst v63  }
0x50: {  	s8 =	simm.s32 @!p0 $0x10  }
0x51: {  	_ =	swait.ge @!p0 [sflag:s8], $0x1000  }
0x52: {  	[sflag:s8] =	ssyncset.done @!p0 $0x0  }
0x53: {  	s15 =	sadd.s32 $0x280, s3;
	[sflag:s8] =	ssyncadd.s32 @!p0 $0xFFFFF000  }
0x54: {  	[tilespmem:s24], [sflag:$0x6] =	stream.indirect.gather [hbm4b:s4+s14], $0x20, s15, s14, $0xb8;
	[tilespmem:$0x13F00] =	vst v63  }
0x55: {  	_ =	swait.ge [sflag:s25], $0x1000  }
0x56: {  	[sflag:s25] =	ssyncset.done $0x0  }
0x57: {  	s6 =	sadd.s32 $0x2880, s3;
	s8 =	simm.s32 @!p0 $0x11;
	[sflag:s25] =	ssyncadd.s32 $0xFFFFF000  }
0x58: {  	[spmem:s2] =	stream.indirect.scatter.add.f32 [tilespmem:s16], [sflag:$0xC], $0x20, s6, s14, $0xb8;
	[tilespmem:$0x13F00] =	vst v63  }
0x59: {  	_ =	swait.ge @!p0 [sflag:s8], $0x1000  }
0x5a: {  	[sflag:s8] =	ssyncset.done @!p0 $0x0  }
0x5b: {  	s9 =	sadd.s32 $0x300, s3;
	[sflag:s8] =	ssyncadd.s32 @!p0 $0xFFFFF000  }
0x5c: {  	[tilespmem:s26], [sflag:$0x7] =	stream.indirect.gather [hbm4b:s4+s14], $0x20, s9, s14, $0xb8;
	[tilespmem:$0x13F00] =	vst v63  }
0x5d: {  	_ =	swait.ge [sflag:s28], $0x1000  }
0x5e: {  	[sflag:s28] =	ssyncset.done $0x0  }
0x5f: {  	s11 =	sadd.s32 $0x2900, s3;
	s8 =	simm.s32 @!p0 $0x12;
	[sflag:s28] =	ssyncadd.s32 $0xFFFFF000  }
0x60: {  	[spmem:s2] =	stream.indirect.scatter.add.f32 [tilespmem:s18], [sflag:$0xD], $0x20, s11, s14, $0xb8;
	[tilespmem:$0x13F00] =	vst v63  }
0x61: {  	_ =	swait.ge @!p0 [sflag:s8], $0x1000  }
0x62: {  	[sflag:s8] =	ssyncset.done @!p0 $0x0  }
0x63: {  	s12 =	sadd.s32 $0x380, s3;
	[sflag:s8] =	ssyncadd.s32 @!p0 $0xFFFFF000  }
0x64: {  	[tilespmem:s29], [sflag:$0x8] =	stream.indirect.gather [hbm4b:s4+s14], $0x20, s12, s14, $0xb8;
	[tilespmem:$0x13F00] =	vst v63  }
0x65: {  	_ =	swait.ge [sflag:s30], $0x1000  }
0x66: {  	[sflag:s30] =	ssyncset.done $0x0  }
0x67: {  	s15 =	sadd.s32 $0x2980, s3;
	s8 =	simm.s32 @!p0 $0x13;
	[sflag:s30] =	ssyncadd.s32 $0xFFFFF000  }
0x68: {  	[spmem:s2] =	stream.indirect.scatter.add.f32 [tilespmem:s20], [sflag:$0xE], $0x20, s15, s14, $0xb8;
	[tilespmem:$0x13F00] =	vst v63  }
0x69: {  	_ =	swait.ge @!p0 [sflag:s8], $0x1000  }
0x6a: {  	[sflag:s8] =	ssyncset.done @!p0 $0x0  }
0x6b: {  	s6 =	sadd.s32 $0x400, s3;
	[sflag:s8] =	ssyncadd.s32 @!p0 $0xFFFFF000  }
0x6c: {  	[tilespmem:s31], [sflag:$0x9] =	stream.indirect.gather [hbm4b:s4+s14], $0x20, s6, s14, $0xb8;
	[tilespmem:$0x13F00] =	vst v63  }
0x6d: {  	_ =	swait.ge [sflag:s1], $0x1000  }
0x6e: {  	[sflag:s1] =	ssyncset.done $0x0  }
0x6f: {  	s9 =	sadd.s32 $0x2A00, s3;
	s8 =	simm.s32 @!p0 $0x14;
	[sflag:s1] =	ssyncadd.s32 $0xFFFFF000  }
0x70: {  	[spmem:s2] =	stream.indirect.scatter.add.f32 [tilespmem:s22], [sflag:$0xF], $0x20, s9, s14, $0xb8;
	[tilespmem:$0x13F00] =	vst v63  }
0x71: {  	_ =	swait.ge @!p0 [sflag:s8], $0x1000  }
0x72: {  	[sflag:s8] =	ssyncset.done @!p0 $0x0  }
0x73: {  	s11 =	sadd.s32 $0x480, s3;
	[sflag:s8] =	ssyncadd.s32 @!p0 $0xFFFFF000  }
0x74: {  	[tilespmem:s0], [sflag:$0xA] =	stream.indirect.gather [hbm4b:s4+s14], $0x20, s11, s14, $0xb8;
	[tilespmem:$0x13F00] =	vst v63  }
0x75: {  	_ =	swait.ge [sflag:s13], $0x1000  }
0x76: {  	[sflag:s13] =	ssyncset.done $0x0  }
0x77: {  	s12 =	sadd.s32 $0x2A80, s3;
	[sflag:s13] =	ssyncadd.s32 $0xFFFFF000  }
0x78: {  	[spmem:s2] =	stream.indirect.scatter.add.f32 [tilespmem:s24], [sflag:$0x10], $0x20, s12, s14, $0xb8;
	[tilespmem:$0x13F00] =	vst v63  }
0x79: {  	_ =	swait.ge [sflag:s17], $0x1000  }
0x7a: {  	p0 =	seq.s32 s10, $0x8C00;
	[sflag:s17] =	ssyncset.done $0x0  }
0x7b: {  	s8 =	simm.s32 @p0 $0x7;
	[sflag:s17] =	ssyncadd.s32 $0xFFFFF000  }
0x7c: {  	_ =	swait.ge @p0 [sflag:s8], $0x1000  }
0x7d: {  	[sflag:s8] =	ssyncset.done @p0 $0x0  }
0x7e: {  	[sflag:s8] =	ssyncadd.s32 @p0 $0xFFFFF000;
	s8 =	sshra.s32 @p0 s10, $0x2  }
0x7f: {  	s11 =	simm.s32 @p0 $0x80;
	s12 =	simm.s32 @p0 $0xB000;
	s6 =	sadd.s32 @p0 $0x2B00, s8  }
0x80: {  	[spmem:s2] =	stream.indirect.scatter.add.f32 @p0 [tilespmem:s12], [sflag:$0x11], $0x20, s6, s11, $0xb8;
	[tilespmem:$0x13F00] =	vst v63  }
0x81: {  	s6 =	simm.s32 @p0 $0xC  }
0x82: {  	_ =	swait.ge @p0 [sflag:s6], $0x1000  }
0x83: {  	[sflag:s6] =	ssyncset.done @p0 $0x0  }
0x84: {  	[sflag:s6] =	ssyncadd.s32 @p0 $0xFFFFF000;
	s6 =	sshra.s32 @!p0 s10, $0x2  }
0x85: {  	s9 =	simm.s32 @!p0 $0x80;
	s15 =	simm.s32 @!p0 $0x5000;
	s12 =	sadd.s32 @!p0 $0x500, s6  }
0x86: {  	[tilespmem:s15], [sflag:$0x1] =	stream.indirect.gather @!p0 [hbm4b:s4+s9], $0x20, s12, s9, $0xb8;
	[tilespmem:$0x13F00] =	vst v63  }
0x87: {  	s12 =	simm.s32 @!p0 $0x7  }
0x88: {  	_ =	swait.ge @!p0 [sflag:s12], $0x1000  }
0x89: {  	[sflag:s12] =	ssyncset.done @!p0 $0x0  }
0x8a: {  	s15 =	simm.s32 @!p0 $0xB000;
	[sflag:s12] =	ssyncadd.s32 @!p0 $0xFFFFF000;
	s12 =	sadd.s32 @!p0 $0x2B00, s6  }
0x8b: {  	[spmem:s2] =	stream.indirect.scatter.add.f32 @!p0 [tilespmem:s15], [sflag:$0x11], $0x20, s12, s9, $0xb8;
	[tilespmem:$0x13F00] =	vst v63  }
0x8c: {  	s12 =	simm.s32 @!p0 $0xC  }
0x8d: {  	_ =	swait.ge @!p0 [sflag:s12], $0x1000  }
0x8e: {  	[sflag:s12] =	ssyncset.done @!p0 $0x0  }
0x8f: {  	s15 =	simm.s32 @!p0 $0x6000;
	[sflag:s12] =	ssyncadd.s32 @!p0 $0xFFFFF000;
	s12 =	sadd.s32 @!p0 $0x580, s6  }
0x90: {  	[tilespmem:s15], [sflag:$0x2] =	stream.indirect.gather @!p0 [hbm4b:s4+s9], $0x20, s12, s9, $0xb8;
	[tilespmem:$0x13F00] =	vst v63  }
0x91: {  	_ =	swait.ge [sflag:s19], $0x1000  }
0x92: {  	[sflag:s19] =	ssyncset.done $0x0  }
0x93: {  	s15 =	sadd.s32 $0x2B80, s3;
	[sflag:s19] =	ssyncadd.s32 $0xFFFFF000  }
0x94: {  	[spmem:s2] =	stream.indirect.scatter.add.f32 [tilespmem:s29], [sflag:$0x12], $0x20, s15, s14, $0xb8;
	[tilespmem:$0x13F00] =	vst v63  }
0x95: {  	_ =	swait.ge [sflag:s21], $0x1000  }
0x96: {  	[sflag:s21] =	ssyncset.done $0x0  }
0x97: {  	s12 =	simm.s32 @p0 $0x9;
	[sflag:s21] =	ssyncadd.s32 $0xFFFFF000  }
0x98: {  	_ =	swait.ge @p0 [sflag:s12], $0x1000  }
0x99: {  	[sflag:s12] =	ssyncset.done @p0 $0x0  }
0x9a: {  	s8 =	sadd.s32 @p0 $0x2C00, s8;
	[sflag:s12] =	ssyncadd.s32 @p0 $0xFFFFF000;
	s12 =	simm.s32 @p0 $0xD000  }
0x9b: {  	[spmem:s2] =	stream.indirect.scatter.add.f32 @p0 [tilespmem:s12], [sflag:$0x13], $0x20, s8, s11, $0xb8;
	[tilespmem:$0x13F00] =	vst v63  }
0x9c: {  	s8 =	simm.s32 @p0 $0xE  }
0x9d: {  	_ =	swait.ge @p0 [sflag:s8], $0x1000  }
0x9e: {  	[sflag:s8] =	ssyncset.done @p0 $0x0  }
0x9f: {  	s11 =	simm.s32 @!p0 $0x7000;
	[sflag:s8] =	ssyncadd.s32 @p0 $0xFFFFF000;
	s8 =	sadd.s32 @!p0 $0x600, s6  }
0xa0: {  	[tilespmem:s11], [sflag:$0x3] =	stream.indirect.gather @!p0 [hbm4b:s4+s9], $0x20, s8, s9, $0xb8;
	[tilespmem:$0x13F00] =	vst v63  }
0xa1: {  	s8 =	simm.s32 @!p0 $0x9  }
0xa2: {  	_ =	swait.ge @!p0 [sflag:s8], $0x1000  }
0xa3: {  	[sflag:s8] =	ssyncset.done @!p0 $0x0  }
0xa4: {  	s11 =	simm.s32 @!p0 $0xD000;
	[sflag:s8] =	ssyncadd.s32 @!p0 $0xFFFFF000;
	s8 =	sadd.s32 @!p0 $0x2C00, s6  }
0xa5: {  	[spmem:s2] =	stream.indirect.scatter.add.f32 @!p0 [tilespmem:s11], [sflag:$0x13], $0x20, s8, s9, $0xb8;
	[tilespmem:$0x13F00] =	vst v63  }
0xa6: {  	s8 =	simm.s32 @!p0 $0xE  }
0xa7: {  	_ =	swait.ge @!p0 [sflag:s8], $0x1000  }
0xa8: {  	[sflag:s8] =	ssyncset.done @!p0 $0x0  }
0xa9: {  	s6 =	sadd.s32 @!p0 $0x680, s6;
	[sflag:s8] =	ssyncadd.s32 @!p0 $0xFFFFF000;
	s8 =	simm.s32 @!p0 $0x8000  }
0xaa: {  	[tilespmem:s8], [sflag:$0x4] =	stream.indirect.gather @!p0 [hbm4b:s4+s9], $0x20, s6, s9, $0xb8;
	[tilespmem:$0x13F00] =	vst v63  }
0xab: {  	_ =	swait.ge [sflag:s5], $0x1000  }
0xac: {  	[sflag:s5] =	ssyncset.done $0x0  }
.Ltmp2:
0xad: {  	s15 =	sadd.s32 $0x2C80, s3;
	[sflag:s5] =	ssyncadd.s32 $0xFFFFF000;
	(pc) =	sbr.rel @p0 .LBB2_4-.Ltmp2, $4  }
0xae: {  	[spmem:s2] =	stream.indirect.scatter.add.f32 [tilespmem:s0], [sflag:$0x14], $0x20, s15, s14, $0xb8;
	[tilespmem:$0x13F00] =	vst v63  }
0xaf: {  	_ =	swait.ge [sflag:s7], $0x1000  }
0xb0: {  	[sflag:s7] =	ssyncset.done $0x0  }
0xb1: {  	[sflag:s7] =	ssyncadd.s32 $0xFFFFF000  }
.Ltmp3:
0xb2: {  	(pc) =	sbr.rel .LBB2_2-.Ltmp3, $3  }
0xb3: {  	_ =	sdelay $0x1  }
0xb4: {  	s3 =	sadd.s32 $0x700, s3;
	s10 =	sadd.s32 $0x1400, s10  }
0xb5: {  	[tilespmem:s22], [sflag:$0x5] =	stream.indirect.gather [hbm4b:s4+s14], $0x20, s3, s14, $0xb8;
	[tilespmem:$0x13F00] =	vst v63  }
.LBB2_5:
0xb6: {  	_ =	sfence.sel $0x180000  }
0xb7: {  	[bflag:$0x0] =	sbarrier.arrive $0xFFFF  }
0xb8: {  	_ =	strace $0x9000004A  }
0xb9: {  	s0 =	stileid.u32;
	[bflag:$0x2] =	sbarrier.arrive $0xFFFF  }
0xba: {  	p0 =	sne.s32 s0, $0x0;
	s0 =	rddreg [dreg:$0x2]  }
0xbb: {  	s0 =	sadd.s32 @!p0 $0x100000, s0  }
0xbc: {  	[sflag:s0] =	ssyncadd.tile.s32 @!p0 $0x1;
	_ =	shalt  }
.Lfunc_end2:
_tile_overlayer_lowered:
.L_overlay_start_2:
0xbd: {  	(tag) =	ssettag $0x2  }
0xbe: {  	s0 =	rddreg [dreg:$0x0];
	s2 =	stileid.u32  }
0xbf: {  	s1 =	rddreg [dreg:$0x1];
	p0 =	sne.s32 s2, $0x0  }
0xc0: {  	s3 =	rddreg [dreg:$0x2];
	[bflag:$0x3] =	sbarrier.arrive $0xFFFF;
	s2 =	simm.s32 @!p0 $0x1C15  }
0xc1: {  	[timem:s3], [sflag:s2] =	dma.local @!p0 [hbm:s0], s1  }
0xc2: {  	s0 =	simm.s32 @!p0 $0x15  }
0xc3: {  	_ =	swait.ge @!p0 [sflag:s0], s1  }
0xc4: {  	s1 =	ssub.s32 @!p0 $0x0, s1;
	[sflag:s0] =	ssyncset.done @!p0 $0x0  }
0xc5: {  	[sflag:s0] =	ssyncadd.s32 @!p0 s1  }
0xc6: {  	[bflag:$0x3] =	sbarrier.arrive $0xFFFF  }
0xc7: {  	_ =	shalt  }

// kernel: kernel.17.cloned.1.call-start
scs
__scs_entry_jumppad:
0x0: {  	(pc) =	sbr.rel $0x88, $3  }
0x1: {  	(tag) =	ssettag $0x0;
	lr =	simm.s32 $0x1  }
0x2: {  	[smem:$0x3F98] =	sst lr;
	_ =	strace $0xD0000000  }
0x3: {  	_ = 	snop  }
0x4: {  	_ = 	snop  }
0x5: {  	_ = 	snop  }
0x6: {  	_ = 	snop  }
0x7: {  	_ = 	snop  }
__scs_overlays_trampoline_lowered:
0x8: {  	[smem:$0x3FA7] =	sst s0  }
0x9: {  	[smem:$0x3FA8] =	sst s1  }
0xa: {  	[smem:$0x3FA9] =	sst s2  }
0xb: {  	[smem:$0x3FAA] =	sst s3  }
0xc: {  	[smem:$0x3FAB] =	sst s4  }
0xd: {  	[smem:$0x3FAC] =	sst s5  }
0xe: {  	[smem:$0x3FAD] =	sst s6  }
0xf: {  	[smem:$0x3FAE] =	sst s7  }
0x10: {  	[smem:$0x3FAF] =	sst s8  }
0x11: {  	[smem:$0x3FB0] =	sst s9;
	s0 =	simm.s32 @!p0 $0x0  }
0x12: {  	s1 =	sld [smem:$0x3F96];
	s0 =	simm.s32 @p0 $0x1  }
0x13: {  	[smem:$0x3FB1] =	sst s0;
	s0 =	simm.s32 @!p1 $0x0  }
0x14: {  	s2 =	sld [smem:$0x3F95];
	s0 =	simm.s32 @p1 $0x1  }
0x15: {  	[smem:$0x3FB2] =	sst s0;
	s0 =	simm.s32 @!p2 $0x0  }
0x16: {  	s3 =	sld [smem:$0x3FDB];
	s0 =	simm.s32 @p2 $0x1  }
0x17: {  	s4 =	simm.s32 $0x1BF5;
	[smem:$0x3FB4] =	sst s0  }
0x18: {  	s0 =	sld [smem:$0x3F97];
	_ =	swait.ge [sflag:s4], $0x0  }
0x19: {  	s7 =	sld [smem:$0x3F98]  }
0x1a: {  	s8 =	sadd.s32 $0xFFFFE003, lr  }
0x1b: {  	s9 =	sadd.s32 $0xFFFFFEF7, lr;
	s5 =	simm.s32 $0xFFFFFFFF;
	p2 =	slt.u32 s8, $0xFFFFF086  }
0x1c: {  	p1 =	slt.u32 s9, $0xF7A;
	s5 =	simm.s32 @!p2 $0x0  }
0x1d: {  	s5 =	simm.s32 @p1 $0x1;
	p0 =	seq.s32 s7, s2  }
0x1e: {  	s7 =	smul.u32 @!p0 $0xF7A, s2;
	p2 =	seq.s32 @!p0 s5, $0x0  }
0x1f: {  	s9 =	smul.u32 $0xF7A, s1;
	s8 =	simm.s32 @!p0 $0x1BF5;
	p2 =	por !p2, p0  }
0x20: {  	[sflag:s8] =	ssyncset.s32 @!p0 $0xFFFFF086;
	s6 =	sadd.s32 @!p0 s3, s7;
	s7 =	simm.s32 @!p0 $0x108  }
0x21: {  	s3 =	sadd.s32 s3, s9;
	s6 =	sadd.s32 @!p0 $0x88, s6;
	s7 =	simm.s32 @p2 $0x1082  }
0x22: {  	[simem:s7], [sflag:s8] =	dma.local @!p0 [hbm:s6], $0xF7A  }
0x23: {  	s9 =	sor.u32 $0xD0000000, s2;
	s6 =	simm.s32 $0x108;
	_ =	swait.ge @!p0 [sflag:s8], $0x0  }
0x24: {  	s3 =	sadd.s32 $0x88, s3;
	s6 =	simm.s32 @!p1 $0x1082;
	[sflag:s4] =	ssyncset.s32 $0xFFFFF086  }
0x25: {  	[simem:s6], [sflag:s4] =	dma.local [hbm:s3], $0xF7A  }
0x26: {  	[smem:$0x3F98] =	sst s1;
	(tag) =	ssettag s2;
	_ =	strace s9  }
0x27: {  	s1 =	sld [smem:$0x3FA8]  }
0x28: {  	s2 =	sld [smem:$0x3FA9]  }
0x29: {  	s4 =	sld [smem:$0x3FAB]  }
0x2a: {  	p0 =	seq.s32 s5, $0x0;
	s5 =	sld [smem:$0x3FAC]  }
0x2b: {  	s6 =	sld [smem:$0x3FAD]  }
0x2c: {  	s7 =	sld [smem:$0x3FAE]  }
0x2d: {  	s3 =	simm.s32 $0x108;
	s8 =	sld [smem:$0x3FAF]  }
0x2e: {  	s3 =	simm.s32 @!p0 $0x1082;
	s9 =	sld [smem:$0x3FB0]  }
0x2f: {  	lr =	sadd.s32 s0, s3;
	s0 =	sld [smem:$0x3FA7]  }
0x30: {  	s3 =	sld [smem:$0x3FAA]  }
0x31: {  	[smem:$0x3FB3] =	sst s10  }
0x32: {  	s10 =	sld [smem:$0x3FB1];
	_ =	sdelay $0x3  }
0x33: {  	p0 =	seq.s32 s10, $0x1;
	s10 =	sld [smem:$0x3FB3];
	_ =	sdelay $0x3  }
0x34: {  	[smem:$0x3FB3] =	sst s10  }
0x35: {  	s10 =	sld [smem:$0x3FB2];
	_ =	sdelay $0x3  }
0x36: {  	p1 =	seq.s32 s10, $0x1;
	s10 =	sld [smem:$0x3FB3];
	_ =	sdelay $0x3  }
0x37: {  	[smem:$0x3FB3] =	sst s10  }
0x38: {  	s10 =	sld [smem:$0x3FB4]  }
0x39: {  	_ = 	snop;
	(pc) =	sbr.ind lr, $3  }
0x3a: {  	_ = 	snop  }
0x3b: {  	_ = 	snop  }
0x3c: {  	p2 =	seq.s32 s10, $0x1;
	s10 =	sld [smem:$0x3FB3]  }
0x3d: {  	_ =	shalt  }
0x3e: {  	_ =	shalt  }
0x3f: {  	_ =	shalt  }
0x40: {  	_ =	shalt  }
0x41: {  	_ =	shalt  }
0x42: {  	_ =	shalt  }
0x43: {  	_ =	shalt  }
0x44: {  	_ =	shalt  }
0x45: {  	_ =	shalt  }
0x46: {  	_ =	shalt  }
0x47: {  	_ =	shalt  }
0x48: {  	_ =	shalt  }
0x49: {  	_ =	shalt  }
0x4a: {  	_ =	shalt  }
0x4b: {  	_ =	shalt  }
0x4c: {  	_ =	shalt  }
0x4d: {  	_ =	shalt  }
0x4e: {  	_ =	shalt  }
0x4f: {  	_ =	shalt  }
0x50: {  	_ =	shalt  }
0x51: {  	_ =	shalt  }
0x52: {  	_ =	shalt  }
0x53: {  	_ =	shalt  }
0x54: {  	_ =	shalt  }
0x55: {  	_ =	shalt  }
0x56: {  	_ =	shalt  }
0x57: {  	_ =	shalt  }
0x58: {  	_ =	shalt  }
0x59: {  	_ =	shalt  }
0x5a: {  	_ =	shalt  }
0x5b: {  	_ =	shalt  }
0x5c: {  	_ =	shalt  }
0x5d: {  	_ =	shalt  }
0x5e: {  	_ =	shalt  }
0x5f: {  	_ =	shalt  }
0x60: {  	_ =	shalt  }
0x61: {  	_ =	shalt  }
0x62: {  	_ =	shalt  }
0x63: {  	_ =	shalt  }
0x64: {  	_ =	shalt  }
0x65: {  	_ =	shalt  }
0x66: {  	_ =	shalt  }
0x67: {  	_ =	shalt  }
0x68: {  	_ =	shalt  }
0x69: {  	_ =	shalt  }
0x6a: {  	_ =	shalt  }
0x6b: {  	_ =	shalt  }
0x6c: {  	_ =	shalt  }
0x6d: {  	_ =	shalt  }
0x6e: {  	_ =	shalt  }
0x6f: {  	_ =	shalt  }
0x70: {  	_ =	shalt  }
0x71: {  	_ =	shalt  }
0x72: {  	_ =	shalt  }
0x73: {  	_ =	shalt  }
0x74: {  	_ =	shalt  }
0x75: {  	_ =	shalt  }
0x76: {  	_ =	shalt  }
0x77: {  	_ =	shalt  }
0x78: {  	_ =	shalt  }
0x79: {  	_ =	shalt  }
0x7a: {  	_ =	shalt  }
0x7b: {  	_ =	shalt  }
0x7c: {  	_ =	shalt  }
0x7d: {  	_ =	shalt  }
0x7e: {  	_ =	shalt  }
0x7f: {  	_ =	shalt  }
0x80: {  	_ =	shalt  }
0x81: {  	_ =	shalt  }
0x82: {  	_ =	shalt  }
0x83: {  	_ =	shalt  }
0x84: {  	_ =	shalt  }
0x85: {  	_ =	shalt  }
0x86: {  	_ =	shalt  }
0x87: {  	_ =	shalt  }
.Lfunc_end0:
.L_simem_size_0:
called_computation.2_lowered:
.L_overlay_start_0:
0x88: {  	s2 =	sld [smem:$0x3FD9]  }
0x89: {  	s3 =	sld [smem:$0x3FFE];
	_ =	sdelay $0x1  }
0x8a: {  	s1 =	srdreg.scid  }
0x8b: {  	s0 =	sand.u32 $0x1, s1  }
0x8c: {  	s16 =	sshll.u32 s0, $0xA;
	s2 =	sadd.s32 s3, s2  }
0x8d: {  	s2 =	sadd.s32 s2, s16  }
0x8e: {  	[smem:$0x3FBF] =	sst s2  }
0x8f: {  	_ = 	snop  }
0x90: {  	(tm) =	ssettm $0x1  }
0x91: {  	s17 =	sld [smem:$0x3FFB];
	_ =	sdelay $0x3  }
0x92: {  	_ =	strace s17  }
0x93: {  	s2 =	sld [smem:$0x3FFC];
	_ =	sdelay $0x3  }
0x94: {  	_ =	strace s2  }
0x95: {  	s2 =	sld [smem:$0x3FFD];
	_ =	sdelay $0x3  }
0x96: {  	_ =	strace s2  }
0x97: {  	_ =	strace $0x8FFFFFFF  }
0x98: {  	s18 =	sld [smem:$0x3FDB];
	_ =	sdelay $0x1  }
0x99: {  	s19 =	simm.s32 $_scs_section_size  }
0x9a: {  	s4 =	simm.s32 $_size__tile_overlayer_lowered;
	s5 =	simm.s32 $_tile_overlayer_lowered  }
0x9b: {  	s22 =	simm.s32 $0x1BFF;
	s21 =	sshll.u32 s5, $0x1;
	s2 =	sadd.s32 s19, s18  }
0x9c: {  	s6 =	simm.s32 $0x0;
	s20 =	sshll.u32 s4, $0x1;
	s4 =	sadd.s32 s21, s2  }
0x9d: {  	[timem:s6], [sflag:s22] =	dma.local [hbm:s4], s20  }
0x9e: {  	_ =	swait.ge [sflag:s22], s20  }
0x9f: {  	s3 =	ssub.s32 $0x0, s20;
	[sflag:s22] =	ssyncset.done $0x0  }
0xa0: {  	[sflag:s22] =	ssyncadd.s32 s3;
	_ =	sdelay $0x1  }
0xa1: {  	s23 =	simm.s32 $0x1B8B  }
0xa2: {  	_ =	swait.ge [sflag:s23], $0x1  }
0xa3: {  	[sflag:s23] =	ssyncset.done $0x0  }
0xa4: {  	s25 =	simm.s32 $0x1B8E;
	s24 =	sld [smem:$0x3FFE];
	[sflag:s23] =	ssyncadd.s32 $0xFFFFFFFF  }
0xa5: {  	s26 =	simm.s32 $execute0_lowered;
	[smem:$0x3FD2] =	sst s25  }
0xa6: {  	s4 =	sshll.u32 s26, $0x1;
	_ =	strace $0x8000004C;
	[dreg:$0x1] =	wrdreg $0xFFFFFFFF  }
0xa7: {  	s28 =	simm.s32 $_size_execute0_lowered;
	s2 =	sadd.s32 s2, s4;
	[dreg:$0x0] =	wrdreg $0x0  }
0xa8: {  	s4 =	sshll.u32 s28, $0x1;
	[dreg:$0x2] =	wrdreg s2  }
0xa9: {  	[dreg:$0x3] =	wrdreg s4  }
0xaa: {  	[dreg:$0x4] =	wrdreg $0xC0  }
0xab: {  	_ =	task [dreg:s6], $0x5FFFF  }
0xac: {  	[dreg:$0x1] =	wrdreg $0xFFFFFFFF  }
0xad: {  	[dreg:$0x0] =	wrdreg $0x60  }
0xae: {  	[dreg:$0x2] =	wrdreg s24  }
0xaf: {  	[dreg:$0x3] =	wrdreg $0xF0000  }
0xb0: {  	[dreg:$0x4] =	wrdreg $0x9  }
0xb1: {  	_ =	task.clear_ibuf [dreg:s6], $0x5FFFF;
	_ =	strace $0x9000004C  }
0xb2: {  	s29 =	simm.s32 $0x9;
	_ =	strace $0x8000004E  }
0xb3: {  	_ =	swait.ge [sflag:s29], $0x1  }
0xb4: {  	[sflag:s29] =	ssyncadd.s32 $0xFFFFFFFF  }
0xb5: {  	_ =	strace $0x9000004E  }
0xb6: {  	_ =	sfence  }
0xb7: {  	s30 =	sld [smem:$0x0];
	_ =	sdelay $0x2  }
0xb8: {  	s31 =	sshll.u32 s1, $0xD;
	s1 =	sshrl.u32 s1, $0x2  }
0xb9: {  	s3 =	sand.u32 $0x4000, s31;
	s1 =	sadd.s32 s1, s30  }
0xba: {  	s0 =	sor.u32 s3, s0;
	s1 =	sshll.u32 s1, $0x11  }
0xbb: {  	s0 =	sor.u32 s1, s0  }
0xbc: {  	s0 =	sadd.s32 $0x8F2B, s0  }
0xbd: {  	[sflag:s0] =	ssyncadd.remote.s32 $0x1  }
0xbe: {  	_ =	sfence.sel $0xFFFF  }
0xbf: {  	[dreg:$0x0] =	wrdreg $0xFFFFFFFF;
	(pc) =	sbr.abs _section_cstart, $3  }
0xc0: {  	[dreg:$0x1] =	wrdreg $0xFFFFFFFF  }
0xc1: {  	_ =	task.clear_ibuf [dreg:s6], $0x2FFFF;
	_ =	strace $0x9FFFFFFF  }
0xc2: {  	(tm) =	ssettm $0x7FFFFFFF  }
0xc3: {  	_ =	shalt  }
tec
execute0_lowered:
.L_overlay_start_1:
0x0: {  	(tag) =	ssettag $0x1  }
0x1: {  	s0 =	srdreg.scid;
	s3 =	rddreg [dreg:$0x0]  }
0x2: {  	s9 =	stileid.u32;
	s2 =	rddreg [dreg:$0x1]  }
0x3: {  	s4 =	simm.s32 $0x0;
	s14 =	simm.s32 $0x80;
	s16 =	simm.s32 $0x6000  }
0x4: {  	s18 =	simm.s32 $0x7000;
	s20 =	simm.s32 $0x8000;
	s22 =	simm.s32 $0x9000  }
0x5: {  	s28 =	simm.s32 $0x3;
	s29 =	simm.s32 $0xC000;
	s30 =	simm.s32 $0x4  }
0x6: {  	s31 =	simm.s32 $0xD000;
	s13 =	simm.s32 $0x6;
	s17 =	simm.s32 $0xB  }
0x7: {  	s19 =	simm.s32 $0x8;
	s21 =	simm.s32 $0xD;
	s10 =	simm.s32 $0x0  }
0x8: {  	s0 =	sand.u32 $0x1, s0;
	s5 =	smul.u32 $0x4F00, s9;
	[smem:$0x7FF] =	sst s4  }
0x9: {  	s4 =	sadd.s32 $0x17C00, s3;
	s24 =	sshll.u32 s9, $0x6;
	s1 =	sshll.u32 s0, $0x4  }
0xa: {  	s6 =	smul.u32 $0x4F000, s0;
	_ =	strace $0x8000004D;
	s0 =	ssub.s32 $0x2, s0  }
0xb: {  	s1 =	sor.u32 s9, s1;
	s7 =	sshrl.u32 s5, $0x3;
	s8 =	sshrl.u32 s0, $0x1  }
0xc: {  	s9 =	simm.s32 $0x15;
	s1 =	smul.u32 $0x2800, s1;
	s7 =	sadd.s32 s7, s3  }
0xd: {  	s6 =	sadd.s32 s5, s6;
	s0 =	ssub.s32 s0, s8;
	s23 =	sadd.s32 $0x21A00, s7  }
0xe: {  	s5 =	sadd.s32 s5, s2;
	s0 =	smax.u32 s0, $0x1;
	[dreg:$0x3] =	wrdreg s23  }
0xf: {  	s6 =	sshrl.u32 s6, $0x3;
	s8 =	sshrl.u32 s5, $0x3;
	[dreg:$0x8] =	wrdreg s0  }
0x10: {  	s5 =	simm.s32 $0xA;
	s1 =	sshrl.u32 s1, $0x3;
	[dreg:$0x9] =	wrdreg s8  }
0x11: {  	s1 =	sadd.s32 s1, s3;
	s3 =	sadd.s32 s6, s3;
	s6 =	sor.u32 $0x1C15, s24  }
.Ltmp0:
0x12: {  	s25 =	sadd.s32 $0x3C00, s1;
	[dreg:$0x4] =	wrdreg s6;
	(pc) =	sbr.rel .LBB2_1-.Ltmp0, $4  }
0x13: {  	s7 =	simm.s32 $0xF;
	s1 =	sadd.s32 $0xDC00, s1;
	[dreg:$0x5] =	wrdreg s25  }
0x14: {  	s23 =	simm.s32 $0x1;
	s26 =	sadd.s32 $0x2B800, s3;
	[dreg:$0x6] =	wrdreg s1  }
0x15: {  	s0 =	simm.s32 $0xE000;
	s24 =	simm.s32 $0xA000;
	[dreg:$0x7] =	wrdreg s26  }
0x16: {  	s25 =	simm.s32 $0x2;
	s26 =	simm.s32 $0xB000;
	s1 =	simm.s32 $0x5  }
.LBB2_4:
0x17: {  	s3 =	simm.s32 $0x10  }
0x18: {  	_ =	swait.ge [sflag:s3], $0x1000  }
0x19: {  	[sflag:s3] =	ssyncset.done $0x0  }
0x1a: {  	s8 =	simm.s32 $0x11;
	[sflag:s3] =	ssyncadd.s32 $0xFFFFF000  }
0x1b: {  	_ =	swait.ge [sflag:s8], $0x1000  }
0x1c: {  	[sflag:s8] =	ssyncset.done $0x0  }
0x1d: {  	s9 =	simm.s32 $0x12;
	[sflag:s8] =	ssyncadd.s32 $0xFFFFF000  }
0x1e: {  	_ =	swait.ge [sflag:s9], $0x1000  }
0x1f: {  	[sflag:s9] =	ssyncset.done $0x0  }
0x20: {  	s10 =	simm.s32 $0x13;
	[sflag:s9] =	ssyncadd.s32 $0xFFFFF000  }
0x21: {  	_ =	swait.ge [sflag:s10], $0x1000  }
0x22: {  	[sflag:s10] =	ssyncset.done $0x0  }
0x23: {  	s11 =	simm.s32 $0x14;
	[sflag:s10] =	ssyncadd.s32 $0xFFFFF000  }
0x24: {  	_ =	swait.ge [sflag:s11], $0x1000  }
0x25: {  	[sflag:s11] =	ssyncset.done $0x0  }
0x26: {  	[sflag:s11] =	ssyncadd.s32 $0xFFFFF000  }
0x27: {  	[bflag:$0x0] =	sbarrier.arrive $0xFFFF  }
0x28: {  	s6 =	rddreg [dreg:$0x4]  }
0x29: {  	s12 =	rddreg [dreg:$0x7]  }
0x2a: {  	s9 =	simm.s32 $0x15;
	s8 =	rddreg [dreg:$0x9]  }
0x2b: {  	[hbm:s12], [sflag:s6] =	dma.local [spmem:s8], $0x9E0  }
0x2c: {  	_ =	swait.ge [sflag:s9], $0x9E0  }
0x2d: {  	s10 =	rddreg [dreg:$0xa]  }
0x2e: {  	s15 =	rddreg [dreg:$0x8];
	s10 =	sadd.s32 $0x1, s10  }
0x2f: {  	p0 =	sne.s32 s10, s15  }
.Ltmp1:
0x30: {  	_ = 	snop;
	(pc) =	sbr.rel @!p0 .LBB2_5-.Ltmp1, $3  }
0x31: {  	_ =	sdelay $0x1  }
0x32: {  	[sflag:s9] =	ssyncset.done $0x0  }
0x33: {  	[sflag:s9] =	ssyncadd.s32 $0xFFFFF620  }
.LBB2_1:
0x34: {  	[dreg:$0xa] =	wrdreg s10  }
0x35: {  	s3 =	rddreg [dreg:$0x3]  }
0x36: {  	[spmem:s8], [sflag:s6] =	dma.local [hbm:s3], $0x9E0  }
0x37: {  	_ =	swait.ge [sflag:s9], $0x9E0  }
0x38: {  	[sflag:s9] =	ssyncset.done $0x0  }
0x39: {  	s3 =	simm.s32 $0x0;
	s11 =	rddreg [dreg:$0x5];
	[sflag:s9] =	ssyncadd.s32 $0xFFFFF620  }
0x3a: {  	[tilespmem:s3], [sflag:$0x15] =	stream.linear.gather [hbm4b:s11+s3], $0x2800, $0x38;
	[tilespmem:$0x13F00] =	vst v63  }
0x3b: {  	_ =	swait.ge [sflag:s9], $0x2800  }
0x3c: {  	[sflag:s9] =	ssyncset.done $0x0  }
0x3d: {  	s15 =	simm.s32 $0x2800;
	s12 =	rddreg [dreg:$0x6];
	[sflag:s9] =	ssyncadd.s32 $0xFFFFD800  }
0x3e: {  	[tilespmem:s15], [sflag:$0x15] =	stream.linear.gather [hbm4b:s12+s3], $0x2800, $0x38;
	[tilespmem:$0x13F00] =	vst v63  }
0x3f: {  	_ =	swait.ge [sflag:s9], $0x2800  }
0x40: {  	[sflag:s9] =	ssyncset.done $0x0  }
0x41: {  	[sflag:s9] =	ssyncadd.s32 $0xFFFFD800  }
0x42: {  	s10 =	simm.s32 $0x5000;
	[bflag:$0x0] =	sbarrier.arrive $0xFFFF  }
0x43: {  	[tilespmem:s10], [sflag:$0x1] =	stream.indirect.gather [hbm4b:s4+s14], $0x20, s3, s14, $0xb8;
	[tilespmem:$0x13F00] =	vst v63  }
0x44: {  	_ = 	snop  }
0x45: {  	[tilespmem:s16], [sflag:$0x2] =	stream.indirect.gather [hbm4b:s4+s14], $0x20, s14, s14, $0xb8;
	[tilespmem:$0x13F00] =	vst v63  }
0x46: {  	s11 =	simm.s32 $0x100  }
0x47: {  	[tilespmem:s18], [sflag:$0x3] =	stream.indirect.gather [hbm4b:s4+s14], $0x20, s11, s14, $0xb8;
	[tilespmem:$0x13F00] =	vst v63  }
0x48: {  	s12 =	simm.s32 $0x180  }
0x49: {  	[tilespmem:s20], [sflag:$0x4] =	stream.indirect.gather [hbm4b:s4+s14], $0x20, s12, s14, $0xb8;
	[tilespmem:$0x13F00] =	vst v63  }
0x4a: {  	s15 =	simm.s32 $0x200;
	s10 =	simm.s32 $0x0  }
0x4b: {  	[tilespmem:s22], [sflag:$0x5] =	stream.indirect.gather [hbm4b:s4+s14], $0x20, s15, s14, $0xb8;
	[tilespmem:$0x13F00] =	vst v63  }
.LBB2_2:
0x4c: {  	_ =	swait.ge [sflag:s23], $0x1000  }
0x4d: {  	s3 =	sshra.s32 s10, $0x2;
	s6 =	simm.s32 $0x5000;
	[sflag:s23] =	ssyncset.done $0x0  }
0x4e: {  	p0 =	seq.s32 s10, $0x0;
	s8 =	sadd.s32 $0x2800, s3;
	[sflag:s23] =	ssyncadd.s32 $0xFFFFF000  }
0x4f: {  	[spmem:s2] =	stream.indirect.scatter.add.f32 [tilespmem:s6], [sflag:$0xB], $0x20, s8, s14, $0xb8;
	[tilespmem:$0x13F00] =	vst v63  }
0x50: {  	s8 =	simm.s32 @!p0 $0x10  }
0x51: {  	_ =	swait.ge @!p0 [sflag:s8], $0x1000  }
0x52: {  	[sflag:s8] =	ssyncset.done @!p0 $0x0  }
0x53: {  	s15 =	sadd.s32 $0x280, s3;
	[sflag:s8] =	ssyncadd.s32 @!p0 $0xFFFFF000  }
0x54: {  	[tilespmem:s24], [sflag:$0x6] =	stream.indirect.gather [hbm4b:s4+s14], $0x20, s15, s14, $0xb8;
	[tilespmem:$0x13F00] =	vst v63  }
0x55: {  	_ =	swait.ge [sflag:s25], $0x1000  }
0x56: {  	[sflag:s25] =	ssyncset.done $0x0  }
0x57: {  	s6 =	sadd.s32 $0x2880, s3;
	s8 =	simm.s32 @!p0 $0x11;
	[sflag:s25] =	ssyncadd.s32 $0xFFFFF000  }
0x58: {  	[spmem:s2] =	stream.indirect.scatter.add.f32 [tilespmem:s16], [sflag:$0xC], $0x20, s6, s14, $0xb8;
	[tilespmem:$0x13F00] =	vst v63  }
0x59: {  	_ =	swait.ge @!p0 [sflag:s8], $0x1000  }
0x5a: {  	[sflag:s8] =	ssyncset.done @!p0 $0x0  }
0x5b: {  	s9 =	sadd.s32 $0x300, s3;
	[sflag:s8] =	ssyncadd.s32 @!p0 $0xFFFFF000  }
0x5c: {  	[tilespmem:s26], [sflag:$0x7] =	stream.indirect.gather [hbm4b:s4+s14], $0x20, s9, s14, $0xb8;
	[tilespmem:$0x13F00] =	vst v63  }
0x5d: {  	_ =	swait.ge [sflag:s28], $0x1000  }
0x5e: {  	[sflag:s28] =	ssyncset.done $0x0  }
0x5f: {  	s11 =	sadd.s32 $0x2900, s3;
	s8 =	simm.s32 @!p0 $0x12;
	[sflag:s28] =	ssyncadd.s32 $0xFFFFF000  }
0x60: {  	[spmem:s2] =	stream.indirect.scatter.add.f32 [tilespmem:s18], [sflag:$0xD], $0x20, s11, s14, $0xb8;
	[tilespmem:$0x13F00] =	vst v63  }
0x61: {  	_ =	swait.ge @!p0 [sflag:s8], $0x1000  }
0x62: {  	[sflag:s8] =	ssyncset.done @!p0 $0x0  }
0x63: {  	s12 =	sadd.s32 $0x380, s3;
	[sflag:s8] =	ssyncadd.s32 @!p0 $0xFFFFF000  }
0x64: {  	[tilespmem:s29], [sflag:$0x8] =	stream.indirect.gather [hbm4b:s4+s14], $0x20, s12, s14, $0xb8;
	[tilespmem:$0x13F00] =	vst v63  }
0x65: {  	_ =	swait.ge [sflag:s30], $0x1000  }
0x66: {  	[sflag:s30] =	ssyncset.done $0x0  }
0x67: {  	s15 =	sadd.s32 $0x2980, s3;
	s8 =	simm.s32 @!p0 $0x13;
	[sflag:s30] =	ssyncadd.s32 $0xFFFFF000  }
0x68: {  	[spmem:s2] =	stream.indirect.scatter.add.f32 [tilespmem:s20], [sflag:$0xE], $0x20, s15, s14, $0xb8;
	[tilespmem:$0x13F00] =	vst v63  }
0x69: {  	_ =	swait.ge @!p0 [sflag:s8], $0x1000  }
0x6a: {  	[sflag:s8] =	ssyncset.done @!p0 $0x0  }
0x6b: {  	s6 =	sadd.s32 $0x400, s3;
	[sflag:s8] =	ssyncadd.s32 @!p0 $0xFFFFF000  }
0x6c: {  	[tilespmem:s31], [sflag:$0x9] =	stream.indirect.gather [hbm4b:s4+s14], $0x20, s6, s14, $0xb8;
	[tilespmem:$0x13F00] =	vst v63  }
0x6d: {  	_ =	swait.ge [sflag:s1], $0x1000  }
0x6e: {  	[sflag:s1] =	ssyncset.done $0x0  }
0x6f: {  	s9 =	sadd.s32 $0x2A00, s3;
	s8 =	simm.s32 @!p0 $0x14;
	[sflag:s1] =	ssyncadd.s32 $0xFFFFF000  }
0x70: {  	[spmem:s2] =	stream.indirect.scatter.add.f32 [tilespmem:s22], [sflag:$0xF], $0x20, s9, s14, $0xb8;
	[tilespmem:$0x13F00] =	vst v63  }
0x71: {  	_ =	swait.ge @!p0 [sflag:s8], $0x1000  }
0x72: {  	[sflag:s8] =	ssyncset.done @!p0 $0x0  }
0x73: {  	s11 =	sadd.s32 $0x480, s3;
	[sflag:s8] =	ssyncadd.s32 @!p0 $0xFFFFF000  }
0x74: {  	[tilespmem:s0], [sflag:$0xA] =	stream.indirect.gather [hbm4b:s4+s14], $0x20, s11, s14, $0xb8;
	[tilespmem:$0x13F00] =	vst v63  }
0x75: {  	_ =	swait.ge [sflag:s13], $0x1000  }
0x76: {  	[sflag:s13] =	ssyncset.done $0x0  }
0x77: {  	s12 =	sadd.s32 $0x2A80, s3;
	[sflag:s13] =	ssyncadd.s32 $0xFFFFF000  }
0x78: {  	[spmem:s2] =	stream.indirect.scatter.add.f32 [tilespmem:s24], [sflag:$0x10], $0x20, s12, s14, $0xb8;
	[tilespmem:$0x13F00] =	vst v63  }
0x79: {  	_ =	swait.ge [sflag:s17], $0x1000  }
0x7a: {  	p0 =	seq.s32 s10, $0x8C00;
	[sflag:s17] =	ssyncset.done $0x0  }
0x7b: {  	s8 =	simm.s32 @p0 $0x7;
	[sflag:s17] =	ssyncadd.s32 $0xFFFFF000  }
0x7c: {  	_ =	swait.ge @p0 [sflag:s8], $0x1000  }
0x7d: {  	[sflag:s8] =	ssyncset.done @p0 $0x0  }
0x7e: {  	[sflag:s8] =	ssyncadd.s32 @p0 $0xFFFFF000;
	s8 =	sshra.s32 @p0 s10, $0x2  }
0x7f: {  	s11 =	simm.s32 @p0 $0x80;
	s12 =	simm.s32 @p0 $0xB000;
	s6 =	sadd.s32 @p0 $0x2B00, s8  }
0x80: {  	[spmem:s2] =	stream.indirect.scatter.add.f32 @p0 [tilespmem:s12], [sflag:$0x11], $0x20, s6, s11, $0xb8;
	[tilespmem:$0x13F00] =	vst v63  }
0x81: {  	s6 =	simm.s32 @p0 $0xC  }
0x82: {  	_ =	swait.ge @p0 [sflag:s6], $0x1000  }
0x83: {  	[sflag:s6] =	ssyncset.done @p0 $0x0  }
0x84: {  	[sflag:s6] =	ssyncadd.s32 @p0 $0xFFFFF000;
	s6 =	sshra.s32 @!p0 s10, $0x2  }
0x85: {  	s9 =	simm.s32 @!p0 $0x80;
	s15 =	simm.s32 @!p0 $0x5000;
	s12 =	sadd.s32 @!p0 $0x500, s6  }
0x86: {  	[tilespmem:s15], [sflag:$0x1] =	stream.indirect.gather @!p0 [hbm4b:s4+s9], $0x20, s12, s9, $0xb8;
	[tilespmem:$0x13F00] =	vst v63  }
0x87: {  	s12 =	simm.s32 @!p0 $0x7  }
0x88: {  	_ =	swait.ge @!p0 [sflag:s12], $0x1000  }
0x89: {  	[sflag:s12] =	ssyncset.done @!p0 $0x0  }
0x8a: {  	s15 =	simm.s32 @!p0 $0xB000;
	[sflag:s12] =	ssyncadd.s32 @!p0 $0xFFFFF000;
	s12 =	sadd.s32 @!p0 $0x2B00, s6  }
0x8b: {  	[spmem:s2] =	stream.indirect.scatter.add.f32 @!p0 [tilespmem:s15], [sflag:$0x11], $0x20, s12, s9, $0xb8;
	[tilespmem:$0x13F00] =	vst v63  }
0x8c: {  	s12 =	simm.s32 @!p0 $0xC  }
0x8d: {  	_ =	swait.ge @!p0 [sflag:s12], $0x1000  }
0x8e: {  	[sflag:s12] =	ssyncset.done @!p0 $0x0  }
0x8f: {  	s15 =	simm.s32 @!p0 $0x6000;
	[sflag:s12] =	ssyncadd.s32 @!p0 $0xFFFFF000;
	s12 =	sadd.s32 @!p0 $0x580, s6  }
0x90: {  	[tilespmem:s15], [sflag:$0x2] =	stream.indirect.gather @!p0 [hbm4b:s4+s9], $0x20, s12, s9, $0xb8;
	[tilespmem:$0x13F00] =	vst v63  }
0x91: {  	_ =	swait.ge [sflag:s19], $0x1000  }
0x92: {  	[sflag:s19] =	ssyncset.done $0x0  }
0x93: {  	s15 =	sadd.s32 $0x2B80, s3;
	[sflag:s19] =	ssyncadd.s32 $0xFFFFF000  }
0x94: {  	[spmem:s2] =	stream.indirect.scatter.add.f32 [tilespmem:s29], [sflag:$0x12], $0x20, s15, s14, $0xb8;
	[tilespmem:$0x13F00] =	vst v63  }
0x95: {  	_ =	swait.ge [sflag:s21], $0x1000  }
0x96: {  	[sflag:s21] =	ssyncset.done $0x0  }
0x97: {  	s12 =	simm.s32 @p0 $0x9;
	[sflag:s21] =	ssyncadd.s32 $0xFFFFF000  }
0x98: {  	_ =	swait.ge @p0 [sflag:s12], $0x1000  }
0x99: {  	[sflag:s12] =	ssyncset.done @p0 $0x0  }
0x9a: {  	s8 =	sadd.s32 @p0 $0x2C00, s8;
	[sflag:s12] =	ssyncadd.s32 @p0 $0xFFFFF000;
	s12 =	simm.s32 @p0 $0xD000  }
0x9b: {  	[spmem:s2] =	stream.indirect.scatter.add.f32 @p0 [tilespmem:s12], [sflag:$0x13], $0x20, s8, s11, $0xb8;
	[tilespmem:$0x13F00] =	vst v63  }
0x9c: {  	s8 =	simm.s32 @p0 $0xE  }
0x9d: {  	_ =	swait.ge @p0 [sflag:s8], $0x1000  }
0x9e: {  	[sflag:s8] =	ssyncset.done @p0 $0x0  }
0x9f: {  	s11 =	simm.s32 @!p0 $0x7000;
	[sflag:s8] =	ssyncadd.s32 @p0 $0xFFFFF000;
	s8 =	sadd.s32 @!p0 $0x600, s6  }
0xa0: {  	[tilespmem:s11], [sflag:$0x3] =	stream.indirect.gather @!p0 [hbm4b:s4+s9], $0x20, s8, s9, $0xb8;
	[tilespmem:$0x13F00] =	vst v63  }
0xa1: {  	s8 =	simm.s32 @!p0 $0x9  }
0xa2: {  	_ =	swait.ge @!p0 [sflag:s8], $0x1000  }
0xa3: {  	[sflag:s8] =	ssyncset.done @!p0 $0x0  }
0xa4: {  	s11 =	simm.s32 @!p0 $0xD000;
	[sflag:s8] =	ssyncadd.s32 @!p0 $0xFFFFF000;
	s8 =	sadd.s32 @!p0 $0x2C00, s6  }
0xa5: {  	[spmem:s2] =	stream.indirect.scatter.add.f32 @!p0 [tilespmem:s11], [sflag:$0x13], $0x20, s8, s9, $0xb8;
	[tilespmem:$0x13F00] =	vst v63  }
0xa6: {  	s8 =	simm.s32 @!p0 $0xE  }
0xa7: {  	_ =	swait.ge @!p0 [sflag:s8], $0x1000  }
0xa8: {  	[sflag:s8] =	ssyncset.done @!p0 $0x0  }
0xa9: {  	s6 =	sadd.s32 @!p0 $0x680, s6;
	[sflag:s8] =	ssyncadd.s32 @!p0 $0xFFFFF000;
	s8 =	simm.s32 @!p0 $0x8000  }
0xaa: {  	[tilespmem:s8], [sflag:$0x4] =	stream.indirect.gather @!p0 [hbm4b:s4+s9], $0x20, s6, s9, $0xb8;
	[tilespmem:$0x13F00] =	vst v63  }
0xab: {  	_ =	swait.ge [sflag:s5], $0x1000  }
0xac: {  	[sflag:s5] =	ssyncset.done $0x0  }
.Ltmp2:
0xad: {  	s15 =	sadd.s32 $0x2C80, s3;
	[sflag:s5] =	ssyncadd.s32 $0xFFFFF000;
	(pc) =	sbr.rel @p0 .LBB2_4-.Ltmp2, $4  }
0xae: {  	[spmem:s2] =	stream.indirect.scatter.add.f32 [tilespmem:s0], [sflag:$0x14], $0x20, s15, s14, $0xb8;
	[tilespmem:$0x13F00] =	vst v63  }
0xaf: {  	_ =	swait.ge [sflag:s7], $0x1000  }
0xb0: {  	[sflag:s7] =	ssyncset.done $0x0  }
0xb1: {  	[sflag:s7] =	ssyncadd.s32 $0xFFFFF000  }
.Ltmp3:
0xb2: {  	(pc) =	sbr.rel .LBB2_2-.Ltmp3, $3  }
0xb3: {  	_ =	sdelay $0x1  }
0xb4: {  	s3 =	sadd.s32 $0x700, s3;
	s10 =	sadd.s32 $0x1400, s10  }
0xb5: {  	[tilespmem:s22], [sflag:$0x5] =	stream.indirect.gather [hbm4b:s4+s14], $0x20, s3, s14, $0xb8;
	[tilespmem:$0x13F00] =	vst v63  }
.LBB2_5:
0xb6: {  	_ =	sfence.sel $0x180000  }
0xb7: {  	[bflag:$0x0] =	sbarrier.arrive $0xFFFF  }
0xb8: {  	_ =	strace $0x9000004D  }
0xb9: {  	s0 =	stileid.u32;
	[bflag:$0x2] =	sbarrier.arrive $0xFFFF  }
0xba: {  	p0 =	sne.s32 s0, $0x0;
	s0 =	rddreg [dreg:$0x2]  }
0xbb: {  	s0 =	sadd.s32 @!p0 $0x100000, s0  }
0xbc: {  	[sflag:s0] =	ssyncadd.tile.s32 @!p0 $0x1;
	_ =	shalt  }
.Lfunc_end2:
_tile_overlayer_lowered:
.L_overlay_start_2:
0xbd: {  	(tag) =	ssettag $0x2  }
0xbe: {  	s0 =	rddreg [dreg:$0x0];
	s2 =	stileid.u32  }
0xbf: {  	s1 =	rddreg [dreg:$0x1];
	p0 =	sne.s32 s2, $0x0  }
0xc0: {  	s3 =	rddreg [dreg:$0x2];
	[bflag:$0x3] =	sbarrier.arrive $0xFFFF;
	s2 =	simm.s32 @!p0 $0x1C15  }
0xc1: {  	[timem:s3], [sflag:s2] =	dma.local @!p0 [hbm:s0], s1  }
0xc2: {  	s0 =	simm.s32 @!p0 $0x15  }
0xc3: {  	_ =	swait.ge @!p0 [sflag:s0], s1  }
0xc4: {  	s1 =	ssub.s32 @!p0 $0x0, s1;
	[sflag:s0] =	ssyncset.done @!p0 $0x0  }
0xc5: {  	[sflag:s0] =	ssyncadd.s32 @!p0 s1  }
0xc6: {  	[bflag:$0x3] =	sbarrier.arrive $0xFFFF  }
0xc7: {  	_ =	shalt  }

// kernel: kernel.20.cloned.1.call-start
scs
__scs_entry_jumppad:
0x0: {  	(pc) =	sbr.rel $0x88, $3  }
0x1: {  	(tag) =	ssettag $0x0;
	lr =	simm.s32 $0x1  }
0x2: {  	[smem:$0x3F98] =	sst lr;
	_ =	strace $0xD0000000  }
0x3: {  	_ = 	snop  }
0x4: {  	_ = 	snop  }
0x5: {  	_ = 	snop  }
0x6: {  	_ = 	snop  }
0x7: {  	_ = 	snop  }
__scs_overlays_trampoline_lowered:
0x8: {  	[smem:$0x3FA7] =	sst s0  }
0x9: {  	[smem:$0x3FA8] =	sst s1  }
0xa: {  	[smem:$0x3FA9] =	sst s2  }
0xb: {  	[smem:$0x3FAA] =	sst s3  }
0xc: {  	[smem:$0x3FAB] =	sst s4  }
0xd: {  	[smem:$0x3FAC] =	sst s5  }
0xe: {  	[smem:$0x3FAD] =	sst s6  }
0xf: {  	[smem:$0x3FAE] =	sst s7  }
0x10: {  	[smem:$0x3FAF] =	sst s8  }
0x11: {  	[smem:$0x3FB0] =	sst s9;
	s0 =	simm.s32 @!p0 $0x0  }
0x12: {  	s1 =	sld [smem:$0x3F96];
	s0 =	simm.s32 @p0 $0x1  }
0x13: {  	[smem:$0x3FB1] =	sst s0;
	s0 =	simm.s32 @!p1 $0x0  }
0x14: {  	s2 =	sld [smem:$0x3F95];
	s0 =	simm.s32 @p1 $0x1  }
0x15: {  	[smem:$0x3FB2] =	sst s0;
	s0 =	simm.s32 @!p2 $0x0  }
0x16: {  	s3 =	sld [smem:$0x3FDB];
	s0 =	simm.s32 @p2 $0x1  }
0x17: {  	s4 =	simm.s32 $0x1BF5;
	[smem:$0x3FB4] =	sst s0  }
0x18: {  	s0 =	sld [smem:$0x3F97];
	_ =	swait.ge [sflag:s4], $0x0  }
0x19: {  	s7 =	sld [smem:$0x3F98]  }
0x1a: {  	s8 =	sadd.s32 $0xFFFFE003, lr  }
0x1b: {  	s9 =	sadd.s32 $0xFFFFFEF7, lr;
	s5 =	simm.s32 $0xFFFFFFFF;
	p2 =	slt.u32 s8, $0xFFFFF086  }
0x1c: {  	p1 =	slt.u32 s9, $0xF7A;
	s5 =	simm.s32 @!p2 $0x0  }
0x1d: {  	s5 =	simm.s32 @p1 $0x1;
	p0 =	seq.s32 s7, s2  }
0x1e: {  	s7 =	smul.u32 @!p0 $0xF7A, s2;
	p2 =	seq.s32 @!p0 s5, $0x0  }
0x1f: {  	s9 =	smul.u32 $0xF7A, s1;
	s8 =	simm.s32 @!p0 $0x1BF5;
	p2 =	por !p2, p0  }
0x20: {  	[sflag:s8] =	ssyncset.s32 @!p0 $0xFFFFF086;
	s6 =	sadd.s32 @!p0 s3, s7;
	s7 =	simm.s32 @!p0 $0x108  }
0x21: {  	s3 =	sadd.s32 s3, s9;
	s6 =	sadd.s32 @!p0 $0x88, s6;
	s7 =	simm.s32 @p2 $0x1082  }
0x22: {  	[simem:s7], [sflag:s8] =	dma.local @!p0 [hbm:s6], $0xF7A  }
0x23: {  	s9 =	sor.u32 $0xD0000000, s2;
	s6 =	simm.s32 $0x108;
	_ =	swait.ge @!p0 [sflag:s8], $0x0  }
0x24: {  	s3 =	sadd.s32 $0x88, s3;
	s6 =	simm.s32 @!p1 $0x1082;
	[sflag:s4] =	ssyncset.s32 $0xFFFFF086  }
0x25: {  	[simem:s6], [sflag:s4] =	dma.local [hbm:s3], $0xF7A  }
0x26: {  	[smem:$0x3F98] =	sst s1;
	(tag) =	ssettag s2;
	_ =	strace s9  }
0x27: {  	s1 =	sld [smem:$0x3FA8]  }
0x28: {  	s2 =	sld [smem:$0x3FA9]  }
0x29: {  	s4 =	sld [smem:$0x3FAB]  }
0x2a: {  	p0 =	seq.s32 s5, $0x0;
	s5 =	sld [smem:$0x3FAC]  }
0x2b: {  	s6 =	sld [smem:$0x3FAD]  }
0x2c: {  	s7 =	sld [smem:$0x3FAE]  }
0x2d: {  	s3 =	simm.s32 $0x108;
	s8 =	sld [smem:$0x3FAF]  }
0x2e: {  	s3 =	simm.s32 @!p0 $0x1082;
	s9 =	sld [smem:$0x3FB0]  }
0x2f: {  	lr =	sadd.s32 s0, s3;
	s0 =	sld [smem:$0x3FA7]  }
0x30: {  	s3 =	sld [smem:$0x3FAA]  }
0x31: {  	[smem:$0x3FB3] =	sst s10  }
0x32: {  	s10 =	sld [smem:$0x3FB1];
	_ =	sdelay $0x3  }
0x33: {  	p0 =	seq.s32 s10, $0x1;
	s10 =	sld [smem:$0x3FB3];
	_ =	sdelay $0x3  }
0x34: {  	[smem:$0x3FB3] =	sst s10  }
0x35: {  	s10 =	sld [smem:$0x3FB2];
	_ =	sdelay $0x3  }
0x36: {  	p1 =	seq.s32 s10, $0x1;
	s10 =	sld [smem:$0x3FB3];
	_ =	sdelay $0x3  }
0x37: {  	[smem:$0x3FB3] =	sst s10  }
0x38: {  	s10 =	sld [smem:$0x3FB4]  }
0x39: {  	_ = 	snop;
	(pc) =	sbr.ind lr, $3  }
0x3a: {  	_ = 	snop  }
0x3b: {  	_ = 	snop  }
0x3c: {  	p2 =	seq.s32 s10, $0x1;
	s10 =	sld [smem:$0x3FB3]  }
0x3d: {  	_ =	shalt  }
0x3e: {  	_ =	shalt  }
0x3f: {  	_ =	shalt  }
0x40: {  	_ =	shalt  }
0x41: {  	_ =	shalt  }
0x42: {  	_ =	shalt  }
0x43: {  	_ =	shalt  }
0x44: {  	_ =	shalt  }
0x45: {  	_ =	shalt  }
0x46: {  	_ =	shalt  }
0x47: {  	_ =	shalt  }
0x48: {  	_ =	shalt  }
0x49: {  	_ =	shalt  }
0x4a: {  	_ =	shalt  }
0x4b: {  	_ =	shalt  }
0x4c: {  	_ =	shalt  }
0x4d: {  	_ =	shalt  }
0x4e: {  	_ =	shalt  }
0x4f: {  	_ =	shalt  }
0x50: {  	_ =	shalt  }
0x51: {  	_ =	shalt  }
0x52: {  	_ =	shalt  }
0x53: {  	_ =	shalt  }
0x54: {  	_ =	shalt  }
0x55: {  	_ =	shalt  }
0x56: {  	_ =	shalt  }
0x57: {  	_ =	shalt  }
0x58: {  	_ =	shalt  }
0x59: {  	_ =	shalt  }
0x5a: {  	_ =	shalt  }
0x5b: {  	_ =	shalt  }
0x5c: {  	_ =	shalt  }
0x5d: {  	_ =	shalt  }
0x5e: {  	_ =	shalt  }
0x5f: {  	_ =	shalt  }
0x60: {  	_ =	shalt  }
0x61: {  	_ =	shalt  }
0x62: {  	_ =	shalt  }
0x63: {  	_ =	shalt  }
0x64: {  	_ =	shalt  }
0x65: {  	_ =	shalt  }
0x66: {  	_ =	shalt  }
0x67: {  	_ =	shalt  }
0x68: {  	_ =	shalt  }
0x69: {  	_ =	shalt  }
0x6a: {  	_ =	shalt  }
0x6b: {  	_ =	shalt  }
0x6c: {  	_ =	shalt  }
0x6d: {  	_ =	shalt  }
0x6e: {  	_ =	shalt  }
0x6f: {  	_ =	shalt  }
0x70: {  	_ =	shalt  }
0x71: {  	_ =	shalt  }
0x72: {  	_ =	shalt  }
0x73: {  	_ =	shalt  }
0x74: {  	_ =	shalt  }
0x75: {  	_ =	shalt  }
0x76: {  	_ =	shalt  }
0x77: {  	_ =	shalt  }
0x78: {  	_ =	shalt  }
0x79: {  	_ =	shalt  }
0x7a: {  	_ =	shalt  }
0x7b: {  	_ =	shalt  }
0x7c: {  	_ =	shalt  }
0x7d: {  	_ =	shalt  }
0x7e: {  	_ =	shalt  }
0x7f: {  	_ =	shalt  }
0x80: {  	_ =	shalt  }
0x81: {  	_ =	shalt  }
0x82: {  	_ =	shalt  }
0x83: {  	_ =	shalt  }
0x84: {  	_ =	shalt  }
0x85: {  	_ =	shalt  }
0x86: {  	_ =	shalt  }
0x87: {  	_ =	shalt  }
.Lfunc_end0:
.L_simem_size_0:
called_computation.3_lowered:
.L_overlay_start_0:
0x88: {  	s2 =	sld [smem:$0x3FD9]  }
0x89: {  	s3 =	sld [smem:$0x3FFE];
	_ =	sdelay $0x1  }
0x8a: {  	s1 =	srdreg.scid  }
0x8b: {  	s0 =	sand.u32 $0x1, s1  }
0x8c: {  	s16 =	sshll.u32 s0, $0xA;
	s2 =	sadd.s32 s3, s2  }
0x8d: {  	s2 =	sadd.s32 s2, s16  }
0x8e: {  	[smem:$0x3FBF] =	sst s2  }
0x8f: {  	_ = 	snop  }
0x90: {  	(tm) =	ssettm $0x1  }
0x91: {  	s17 =	sld [smem:$0x3FFB];
	_ =	sdelay $0x3  }
0x92: {  	_ =	strace s17  }
0x93: {  	s2 =	sld [smem:$0x3FFC];
	_ =	sdelay $0x3  }
0x94: {  	_ =	strace s2  }
0x95: {  	s2 =	sld [smem:$0x3FFD];
	_ =	sdelay $0x3  }
0x96: {  	_ =	strace s2  }
0x97: {  	_ =	strace $0x8FFFFFFF  }
0x98: {  	s18 =	sld [smem:$0x3FDB];
	_ =	sdelay $0x1  }
0x99: {  	s19 =	simm.s32 $_scs_section_size  }
0x9a: {  	s4 =	simm.s32 $_size__tile_overlayer_lowered;
	s5 =	simm.s32 $_tile_overlayer_lowered  }
0x9b: {  	s22 =	simm.s32 $0x1BFF;
	s21 =	sshll.u32 s5, $0x1;
	s2 =	sadd.s32 s19, s18  }
0x9c: {  	s6 =	simm.s32 $0x0;
	s20 =	sshll.u32 s4, $0x1;
	s4 =	sadd.s32 s21, s2  }
0x9d: {  	[timem:s6], [sflag:s22] =	dma.local [hbm:s4], s20  }
0x9e: {  	_ =	swait.ge [sflag:s22], s20  }
0x9f: {  	s3 =	ssub.s32 $0x0, s20;
	[sflag:s22] =	ssyncset.done $0x0  }
0xa0: {  	[sflag:s22] =	ssyncadd.s32 s3;
	_ =	sdelay $0x1  }
0xa1: {  	s23 =	simm.s32 $0x1B8B  }
0xa2: {  	_ =	swait.ge [sflag:s23], $0x1  }
0xa3: {  	[sflag:s23] =	ssyncset.done $0x0  }
0xa4: {  	s25 =	simm.s32 $0x1B8E;
	s24 =	sld [smem:$0x3FFE];
	[sflag:s23] =	ssyncadd.s32 $0xFFFFFFFF  }
0xa5: {  	s26 =	simm.s32 $execute0_lowered;
	[smem:$0x3FD2] =	sst s25  }
0xa6: {  	s4 =	sshll.u32 s26, $0x1;
	_ =	strace $0x8000004F;
	[dreg:$0x1] =	wrdreg $0xFFFFFFFF  }
0xa7: {  	s28 =	simm.s32 $_size_execute0_lowered;
	s2 =	sadd.s32 s2, s4;
	[dreg:$0x0] =	wrdreg $0x0  }
0xa8: {  	s4 =	sshll.u32 s28, $0x1;
	[dreg:$0x2] =	wrdreg s2  }
0xa9: {  	[dreg:$0x3] =	wrdreg s4  }
0xaa: {  	[dreg:$0x4] =	wrdreg $0xC0  }
0xab: {  	_ =	task [dreg:s6], $0x5FFFF  }
0xac: {  	[dreg:$0x1] =	wrdreg $0xFFFFFFFF  }
0xad: {  	[dreg:$0x0] =	wrdreg $0x60  }
0xae: {  	[dreg:$0x2] =	wrdreg s24  }
0xaf: {  	[dreg:$0x3] =	wrdreg $0xF0000  }
0xb0: {  	[dreg:$0x4] =	wrdreg $0x9  }
0xb1: {  	_ =	task.clear_ibuf [dreg:s6], $0x5FFFF;
	_ =	strace $0x9000004F  }
0xb2: {  	s29 =	simm.s32 $0x9;
	_ =	strace $0x80000051  }
0xb3: {  	_ =	swait.ge [sflag:s29], $0x1  }
0xb4: {  	[sflag:s29] =	ssyncadd.s32 $0xFFFFFFFF  }
0xb5: {  	_ =	strace $0x90000051  }
0xb6: {  	_ =	sfence  }
0xb7: {  	s30 =	sld [smem:$0x0];
	_ =	sdelay $0x2  }
0xb8: {  	s31 =	sshll.u32 s1, $0xD;
	s1 =	sshrl.u32 s1, $0x2  }
0xb9: {  	s3 =	sand.u32 $0x4000, s31;
	s1 =	sadd.s32 s1, s30  }
0xba: {  	s0 =	sor.u32 s3, s0;
	s1 =	sshll.u32 s1, $0x11  }
0xbb: {  	s0 =	sor.u32 s1, s0  }
0xbc: {  	s0 =	sadd.s32 $0x8F2B, s0  }
0xbd: {  	[sflag:s0] =	ssyncadd.remote.s32 $0x1  }
0xbe: {  	_ =	sfence.sel $0xFFFF  }
0xbf: {  	[dreg:$0x0] =	wrdreg $0xFFFFFFFF;
	(pc) =	sbr.abs _section_cstart, $3  }
0xc0: {  	[dreg:$0x1] =	wrdreg $0xFFFFFFFF  }
0xc1: {  	_ =	task.clear_ibuf [dreg:s6], $0x2FFFF;
	_ =	strace $0x9FFFFFFF  }
0xc2: {  	(tm) =	ssettm $0x7FFFFFFF  }
0xc3: {  	_ =	shalt  }
tec
execute0_lowered:
.L_overlay_start_1:
0x0: {  	(tag) =	ssettag $0x1  }
0x1: {  	s0 =	srdreg.scid;
	s3 =	rddreg [dreg:$0x0]  }
0x2: {  	s9 =	stileid.u32;
	s2 =	rddreg [dreg:$0x1]  }
0x3: {  	s4 =	simm.s32 $0x0;
	s14 =	simm.s32 $0x80;
	s16 =	simm.s32 $0x6000  }
0x4: {  	s18 =	simm.s32 $0x7000;
	s20 =	simm.s32 $0x8000;
	s22 =	simm.s32 $0x9000  }
0x5: {  	s28 =	simm.s32 $0x3;
	s29 =	simm.s32 $0xC000;
	s30 =	simm.s32 $0x4  }
0x6: {  	s31 =	simm.s32 $0xD000;
	s13 =	simm.s32 $0x6;
	s17 =	simm.s32 $0xB  }
0x7: {  	s19 =	simm.s32 $0x8;
	s21 =	simm.s32 $0xD;
	s10 =	simm.s32 $0x0  }
0x8: {  	s0 =	sand.u32 $0x1, s0;
	s5 =	smul.u32 $0x4F00, s9;
	[smem:$0x7FF] =	sst s4  }
0x9: {  	s4 =	sadd.s32 $0x17C00, s3;
	s24 =	sshll.u32 s9, $0x6;
	s1 =	sshll.u32 s0, $0x4  }
0xa: {  	s6 =	smul.u32 $0x4F000, s0;
	_ =	strace $0x80000050;
	s0 =	ssub.s32 $0x2, s0  }
0xb: {  	s1 =	sor.u32 s9, s1;
	s7 =	sshrl.u32 s5, $0x3;
	s8 =	sshrl.u32 s0, $0x1  }
0xc: {  	s9 =	simm.s32 $0x15;
	s1 =	smul.u32 $0x2800, s1;
	s7 =	sadd.s32 s7, s3  }
0xd: {  	s6 =	sadd.s32 s5, s6;
	s0 =	ssub.s32 s0, s8;
	s23 =	sadd.s32 $0x21A00, s7  }
0xe: {  	s5 =	sadd.s32 s5, s2;
	s0 =	smax.u32 s0, $0x1;
	[dreg:$0x3] =	wrdreg s23  }
0xf: {  	s6 =	sshrl.u32 s6, $0x3;
	s8 =	sshrl.u32 s5, $0x3;
	[dreg:$0x8] =	wrdreg s0  }
0x10: {  	s5 =	simm.s32 $0xA;
	s1 =	sshrl.u32 s1, $0x3;
	[dreg:$0x9] =	wrdreg s8  }
0x11: {  	s1 =	sadd.s32 s1, s3;
	s3 =	sadd.s32 s6, s3;
	s6 =	sor.u32 $0x1C15, s24  }
.Ltmp0:
0x12: {  	s25 =	sadd.s32 $0x3C00, s1;
	[dreg:$0x4] =	wrdreg s6;
	(pc) =	sbr.rel .LBB2_1-.Ltmp0, $4  }
0x13: {  	s7 =	simm.s32 $0xF;
	s1 =	sadd.s32 $0xDC00, s1;
	[dreg:$0x5] =	wrdreg s25  }
0x14: {  	s23 =	simm.s32 $0x1;
	s26 =	sadd.s32 $0x2B800, s3;
	[dreg:$0x6] =	wrdreg s1  }
0x15: {  	s0 =	simm.s32 $0xE000;
	s24 =	simm.s32 $0xA000;
	[dreg:$0x7] =	wrdreg s26  }
0x16: {  	s25 =	simm.s32 $0x2;
	s26 =	simm.s32 $0xB000;
	s1 =	simm.s32 $0x5  }
.LBB2_4:
0x17: {  	s3 =	simm.s32 $0x10  }
0x18: {  	_ =	swait.ge [sflag:s3], $0x1000  }
0x19: {  	[sflag:s3] =	ssyncset.done $0x0  }
0x1a: {  	s8 =	simm.s32 $0x11;
	[sflag:s3] =	ssyncadd.s32 $0xFFFFF000  }
0x1b: {  	_ =	swait.ge [sflag:s8], $0x1000  }
0x1c: {  	[sflag:s8] =	ssyncset.done $0x0  }
0x1d: {  	s9 =	simm.s32 $0x12;
	[sflag:s8] =	ssyncadd.s32 $0xFFFFF000  }
0x1e: {  	_ =	swait.ge [sflag:s9], $0x1000  }
0x1f: {  	[sflag:s9] =	ssyncset.done $0x0  }
0x20: {  	s10 =	simm.s32 $0x13;
	[sflag:s9] =	ssyncadd.s32 $0xFFFFF000  }
0x21: {  	_ =	swait.ge [sflag:s10], $0x1000  }
0x22: {  	[sflag:s10] =	ssyncset.done $0x0  }
0x23: {  	s11 =	simm.s32 $0x14;
	[sflag:s10] =	ssyncadd.s32 $0xFFFFF000  }
0x24: {  	_ =	swait.ge [sflag:s11], $0x1000  }
0x25: {  	[sflag:s11] =	ssyncset.done $0x0  }
0x26: {  	[sflag:s11] =	ssyncadd.s32 $0xFFFFF000  }
0x27: {  	[bflag:$0x0] =	sbarrier.arrive $0xFFFF  }
0x28: {  	s6 =	rddreg [dreg:$0x4]  }
0x29: {  	s12 =	rddreg [dreg:$0x7]  }
0x2a: {  	s9 =	simm.s32 $0x15;
	s8 =	rddreg [dreg:$0x9]  }
0x2b: {  	[hbm:s12], [sflag:s6] =	dma.local [spmem:s8], $0x9E0  }
0x2c: {  	_ =	swait.ge [sflag:s9], $0x9E0  }
0x2d: {  	s10 =	rddreg [dreg:$0xa]  }
0x2e: {  	s15 =	rddreg [dreg:$0x8];
	s10 =	sadd.s32 $0x1, s10  }
0x2f: {  	p0 =	sne.s32 s10, s15  }
.Ltmp1:
0x30: {  	_ = 	snop;
	(pc) =	sbr.rel @!p0 .LBB2_5-.Ltmp1, $3  }
0x31: {  	_ =	sdelay $0x1  }
0x32: {  	[sflag:s9] =	ssyncset.done $0x0  }
0x33: {  	[sflag:s9] =	ssyncadd.s32 $0xFFFFF620  }
.LBB2_1:
0x34: {  	[dreg:$0xa] =	wrdreg s10  }
0x35: {  	s3 =	rddreg [dreg:$0x3]  }
0x36: {  	[spmem:s8], [sflag:s6] =	dma.local [hbm:s3], $0x9E0  }
0x37: {  	_ =	swait.ge [sflag:s9], $0x9E0  }
0x38: {  	[sflag:s9] =	ssyncset.done $0x0  }
0x39: {  	s3 =	simm.s32 $0x0;
	s11 =	rddreg [dreg:$0x5];
	[sflag:s9] =	ssyncadd.s32 $0xFFFFF620  }
0x3a: {  	[tilespmem:s3], [sflag:$0x15] =	stream.linear.gather [hbm4b:s11+s3], $0x2800, $0x38;
	[tilespmem:$0x13F00] =	vst v63  }
0x3b: {  	_ =	swait.ge [sflag:s9], $0x2800  }
0x3c: {  	[sflag:s9] =	ssyncset.done $0x0  }
0x3d: {  	s15 =	simm.s32 $0x2800;
	s12 =	rddreg [dreg:$0x6];
	[sflag:s9] =	ssyncadd.s32 $0xFFFFD800  }
0x3e: {  	[tilespmem:s15], [sflag:$0x15] =	stream.linear.gather [hbm4b:s12+s3], $0x2800, $0x38;
	[tilespmem:$0x13F00] =	vst v63  }
0x3f: {  	_ =	swait.ge [sflag:s9], $0x2800  }
0x40: {  	[sflag:s9] =	ssyncset.done $0x0  }
0x41: {  	[sflag:s9] =	ssyncadd.s32 $0xFFFFD800  }
0x42: {  	s10 =	simm.s32 $0x5000;
	[bflag:$0x0] =	sbarrier.arrive $0xFFFF  }
0x43: {  	[tilespmem:s10], [sflag:$0x1] =	stream.indirect.gather [hbm4b:s4+s14], $0x20, s3, s14, $0xb8;
	[tilespmem:$0x13F00] =	vst v63  }
0x44: {  	_ = 	snop  }
0x45: {  	[tilespmem:s16], [sflag:$0x2] =	stream.indirect.gather [hbm4b:s4+s14], $0x20, s14, s14, $0xb8;
	[tilespmem:$0x13F00] =	vst v63  }
0x46: {  	s11 =	simm.s32 $0x100  }
0x47: {  	[tilespmem:s18], [sflag:$0x3] =	stream.indirect.gather [hbm4b:s4+s14], $0x20, s11, s14, $0xb8;
	[tilespmem:$0x13F00] =	vst v63  }
0x48: {  	s12 =	simm.s32 $0x180  }
0x49: {  	[tilespmem:s20], [sflag:$0x4] =	stream.indirect.gather [hbm4b:s4+s14], $0x20, s12, s14, $0xb8;
	[tilespmem:$0x13F00] =	vst v63  }
0x4a: {  	s15 =	simm.s32 $0x200;
	s10 =	simm.s32 $0x0  }
0x4b: {  	[tilespmem:s22], [sflag:$0x5] =	stream.indirect.gather [hbm4b:s4+s14], $0x20, s15, s14, $0xb8;
	[tilespmem:$0x13F00] =	vst v63  }
.LBB2_2:
0x4c: {  	_ =	swait.ge [sflag:s23], $0x1000  }
0x4d: {  	s3 =	sshra.s32 s10, $0x2;
	s6 =	simm.s32 $0x5000;
	[sflag:s23] =	ssyncset.done $0x0  }
0x4e: {  	p0 =	seq.s32 s10, $0x0;
	s8 =	sadd.s32 $0x2800, s3;
	[sflag:s23] =	ssyncadd.s32 $0xFFFFF000  }
0x4f: {  	[spmem:s2] =	stream.indirect.scatter.add.f32 [tilespmem:s6], [sflag:$0xB], $0x20, s8, s14, $0xb8;
	[tilespmem:$0x13F00] =	vst v63  }
0x50: {  	s8 =	simm.s32 @!p0 $0x10  }
0x51: {  	_ =	swait.ge @!p0 [sflag:s8], $0x1000  }
0x52: {  	[sflag:s8] =	ssyncset.done @!p0 $0x0  }
0x53: {  	s15 =	sadd.s32 $0x280, s3;
	[sflag:s8] =	ssyncadd.s32 @!p0 $0xFFFFF000  }
0x54: {  	[tilespmem:s24], [sflag:$0x6] =	stream.indirect.gather [hbm4b:s4+s14], $0x20, s15, s14, $0xb8;
	[tilespmem:$0x13F00] =	vst v63  }
0x55: {  	_ =	swait.ge [sflag:s25], $0x1000  }
0x56: {  	[sflag:s25] =	ssyncset.done $0x0  }
0x57: {  	s6 =	sadd.s32 $0x2880, s3;
	s8 =	simm.s32 @!p0 $0x11;
	[sflag:s25] =	ssyncadd.s32 $0xFFFFF000  }
0x58: {  	[spmem:s2] =	stream.indirect.scatter.add.f32 [tilespmem:s16], [sflag:$0xC], $0x20, s6, s14, $0xb8;
	[tilespmem:$0x13F00] =	vst v63  }
0x59: {  	_ =	swait.ge @!p0 [sflag:s8], $0x1000  }
0x5a: {  	[sflag:s8] =	ssyncset.done @!p0 $0x0  }
0x5b: {  	s9 =	sadd.s32 $0x300, s3;
	[sflag:s8] =	ssyncadd.s32 @!p0 $0xFFFFF000  }
0x5c: {  	[tilespmem:s26], [sflag:$0x7] =	stream.indirect.gather [hbm4b:s4+s14], $0x20, s9, s14, $0xb8;
	[tilespmem:$0x13F00] =	vst v63  }
0x5d: {  	_ =	swait.ge [sflag:s28], $0x1000  }
0x5e: {  	[sflag:s28] =	ssyncset.done $0x0  }
0x5f: {  	s11 =	sadd.s32 $0x2900, s3;
	s8 =	simm.s32 @!p0 $0x12;
	[sflag:s28] =	ssyncadd.s32 $0xFFFFF000  }
0x60: {  	[spmem:s2] =	stream.indirect.scatter.add.f32 [tilespmem:s18], [sflag:$0xD], $0x20, s11, s14, $0xb8;
	[tilespmem:$0x13F00] =	vst v63  }
0x61: {  	_ =	swait.ge @!p0 [sflag:s8], $0x1000  }
0x62: {  	[sflag:s8] =	ssyncset.done @!p0 $0x0  }
0x63: {  	s12 =	sadd.s32 $0x380, s3;
	[sflag:s8] =	ssyncadd.s32 @!p0 $0xFFFFF000  }
0x64: {  	[tilespmem:s29], [sflag:$0x8] =	stream.indirect.gather [hbm4b:s4+s14], $0x20, s12, s14, $0xb8;
	[tilespmem:$0x13F00] =	vst v63  }
0x65: {  	_ =	swait.ge [sflag:s30], $0x1000  }
0x66: {  	[sflag:s30] =	ssyncset.done $0x0  }
0x67: {  	s15 =	sadd.s32 $0x2980, s3;
	s8 =	simm.s32 @!p0 $0x13;
	[sflag:s30] =	ssyncadd.s32 $0xFFFFF000  }
0x68: {  	[spmem:s2] =	stream.indirect.scatter.add.f32 [tilespmem:s20], [sflag:$0xE], $0x20, s15, s14, $0xb8;
	[tilespmem:$0x13F00] =	vst v63  }
0x69: {  	_ =	swait.ge @!p0 [sflag:s8], $0x1000  }
0x6a: {  	[sflag:s8] =	ssyncset.done @!p0 $0x0  }
0x6b: {  	s6 =	sadd.s32 $0x400, s3;
	[sflag:s8] =	ssyncadd.s32 @!p0 $0xFFFFF000  }
0x6c: {  	[tilespmem:s31], [sflag:$0x9] =	stream.indirect.gather [hbm4b:s4+s14], $0x20, s6, s14, $0xb8;
	[tilespmem:$0x13F00] =	vst v63  }
0x6d: {  	_ =	swait.ge [sflag:s1], $0x1000  }
0x6e: {  	[sflag:s1] =	ssyncset.done $0x0  }
0x6f: {  	s9 =	sadd.s32 $0x2A00, s3;
	s8 =	simm.s32 @!p0 $0x14;
	[sflag:s1] =	ssyncadd.s32 $0xFFFFF000  }
0x70: {  	[spmem:s2] =	stream.indirect.scatter.add.f32 [tilespmem:s22], [sflag:$0xF], $0x20, s9, s14, $0xb8;
	[tilespmem:$0x13F00] =	vst v63  }
0x71: {  	_ =	swait.ge @!p0 [sflag:s8], $0x1000  }
0x72: {  	[sflag:s8] =	ssyncset.done @!p0 $0x0  }
0x73: {  	s11 =	sadd.s32 $0x480, s3;
	[sflag:s8] =	ssyncadd.s32 @!p0 $0xFFFFF000  }
0x74: {  	[tilespmem:s0], [sflag:$0xA] =	stream.indirect.gather [hbm4b:s4+s14], $0x20, s11, s14, $0xb8;
	[tilespmem:$0x13F00] =	vst v63  }
0x75: {  	_ =	swait.ge [sflag:s13], $0x1000  }
0x76: {  	[sflag:s13] =	ssyncset.done $0x0  }
0x77: {  	s12 =	sadd.s32 $0x2A80, s3;
	[sflag:s13] =	ssyncadd.s32 $0xFFFFF000  }
0x78: {  	[spmem:s2] =	stream.indirect.scatter.add.f32 [tilespmem:s24], [sflag:$0x10], $0x20, s12, s14, $0xb8;
	[tilespmem:$0x13F00] =	vst v63  }
0x79: {  	_ =	swait.ge [sflag:s17], $0x1000  }
0x7a: {  	p0 =	seq.s32 s10, $0x8C00;
	[sflag:s17] =	ssyncset.done $0x0  }
0x7b: {  	s8 =	simm.s32 @p0 $0x7;
	[sflag:s17] =	ssyncadd.s32 $0xFFFFF000  }
0x7c: {  	_ =	swait.ge @p0 [sflag:s8], $0x1000  }
0x7d: {  	[sflag:s8] =	ssyncset.done @p0 $0x0  }
0x7e: {  	[sflag:s8] =	ssyncadd.s32 @p0 $0xFFFFF000;
	s8 =	sshra.s32 @p0 s10, $0x2  }
0x7f: {  	s11 =	simm.s32 @p0 $0x80;
	s12 =	simm.s32 @p0 $0xB000;
	s6 =	sadd.s32 @p0 $0x2B00, s8  }
0x80: {  	[spmem:s2] =	stream.indirect.scatter.add.f32 @p0 [tilespmem:s12], [sflag:$0x11], $0x20, s6, s11, $0xb8;
	[tilespmem:$0x13F00] =	vst v63  }
0x81: {  	s6 =	simm.s32 @p0 $0xC  }
0x82: {  	_ =	swait.ge @p0 [sflag:s6], $0x1000  }
0x83: {  	[sflag:s6] =	ssyncset.done @p0 $0x0  }
0x84: {  	[sflag:s6] =	ssyncadd.s32 @p0 $0xFFFFF000;
	s6 =	sshra.s32 @!p0 s10, $0x2  }
0x85: {  	s9 =	simm.s32 @!p0 $0x80;
	s15 =	simm.s32 @!p0 $0x5000;
	s12 =	sadd.s32 @!p0 $0x500, s6  }
0x86: {  	[tilespmem:s15], [sflag:$0x1] =	stream.indirect.gather @!p0 [hbm4b:s4+s9], $0x20, s12, s9, $0xb8;
	[tilespmem:$0x13F00] =	vst v63  }
0x87: {  	s12 =	simm.s32 @!p0 $0x7  }
0x88: {  	_ =	swait.ge @!p0 [sflag:s12], $0x1000  }
0x89: {  	[sflag:s12] =	ssyncset.done @!p0 $0x0  }
0x8a: {  	s15 =	simm.s32 @!p0 $0xB000;
	[sflag:s12] =	ssyncadd.s32 @!p0 $0xFFFFF000;
	s12 =	sadd.s32 @!p0 $0x2B00, s6  }
0x8b: {  	[spmem:s2] =	stream.indirect.scatter.add.f32 @!p0 [tilespmem:s15], [sflag:$0x11], $0x20, s12, s9, $0xb8;
	[tilespmem:$0x13F00] =	vst v63  }
0x8c: {  	s12 =	simm.s32 @!p0 $0xC  }
0x8d: {  	_ =	swait.ge @!p0 [sflag:s12], $0x1000  }
0x8e: {  	[sflag:s12] =	ssyncset.done @!p0 $0x0  }
0x8f: {  	s15 =	simm.s32 @!p0 $0x6000;
	[sflag:s12] =	ssyncadd.s32 @!p0 $0xFFFFF000;
	s12 =	sadd.s32 @!p0 $0x580, s6  }
0x90: {  	[tilespmem:s15], [sflag:$0x2] =	stream.indirect.gather @!p0 [hbm4b:s4+s9], $0x20, s12, s9, $0xb8;
	[tilespmem:$0x13F00] =	vst v63  }
0x91: {  	_ =	swait.ge [sflag:s19], $0x1000  }
0x92: {  	[sflag:s19] =	ssyncset.done $0x0  }
0x93: {  	s15 =	sadd.s32 $0x2B80, s3;
	[sflag:s19] =	ssyncadd.s32 $0xFFFFF000  }
0x94: {  	[spmem:s2] =	stream.indirect.scatter.add.f32 [tilespmem:s29], [sflag:$0x12], $0x20, s15, s14, $0xb8;
	[tilespmem:$0x13F00] =	vst v63  }
0x95: {  	_ =	swait.ge [sflag:s21], $0x1000  }
0x96: {  	[sflag:s21] =	ssyncset.done $0x0  }
0x97: {  	s12 =	simm.s32 @p0 $0x9;
	[sflag:s21] =	ssyncadd.s32 $0xFFFFF000  }
0x98: {  	_ =	swait.ge @p0 [sflag:s12], $0x1000  }
0x99: {  	[sflag:s12] =	ssyncset.done @p0 $0x0  }
0x9a: {  	s8 =	sadd.s32 @p0 $0x2C00, s8;
	[sflag:s12] =	ssyncadd.s32 @p0 $0xFFFFF000;
	s12 =	simm.s32 @p0 $0xD000  }
0x9b: {  	[spmem:s2] =	stream.indirect.scatter.add.f32 @p0 [tilespmem:s12], [sflag:$0x13], $0x20, s8, s11, $0xb8;
	[tilespmem:$0x13F00] =	vst v63  }
0x9c: {  	s8 =	simm.s32 @p0 $0xE  }
0x9d: {  	_ =	swait.ge @p0 [sflag:s8], $0x1000  }
0x9e: {  	[sflag:s8] =	ssyncset.done @p0 $0x0  }
0x9f: {  	s11 =	simm.s32 @!p0 $0x7000;
	[sflag:s8] =	ssyncadd.s32 @p0 $0xFFFFF000;
	s8 =	sadd.s32 @!p0 $0x600, s6  }
0xa0: {  	[tilespmem:s11], [sflag:$0x3] =	stream.indirect.gather @!p0 [hbm4b:s4+s9], $0x20, s8, s9, $0xb8;
	[tilespmem:$0x13F00] =	vst v63  }
0xa1: {  	s8 =	simm.s32 @!p0 $0x9  }
0xa2: {  	_ =	swait.ge @!p0 [sflag:s8], $0x1000  }
0xa3: {  	[sflag:s8] =	ssyncset.done @!p0 $0x0  }
0xa4: {  	s11 =	simm.s32 @!p0 $0xD000;
	[sflag:s8] =	ssyncadd.s32 @!p0 $0xFFFFF000;
	s8 =	sadd.s32 @!p0 $0x2C00, s6  }
0xa5: {  	[spmem:s2] =	stream.indirect.scatter.add.f32 @!p0 [tilespmem:s11], [sflag:$0x13], $0x20, s8, s9, $0xb8;
	[tilespmem:$0x13F00] =	vst v63  }
0xa6: {  	s8 =	simm.s32 @!p0 $0xE  }
0xa7: {  	_ =	swait.ge @!p0 [sflag:s8], $0x1000  }
0xa8: {  	[sflag:s8] =	ssyncset.done @!p0 $0x0  }
0xa9: {  	s6 =	sadd.s32 @!p0 $0x680, s6;
	[sflag:s8] =	ssyncadd.s32 @!p0 $0xFFFFF000;
	s8 =	simm.s32 @!p0 $0x8000  }
0xaa: {  	[tilespmem:s8], [sflag:$0x4] =	stream.indirect.gather @!p0 [hbm4b:s4+s9], $0x20, s6, s9, $0xb8;
	[tilespmem:$0x13F00] =	vst v63  }
0xab: {  	_ =	swait.ge [sflag:s5], $0x1000  }
0xac: {  	[sflag:s5] =	ssyncset.done $0x0  }
.Ltmp2:
0xad: {  	s15 =	sadd.s32 $0x2C80, s3;
	[sflag:s5] =	ssyncadd.s32 $0xFFFFF000;
	(pc) =	sbr.rel @p0 .LBB2_4-.Ltmp2, $4  }
0xae: {  	[spmem:s2] =	stream.indirect.scatter.add.f32 [tilespmem:s0], [sflag:$0x14], $0x20, s15, s14, $0xb8;
	[tilespmem:$0x13F00] =	vst v63  }
0xaf: {  	_ =	swait.ge [sflag:s7], $0x1000  }
0xb0: {  	[sflag:s7] =	ssyncset.done $0x0  }
0xb1: {  	[sflag:s7] =	ssyncadd.s32 $0xFFFFF000  }
.Ltmp3:
0xb2: {  	(pc) =	sbr.rel .LBB2_2-.Ltmp3, $3  }
0xb3: {  	_ =	sdelay $0x1  }
0xb4: {  	s3 =	sadd.s32 $0x700, s3;
	s10 =	sadd.s32 $0x1400, s10  }
0xb5: {  	[tilespmem:s22], [sflag:$0x5] =	stream.indirect.gather [hbm4b:s4+s14], $0x20, s3, s14, $0xb8;
	[tilespmem:$0x13F00] =	vst v63  }
.LBB2_5:
0xb6: {  	_ =	sfence.sel $0x180000  }
0xb7: {  	[bflag:$0x0] =	sbarrier.arrive $0xFFFF  }
0xb8: {  	_ =	strace $0x90000050  }
0xb9: {  	s0 =	stileid.u32;
	[bflag:$0x2] =	sbarrier.arrive $0xFFFF  }
0xba: {  	p0 =	sne.s32 s0, $0x0;
	s0 =	rddreg [dreg:$0x2]  }
0xbb: {  	s0 =	sadd.s32 @!p0 $0x100000, s0  }
0xbc: {  	[sflag:s0] =	ssyncadd.tile.s32 @!p0 $0x1;
	_ =	shalt  }
.Lfunc_end2:
_tile_overlayer_lowered:
.L_overlay_start_2:
0xbd: {  	(tag) =	ssettag $0x2  }
0xbe: {  	s0 =	rddreg [dreg:$0x0];
	s2 =	stileid.u32  }
0xbf: {  	s1 =	rddreg [dreg:$0x1];
	p0 =	sne.s32 s2, $0x0  }
0xc0: {  	s3 =	rddreg [dreg:$0x2];
	[bflag:$0x3] =	sbarrier.arrive $0xFFFF;
	s2 =	simm.s32 @!p0 $0x1C15  }
0xc1: {  	[timem:s3], [sflag:s2] =	dma.local @!p0 [hbm:s0], s1  }
0xc2: {  	s0 =	simm.s32 @!p0 $0x15  }
0xc3: {  	_ =	swait.ge @!p0 [sflag:s0], s1  }
0xc4: {  	s1 =	ssub.s32 @!p0 $0x0, s1;
	[sflag:s0] =	ssyncset.done @!p0 $0x0  }
0xc5: {  	[sflag:s0] =	ssyncadd.s32 @!p0 s1  }
0xc6: {  	[bflag:$0x3] =	sbarrier.arrive $0xFFFF  }
0xc7: {  	_ =	shalt  }

</sc_bundles>
